<compile_context>
chip_gen: v7x
topology: tpu7x:2x2x1
jax: 0.10.2.dev20260603
libtpu: 0.0.44.dev20260713+nightly
codegen_flags: <defaults>
</compile_context>

<pallas_src>
import functools

import jax
import jax.numpy as jnp
from jax import lax
from jax.experimental import pallas as pl
from jax.experimental.pallas import tpu as pltpu
from jax.experimental.pallas import tpu_sc as plsc

_N = 10000
_NP = 10240
_D = 128
_E = 320000
_EP = 327680
_NW = 32
_K = 128
_NCH = _EP // _NW // _K
_HB = _NCH // 2
_RT = _NP // 16
_NCH2 = 2 * _EP // _NW // _K
_RT2 = 2 * _NP // 16
_R = 1024
_G = _NP // _R


def _sc_mesh():
    return plsc.VectorSubcoreMesh(core_axis_name="c", subcore_axis_name="s")


def _zero_acc(zz_h, zst, acc, r0, nrow):
    pltpu.sync_copy(zz_h, zst)
    stage = zst.shape[0]
    for t in range(nrow // stage):
        pltpu.sync_copy(zst, acc.at[pl.ds(r0 + t * stage, stage)])


def _copy_out(acc, out_h, cid, r0, nrow):
    @pl.when(cid == 0)
    def _():
        pltpu.sync_copy(acc.at[pl.ds(r0, nrow)], out_h.at[0, pl.ds(r0, nrow)])

    @pl.when(cid == 1)
    def _():
        pltpu.sync_copy(acc.at[pl.ds(r0, nrow)], out_h.at[1, pl.ds(r0, nrow)])


def _edge_loop(hp, src_v, dst_v, rows0, rows1, acc, gs0, gs1, ss0, ss1,
               nch):
    def g(j, rows, sem):
        return pltpu.make_async_copy(hp.at[src_v.at[j]], rows, sem)

    def s(j, rows, sem):
        return pltpu.async_copy(rows, acc.at[dst_v.at[j]], sem, add=True)

    def s_wait(j, rows, sem):
        pltpu.make_async_copy(rows, acc.at[dst_v.at[j]], sem).wait()

    pltpu.async_copy(hp.at[src_v.at[0]], rows0, gs0)
    pltpu.async_copy(hp.at[src_v.at[1]], rows1, gs1)
    g(0, rows0, gs0).wait()
    s(0, rows0, ss0)
    g(1, rows1, gs1).wait()
    s(1, rows1, ss1)
    s_wait(0, rows0, ss0)
    pltpu.async_copy(hp.at[src_v.at[2]], rows0, gs0)

    def pair(i, carry):
        j = 2 * i
        g(j, rows0, gs0).wait()
        s(j, rows0, ss0)
        s_wait(j - 1, rows1, ss1)
        pltpu.async_copy(hp.at[src_v.at[j + 1]], rows1, gs1)
        g(j + 1, rows1, gs1).wait()
        s(j + 1, rows1, ss1)
        s_wait(j, rows0, ss0)

        @pl.when(j + 2 < nch)
        def _():
            pltpu.async_copy(hp.at[src_v.at[j + 2]], rows0, gs0)

        return carry

    lax.fori_loop(1, nch // 2, pair, 0)
    s_wait(nch - 1, rows1, ss1)



def _cnt_body(dst_h, src_h, ones_h, zz_h, dcnt_out, scnt_out,
              dst_v, src_v, ones_v, zbuf, dacc, sacc, sd, ss):
    cid = lax.axis_index("c")
    sid = lax.axis_index("s")
    wid = cid * 16 + sid
    r0 = sid * _RT
    pltpu.sync_copy(zz_h, zbuf)
    pltpu.sync_copy(zbuf, dacc.at[pl.ds(r0, _RT)])
    pltpu.sync_copy(zbuf, sacc.at[pl.ds(r0, _RT)])
    pltpu.sync_copy(ones_h, ones_v)
    pltpu.sync_copy(dst_h.at[wid], dst_v)
    pltpu.sync_copy(src_h.at[wid], src_v)
    plsc.subcore_barrier()

    def step(j, carry):
        pltpu.async_copy(ones_v, dacc.at[dst_v.at[j]], sd, add=True)
        pltpu.async_copy(ones_v, sacc.at[src_v.at[j]], ss, add=True)

        @pl.when(j >= 3)
        def _():
            pltpu.make_async_copy(ones_v, dacc.at[dst_v.at[j - 3]], sd).wait()
            pltpu.make_async_copy(ones_v, sacc.at[src_v.at[j - 3]], ss).wait()

        return carry

    lax.fori_loop(0, _NCH, step, 0)
    for j in range(_NCH - 3, _NCH):
        pltpu.make_async_copy(ones_v, dacc.at[dst_v.at[j]], sd).wait()
        pltpu.make_async_copy(ones_v, sacc.at[src_v.at[j]], ss).wait()
    plsc.subcore_barrier()
    _copy_out(dacc, dcnt_out, cid, r0, _RT)
    _copy_out(sacc, scnt_out, cid, r0, _RT)


def _qw_body(v_h, srcq_h, dstq_h, zz_h, qw_out,
             idxg, idxs, stag, zbuf, acc, gsem, ssem):
    cid = lax.axis_index("c")
    sid = lax.axis_index("s")
    wid = cid * 16 + sid
    r0 = sid * _RT2
    pltpu.sync_copy(zz_h, zbuf)
    pltpu.sync_copy(zbuf, acc.at[pl.ds(r0, _RT2)])
    pltpu.sync_copy(srcq_h.at[wid], idxg)
    pltpu.sync_copy(dstq_h.at[wid], idxs)
    plsc.subcore_barrier()

    def fire_g(j, carry):
        pltpu.async_copy(v_h.at[idxg.at[j]], stag.at[j], gsem)
        return carry

    lax.fori_loop(0, _NCH2, fire_g, 0)

    def drain_g(j, carry):
        pltpu.make_async_copy(v_h.at[idxg.at[j]], stag.at[j], gsem).wait()
        pltpu.async_copy(stag.at[j], acc.at[idxs.at[j]], ssem, add=True)
        return carry

    lax.fori_loop(0, _NCH2, drain_g, 0)

    def drain_s(j, carry):
        pltpu.make_async_copy(stag.at[j], acc.at[idxs.at[j]], ssem).wait()
        return carry

    lax.fori_loop(0, _NCH2, drain_s, 0)
    plsc.subcore_barrier()
    _copy_out(acc, qw_out, cid, r0, _RT2)


def _make_qw_kernel():
    f32 = jnp.float32
    return pl.kernel(
        _qw_body,
        out_type=jax.ShapeDtypeStruct((2, 2 * _NP), f32),
        mesh=_sc_mesh(),
        scratch_types=[
            pltpu.VMEM((_NCH2, _K), jnp.int32),
            pltpu.VMEM((_NCH2, _K), jnp.int32),
            pltpu.VMEM((_NCH2, _K), f32),
            pltpu.VMEM((_RT2,), f32),
            pltpu.VMEM_SHARED((2 * _NP,), f32),
            pltpu.SemaphoreType.DMA,
            pltpu.SemaphoreType.DMA,
        ],
    )


def _agg_body(hp_h, srcr_h, dstr_h, zz_h, p_out,
              src_v, dst_v, rows0, rows1, acc, gs0, gs1, ss0, ss1):
    cid = lax.axis_index("c")
    sid = lax.axis_index("s")
    wid = cid * 16 + sid
    r0 = sid * _RT
    _zero_acc(zz_h, rows0, acc, r0, _RT)
    plsc.subcore_barrier()
    for half in range(2):
        pltpu.sync_copy(srcr_h.at[wid, pl.ds(half * _HB, _HB)], src_v)
        pltpu.sync_copy(dstr_h.at[wid, pl.ds(half * _HB, _HB)], dst_v)
        _edge_loop(hp_h, src_v, dst_v, rows0, rows1, acc, gs0, gs1, ss0,
                   ss1, _HB)
    plsc.subcore_barrier()
    _copy_out(acc, p_out, cid, r0, _RT)


def _make_cnt_kernel():
    f32 = jnp.float32
    return pl.kernel(
        _cnt_body,
        out_type=[jax.ShapeDtypeStruct((2, _NP), f32),
                  jax.ShapeDtypeStruct((2, _NP), f32)],
        mesh=_sc_mesh(),
        scratch_types=[
            pltpu.VMEM((_NCH, _K), jnp.int32),
            pltpu.VMEM((_NCH, _K), jnp.int32),
            pltpu.VMEM((_K,), f32),
            pltpu.VMEM((_RT,), f32),
            pltpu.VMEM_SHARED((_NP,), f32),
            pltpu.VMEM_SHARED((_NP,), f32),
            pltpu.SemaphoreType.DMA,
            pltpu.SemaphoreType.DMA,
        ],
    )


def _make_agg_kernel():
    f32 = jnp.float32
    return pl.kernel(
        _agg_body,
        out_type=jax.ShapeDtypeStruct((2, _NP, _D), f32),
        mesh=_sc_mesh(),
        scratch_types=[
            pltpu.VMEM((_HB, _K), jnp.int32),
            pltpu.VMEM((_HB, _K), jnp.int32),
            pltpu.VMEM((_K, _D), f32),
            pltpu.VMEM((_K, _D), f32),
            pltpu.VMEM_SHARED((_NP, _D), f32),
            pltpu.SemaphoreType.DMA,
            pltpu.SemaphoreType.DMA,
            pltpu.SemaphoreType.DMA,
            pltpu.SemaphoreType.DMA,
        ],
    )



def _prep_body(dp_ref, sp_ref, dv1_ref, dv2_ref, ls_ref, v1_ref):
    deg = (dp_ref[0] + dp_ref[1]).reshape(_R, 1)
    dv2 = lax.rsqrt(deg + 2.0)
    dv1_ref[...] = lax.rsqrt(deg + 1.0)
    dv2_ref[...] = dv2
    sc = (sp_ref[0] + sp_ref[1]).reshape(_R, 1)
    ls = jnp.where(sc > 0.0, 1.0, 0.0)
    ls_ref[...] = ls
    v1_ref[...] = dv2 * ls


def _a1_body(x_ref, w_ref, dv1_ref, hp_ref):
    h = jnp.dot(x_ref[...], w_ref[...], preferred_element_type=jnp.float32)
    hp_ref[...] = dv1_ref[...] * h


def _b_body(p_ref, hp_ref, dv1_ref, o_ref, st_ref):
    i = pl.program_id(0)
    o = dv1_ref[...] * (p_ref[0] + p_ref[1] + hp_ref[...])
    o_ref[...] = o
    gr = i * _R + lax.broadcasted_iota(jnp.int32, (_R, 1), 0)
    om = jnp.where(gr < _N, o, 0.0)
    s1 = jnp.sum(om, axis=0, keepdims=True)
    s2 = jnp.sum(om * om, axis=0, keepdims=True)
    part = jnp.concatenate(
        [s1, s2, jnp.zeros((6, _D), jnp.float32)], axis=0)

    @pl.when(i == 0)
    def _():
        st_ref[...] = part

    @pl.when(i > 0)
    def _():
        st_ref[...] += part


def _norm(o_ref, st_ref, g_ref, be_ref):
    m = st_ref[0:1, :] * (1.0 / _N)
    ex2 = st_ref[1:2, :] * (1.0 / _N)
    v = ex2 - m * m
    return (o_ref[...] - m) * lax.rsqrt(v + 1e-5) * g_ref[...] + be_ref[...]


def _a_mid_body(o_ref, st_ref, g_ref, be_ref, w_ref, dv1_ref, hp_ref, *,
                relu):
    z = _norm(o_ref, st_ref, g_ref, be_ref)
    if relu:
        z = jnp.maximum(z, 0.0)
    h = jnp.dot(z, w_ref[...], preferred_element_type=jnp.float32)
    hp_ref[...] = dv1_ref[...] * h


def _a4p_body(o_ref, st_ref, g_ref, be_ref, dv2_ref, z3p_ref):
    z = _norm(o_ref, st_ref, g_ref, be_ref)
    z3p_ref[...] = dv2_ref[...] * z


def _b4_body(zp_ref, qwq_ref, qww_ref, z3p_ref, dv2_ref, ls_ref,
             wuz_ref, wut_ref, wcz_ref, wct_ref, wd_ref, bd_ref,
             wlp_ref, blp_ref, biu_ref, bic_ref, out_ref):
    dv2 = dv2_ref[...]
    ls = ls_ref[...]
    z3 = z3p_ref[...] / dv2
    col = lax.broadcasted_iota(jnp.int32, (1, _D), 1).astype(jnp.float32)
    ln10 = 2.302585092994046
    wt = jnp.exp(col * (-9.0 / (_D - 1.0) * ln10))
    cwt = jnp.cos(wt)
    tu0 = jnp.sum(wut_ref[...], axis=0, keepdims=True)
    tu1 = jnp.dot(cwt, wut_ref[...], preferred_element_type=jnp.float32)
    tc0 = jnp.sum(wct_ref[...], axis=0, keepdims=True)
    tc1 = jnp.dot(cwt, wct_ref[...], preferred_element_type=jnp.float32)
    q = (qwq_ref[0] + qwq_ref[1]).reshape(_R, 1)
    w = (qww_ref[0] + qww_ref[1]).reshape(_R, 1)
    zag = zp_ref[0] + zp_ref[1]
    hu_self = (jnp.dot(z3, wuz_ref[...], preferred_element_type=jnp.float32)
               + ls * tu1 + (1.0 - ls) * tu0)
    hc_self = (jnp.dot(z3, wcz_ref[...], preferred_element_type=jnp.float32)
               + ls * tc1 + (1.0 - ls) * tc0)
    gu = dv2 * (jnp.dot(zag, wuz_ref[...], preferred_element_type=jnp.float32)
                + q * tu1 + (w - q) * tu0 + 2.0 * dv2 * hu_self) + biu_ref[...]
    gc = dv2 * (jnp.dot(zag, wcz_ref[...], preferred_element_type=jnp.float32)
                + q * tc1 + (w - q) * tc0 + 2.0 * dv2 * hc_self) + bic_ref[...]
    u = jax.nn.sigmoid(gu)
    c = jnp.tanh(gc)
    st = (1.0 - u) * c
    out_ref[0, :, :] = st
    out_ref[1, :, :] = (
        jnp.dot(st, wd_ref[...], preferred_element_type=jnp.float32)
        + bd_ref[...])
    out_ref[2, :, :] = (
        jnp.dot(st, wlp_ref[...], preferred_element_type=jnp.float32)
        + blp_ref[...])


def _rows(i):
    return (i, 0)


_SPEC_R = pl.BlockSpec((_R, _D), _rows)
_SPEC_W = pl.BlockSpec((_D, _D), lambda i: (0, 0))
_SPEC_V = pl.BlockSpec((1, _D), lambda i: (0, 0))
_SPEC_CNT = pl.BlockSpec((2, _R), lambda i: (0, i))
_SPEC_C = pl.BlockSpec((_R, 1), lambda i: (i, 0))
_SPEC_P = pl.BlockSpec((2, _R, _D), lambda i: (0, i, 0))
_SPEC_ST = pl.BlockSpec((8, _D), lambda i: (0, 0))


def _tc_prep(dp, sp):
    return pl.pallas_call(
        _prep_body,
        grid=(_G,),
        in_specs=[_SPEC_CNT, _SPEC_CNT],
        out_specs=[_SPEC_C, _SPEC_C, _SPEC_C, _SPEC_C],
        out_shape=[jax.ShapeDtypeStruct((_NP, 1), jnp.float32)] * 4,
    )(dp, sp)


def _tc_a1(x, w, dv1):
    return pl.pallas_call(
        _a1_body,
        grid=(_G,),
        in_specs=[_SPEC_R, _SPEC_W, _SPEC_C],
        out_specs=_SPEC_R,
        out_shape=jax.ShapeDtypeStruct((_NP, _D), jnp.float32),
    )(x, w, dv1)


def _tc_b(p, hp, dv1):
    return pl.pallas_call(
        _b_body,
        grid=(_G,),
        in_specs=[_SPEC_P, _SPEC_R, _SPEC_C],
        out_specs=[_SPEC_R, _SPEC_ST],
        out_shape=[jax.ShapeDtypeStruct((_NP, _D), jnp.float32),
                   jax.ShapeDtypeStruct((8, _D), jnp.float32)],
    )(p, hp, dv1)


def _tc_a_mid(o, st, g, be, w, dv1, relu):
    return pl.pallas_call(
        functools.partial(_a_mid_body, relu=relu),
        grid=(_G,),
        in_specs=[_SPEC_R, _SPEC_ST, _SPEC_V, _SPEC_V, _SPEC_W, _SPEC_C],
        out_specs=_SPEC_R,
        out_shape=jax.ShapeDtypeStruct((_NP, _D), jnp.float32),
    )(o, st, g, be, w, dv1)


def _tc_a4p(o, st, g, be, dv2):
    return pl.pallas_call(
        _a4p_body,
        grid=(_G,),
        in_specs=[_SPEC_R, _SPEC_ST, _SPEC_V, _SPEC_V, _SPEC_C],
        out_specs=_SPEC_R,
        out_shape=jax.ShapeDtypeStruct((_NP, _D), jnp.float32),
    )(o, st, g, be, dv2)


_SPEC_QWQ = pl.BlockSpec((2, _R), lambda i: (0, i))
_SPEC_QWW = pl.BlockSpec((2, _R), lambda i: (0, i + _G))


def _tc_b4(zp, qw, z3p, dv2, ls, wuz, wut, wcz, wct, wd, bd, wlp, blp,
           biu, bic):
    return pl.pallas_call(
        _b4_body,
        grid=(_G,),
        in_specs=[_SPEC_P, _SPEC_QWQ, _SPEC_QWW, _SPEC_R, _SPEC_C, _SPEC_C,
                  _SPEC_W, _SPEC_W, _SPEC_W, _SPEC_W, _SPEC_W, _SPEC_V,
                  _SPEC_W, _SPEC_V, _SPEC_V, _SPEC_V],
        out_specs=pl.BlockSpec((3, _R, _D), lambda i: (0, i, 0)),
        out_shape=jax.ShapeDtypeStruct((3, _NP, _D), jnp.float32),
    )(zp, qw, qw, z3p, dv2, ls, wuz, wut, wcz, wct, wd, bd, wlp, blp,
      biu, bic)


def kernel(x, edge_index, s, W1, b1, W2, b2, W3, b3, g1, be1, g2, be2, g3,
           be3, Wir, bir, Wsr, bsr, Wiu, biu, Wsu, bsu, Wic, bic, Wsc, bsc,
           Wd, bd, Wlp, blp):
    f32 = jnp.float32
    src = edge_index[0].astype(jnp.int32)
    dst = edge_index[1].astype(jnp.int32)
    padi = _N + (jnp.arange(_EP - _E, dtype=jnp.int32) % (_NP - _N))
    srcf = jnp.concatenate([src, padi])
    dstf = jnp.concatenate([dst, padi])
    src32 = srcf.reshape(_NW, _NCH, _K)
    dst32 = dstf.reshape(_NW, _NCH, _K)
    srcq32 = jnp.concatenate([srcf, srcf + _NP]).reshape(_NW, _NCH2, _K)
    dstq32 = jnp.concatenate([dstf, dstf + _NP]).reshape(_NW, _NCH2, _K)
    zzq = jnp.zeros((_RT2,), f32)
    x = jnp.pad(x, ((0, _NP - _N), (0, 0)))
    ones1 = jnp.ones((_K,), f32)
    zz1 = jnp.zeros((_RT,), f32)
    zz128 = jnp.zeros((_K, _D), f32)

    cnt_k = _make_cnt_kernel()
    agg_k = _make_agg_kernel()
    qw_k = _make_qw_kernel()

    dp, sp = cnt_k(dst32, src32, ones1, zz1)
    dv1, dv2, ls, v1 = _tc_prep(dp, sp)

    row = lambda v: v.reshape(1, _D)
    hp = _tc_a1(x, W1, dv1)
    p = agg_k(hp, src32, dst32, zz128)
    o, st = _tc_b(p, hp, dv1)
    hp = _tc_a_mid(o, st, row(g1), row(be1), W2, dv1, True)
    p = agg_k(hp, src32, dst32, zz128)
    o, st = _tc_b(p, hp, dv1)
    hp = _tc_a_mid(o, st, row(g2), row(be2), W3, dv1, True)
    p = agg_k(hp, src32, dst32, zz128)
    o, st = _tc_b(p, hp, dv1)
    z3p = _tc_a4p(o, st, row(g3), row(be3), dv2)
    zp = agg_k(z3p, src32, dst32, zz128)
    vcat = jnp.concatenate([v1.reshape(-1), dv2.reshape(-1)])
    qw = qw_k(vcat, srcq32, dstq32, zzq)
    full = _tc_b4(zp, qw, z3p, dv2, ls, Wiu[:_D], Wiu[_D:], Wic[:_D],
                  Wic[_D:], Wd, row(bd), Wlp, row(blp), row(biu), row(bic))
    return full[:, :_N, :]

# --- scband reference (transcript-rebuilt; emitter-appended) ---
"""Pipeline reference for scband-tenence-4269197492603 (READ-ONLY COPY).

The authoritative reference and input builder live on the scoring server;
editing this copy changes nothing except your own understanding.
"""

import jax, jax.numpy as jnp
import numpy as np

N = 10000
E = 320000
D = 128


def _gcn(x, W, b, src, dst, n, fill):
    # PyG GCNConv: out = D^{-1/2} (A + fill*I) D^{-1/2} (x @ W) + b
    xw = x @ W
    deg = jnp.zeros((n,), x.dtype).at[dst].add(1.0) + fill
    dinv = jax.lax.rsqrt(deg)
    coef = dinv[src] * dinv[dst]
    out = jnp.zeros((n, W.shape[1]), x.dtype).at[dst].add(coef[:, None] * xw[src])
    out = out + (fill * dinv * dinv)[:, None] * xw
    return out + b


def _bn(z, g, b):
    # BatchNorm1d, training-mode batch statistics (biased variance), eps=1e-5
    m = jnp.mean(z, axis=0)
    v = jnp.var(z, axis=0)
    return (z - m) * jax.lax.rsqrt(v + 1e-5) * g + b


def setup_inputs(seed: int = 0) -> dict:
    key = jax.random.key(seed)
    ks = jax.random.split(key, 40)
    it = iter(list(ks))
    def w(fi, fo):
        return jax.random.normal(next(it), (fi, fo), jnp.float32) / np.sqrt(fi)
    inp = {}
    inp['x'] = jax.random.normal(next(it), (N, D), jnp.float32)
    inp['edge_index'] = jax.random.randint(next(it), (2, E), 0, N)
    inp['s'] = jnp.zeros((N, D), jnp.float32)
    inp['W1'] = w(D, D); inp['b1'] = jnp.zeros((D,), jnp.float32)
    inp['W2'] = w(D, D); inp['b2'] = jnp.zeros((D,), jnp.float32)
    inp['W3'] = w(D, D); inp['b3'] = jnp.zeros((D,), jnp.float32)
    inp['g1'] = jnp.ones((D,), jnp.float32); inp['be1'] = jnp.zeros((D,), jnp.float32)
    inp['g2'] = jnp.ones((D,), jnp.float32); inp['be2'] = jnp.zeros((D,), jnp.float32)
    inp['g3'] = jnp.ones((D,), jnp.float32); inp['be3'] = jnp.zeros((D,), jnp.float32)
    inp['Wir'] = w(2 * D, D); inp['bir'] = jnp.zeros((D,), jnp.float32)
    inp['Wsr'] = w(D, D); inp['bsr'] = jnp.zeros((D,), jnp.float32)
    inp['Wiu'] = w(2 * D, D); inp['biu'] = jnp.zeros((D,), jnp.float32)
    inp['Wsu'] = w(D, D); inp['bsu'] = jnp.zeros((D,), jnp.float32)
    inp['Wic'] = w(2 * D, D); inp['bic'] = jnp.zeros((D,), jnp.float32)
    inp['Wsc'] = w(D, D); inp['bsc'] = jnp.zeros((D,), jnp.float32)
    inp['Wd'] = w(D, D); inp['bd'] = jnp.zeros((D,), jnp.float32)
    inp['Wlp'] = w(D, D); inp['blp'] = jnp.zeros((D,), jnp.float32)
    return inp


def reference(x, edge_index, s, W1, b1, W2, b2, W3, b3, g1, be1, g2, be2, g3, be3,
              Wir, bir, Wsr, bsr, Wiu, biu, Wsu, bsu, Wic, bic, Wsc, bsc,
              Wd, bd, Wlp, blp):
    n = x.shape[0]
    src = edge_index[0]
    dst = edge_index[1]
    # MPNN encoder (GAE.encode): 3x GCNConv + BN + ReLU (dropout inactive)
    z = jax.nn.relu(_bn(_gcn(x, W1, b1, src, dst, n, 1.0), g1, be1))
    z = jax.nn.relu(_bn(_gcn(z, W2, b2, src, dst, n, 1.0), g2, be2))
    z = _bn(_gcn(z, W3, b3, src, dst, n, 1.0), g3, be3)
    # last_seen index_fill at unique src with k+1 = 1, then TimeEncoder (frozen weights)
    last_seen = jnp.zeros((n,), x.dtype).at[src].set(1.0)
    wt = (1.0 / (10.0 ** jnp.linspace(0.0, 9.0, D))).astype(x.dtype)
    te = jnp.cos(last_seen[:, None] * wt[None, :])
    zc = jnp.concatenate([z, te], axis=1)
    # GGRU update (GCNConv with improved=True -> fill=2.0)
    r = jax.nn.sigmoid(_gcn(zc, Wir, bir, src, dst, n, 2.0) + _gcn(s, Wsr, bsr, src, dst, n, 2.0))
    u = jax.nn.sigmoid(_gcn(zc, Wiu, biu, src, dst, n, 2.0) + _gcn(s, Wsu, bsu, src, dst, n, 2.0))
    c = jnp.tanh(_gcn(zc, Wic, bic, src, dst, n, 2.0) + r * _gcn(s, Wsc, bsc, src, dst, n, 2.0))
    st = (1.0 - u) * c + u * s
    zd = st @ Wd + bd
    zp = st @ Wlp + blp
    return jnp.stack([st, zd, zp], axis=0)

if __name__ == "__main__":
    import jax
    _d = setup_inputs()
    print(jax.jit(kernel)(*tuple(_d.values())))

</pallas_src>

<mosaic_0001>
#map = affine_map<(d0, d1) -> (0, 0)>
#map1 = affine_map<(d0, d1) -> (0, 0, 0)>
module attributes {stable_mosaic.version = 14 : i64} {
  func.func @_agg_body(%arg0: i32, %arg1: i32, %arg2: memref<10240x128xf32, #tpu.memory_space<hbm>>, %arg3: memref<32x80x128xi32, #tpu.memory_space<hbm>>, %arg4: memref<32x80x128xi32, #tpu.memory_space<hbm>>, %arg5: memref<128x128xf32, #tpu.memory_space<hbm>>, %arg6: memref<2x10240x128xf32, #tpu.memory_space<hbm>>, %arg7: memref<40x128xi32, #tpu.memory_space<vmem>>, %arg8: memref<40x128xi32, #tpu.memory_space<vmem>>, %arg9: memref<128x128xf32, #tpu.memory_space<vmem>>, %arg10: memref<128x128xf32, #tpu.memory_space<vmem>>, %arg11: memref<10240x128xf32, #tpu.memory_space<vmem_shared>>, %arg12: memref<!tpu.dma_semaphore, #tpu.memory_space<semaphore_mem>>, %arg13: memref<!tpu.dma_semaphore, #tpu.memory_space<semaphore_mem>>, %arg14: memref<!tpu.dma_semaphore, #tpu.memory_space<semaphore_mem>>, %arg15: memref<!tpu.dma_semaphore, #tpu.memory_space<semaphore_mem>>) attributes {dimension_semantics = [#tpu.dimension_semantics<core_parallel>, #tpu.dimension_semantics<subcore_parallel>], iteration_bounds = array<i64: 2, 16>, scalar_prefetch = 0 : i64, scratch_operands = 9 : i64, tpu.core_type = #tpu.core_type<sc_vector_subcore>, window_params = [{transform_indices = #map}, {transform_indices = #map1}, {transform_indices = #map1}, {transform_indices = #map}, {transform_indices = #map1}]} {
    %mul3A = arith.constant 16 : i32
    %mul3A_0 = arith.muli %arg0, %mul3A : i32
    %add3A = arith.addi %mul3A_0, %arg1 : i32
    %mul3A_1 = arith.constant 640 : i32
    %mul3A_2 = arith.muli %arg1, %mul3A_1 : i32
    "tpu.region"() ({
      %run_scoped3A = tpu.sem_alloc : memref<!tpu.dma_semaphore, #tpu.memory_space<semaphore_mem>>
      tpu.enqueue_dma source(%arg5 : memref<128x128xf32, #tpu.memory_space<hbm>>) target(%arg9 : memref<128x128xf32, #tpu.memory_space<vmem>>) target_semaphore(%run_scoped3A : memref<!tpu.dma_semaphore, #tpu.memory_space<semaphore_mem>>)
      tpu.wait_dma2 semaphore(%run_scoped3A : memref<!tpu.dma_semaphore, #tpu.memory_space<semaphore_mem>>) src(%arg5 : memref<128x128xf32, #tpu.memory_space<hbm>>) dst(%arg9 : memref<128x128xf32, #tpu.memory_space<vmem>>)
      tpu.yield
    }) : () -> ()
    %add3A_3 = arith.constant 0 : i32
    %add3A_4 = arith.addi %mul3A_2, %add3A_3 : i32
    "tpu.region"() ({
      %run_scoped3A = tpu.sem_alloc : memref<!tpu.dma_semaphore, #tpu.memory_space<semaphore_mem>>
      %dma_start3A_156 = arith.constant 0 : i32
      %dma_start3A_157 = tpu.memref_slice %arg11[%add3A_4, %dma_start3A_156] : memref<10240x128xf32, #tpu.memory_space<vmem_shared>> -> memref<128x128xf32, #tpu.memory_space<vmem_shared>>
      %dma_start3A_158 = arith.constant 0 : i32
      %dma_start3A_159 = tpu.memref_slice %arg11[%add3A_4, %dma_start3A_158] : memref<10240x128xf32, #tpu.memory_space<vmem_shared>> -> memref<128x128xf32, #tpu.memory_space<vmem_shared>>
      tpu.enqueue_dma source(%arg9 : memref<128x128xf32, #tpu.memory_space<vmem>>) target(%dma_start3A_159 : memref<128x128xf32, #tpu.memory_space<vmem_shared>>) target_semaphore(%run_scoped3A : memref<!tpu.dma_semaphore, #tpu.memory_space<semaphore_mem>>)
      %dma_wait3A_160 = arith.constant 0 : i32
      %dma_wait3A_161 = tpu.memref_slice %arg11[%add3A_4, %dma_wait3A_160] : memref<10240x128xf32, #tpu.memory_space<vmem_shared>> -> memref<128x128xf32, #tpu.memory_space<vmem_shared>>
      %dma_wait3A_162 = arith.constant 0 : i32
      %dma_wait3A_163 = tpu.memref_slice %arg11[%add3A_4, %dma_wait3A_162] : memref<10240x128xf32, #tpu.memory_space<vmem_shared>> -> memref<128x128xf32, #tpu.memory_space<vmem_shared>>
      tpu.wait_dma2 semaphore(%run_scoped3A : memref<!tpu.dma_semaphore, #tpu.memory_space<semaphore_mem>>) src(%arg9 : memref<128x128xf32, #tpu.memory_space<vmem>>) dst(%dma_wait3A_163 : memref<128x128xf32, #tpu.memory_space<vmem_shared>>)
      tpu.yield
    }) : () -> ()
    %add3A_5 = arith.constant 128 : i32
    %add3A_6 = arith.addi %mul3A_2, %add3A_5 : i32
    "tpu.region"() ({
      %run_scoped3A = tpu.sem_alloc : memref<!tpu.dma_semaphore, #tpu.memory_space<semaphore_mem>>
      %dma_start3A_156 = arith.constant 0 : i32
      %dma_start3A_157 = tpu.memref_slice %arg11[%add3A_6, %dma_start3A_156] : memref<10240x128xf32, #tpu.memory_space<vmem_shared>> -> memref<128x128xf32, #tpu.memory_space<vmem_shared>>
      %dma_start3A_158 = arith.constant 0 : i32
      %dma_start3A_159 = tpu.memref_slice %arg11[%add3A_6, %dma_start3A_158] : memref<10240x128xf32, #tpu.memory_space<vmem_shared>> -> memref<128x128xf32, #tpu.memory_space<vmem_shared>>
      tpu.enqueue_dma source(%arg9 : memref<128x128xf32, #tpu.memory_space<vmem>>) target(%dma_start3A_159 : memref<128x128xf32, #tpu.memory_space<vmem_shared>>) target_semaphore(%run_scoped3A : memref<!tpu.dma_semaphore, #tpu.memory_space<semaphore_mem>>)
      %dma_wait3A_160 = arith.constant 0 : i32
      %dma_wait3A_161 = tpu.memref_slice %arg11[%add3A_6, %dma_wait3A_160] : memref<10240x128xf32, #tpu.memory_space<vmem_shared>> -> memref<128x128xf32, #tpu.memory_space<vmem_shared>>
      %dma_wait3A_162 = arith.constant 0 : i32
      %dma_wait3A_163 = tpu.memref_slice %arg11[%add3A_6, %dma_wait3A_162] : memref<10240x128xf32, #tpu.memory_space<vmem_shared>> -> memref<128x128xf32, #tpu.memory_space<vmem_shared>>
      tpu.wait_dma2 semaphore(%run_scoped3A : memref<!tpu.dma_semaphore, #tpu.memory_space<semaphore_mem>>) src(%arg9 : memref<128x128xf32, #tpu.memory_space<vmem>>) dst(%dma_wait3A_163 : memref<128x128xf32, #tpu.memory_space<vmem_shared>>)
      tpu.yield
    }) : () -> ()
    %add3A_7 = arith.constant 256 : i32
    %add3A_8 = arith.addi %mul3A_2, %add3A_7 : i32
    "tpu.region"() ({
      %run_scoped3A = tpu.sem_alloc : memref<!tpu.dma_semaphore, #tpu.memory_space<semaphore_mem>>
      %dma_start3A_156 = arith.constant 0 : i32
      %dma_start3A_157 = tpu.memref_slice %arg11[%add3A_8, %dma_start3A_156] : memref<10240x128xf32, #tpu.memory_space<vmem_shared>> -> memref<128x128xf32, #tpu.memory_space<vmem_shared>>
      %dma_start3A_158 = arith.constant 0 : i32
      %dma_start3A_159 = tpu.memref_slice %arg11[%add3A_8, %dma_start3A_158] : memref<10240x128xf32, #tpu.memory_space<vmem_shared>> -> memref<128x128xf32, #tpu.memory_space<vmem_shared>>
      tpu.enqueue_dma source(%arg9 : memref<128x128xf32, #tpu.memory_space<vmem>>) target(%dma_start3A_159 : memref<128x128xf32, #tpu.memory_space<vmem_shared>>) target_semaphore(%run_scoped3A : memref<!tpu.dma_semaphore, #tpu.memory_space<semaphore_mem>>)
      %dma_wait3A_160 = arith.constant 0 : i32
      %dma_wait3A_161 = tpu.memref_slice %arg11[%add3A_8, %dma_wait3A_160] : memref<10240x128xf32, #tpu.memory_space<vmem_shared>> -> memref<128x128xf32, #tpu.memory_space<vmem_shared>>
      %dma_wait3A_162 = arith.constant 0 : i32
      %dma_wait3A_163 = tpu.memref_slice %arg11[%add3A_8, %dma_wait3A_162] : memref<10240x128xf32, #tpu.memory_space<vmem_shared>> -> memref<128x128xf32, #tpu.memory_space<vmem_shared>>
      tpu.wait_dma2 semaphore(%run_scoped3A : memref<!tpu.dma_semaphore, #tpu.memory_space<semaphore_mem>>) src(%arg9 : memref<128x128xf32, #tpu.memory_space<vmem>>) dst(%dma_wait3A_163 : memref<128x128xf32, #tpu.memory_space<vmem_shared>>)
      tpu.yield
    }) : () -> ()
    %add3A_9 = arith.constant 384 : i32
    %add3A_10 = arith.addi %mul3A_2, %add3A_9 : i32
    "tpu.region"() ({
      %run_scoped3A = tpu.sem_alloc : memref<!tpu.dma_semaphore, #tpu.memory_space<semaphore_mem>>
      %dma_start3A_156 = arith.constant 0 : i32
      %dma_start3A_157 = tpu.memref_slice %arg11[%add3A_10, %dma_start3A_156] : memref<10240x128xf32, #tpu.memory_space<vmem_shared>> -> memref<128x128xf32, #tpu.memory_space<vmem_shared>>
      %dma_start3A_158 = arith.constant 0 : i32
      %dma_start3A_159 = tpu.memref_slice %arg11[%add3A_10, %dma_start3A_158] : memref<10240x128xf32, #tpu.memory_space<vmem_shared>> -> memref<128x128xf32, #tpu.memory_space<vmem_shared>>
      tpu.enqueue_dma source(%arg9 : memref<128x128xf32, #tpu.memory_space<vmem>>) target(%dma_start3A_159 : memref<128x128xf32, #tpu.memory_space<vmem_shared>>) target_semaphore(%run_scoped3A : memref<!tpu.dma_semaphore, #tpu.memory_space<semaphore_mem>>)
      %dma_wait3A_160 = arith.constant 0 : i32
      %dma_wait3A_161 = tpu.memref_slice %arg11[%add3A_10, %dma_wait3A_160] : memref<10240x128xf32, #tpu.memory_space<vmem_shared>> -> memref<128x128xf32, #tpu.memory_space<vmem_shared>>
      %dma_wait3A_162 = arith.constant 0 : i32
      %dma_wait3A_163 = tpu.memref_slice %arg11[%add3A_10, %dma_wait3A_162] : memref<10240x128xf32, #tpu.memory_space<vmem_shared>> -> memref<128x128xf32, #tpu.memory_space<vmem_shared>>
      tpu.wait_dma2 semaphore(%run_scoped3A : memref<!tpu.dma_semaphore, #tpu.memory_space<semaphore_mem>>) src(%arg9 : memref<128x128xf32, #tpu.memory_space<vmem>>) dst(%dma_wait3A_163 : memref<128x128xf32, #tpu.memory_space<vmem_shared>>)
      tpu.yield
    }) : () -> ()
    %add3A_11 = arith.constant 512 : i32
    %add3A_12 = arith.addi %mul3A_2, %add3A_11 : i32
    "tpu.region"() ({
      %run_scoped3A = tpu.sem_alloc : memref<!tpu.dma_semaphore, #tpu.memory_space<semaphore_mem>>
      %dma_start3A_156 = arith.constant 0 : i32
      %dma_start3A_157 = tpu.memref_slice %arg11[%add3A_12, %dma_start3A_156] : memref<10240x128xf32, #tpu.memory_space<vmem_shared>> -> memref<128x128xf32, #tpu.memory_space<vmem_shared>>
      %dma_start3A_158 = arith.constant 0 : i32
      %dma_start3A_159 = tpu.memref_slice %arg11[%add3A_12, %dma_start3A_158] : memref<10240x128xf32, #tpu.memory_space<vmem_shared>> -> memref<128x128xf32, #tpu.memory_space<vmem_shared>>
      tpu.enqueue_dma source(%arg9 : memref<128x128xf32, #tpu.memory_space<vmem>>) target(%dma_start3A_159 : memref<128x128xf32, #tpu.memory_space<vmem_shared>>) target_semaphore(%run_scoped3A : memref<!tpu.dma_semaphore, #tpu.memory_space<semaphore_mem>>)
      %dma_wait3A_160 = arith.constant 0 : i32
      %dma_wait3A_161 = tpu.memref_slice %arg11[%add3A_12, %dma_wait3A_160] : memref<10240x128xf32, #tpu.memory_space<vmem_shared>> -> memref<128x128xf32, #tpu.memory_space<vmem_shared>>
      %dma_wait3A_162 = arith.constant 0 : i32
      %dma_wait3A_163 = tpu.memref_slice %arg11[%add3A_12, %dma_wait3A_162] : memref<10240x128xf32, #tpu.memory_space<vmem_shared>> -> memref<128x128xf32, #tpu.memory_space<vmem_shared>>
      tpu.wait_dma2 semaphore(%run_scoped3A : memref<!tpu.dma_semaphore, #tpu.memory_space<semaphore_mem>>) src(%arg9 : memref<128x128xf32, #tpu.memory_space<vmem>>) dst(%dma_wait3A_163 : memref<128x128xf32, #tpu.memory_space<vmem_shared>>)
      tpu.yield
    }) : () -> ()
    %barrier3A = arith.constant 0 : index
    tpu.barrier barrier_id(%barrier3A)
    "tpu.region"() ({
      %run_scoped3A = tpu.sem_alloc : memref<!tpu.dma_semaphore, #tpu.memory_space<semaphore_mem>>
      %dma_start3A_156 = arith.constant 0 : i32
      %dma_start3A_157 = arith.constant 0 : i32
      %dma_start3A_158 = tpu.memref_slice %arg3[%add3A, %dma_start3A_156, %dma_start3A_157] : memref<32x80x128xi32, #tpu.memory_space<hbm>> -> memref<1x40x128xi32, #tpu.memory_space<hbm>>
      %dma_start3A_159 = tpu.memref_squeeze %dma_start3A_158 : memref<1x40x128xi32, #tpu.memory_space<hbm>> -> memref<40x128xi32, #tpu.memory_space<hbm>>
      %dma_start3A_160 = arith.constant 0 : i32
      %dma_start3A_161 = arith.constant 0 : i32
      %dma_start3A_162 = tpu.memref_slice %arg3[%add3A, %dma_start3A_160, %dma_start3A_161] : memref<32x80x128xi32, #tpu.memory_space<hbm>> -> memref<1x40x128xi32, #tpu.memory_space<hbm>>
      %dma_start3A_163 = tpu.memref_squeeze %dma_start3A_162 : memref<1x40x128xi32, #tpu.memory_space<hbm>> -> memref<40x128xi32, #tpu.memory_space<hbm>>
      tpu.enqueue_dma source(%dma_start3A_163 : memref<40x128xi32, #tpu.memory_space<hbm>>) target(%arg7 : memref<40x128xi32, #tpu.memory_space<vmem>>) target_semaphore(%run_scoped3A : memref<!tpu.dma_semaphore, #tpu.memory_space<semaphore_mem>>)
      %dma_wait3A_164 = arith.constant 0 : i32
      %dma_wait3A_165 = arith.constant 0 : i32
      %dma_wait3A_166 = tpu.memref_slice %arg3[%add3A, %dma_wait3A_164, %dma_wait3A_165] : memref<32x80x128xi32, #tpu.memory_space<hbm>> -> memref<1x40x128xi32, #tpu.memory_space<hbm>>
      %dma_wait3A_167 = tpu.memref_squeeze %dma_wait3A_166 : memref<1x40x128xi32, #tpu.memory_space<hbm>> -> memref<40x128xi32, #tpu.memory_space<hbm>>
      %dma_wait3A_168 = arith.constant 0 : i32
      %dma_wait3A_169 = arith.constant 0 : i32
      %dma_wait3A_170 = tpu.memref_slice %arg3[%add3A, %dma_wait3A_168, %dma_wait3A_169] : memref<32x80x128xi32, #tpu.memory_space<hbm>> -> memref<1x40x128xi32, #tpu.memory_space<hbm>>
      %dma_wait3A_171 = tpu.memref_squeeze %dma_wait3A_170 : memref<1x40x128xi32, #tpu.memory_space<hbm>> -> memref<40x128xi32, #tpu.memory_space<hbm>>
      tpu.wait_dma2 semaphore(%run_scoped3A : memref<!tpu.dma_semaphore, #tpu.memory_space<semaphore_mem>>) src(%dma_wait3A_171 : memref<40x128xi32, #tpu.memory_space<hbm>>) dst(%arg7 : memref<40x128xi32, #tpu.memory_space<vmem>>)
      tpu.yield
    }) : () -> ()
    "tpu.region"() ({
      %run_scoped3A = tpu.sem_alloc : memref<!tpu.dma_semaphore, #tpu.memory_space<semaphore_mem>>
      %dma_start3A_156 = arith.constant 0 : i32
      %dma_start3A_157 = arith.constant 0 : i32
      %dma_start3A_158 = tpu.memref_slice %arg4[%add3A, %dma_start3A_156, %dma_start3A_157] : memref<32x80x128xi32, #tpu.memory_space<hbm>> -> memref<1x40x128xi32, #tpu.memory_space<hbm>>
      %dma_start3A_159 = tpu.memref_squeeze %dma_start3A_158 : memref<1x40x128xi32, #tpu.memory_space<hbm>> -> memref<40x128xi32, #tpu.memory_space<hbm>>
      %dma_start3A_160 = arith.constant 0 : i32
      %dma_start3A_161 = arith.constant 0 : i32
      %dma_start3A_162 = tpu.memref_slice %arg4[%add3A, %dma_start3A_160, %dma_start3A_161] : memref<32x80x128xi32, #tpu.memory_space<hbm>> -> memref<1x40x128xi32, #tpu.memory_space<hbm>>
      %dma_start3A_163 = tpu.memref_squeeze %dma_start3A_162 : memref<1x40x128xi32, #tpu.memory_space<hbm>> -> memref<40x128xi32, #tpu.memory_space<hbm>>
      tpu.enqueue_dma source(%dma_start3A_163 : memref<40x128xi32, #tpu.memory_space<hbm>>) target(%arg8 : memref<40x128xi32, #tpu.memory_space<vmem>>) target_semaphore(%run_scoped3A : memref<!tpu.dma_semaphore, #tpu.memory_space<semaphore_mem>>)
      %dma_wait3A_164 = arith.constant 0 : i32
      %dma_wait3A_165 = arith.constant 0 : i32
      %dma_wait3A_166 = tpu.memref_slice %arg4[%add3A, %dma_wait3A_164, %dma_wait3A_165] : memref<32x80x128xi32, #tpu.memory_space<hbm>> -> memref<1x40x128xi32, #tpu.memory_space<hbm>>
      %dma_wait3A_167 = tpu.memref_squeeze %dma_wait3A_166 : memref<1x40x128xi32, #tpu.memory_space<hbm>> -> memref<40x128xi32, #tpu.memory_space<hbm>>
      %dma_wait3A_168 = arith.constant 0 : i32
      %dma_wait3A_169 = arith.constant 0 : i32
      %dma_wait3A_170 = tpu.memref_slice %arg4[%add3A, %dma_wait3A_168, %dma_wait3A_169] : memref<32x80x128xi32, #tpu.memory_space<hbm>> -> memref<1x40x128xi32, #tpu.memory_space<hbm>>
      %dma_wait3A_171 = tpu.memref_squeeze %dma_wait3A_170 : memref<1x40x128xi32, #tpu.memory_space<hbm>> -> memref<40x128xi32, #tpu.memory_space<hbm>>
      tpu.wait_dma2 semaphore(%run_scoped3A : memref<!tpu.dma_semaphore, #tpu.memory_space<semaphore_mem>>) src(%dma_wait3A_171 : memref<40x128xi32, #tpu.memory_space<hbm>>) dst(%arg8 : memref<40x128xi32, #tpu.memory_space<vmem>>)
      tpu.yield
    }) : () -> ()
    %dma_start3A = arith.constant 0 : i32
    %dma_start3A_13 = arith.constant 0 : i32
    %dma_start3A_14 = tpu.memref_slice %arg7[%dma_start3A, %dma_start3A_13] : memref<40x128xi32, #tpu.memory_space<vmem>> -> memref<1x128xi32, #tpu.memory_space<vmem>>
    %dma_start3A_15 = tpu.memref_squeeze %dma_start3A_14 : memref<1x128xi32, #tpu.memory_space<vmem>> -> memref<128xi32, #tpu.memory_space<vmem>>
    %dma_start3A_16 = arith.constant 0 : i32
    %dma_start3A_17 = arith.constant 0 : i32
    %dma_start3A_18 = tpu.memref_slice %arg2[%dma_start3A_16, %dma_start3A_17] : memref<10240x128xf32, #tpu.memory_space<hbm>> -> memref<10240x128xf32, #tpu.memory_space<hbm>>
    tpu.enqueue_indirect_dma source(%dma_start3A_18 : memref<10240x128xf32, #tpu.memory_space<hbm>>) target(%arg9 : memref<128x128xf32, #tpu.memory_space<vmem>>) offsets(%dma_start3A_15 : memref<128xi32, #tpu.memory_space<vmem>>) semaphore(%arg12 : memref<!tpu.dma_semaphore, #tpu.memory_space<semaphore_mem>>)
    %dma_start3A_19 = arith.constant 1 : i32
    %dma_start3A_20 = arith.constant 0 : i32
    %dma_start3A_21 = tpu.memref_slice %arg7[%dma_start3A_19, %dma_start3A_20] : memref<40x128xi32, #tpu.memory_space<vmem>> -> memref<1x128xi32, #tpu.memory_space<vmem>>
    %dma_start3A_22 = tpu.memref_squeeze %dma_start3A_21 : memref<1x128xi32, #tpu.memory_space<vmem>> -> memref<128xi32, #tpu.memory_space<vmem>>
    %dma_start3A_23 = arith.constant 0 : i32
    %dma_start3A_24 = arith.constant 0 : i32
    %dma_start3A_25 = tpu.memref_slice %arg2[%dma_start3A_23, %dma_start3A_24] : memref<10240x128xf32, #tpu.memory_space<hbm>> -> memref<10240x128xf32, #tpu.memory_space<hbm>>
    tpu.enqueue_indirect_dma source(%dma_start3A_25 : memref<10240x128xf32, #tpu.memory_space<hbm>>) target(%arg10 : memref<128x128xf32, #tpu.memory_space<vmem>>) offsets(%dma_start3A_22 : memref<128xi32, #tpu.memory_space<vmem>>) semaphore(%arg13 : memref<!tpu.dma_semaphore, #tpu.memory_space<semaphore_mem>>)
    %dma_wait3A = arith.constant 0 : i32
    %dma_wait3A_26 = arith.constant 0 : i32
    %dma_wait3A_27 = tpu.memref_slice %arg7[%dma_wait3A, %dma_wait3A_26] : memref<40x128xi32, #tpu.memory_space<vmem>> -> memref<1x128xi32, #tpu.memory_space<vmem>>
    %dma_wait3A_28 = tpu.memref_squeeze %dma_wait3A_27 : memref<1x128xi32, #tpu.memory_space<vmem>> -> memref<128xi32, #tpu.memory_space<vmem>>
    %dma_wait3A_29 = arith.constant 0 : i32
    %dma_wait3A_30 = arith.constant 0 : i32
    %dma_wait3A_31 = tpu.memref_slice %arg2[%dma_wait3A_29, %dma_wait3A_30] : memref<10240x128xf32, #tpu.memory_space<hbm>> -> memref<10240x128xf32, #tpu.memory_space<hbm>>
    tpu.wait_indirect_dma semaphore(%arg12 : memref<!tpu.dma_semaphore, #tpu.memory_space<semaphore_mem>>) src(%dma_wait3A_31 : memref<10240x128xf32, #tpu.memory_space<hbm>>) dst(%arg9 : memref<128x128xf32, #tpu.memory_space<vmem>>)
    %dma_start3A_32 = arith.constant 0 : i32
    %dma_start3A_33 = arith.constant 0 : i32
    %dma_start3A_34 = tpu.memref_slice %arg8[%dma_start3A_32, %dma_start3A_33] : memref<40x128xi32, #tpu.memory_space<vmem>> -> memref<1x128xi32, #tpu.memory_space<vmem>>
    %dma_start3A_35 = tpu.memref_squeeze %dma_start3A_34 : memref<1x128xi32, #tpu.memory_space<vmem>> -> memref<128xi32, #tpu.memory_space<vmem>>
    %dma_start3A_36 = arith.constant 0 : i32
    %dma_start3A_37 = arith.constant 0 : i32
    %dma_start3A_38 = tpu.memref_slice %arg11[%dma_start3A_36, %dma_start3A_37] : memref<10240x128xf32, #tpu.memory_space<vmem_shared>> -> memref<10240x128xf32, #tpu.memory_space<vmem_shared>>
    tpu.enqueue_indirect_dma source(%arg9 : memref<128x128xf32, #tpu.memory_space<vmem>>) target(%dma_start3A_38 : memref<10240x128xf32, #tpu.memory_space<vmem_shared>>) offsets(%dma_start3A_35 : memref<128xi32, #tpu.memory_space<vmem>>) semaphore(%arg14 : memref<!tpu.dma_semaphore, #tpu.memory_space<semaphore_mem>>) {add = true}
    %dma_wait3A_39 = arith.constant 1 : i32
    %dma_wait3A_40 = arith.constant 0 : i32
    %dma_wait3A_41 = tpu.memref_slice %arg7[%dma_wait3A_39, %dma_wait3A_40] : memref<40x128xi32, #tpu.memory_space<vmem>> -> memref<1x128xi32, #tpu.memory_space<vmem>>
    %dma_wait3A_42 = tpu.memref_squeeze %dma_wait3A_41 : memref<1x128xi32, #tpu.memory_space<vmem>> -> memref<128xi32, #tpu.memory_space<vmem>>
    %dma_wait3A_43 = arith.constant 0 : i32
    %dma_wait3A_44 = arith.constant 0 : i32
    %dma_wait3A_45 = tpu.memref_slice %arg2[%dma_wait3A_43, %dma_wait3A_44] : memref<10240x128xf32, #tpu.memory_space<hbm>> -> memref<10240x128xf32, #tpu.memory_space<hbm>>
    tpu.wait_indirect_dma semaphore(%arg13 : memref<!tpu.dma_semaphore, #tpu.memory_space<semaphore_mem>>) src(%dma_wait3A_45 : memref<10240x128xf32, #tpu.memory_space<hbm>>) dst(%arg10 : memref<128x128xf32, #tpu.memory_space<vmem>>)
    %dma_start3A_46 = arith.constant 1 : i32
    %dma_start3A_47 = arith.constant 0 : i32
    %dma_start3A_48 = tpu.memref_slice %arg8[%dma_start3A_46, %dma_start3A_47] : memref<40x128xi32, #tpu.memory_space<vmem>> -> memref<1x128xi32, #tpu.memory_space<vmem>>
    %dma_start3A_49 = tpu.memref_squeeze %dma_start3A_48 : memref<1x128xi32, #tpu.memory_space<vmem>> -> memref<128xi32, #tpu.memory_space<vmem>>
    %dma_start3A_50 = arith.constant 0 : i32
    %dma_start3A_51 = arith.constant 0 : i32
    %dma_start3A_52 = tpu.memref_slice %arg11[%dma_start3A_50, %dma_start3A_51] : memref<10240x128xf32, #tpu.memory_space<vmem_shared>> -> memref<10240x128xf32, #tpu.memory_space<vmem_shared>>
    tpu.enqueue_indirect_dma source(%arg10 : memref<128x128xf32, #tpu.memory_space<vmem>>) target(%dma_start3A_52 : memref<10240x128xf32, #tpu.memory_space<vmem_shared>>) offsets(%dma_start3A_49 : memref<128xi32, #tpu.memory_space<vmem>>) semaphore(%arg15 : memref<!tpu.dma_semaphore, #tpu.memory_space<semaphore_mem>>) {add = true}
    %dma_wait3A_53 = arith.constant 0 : i32
    %dma_wait3A_54 = arith.constant 0 : i32
    %dma_wait3A_55 = tpu.memref_slice %arg8[%dma_wait3A_53, %dma_wait3A_54] : memref<40x128xi32, #tpu.memory_space<vmem>> -> memref<1x128xi32, #tpu.memory_space<vmem>>
    %dma_wait3A_56 = tpu.memref_squeeze %dma_wait3A_55 : memref<1x128xi32, #tpu.memory_space<vmem>> -> memref<128xi32, #tpu.memory_space<vmem>>
    %dma_wait3A_57 = arith.constant 0 : i32
    %dma_wait3A_58 = arith.constant 0 : i32
    %dma_wait3A_59 = tpu.memref_slice %arg11[%dma_wait3A_57, %dma_wait3A_58] : memref<10240x128xf32, #tpu.memory_space<vmem_shared>> -> memref<10240x128xf32, #tpu.memory_space<vmem_shared>>
    tpu.wait_indirect_dma semaphore(%arg14 : memref<!tpu.dma_semaphore, #tpu.memory_space<semaphore_mem>>) src(%arg9 : memref<128x128xf32, #tpu.memory_space<vmem>>) dst(%dma_wait3A_59 : memref<10240x128xf32, #tpu.memory_space<vmem_shared>>)
    %dma_start3A_60 = arith.constant 2 : i32
    %dma_start3A_61 = arith.constant 0 : i32
    %dma_start3A_62 = tpu.memref_slice %arg7[%dma_start3A_60, %dma_start3A_61] : memref<40x128xi32, #tpu.memory_space<vmem>> -> memref<1x128xi32, #tpu.memory_space<vmem>>
    %dma_start3A_63 = tpu.memref_squeeze %dma_start3A_62 : memref<1x128xi32, #tpu.memory_space<vmem>> -> memref<128xi32, #tpu.memory_space<vmem>>
    %dma_start3A_64 = arith.constant 0 : i32
    %dma_start3A_65 = arith.constant 0 : i32
    %dma_start3A_66 = tpu.memref_slice %arg2[%dma_start3A_64, %dma_start3A_65] : memref<10240x128xf32, #tpu.memory_space<hbm>> -> memref<10240x128xf32, #tpu.memory_space<hbm>>
    tpu.enqueue_indirect_dma source(%dma_start3A_66 : memref<10240x128xf32, #tpu.memory_space<hbm>>) target(%arg9 : memref<128x128xf32, #tpu.memory_space<vmem>>) offsets(%dma_start3A_63 : memref<128xi32, #tpu.memory_space<vmem>>) semaphore(%arg12 : memref<!tpu.dma_semaphore, #tpu.memory_space<semaphore_mem>>)
    %scan3A = arith.constant 0 : i32
    %scan3A_67 = arith.constant 1 : i32
    %scan3A_68 = arith.constant 19 : i32
    %scan3A_69 = arith.addi %scan3A_67, %scan3A_68 : i32
    %scan3A_70 = arith.constant 1 : i32
    scf.for %scan3A_156 = %scan3A_67 to %scan3A_69 step %scan3A_70  : i32 {
      %mul3A_157 = arith.constant 2 : i32
      %mul3A_158 = arith.muli %mul3A_157, %scan3A_156 : i32
      %dma_wait3A_159 = arith.constant 0 : i32
      %dma_wait3A_160 = tpu.memref_slice %arg7[%mul3A_158, %dma_wait3A_159] : memref<40x128xi32, #tpu.memory_space<vmem>> -> memref<1x128xi32, #tpu.memory_space<vmem>>
      %dma_wait3A_161 = tpu.memref_squeeze %dma_wait3A_160 : memref<1x128xi32, #tpu.memory_space<vmem>> -> memref<128xi32, #tpu.memory_space<vmem>>
      %dma_wait3A_162 = arith.constant 0 : i32
      %dma_wait3A_163 = arith.constant 0 : i32
      %dma_wait3A_164 = tpu.memref_slice %arg2[%dma_wait3A_162, %dma_wait3A_163] : memref<10240x128xf32, #tpu.memory_space<hbm>> -> memref<10240x128xf32, #tpu.memory_space<hbm>>
      tpu.wait_indirect_dma semaphore(%arg12 : memref<!tpu.dma_semaphore, #tpu.memory_space<semaphore_mem>>) src(%dma_wait3A_164 : memref<10240x128xf32, #tpu.memory_space<hbm>>) dst(%arg9 : memref<128x128xf32, #tpu.memory_space<vmem>>)
      %dma_start3A_165 = arith.constant 0 : i32
      %dma_start3A_166 = tpu.memref_slice %arg8[%mul3A_158, %dma_start3A_165] : memref<40x128xi32, #tpu.memory_space<vmem>> -> memref<1x128xi32, #tpu.memory_space<vmem>>
      %dma_start3A_167 = tpu.memref_squeeze %dma_start3A_166 : memref<1x128xi32, #tpu.memory_space<vmem>> -> memref<128xi32, #tpu.memory_space<vmem>>
      %dma_start3A_168 = arith.constant 0 : i32
      %dma_start3A_169 = arith.constant 0 : i32
      %dma_start3A_170 = tpu.memref_slice %arg11[%dma_start3A_168, %dma_start3A_169] : memref<10240x128xf32, #tpu.memory_space<vmem_shared>> -> memref<10240x128xf32, #tpu.memory_space<vmem_shared>>
      tpu.enqueue_indirect_dma source(%arg9 : memref<128x128xf32, #tpu.memory_space<vmem>>) target(%dma_start3A_170 : memref<10240x128xf32, #tpu.memory_space<vmem_shared>>) offsets(%dma_start3A_167 : memref<128xi32, #tpu.memory_space<vmem>>) semaphore(%arg14 : memref<!tpu.dma_semaphore, #tpu.memory_space<semaphore_mem>>) {add = true}
      %sub3A = arith.constant 1 : i32
      %sub3A_171 = arith.subi %mul3A_158, %sub3A : i32
      %dma_wait3A_172 = arith.constant 0 : i32
      %dma_wait3A_173 = tpu.memref_slice %arg8[%sub3A_171, %dma_wait3A_172] : memref<40x128xi32, #tpu.memory_space<vmem>> -> memref<1x128xi32, #tpu.memory_space<vmem>>
      %dma_wait3A_174 = tpu.memref_squeeze %dma_wait3A_173 : memref<1x128xi32, #tpu.memory_space<vmem>> -> memref<128xi32, #tpu.memory_space<vmem>>
      %dma_wait3A_175 = arith.constant 0 : i32
      %dma_wait3A_176 = arith.constant 0 : i32
      %dma_wait3A_177 = tpu.memref_slice %arg11[%dma_wait3A_175, %dma_wait3A_176] : memref<10240x128xf32, #tpu.memory_space<vmem_shared>> -> memref<10240x128xf32, #tpu.memory_space<vmem_shared>>
      tpu.wait_indirect_dma semaphore(%arg15 : memref<!tpu.dma_semaphore, #tpu.memory_space<semaphore_mem>>) src(%arg10 : memref<128x128xf32, #tpu.memory_space<vmem>>) dst(%dma_wait3A_177 : memref<10240x128xf32, #tpu.memory_space<vmem_shared>>)
      %add3A_178 = arith.constant 1 : i32
      %add3A_179 = arith.addi %mul3A_158, %add3A_178 : i32
      %dma_start3A_180 = arith.constant 0 : i32
      %dma_start3A_181 = tpu.memref_slice %arg7[%add3A_179, %dma_start3A_180] : memref<40x128xi32, #tpu.memory_space<vmem>> -> memref<1x128xi32, #tpu.memory_space<vmem>>
      %dma_start3A_182 = tpu.memref_squeeze %dma_start3A_181 : memref<1x128xi32, #tpu.memory_space<vmem>> -> memref<128xi32, #tpu.memory_space<vmem>>
      %dma_start3A_183 = arith.constant 0 : i32
      %dma_start3A_184 = arith.constant 0 : i32
      %dma_start3A_185 = tpu.memref_slice %arg2[%dma_start3A_183, %dma_start3A_184] : memref<10240x128xf32, #tpu.memory_space<hbm>> -> memref<10240x128xf32, #tpu.memory_space<hbm>>
      tpu.enqueue_indirect_dma source(%dma_start3A_185 : memref<10240x128xf32, #tpu.memory_space<hbm>>) target(%arg10 : memref<128x128xf32, #tpu.memory_space<vmem>>) offsets(%dma_start3A_182 : memref<128xi32, #tpu.memory_space<vmem>>) semaphore(%arg13 : memref<!tpu.dma_semaphore, #tpu.memory_space<semaphore_mem>>)
      %add3A_186 = arith.constant 1 : i32
      %add3A_187 = arith.addi %mul3A_158, %add3A_186 : i32
      %dma_wait3A_188 = arith.constant 0 : i32
      %dma_wait3A_189 = tpu.memref_slice %arg7[%add3A_187, %dma_wait3A_188] : memref<40x128xi32, #tpu.memory_space<vmem>> -> memref<1x128xi32, #tpu.memory_space<vmem>>
      %dma_wait3A_190 = tpu.memref_squeeze %dma_wait3A_189 : memref<1x128xi32, #tpu.memory_space<vmem>> -> memref<128xi32, #tpu.memory_space<vmem>>
      %dma_wait3A_191 = arith.constant 0 : i32
      %dma_wait3A_192 = arith.constant 0 : i32
      %dma_wait3A_193 = tpu.memref_slice %arg2[%dma_wait3A_191, %dma_wait3A_192] : memref<10240x128xf32, #tpu.memory_space<hbm>> -> memref<10240x128xf32, #tpu.memory_space<hbm>>
      tpu.wait_indirect_dma semaphore(%arg13 : memref<!tpu.dma_semaphore, #tpu.memory_space<semaphore_mem>>) src(%dma_wait3A_193 : memref<10240x128xf32, #tpu.memory_space<hbm>>) dst(%arg10 : memref<128x128xf32, #tpu.memory_space<vmem>>)
      %add3A_194 = arith.constant 1 : i32
      %add3A_195 = arith.addi %mul3A_158, %add3A_194 : i32
      %dma_start3A_196 = arith.constant 0 : i32
      %dma_start3A_197 = tpu.memref_slice %arg8[%add3A_195, %dma_start3A_196] : memref<40x128xi32, #tpu.memory_space<vmem>> -> memref<1x128xi32, #tpu.memory_space<vmem>>
      %dma_start3A_198 = tpu.memref_squeeze %dma_start3A_197 : memref<1x128xi32, #tpu.memory_space<vmem>> -> memref<128xi32, #tpu.memory_space<vmem>>
      %dma_start3A_199 = arith.constant 0 : i32
      %dma_start3A_200 = arith.constant 0 : i32
      %dma_start3A_201 = tpu.memref_slice %arg11[%dma_start3A_199, %dma_start3A_200] : memref<10240x128xf32, #tpu.memory_space<vmem_shared>> -> memref<10240x128xf32, #tpu.memory_space<vmem_shared>>
      tpu.enqueue_indirect_dma source(%arg10 : memref<128x128xf32, #tpu.memory_space<vmem>>) target(%dma_start3A_201 : memref<10240x128xf32, #tpu.memory_space<vmem_shared>>) offsets(%dma_start3A_198 : memref<128xi32, #tpu.memory_space<vmem>>) semaphore(%arg15 : memref<!tpu.dma_semaphore, #tpu.memory_space<semaphore_mem>>) {add = true}
      %dma_wait3A_202 = arith.constant 0 : i32
      %dma_wait3A_203 = tpu.memref_slice %arg8[%mul3A_158, %dma_wait3A_202] : memref<40x128xi32, #tpu.memory_space<vmem>> -> memref<1x128xi32, #tpu.memory_space<vmem>>
      %dma_wait3A_204 = tpu.memref_squeeze %dma_wait3A_203 : memref<1x128xi32, #tpu.memory_space<vmem>> -> memref<128xi32, #tpu.memory_space<vmem>>
      %dma_wait3A_205 = arith.constant 0 : i32
      %dma_wait3A_206 = arith.constant 0 : i32
      %dma_wait3A_207 = tpu.memref_slice %arg11[%dma_wait3A_205, %dma_wait3A_206] : memref<10240x128xf32, #tpu.memory_space<vmem_shared>> -> memref<10240x128xf32, #tpu.memory_space<vmem_shared>>
      tpu.wait_indirect_dma semaphore(%arg14 : memref<!tpu.dma_semaphore, #tpu.memory_space<semaphore_mem>>) src(%arg9 : memref<128x128xf32, #tpu.memory_space<vmem>>) dst(%dma_wait3A_207 : memref<10240x128xf32, #tpu.memory_space<vmem_shared>>)
      %add3A_208 = arith.constant 2 : i32
      %add3A_209 = arith.addi %mul3A_158, %add3A_208 : i32
      %lt3A = arith.constant 40 : i32
      %lt3A_210 = arith.cmpi slt, %add3A_209, %lt3A : i32
      %convert_element_type3A_211 = arith.extui %lt3A_210 : i1 to i32
      %cond3A_212 = arith.constant 0 : i32
      %cond3A_213 = arith.cmpi ne, %convert_element_type3A_211, %cond3A_212 : i32
      scf.if %cond3A_213 {
        %add3A_214 = arith.constant 2 : i32
        %add3A_215 = arith.addi %mul3A_158, %add3A_214 : i32
        %dma_start3A_216 = arith.constant 0 : i32
        %dma_start3A_217 = tpu.memref_slice %arg7[%add3A_215, %dma_start3A_216] : memref<40x128xi32, #tpu.memory_space<vmem>> -> memref<1x128xi32, #tpu.memory_space<vmem>>
        %dma_start3A_218 = tpu.memref_squeeze %dma_start3A_217 : memref<1x128xi32, #tpu.memory_space<vmem>> -> memref<128xi32, #tpu.memory_space<vmem>>
        %dma_start3A_219 = arith.constant 0 : i32
        %dma_start3A_220 = arith.constant 0 : i32
        %dma_start3A_221 = tpu.memref_slice %arg2[%dma_start3A_219, %dma_start3A_220] : memref<10240x128xf32, #tpu.memory_space<hbm>> -> memref<10240x128xf32, #tpu.memory_space<hbm>>
        tpu.enqueue_indirect_dma source(%dma_start3A_221 : memref<10240x128xf32, #tpu.memory_space<hbm>>) target(%arg9 : memref<128x128xf32, #tpu.memory_space<vmem>>) offsets(%dma_start3A_218 : memref<128xi32, #tpu.memory_space<vmem>>) semaphore(%arg12 : memref<!tpu.dma_semaphore, #tpu.memory_space<semaphore_mem>>)
      } else {
      }
    }
    %scan3A_71 = arith.constant 19 : i32
    %dma_wait3A_72 = arith.constant 39 : i32
    %dma_wait3A_73 = arith.constant 0 : i32
    %dma_wait3A_74 = tpu.memref_slice %arg8[%dma_wait3A_72, %dma_wait3A_73] : memref<40x128xi32, #tpu.memory_space<vmem>> -> memref<1x128xi32, #tpu.memory_space<vmem>>
    %dma_wait3A_75 = tpu.memref_squeeze %dma_wait3A_74 : memref<1x128xi32, #tpu.memory_space<vmem>> -> memref<128xi32, #tpu.memory_space<vmem>>
    %dma_wait3A_76 = arith.constant 0 : i32
    %dma_wait3A_77 = arith.constant 0 : i32
    %dma_wait3A_78 = tpu.memref_slice %arg11[%dma_wait3A_76, %dma_wait3A_77] : memref<10240x128xf32, #tpu.memory_space<vmem_shared>> -> memref<10240x128xf32, #tpu.memory_space<vmem_shared>>
    tpu.wait_indirect_dma semaphore(%arg15 : memref<!tpu.dma_semaphore, #tpu.memory_space<semaphore_mem>>) src(%arg10 : memref<128x128xf32, #tpu.memory_space<vmem>>) dst(%dma_wait3A_78 : memref<10240x128xf32, #tpu.memory_space<vmem_shared>>)
    "tpu.region"() ({
      %run_scoped3A = tpu.sem_alloc : memref<!tpu.dma_semaphore, #tpu.memory_space<semaphore_mem>>
      %dma_start3A_156 = arith.constant 40 : i32
      %dma_start3A_157 = arith.constant 0 : i32
      %dma_start3A_158 = tpu.memref_slice %arg3[%add3A, %dma_start3A_156, %dma_start3A_157] : memref<32x80x128xi32, #tpu.memory_space<hbm>> -> memref<1x40x128xi32, #tpu.memory_space<hbm>>
      %dma_start3A_159 = tpu.memref_squeeze %dma_start3A_158 : memref<1x40x128xi32, #tpu.memory_space<hbm>> -> memref<40x128xi32, #tpu.memory_space<hbm>>
      %dma_start3A_160 = arith.constant 40 : i32
      %dma_start3A_161 = arith.constant 0 : i32
      %dma_start3A_162 = tpu.memref_slice %arg3[%add3A, %dma_start3A_160, %dma_start3A_161] : memref<32x80x128xi32, #tpu.memory_space<hbm>> -> memref<1x40x128xi32, #tpu.memory_space<hbm>>
      %dma_start3A_163 = tpu.memref_squeeze %dma_start3A_162 : memref<1x40x128xi32, #tpu.memory_space<hbm>> -> memref<40x128xi32, #tpu.memory_space<hbm>>
      tpu.enqueue_dma source(%dma_start3A_163 : memref<40x128xi32, #tpu.memory_space<hbm>>) target(%arg7 : memref<40x128xi32, #tpu.memory_space<vmem>>) target_semaphore(%run_scoped3A : memref<!tpu.dma_semaphore, #tpu.memory_space<semaphore_mem>>)
      %dma_wait3A_164 = arith.constant 40 : i32
      %dma_wait3A_165 = arith.constant 0 : i32
      %dma_wait3A_166 = tpu.memref_slice %arg3[%add3A, %dma_wait3A_164, %dma_wait3A_165] : memref<32x80x128xi32, #tpu.memory_space<hbm>> -> memref<1x40x128xi32, #tpu.memory_space<hbm>>
      %dma_wait3A_167 = tpu.memref_squeeze %dma_wait3A_166 : memref<1x40x128xi32, #tpu.memory_space<hbm>> -> memref<40x128xi32, #tpu.memory_space<hbm>>
      %dma_wait3A_168 = arith.constant 40 : i32
      %dma_wait3A_169 = arith.constant 0 : i32
      %dma_wait3A_170 = tpu.memref_slice %arg3[%add3A, %dma_wait3A_168, %dma_wait3A_169] : memref<32x80x128xi32, #tpu.memory_space<hbm>> -> memref<1x40x128xi32, #tpu.memory_space<hbm>>
      %dma_wait3A_171 = tpu.memref_squeeze %dma_wait3A_170 : memref<1x40x128xi32, #tpu.memory_space<hbm>> -> memref<40x128xi32, #tpu.memory_space<hbm>>
      tpu.wait_dma2 semaphore(%run_scoped3A : memref<!tpu.dma_semaphore, #tpu.memory_space<semaphore_mem>>) src(%dma_wait3A_171 : memref<40x128xi32, #tpu.memory_space<hbm>>) dst(%arg7 : memref<40x128xi32, #tpu.memory_space<vmem>>)
      tpu.yield
    }) : () -> ()
    "tpu.region"() ({
      %run_scoped3A = tpu.sem_alloc : memref<!tpu.dma_semaphore, #tpu.memory_space<semaphore_mem>>
      %dma_start3A_156 = arith.constant 40 : i32
      %dma_start3A_157 = arith.constant 0 : i32
      %dma_start3A_158 = tpu.memref_slice %arg4[%add3A, %dma_start3A_156, %dma_start3A_157] : memref<32x80x128xi32, #tpu.memory_space<hbm>> -> memref<1x40x128xi32, #tpu.memory_space<hbm>>
      %dma_start3A_159 = tpu.memref_squeeze %dma_start3A_158 : memref<1x40x128xi32, #tpu.memory_space<hbm>> -> memref<40x128xi32, #tpu.memory_space<hbm>>
      %dma_start3A_160 = arith.constant 40 : i32
      %dma_start3A_161 = arith.constant 0 : i32
      %dma_start3A_162 = tpu.memref_slice %arg4[%add3A, %dma_start3A_160, %dma_start3A_161] : memref<32x80x128xi32, #tpu.memory_space<hbm>> -> memref<1x40x128xi32, #tpu.memory_space<hbm>>
      %dma_start3A_163 = tpu.memref_squeeze %dma_start3A_162 : memref<1x40x128xi32, #tpu.memory_space<hbm>> -> memref<40x128xi32, #tpu.memory_space<hbm>>
      tpu.enqueue_dma source(%dma_start3A_163 : memref<40x128xi32, #tpu.memory_space<hbm>>) target(%arg8 : memref<40x128xi32, #tpu.memory_space<vmem>>) target_semaphore(%run_scoped3A : memref<!tpu.dma_semaphore, #tpu.memory_space<semaphore_mem>>)
      %dma_wait3A_164 = arith.constant 40 : i32
      %dma_wait3A_165 = arith.constant 0 : i32
      %dma_wait3A_166 = tpu.memref_slice %arg4[%add3A, %dma_wait3A_164, %dma_wait3A_165] : memref<32x80x128xi32, #tpu.memory_space<hbm>> -> memref<1x40x128xi32, #tpu.memory_space<hbm>>
      %dma_wait3A_167 = tpu.memref_squeeze %dma_wait3A_166 : memref<1x40x128xi32, #tpu.memory_space<hbm>> -> memref<40x128xi32, #tpu.memory_space<hbm>>
      %dma_wait3A_168 = arith.constant 40 : i32
      %dma_wait3A_169 = arith.constant 0 : i32
      %dma_wait3A_170 = tpu.memref_slice %arg4[%add3A, %dma_wait3A_168, %dma_wait3A_169] : memref<32x80x128xi32, #tpu.memory_space<hbm>> -> memref<1x40x128xi32, #tpu.memory_space<hbm>>
      %dma_wait3A_171 = tpu.memref_squeeze %dma_wait3A_170 : memref<1x40x128xi32, #tpu.memory_space<hbm>> -> memref<40x128xi32, #tpu.memory_space<hbm>>
      tpu.wait_dma2 semaphore(%run_scoped3A : memref<!tpu.dma_semaphore, #tpu.memory_space<semaphore_mem>>) src(%dma_wait3A_171 : memref<40x128xi32, #tpu.memory_space<hbm>>) dst(%arg8 : memref<40x128xi32, #tpu.memory_space<vmem>>)
      tpu.yield
    }) : () -> ()
    %dma_start3A_79 = arith.constant 0 : i32
    %dma_start3A_80 = arith.constant 0 : i32
    %dma_start3A_81 = tpu.memref_slice %arg7[%dma_start3A_79, %dma_start3A_80] : memref<40x128xi32, #tpu.memory_space<vmem>> -> memref<1x128xi32, #tpu.memory_space<vmem>>
    %dma_start3A_82 = tpu.memref_squeeze %dma_start3A_81 : memref<1x128xi32, #tpu.memory_space<vmem>> -> memref<128xi32, #tpu.memory_space<vmem>>
    %dma_start3A_83 = arith.constant 0 : i32
    %dma_start3A_84 = arith.constant 0 : i32
    %dma_start3A_85 = tpu.memref_slice %arg2[%dma_start3A_83, %dma_start3A_84] : memref<10240x128xf32, #tpu.memory_space<hbm>> -> memref<10240x128xf32, #tpu.memory_space<hbm>>
    tpu.enqueue_indirect_dma source(%dma_start3A_85 : memref<10240x128xf32, #tpu.memory_space<hbm>>) target(%arg9 : memref<128x128xf32, #tpu.memory_space<vmem>>) offsets(%dma_start3A_82 : memref<128xi32, #tpu.memory_space<vmem>>) semaphore(%arg12 : memref<!tpu.dma_semaphore, #tpu.memory_space<semaphore_mem>>)
    %dma_start3A_86 = arith.constant 1 : i32
    %dma_start3A_87 = arith.constant 0 : i32
    %dma_start3A_88 = tpu.memref_slice %arg7[%dma_start3A_86, %dma_start3A_87] : memref<40x128xi32, #tpu.memory_space<vmem>> -> memref<1x128xi32, #tpu.memory_space<vmem>>
    %dma_start3A_89 = tpu.memref_squeeze %dma_start3A_88 : memref<1x128xi32, #tpu.memory_space<vmem>> -> memref<128xi32, #tpu.memory_space<vmem>>
    %dma_start3A_90 = arith.constant 0 : i32
    %dma_start3A_91 = arith.constant 0 : i32
    %dma_start3A_92 = tpu.memref_slice %arg2[%dma_start3A_90, %dma_start3A_91] : memref<10240x128xf32, #tpu.memory_space<hbm>> -> memref<10240x128xf32, #tpu.memory_space<hbm>>
    tpu.enqueue_indirect_dma source(%dma_start3A_92 : memref<10240x128xf32, #tpu.memory_space<hbm>>) target(%arg10 : memref<128x128xf32, #tpu.memory_space<vmem>>) offsets(%dma_start3A_89 : memref<128xi32, #tpu.memory_space<vmem>>) semaphore(%arg13 : memref<!tpu.dma_semaphore, #tpu.memory_space<semaphore_mem>>)
    %dma_wait3A_93 = arith.constant 0 : i32
    %dma_wait3A_94 = arith.constant 0 : i32
    %dma_wait3A_95 = tpu.memref_slice %arg7[%dma_wait3A_93, %dma_wait3A_94] : memref<40x128xi32, #tpu.memory_space<vmem>> -> memref<1x128xi32, #tpu.memory_space<vmem>>
    %dma_wait3A_96 = tpu.memref_squeeze %dma_wait3A_95 : memref<1x128xi32, #tpu.memory_space<vmem>> -> memref<128xi32, #tpu.memory_space<vmem>>
    %dma_wait3A_97 = arith.constant 0 : i32
    %dma_wait3A_98 = arith.constant 0 : i32
    %dma_wait3A_99 = tpu.memref_slice %arg2[%dma_wait3A_97, %dma_wait3A_98] : memref<10240x128xf32, #tpu.memory_space<hbm>> -> memref<10240x128xf32, #tpu.memory_space<hbm>>
    tpu.wait_indirect_dma semaphore(%arg12 : memref<!tpu.dma_semaphore, #tpu.memory_space<semaphore_mem>>) src(%dma_wait3A_99 : memref<10240x128xf32, #tpu.memory_space<hbm>>) dst(%arg9 : memref<128x128xf32, #tpu.memory_space<vmem>>)
    %dma_start3A_100 = arith.constant 0 : i32
    %dma_start3A_101 = arith.constant 0 : i32
    %dma_start3A_102 = tpu.memref_slice %arg8[%dma_start3A_100, %dma_start3A_101] : memref<40x128xi32, #tpu.memory_space<vmem>> -> memref<1x128xi32, #tpu.memory_space<vmem>>
    %dma_start3A_103 = tpu.memref_squeeze %dma_start3A_102 : memref<1x128xi32, #tpu.memory_space<vmem>> -> memref<128xi32, #tpu.memory_space<vmem>>
    %dma_start3A_104 = arith.constant 0 : i32
    %dma_start3A_105 = arith.constant 0 : i32
    %dma_start3A_106 = tpu.memref_slice %arg11[%dma_start3A_104, %dma_start3A_105] : memref<10240x128xf32, #tpu.memory_space<vmem_shared>> -> memref<10240x128xf32, #tpu.memory_space<vmem_shared>>
    tpu.enqueue_indirect_dma source(%arg9 : memref<128x128xf32, #tpu.memory_space<vmem>>) target(%dma_start3A_106 : memref<10240x128xf32, #tpu.memory_space<vmem_shared>>) offsets(%dma_start3A_103 : memref<128xi32, #tpu.memory_space<vmem>>) semaphore(%arg14 : memref<!tpu.dma_semaphore, #tpu.memory_space<semaphore_mem>>) {add = true}
    %dma_wait3A_107 = arith.constant 1 : i32
    %dma_wait3A_108 = arith.constant 0 : i32
    %dma_wait3A_109 = tpu.memref_slice %arg7[%dma_wait3A_107, %dma_wait3A_108] : memref<40x128xi32, #tpu.memory_space<vmem>> -> memref<1x128xi32, #tpu.memory_space<vmem>>
    %dma_wait3A_110 = tpu.memref_squeeze %dma_wait3A_109 : memref<1x128xi32, #tpu.memory_space<vmem>> -> memref<128xi32, #tpu.memory_space<vmem>>
    %dma_wait3A_111 = arith.constant 0 : i32
    %dma_wait3A_112 = arith.constant 0 : i32
    %dma_wait3A_113 = tpu.memref_slice %arg2[%dma_wait3A_111, %dma_wait3A_112] : memref<10240x128xf32, #tpu.memory_space<hbm>> -> memref<10240x128xf32, #tpu.memory_space<hbm>>
    tpu.wait_indirect_dma semaphore(%arg13 : memref<!tpu.dma_semaphore, #tpu.memory_space<semaphore_mem>>) src(%dma_wait3A_113 : memref<10240x128xf32, #tpu.memory_space<hbm>>) dst(%arg10 : memref<128x128xf32, #tpu.memory_space<vmem>>)
    %dma_start3A_114 = arith.constant 1 : i32
    %dma_start3A_115 = arith.constant 0 : i32
    %dma_start3A_116 = tpu.memref_slice %arg8[%dma_start3A_114, %dma_start3A_115] : memref<40x128xi32, #tpu.memory_space<vmem>> -> memref<1x128xi32, #tpu.memory_space<vmem>>
    %dma_start3A_117 = tpu.memref_squeeze %dma_start3A_116 : memref<1x128xi32, #tpu.memory_space<vmem>> -> memref<128xi32, #tpu.memory_space<vmem>>
    %dma_start3A_118 = arith.constant 0 : i32
    %dma_start3A_119 = arith.constant 0 : i32
    %dma_start3A_120 = tpu.memref_slice %arg11[%dma_start3A_118, %dma_start3A_119] : memref<10240x128xf32, #tpu.memory_space<vmem_shared>> -> memref<10240x128xf32, #tpu.memory_space<vmem_shared>>
    tpu.enqueue_indirect_dma source(%arg10 : memref<128x128xf32, #tpu.memory_space<vmem>>) target(%dma_start3A_120 : memref<10240x128xf32, #tpu.memory_space<vmem_shared>>) offsets(%dma_start3A_117 : memref<128xi32, #tpu.memory_space<vmem>>) semaphore(%arg15 : memref<!tpu.dma_semaphore, #tpu.memory_space<semaphore_mem>>) {add = true}
    %dma_wait3A_121 = arith.constant 0 : i32
    %dma_wait3A_122 = arith.constant 0 : i32
    %dma_wait3A_123 = tpu.memref_slice %arg8[%dma_wait3A_121, %dma_wait3A_122] : memref<40x128xi32, #tpu.memory_space<vmem>> -> memref<1x128xi32, #tpu.memory_space<vmem>>
    %dma_wait3A_124 = tpu.memref_squeeze %dma_wait3A_123 : memref<1x128xi32, #tpu.memory_space<vmem>> -> memref<128xi32, #tpu.memory_space<vmem>>
    %dma_wait3A_125 = arith.constant 0 : i32
    %dma_wait3A_126 = arith.constant 0 : i32
    %dma_wait3A_127 = tpu.memref_slice %arg11[%dma_wait3A_125, %dma_wait3A_126] : memref<10240x128xf32, #tpu.memory_space<vmem_shared>> -> memref<10240x128xf32, #tpu.memory_space<vmem_shared>>
    tpu.wait_indirect_dma semaphore(%arg14 : memref<!tpu.dma_semaphore, #tpu.memory_space<semaphore_mem>>) src(%arg9 : memref<128x128xf32, #tpu.memory_space<vmem>>) dst(%dma_wait3A_127 : memref<10240x128xf32, #tpu.memory_space<vmem_shared>>)
    %dma_start3A_128 = arith.constant 2 : i32
    %dma_start3A_129 = arith.constant 0 : i32
    %dma_start3A_130 = tpu.memref_slice %arg7[%dma_start3A_128, %dma_start3A_129] : memref<40x128xi32, #tpu.memory_space<vmem>> -> memref<1x128xi32, #tpu.memory_space<vmem>>
    %dma_start3A_131 = tpu.memref_squeeze %dma_start3A_130 : memref<1x128xi32, #tpu.memory_space<vmem>> -> memref<128xi32, #tpu.memory_space<vmem>>
    %dma_start3A_132 = arith.constant 0 : i32
    %dma_start3A_133 = arith.constant 0 : i32
    %dma_start3A_134 = tpu.memref_slice %arg2[%dma_start3A_132, %dma_start3A_133] : memref<10240x128xf32, #tpu.memory_space<hbm>> -> memref<10240x128xf32, #tpu.memory_space<hbm>>
    tpu.enqueue_indirect_dma source(%dma_start3A_134 : memref<10240x128xf32, #tpu.memory_space<hbm>>) target(%arg9 : memref<128x128xf32, #tpu.memory_space<vmem>>) offsets(%dma_start3A_131 : memref<128xi32, #tpu.memory_space<vmem>>) semaphore(%arg12 : memref<!tpu.dma_semaphore, #tpu.memory_space<semaphore_mem>>)
    %scan3A_135 = arith.constant 0 : i32
    %scan3A_136 = arith.constant 1 : i32
    %scan3A_137 = arith.constant 19 : i32
    %scan3A_138 = arith.addi %scan3A_136, %scan3A_137 : i32
    %scan3A_139 = arith.constant 1 : i32
    scf.for %scan3A_156 = %scan3A_136 to %scan3A_138 step %scan3A_139  : i32 {
      %mul3A_157 = arith.constant 2 : i32
      %mul3A_158 = arith.muli %mul3A_157, %scan3A_156 : i32
      %dma_wait3A_159 = arith.constant 0 : i32
      %dma_wait3A_160 = tpu.memref_slice %arg7[%mul3A_158, %dma_wait3A_159] : memref<40x128xi32, #tpu.memory_space<vmem>> -> memref<1x128xi32, #tpu.memory_space<vmem>>
      %dma_wait3A_161 = tpu.memref_squeeze %dma_wait3A_160 : memref<1x128xi32, #tpu.memory_space<vmem>> -> memref<128xi32, #tpu.memory_space<vmem>>
      %dma_wait3A_162 = arith.constant 0 : i32
      %dma_wait3A_163 = arith.constant 0 : i32
      %dma_wait3A_164 = tpu.memref_slice %arg2[%dma_wait3A_162, %dma_wait3A_163] : memref<10240x128xf32, #tpu.memory_space<hbm>> -> memref<10240x128xf32, #tpu.memory_space<hbm>>
      tpu.wait_indirect_dma semaphore(%arg12 : memref<!tpu.dma_semaphore, #tpu.memory_space<semaphore_mem>>) src(%dma_wait3A_164 : memref<10240x128xf32, #tpu.memory_space<hbm>>) dst(%arg9 : memref<128x128xf32, #tpu.memory_space<vmem>>)
      %dma_start3A_165 = arith.constant 0 : i32
      %dma_start3A_166 = tpu.memref_slice %arg8[%mul3A_158, %dma_start3A_165] : memref<40x128xi32, #tpu.memory_space<vmem>> -> memref<1x128xi32, #tpu.memory_space<vmem>>
      %dma_start3A_167 = tpu.memref_squeeze %dma_start3A_166 : memref<1x128xi32, #tpu.memory_space<vmem>> -> memref<128xi32, #tpu.memory_space<vmem>>
      %dma_start3A_168 = arith.constant 0 : i32
      %dma_start3A_169 = arith.constant 0 : i32
      %dma_start3A_170 = tpu.memref_slice %arg11[%dma_start3A_168, %dma_start3A_169] : memref<10240x128xf32, #tpu.memory_space<vmem_shared>> -> memref<10240x128xf32, #tpu.memory_space<vmem_shared>>
      tpu.enqueue_indirect_dma source(%arg9 : memref<128x128xf32, #tpu.memory_space<vmem>>) target(%dma_start3A_170 : memref<10240x128xf32, #tpu.memory_space<vmem_shared>>) offsets(%dma_start3A_167 : memref<128xi32, #tpu.memory_space<vmem>>) semaphore(%arg14 : memref<!tpu.dma_semaphore, #tpu.memory_space<semaphore_mem>>) {add = true}
      %sub3A = arith.constant 1 : i32
      %sub3A_171 = arith.subi %mul3A_158, %sub3A : i32
      %dma_wait3A_172 = arith.constant 0 : i32
      %dma_wait3A_173 = tpu.memref_slice %arg8[%sub3A_171, %dma_wait3A_172] : memref<40x128xi32, #tpu.memory_space<vmem>> -> memref<1x128xi32, #tpu.memory_space<vmem>>
      %dma_wait3A_174 = tpu.memref_squeeze %dma_wait3A_173 : memref<1x128xi32, #tpu.memory_space<vmem>> -> memref<128xi32, #tpu.memory_space<vmem>>
      %dma_wait3A_175 = arith.constant 0 : i32
      %dma_wait3A_176 = arith.constant 0 : i32
      %dma_wait3A_177 = tpu.memref_slice %arg11[%dma_wait3A_175, %dma_wait3A_176] : memref<10240x128xf32, #tpu.memory_space<vmem_shared>> -> memref<10240x128xf32, #tpu.memory_space<vmem_shared>>
      tpu.wait_indirect_dma semaphore(%arg15 : memref<!tpu.dma_semaphore, #tpu.memory_space<semaphore_mem>>) src(%arg10 : memref<128x128xf32, #tpu.memory_space<vmem>>) dst(%dma_wait3A_177 : memref<10240x128xf32, #tpu.memory_space<vmem_shared>>)
      %add3A_178 = arith.constant 1 : i32
      %add3A_179 = arith.addi %mul3A_158, %add3A_178 : i32
      %dma_start3A_180 = arith.constant 0 : i32
      %dma_start3A_181 = tpu.memref_slice %arg7[%add3A_179, %dma_start3A_180] : memref<40x128xi32, #tpu.memory_space<vmem>> -> memref<1x128xi32, #tpu.memory_space<vmem>>
      %dma_start3A_182 = tpu.memref_squeeze %dma_start3A_181 : memref<1x128xi32, #tpu.memory_space<vmem>> -> memref<128xi32, #tpu.memory_space<vmem>>
      %dma_start3A_183 = arith.constant 0 : i32
      %dma_start3A_184 = arith.constant 0 : i32
      %dma_start3A_185 = tpu.memref_slice %arg2[%dma_start3A_183, %dma_start3A_184] : memref<10240x128xf32, #tpu.memory_space<hbm>> -> memref<10240x128xf32, #tpu.memory_space<hbm>>
      tpu.enqueue_indirect_dma source(%dma_start3A_185 : memref<10240x128xf32, #tpu.memory_space<hbm>>) target(%arg10 : memref<128x128xf32, #tpu.memory_space<vmem>>) offsets(%dma_start3A_182 : memref<128xi32, #tpu.memory_space<vmem>>) semaphore(%arg13 : memref<!tpu.dma_semaphore, #tpu.memory_space<semaphore_mem>>)
      %add3A_186 = arith.constant 1 : i32
      %add3A_187 = arith.addi %mul3A_158, %add3A_186 : i32
      %dma_wait3A_188 = arith.constant 0 : i32
      %dma_wait3A_189 = tpu.memref_slice %arg7[%add3A_187, %dma_wait3A_188] : memref<40x128xi32, #tpu.memory_space<vmem>> -> memref<1x128xi32, #tpu.memory_space<vmem>>
      %dma_wait3A_190 = tpu.memref_squeeze %dma_wait3A_189 : memref<1x128xi32, #tpu.memory_space<vmem>> -> memref<128xi32, #tpu.memory_space<vmem>>
      %dma_wait3A_191 = arith.constant 0 : i32
      %dma_wait3A_192 = arith.constant 0 : i32
      %dma_wait3A_193 = tpu.memref_slice %arg2[%dma_wait3A_191, %dma_wait3A_192] : memref<10240x128xf32, #tpu.memory_space<hbm>> -> memref<10240x128xf32, #tpu.memory_space<hbm>>
      tpu.wait_indirect_dma semaphore(%arg13 : memref<!tpu.dma_semaphore, #tpu.memory_space<semaphore_mem>>) src(%dma_wait3A_193 : memref<10240x128xf32, #tpu.memory_space<hbm>>) dst(%arg10 : memref<128x128xf32, #tpu.memory_space<vmem>>)
      %add3A_194 = arith.constant 1 : i32
      %add3A_195 = arith.addi %mul3A_158, %add3A_194 : i32
      %dma_start3A_196 = arith.constant 0 : i32
      %dma_start3A_197 = tpu.memref_slice %arg8[%add3A_195, %dma_start3A_196] : memref<40x128xi32, #tpu.memory_space<vmem>> -> memref<1x128xi32, #tpu.memory_space<vmem>>
      %dma_start3A_198 = tpu.memref_squeeze %dma_start3A_197 : memref<1x128xi32, #tpu.memory_space<vmem>> -> memref<128xi32, #tpu.memory_space<vmem>>
      %dma_start3A_199 = arith.constant 0 : i32
      %dma_start3A_200 = arith.constant 0 : i32
      %dma_start3A_201 = tpu.memref_slice %arg11[%dma_start3A_199, %dma_start3A_200] : memref<10240x128xf32, #tpu.memory_space<vmem_shared>> -> memref<10240x128xf32, #tpu.memory_space<vmem_shared>>
      tpu.enqueue_indirect_dma source(%arg10 : memref<128x128xf32, #tpu.memory_space<vmem>>) target(%dma_start3A_201 : memref<10240x128xf32, #tpu.memory_space<vmem_shared>>) offsets(%dma_start3A_198 : memref<128xi32, #tpu.memory_space<vmem>>) semaphore(%arg15 : memref<!tpu.dma_semaphore, #tpu.memory_space<semaphore_mem>>) {add = true}
      %dma_wait3A_202 = arith.constant 0 : i32
      %dma_wait3A_203 = tpu.memref_slice %arg8[%mul3A_158, %dma_wait3A_202] : memref<40x128xi32, #tpu.memory_space<vmem>> -> memref<1x128xi32, #tpu.memory_space<vmem>>
      %dma_wait3A_204 = tpu.memref_squeeze %dma_wait3A_203 : memref<1x128xi32, #tpu.memory_space<vmem>> -> memref<128xi32, #tpu.memory_space<vmem>>
      %dma_wait3A_205 = arith.constant 0 : i32
      %dma_wait3A_206 = arith.constant 0 : i32
      %dma_wait3A_207 = tpu.memref_slice %arg11[%dma_wait3A_205, %dma_wait3A_206] : memref<10240x128xf32, #tpu.memory_space<vmem_shared>> -> memref<10240x128xf32, #tpu.memory_space<vmem_shared>>
      tpu.wait_indirect_dma semaphore(%arg14 : memref<!tpu.dma_semaphore, #tpu.memory_space<semaphore_mem>>) src(%arg9 : memref<128x128xf32, #tpu.memory_space<vmem>>) dst(%dma_wait3A_207 : memref<10240x128xf32, #tpu.memory_space<vmem_shared>>)
      %add3A_208 = arith.constant 2 : i32
      %add3A_209 = arith.addi %mul3A_158, %add3A_208 : i32
      %lt3A = arith.constant 40 : i32
      %lt3A_210 = arith.cmpi slt, %add3A_209, %lt3A : i32
      %convert_element_type3A_211 = arith.extui %lt3A_210 : i1 to i32
      %cond3A_212 = arith.constant 0 : i32
      %cond3A_213 = arith.cmpi ne, %convert_element_type3A_211, %cond3A_212 : i32
      scf.if %cond3A_213 {
        %add3A_214 = arith.constant 2 : i32
        %add3A_215 = arith.addi %mul3A_158, %add3A_214 : i32
        %dma_start3A_216 = arith.constant 0 : i32
        %dma_start3A_217 = tpu.memref_slice %arg7[%add3A_215, %dma_start3A_216] : memref<40x128xi32, #tpu.memory_space<vmem>> -> memref<1x128xi32, #tpu.memory_space<vmem>>
        %dma_start3A_218 = tpu.memref_squeeze %dma_start3A_217 : memref<1x128xi32, #tpu.memory_space<vmem>> -> memref<128xi32, #tpu.memory_space<vmem>>
        %dma_start3A_219 = arith.constant 0 : i32
        %dma_start3A_220 = arith.constant 0 : i32
        %dma_start3A_221 = tpu.memref_slice %arg2[%dma_start3A_219, %dma_start3A_220] : memref<10240x128xf32, #tpu.memory_space<hbm>> -> memref<10240x128xf32, #tpu.memory_space<hbm>>
        tpu.enqueue_indirect_dma source(%dma_start3A_221 : memref<10240x128xf32, #tpu.memory_space<hbm>>) target(%arg9 : memref<128x128xf32, #tpu.memory_space<vmem>>) offsets(%dma_start3A_218 : memref<128xi32, #tpu.memory_space<vmem>>) semaphore(%arg12 : memref<!tpu.dma_semaphore, #tpu.memory_space<semaphore_mem>>)
      } else {
      }
    }
    %scan3A_140 = arith.constant 19 : i32
    %dma_wait3A_141 = arith.constant 39 : i32
    %dma_wait3A_142 = arith.constant 0 : i32
    %dma_wait3A_143 = tpu.memref_slice %arg8[%dma_wait3A_141, %dma_wait3A_142] : memref<40x128xi32, #tpu.memory_space<vmem>> -> memref<1x128xi32, #tpu.memory_space<vmem>>
    %dma_wait3A_144 = tpu.memref_squeeze %dma_wait3A_143 : memref<1x128xi32, #tpu.memory_space<vmem>> -> memref<128xi32, #tpu.memory_space<vmem>>
    %dma_wait3A_145 = arith.constant 0 : i32
    %dma_wait3A_146 = arith.constant 0 : i32
    %dma_wait3A_147 = tpu.memref_slice %arg11[%dma_wait3A_145, %dma_wait3A_146] : memref<10240x128xf32, #tpu.memory_space<vmem_shared>> -> memref<10240x128xf32, #tpu.memory_space<vmem_shared>>
    tpu.wait_indirect_dma semaphore(%arg15 : memref<!tpu.dma_semaphore, #tpu.memory_space<semaphore_mem>>) src(%arg10 : memref<128x128xf32, #tpu.memory_space<vmem>>) dst(%dma_wait3A_147 : memref<10240x128xf32, #tpu.memory_space<vmem_shared>>)
    %barrier3A_148 = arith.constant 0 : index
    tpu.barrier barrier_id(%barrier3A_148)
    %eq3A = arith.constant 0 : i32
    %eq3A_149 = arith.cmpi eq, %arg0, %eq3A : i32
    %convert_element_type3A = arith.extui %eq3A_149 : i1 to i32
    %cond3A = arith.constant 0 : i32
    %cond3A_150 = arith.cmpi ne, %convert_element_type3A, %cond3A : i32
    scf.if %cond3A_150 {
      %run_scoped3A = arith.constant 0 : i32
      "tpu.region"() ({
        %run_scoped3A_156 = tpu.sem_alloc : memref<!tpu.dma_semaphore, #tpu.memory_space<semaphore_mem>>
        %dma_start3A_157 = arith.constant 0 : i32
        %dma_start3A_158 = tpu.memref_slice %arg6[%run_scoped3A, %mul3A_2, %dma_start3A_157] : memref<2x10240x128xf32, #tpu.memory_space<hbm>> -> memref<1x640x128xf32, #tpu.memory_space<hbm>>
        %dma_start3A_159 = tpu.memref_squeeze %dma_start3A_158 : memref<1x640x128xf32, #tpu.memory_space<hbm>> -> memref<640x128xf32, #tpu.memory_space<hbm>>
        %dma_start3A_160 = arith.constant 0 : i32
        %dma_start3A_161 = tpu.memref_slice %arg11[%mul3A_2, %dma_start3A_160] : memref<10240x128xf32, #tpu.memory_space<vmem_shared>> -> memref<640x128xf32, #tpu.memory_space<vmem_shared>>
        tpu.enqueue_dma source(%dma_start3A_161 : memref<640x128xf32, #tpu.memory_space<vmem_shared>>) target(%dma_start3A_159 : memref<640x128xf32, #tpu.memory_space<hbm>>) target_semaphore(%run_scoped3A_156 : memref<!tpu.dma_semaphore, #tpu.memory_space<semaphore_mem>>)
        %dma_wait3A_162 = arith.constant 0 : i32
        %dma_wait3A_163 = tpu.memref_slice %arg6[%run_scoped3A, %mul3A_2, %dma_wait3A_162] : memref<2x10240x128xf32, #tpu.memory_space<hbm>> -> memref<1x640x128xf32, #tpu.memory_space<hbm>>
        %dma_wait3A_164 = tpu.memref_squeeze %dma_wait3A_163 : memref<1x640x128xf32, #tpu.memory_space<hbm>> -> memref<640x128xf32, #tpu.memory_space<hbm>>
        %dma_wait3A_165 = arith.constant 0 : i32
        %dma_wait3A_166 = tpu.memref_slice %arg11[%mul3A_2, %dma_wait3A_165] : memref<10240x128xf32, #tpu.memory_space<vmem_shared>> -> memref<640x128xf32, #tpu.memory_space<vmem_shared>>
        tpu.wait_dma2 semaphore(%run_scoped3A_156 : memref<!tpu.dma_semaphore, #tpu.memory_space<semaphore_mem>>) src(%dma_wait3A_166 : memref<640x128xf32, #tpu.memory_space<vmem_shared>>) dst(%dma_wait3A_164 : memref<640x128xf32, #tpu.memory_space<hbm>>)
        tpu.yield
      }) : () -> ()
    } else {
    }
    %eq3A_151 = arith.constant 1 : i32
    %eq3A_152 = arith.cmpi eq, %arg0, %eq3A_151 : i32
    %convert_element_type3A_153 = arith.extui %eq3A_152 : i1 to i32
    %cond3A_154 = arith.constant 0 : i32
    %cond3A_155 = arith.cmpi ne, %convert_element_type3A_153, %cond3A_154 : i32
    scf.if %cond3A_155 {
      %run_scoped3A = arith.constant 1 : i32
      "tpu.region"() ({
        %run_scoped3A_156 = tpu.sem_alloc : memref<!tpu.dma_semaphore, #tpu.memory_space<semaphore_mem>>
        %dma_start3A_157 = arith.constant 0 : i32
        %dma_start3A_158 = tpu.memref_slice %arg6[%run_scoped3A, %mul3A_2, %dma_start3A_157] : memref<2x10240x128xf32, #tpu.memory_space<hbm>> -> memref<1x640x128xf32, #tpu.memory_space<hbm>>
        %dma_start3A_159 = tpu.memref_squeeze %dma_start3A_158 : memref<1x640x128xf32, #tpu.memory_space<hbm>> -> memref<640x128xf32, #tpu.memory_space<hbm>>
        %dma_start3A_160 = arith.constant 0 : i32
        %dma_start3A_161 = tpu.memref_slice %arg11[%mul3A_2, %dma_start3A_160] : memref<10240x128xf32, #tpu.memory_space<vmem_shared>> -> memref<640x128xf32, #tpu.memory_space<vmem_shared>>
        tpu.enqueue_dma source(%dma_start3A_161 : memref<640x128xf32, #tpu.memory_space<vmem_shared>>) target(%dma_start3A_159 : memref<640x128xf32, #tpu.memory_space<hbm>>) target_semaphore(%run_scoped3A_156 : memref<!tpu.dma_semaphore, #tpu.memory_space<semaphore_mem>>)
        %dma_wait3A_162 = arith.constant 0 : i32
        %dma_wait3A_163 = tpu.memref_slice %arg6[%run_scoped3A, %mul3A_2, %dma_wait3A_162] : memref<2x10240x128xf32, #tpu.memory_space<hbm>> -> memref<1x640x128xf32, #tpu.memory_space<hbm>>
        %dma_wait3A_164 = tpu.memref_squeeze %dma_wait3A_163 : memref<1x640x128xf32, #tpu.memory_space<hbm>> -> memref<640x128xf32, #tpu.memory_space<hbm>>
        %dma_wait3A_165 = arith.constant 0 : i32
        %dma_wait3A_166 = tpu.memref_slice %arg11[%mul3A_2, %dma_wait3A_165] : memref<10240x128xf32, #tpu.memory_space<vmem_shared>> -> memref<640x128xf32, #tpu.memory_space<vmem_shared>>
        tpu.wait_dma2 semaphore(%run_scoped3A_156 : memref<!tpu.dma_semaphore, #tpu.memory_space<semaphore_mem>>) src(%dma_wait3A_166 : memref<640x128xf32, #tpu.memory_space<vmem_shared>>) dst(%dma_wait3A_164 : memref<640x128xf32, #tpu.memory_space<hbm>>)
        tpu.yield
      }) : () -> ()
    } else {
    }
    return
  }
}

#map = affine_map<(d0, d1) -> (0, 0)>
#map1 = affine_map<(d0, d1) -> (0, 0, 0)>
module attributes {stable_mosaic.version = 14 : i64} {
  func.func @_agg_body(%arg0: i32, %arg1: i32, %arg2: memref<10240x128xf32, #tpu.memory_space<hbm>>, %arg3: memref<32x80x128xi32, #tpu.memory_space<hbm>>, %arg4: memref<32x80x128xi32, #tpu.memory_space<hbm>>, %arg5: memref<128x128xf32, #tpu.memory_space<hbm>>, %arg6: memref<2x10240x128xf32, #tpu.memory_space<hbm>>, %arg7: memref<40x128xi32, #tpu.memory_space<vmem>>, %arg8: memref<40x128xi32, #tpu.memory_space<vmem>>, %arg9: memref<128x128xf32, #tpu.memory_space<vmem>>, %arg10: memref<128x128xf32, #tpu.memory_space<vmem>>, %arg11: memref<10240x128xf32, #tpu.memory_space<vmem_shared>>, %arg12: memref<!tpu.dma_semaphore, #tpu.memory_space<semaphore_mem>>, %arg13: memref<!tpu.dma_semaphore, #tpu.memory_space<semaphore_mem>>, %arg14: memref<!tpu.dma_semaphore, #tpu.memory_space<semaphore_mem>>, %arg15: memref<!tpu.dma_semaphore, #tpu.memory_space<semaphore_mem>>) attributes {dimension_semantics = [#tpu.dimension_semantics<core_parallel>, #tpu.dimension_semantics<subcore_parallel>], iteration_bounds = array<i64: 2, 16>, scalar_prefetch = 0 : i64, scratch_operands = 9 : i64, tpu.core_type = #tpu.core_type<sc_vector_subcore>, window_params = [{transform_indices = #map}, {transform_indices = #map1}, {transform_indices = #map1}, {transform_indices = #map}, {transform_indices = #map1}]} {
    %mul3A = arith.constant 16 : i32
    %mul3A_0 = arith.muli %arg0, %mul3A : i32
    %add3A = arith.addi %mul3A_0, %arg1 : i32
    %mul3A_1 = arith.constant 640 : i32
    %mul3A_2 = arith.muli %arg1, %mul3A_1 : i32
    "tpu.region"() ({
      %run_scoped3A = tpu.sem_alloc : memref<!tpu.dma_semaphore, #tpu.memory_space<semaphore_mem>>
      tpu.enqueue_dma source(%arg5 : memref<128x128xf32, #tpu.memory_space<hbm>>) target(%arg9 : memref<128x128xf32, #tpu.memory_space<vmem>>) target_semaphore(%run_scoped3A : memref<!tpu.dma_semaphore, #tpu.memory_space<semaphore_mem>>)
      tpu.wait_dma2 semaphore(%run_scoped3A : memref<!tpu.dma_semaphore, #tpu.memory_space<semaphore_mem>>) src(%arg5 : memref<128x128xf32, #tpu.memory_space<hbm>>) dst(%arg9 : memref<128x128xf32, #tpu.memory_space<vmem>>)
      tpu.yield
    }) : () -> ()
    %add3A_3 = arith.constant 0 : i32
    %add3A_4 = arith.addi %mul3A_2, %add3A_3 : i32
    "tpu.region"() ({
      %run_scoped3A = tpu.sem_alloc : memref<!tpu.dma_semaphore, #tpu.memory_space<semaphore_mem>>
      %dma_start3A_156 = arith.constant 0 : i32
      %dma_start3A_157 = tpu.memref_slice %arg11[%add3A_4, %dma_start3A_156] : memref<10240x128xf32, #tpu.memory_space<vmem_shared>> -> memref<128x128xf32, #tpu.memory_space<vmem_shared>>
      %dma_start3A_158 = arith.constant 0 : i32
      %dma_start3A_159 = tpu.memref_slice %arg11[%add3A_4, %dma_start3A_158] : memref<10240x128xf32, #tpu.memory_space<vmem_shared>> -> memref<128x128xf32, #tpu.memory_space<vmem_shared>>
      tpu.enqueue_dma source(%arg9 : memref<128x128xf32, #tpu.memory_space<vmem>>) target(%dma_start3A_159 : memref<128x128xf32, #tpu.memory_space<vmem_shared>>) target_semaphore(%run_scoped3A : memref<!tpu.dma_semaphore, #tpu.memory_space<semaphore_mem>>)
      %dma_wait3A_160 = arith.constant 0 : i32
      %dma_wait3A_161 = tpu.memref_slice %arg11[%add3A_4, %dma_wait3A_160] : memref<10240x128xf32, #tpu.memory_space<vmem_shared>> -> memref<128x128xf32, #tpu.memory_space<vmem_shared>>
      %dma_wait3A_162 = arith.constant 0 : i32
      %dma_wait3A_163 = tpu.memref_slice %arg11[%add3A_4, %dma_wait3A_162] : memref<10240x128xf32, #tpu.memory_space<vmem_shared>> -> memref<128x128xf32, #tpu.memory_space<vmem_shared>>
      tpu.wait_dma2 semaphore(%run_scoped3A : memref<!tpu.dma_semaphore, #tpu.memory_space<semaphore_mem>>) src(%arg9 : memref<128x128xf32, #tpu.memory_space<vmem>>) dst(%dma_wait3A_163 : memref<128x128xf32, #tpu.memory_space<vmem_shared>>)
      tpu.yield
    }) : () -> ()
    %add3A_5 = arith.constant 128 : i32
    %add3A_6 = arith.addi %mul3A_2, %add3A_5 : i32
    "tpu.region"() ({
      %run_scoped3A = tpu.sem_alloc : memref<!tpu.dma_semaphore, #tpu.memory_space<semaphore_mem>>
      %dma_start3A_156 = arith.constant 0 : i32
      %dma_start3A_157 = tpu.memref_slice %arg11[%add3A_6, %dma_start3A_156] : memref<10240x128xf32, #tpu.memory_space<vmem_shared>> -> memref<128x128xf32, #tpu.memory_space<vmem_shared>>
      %dma_start3A_158 = arith.constant 0 : i32
      %dma_start3A_159 = tpu.memref_slice %arg11[%add3A_6, %dma_start3A_158] : memref<10240x128xf32, #tpu.memory_space<vmem_shared>> -> memref<128x128xf32, #tpu.memory_space<vmem_shared>>
      tpu.enqueue_dma source(%arg9 : memref<128x128xf32, #tpu.memory_space<vmem>>) target(%dma_start3A_159 : memref<128x128xf32, #tpu.memory_space<vmem_shared>>) target_semaphore(%run_scoped3A : memref<!tpu.dma_semaphore, #tpu.memory_space<semaphore_mem>>)
      %dma_wait3A_160 = arith.constant 0 : i32
      %dma_wait3A_161 = tpu.memref_slice %arg11[%add3A_6, %dma_wait3A_160] : memref<10240x128xf32, #tpu.memory_space<vmem_shared>> -> memref<128x128xf32, #tpu.memory_space<vmem_shared>>
      %dma_wait3A_162 = arith.constant 0 : i32
      %dma_wait3A_163 = tpu.memref_slice %arg11[%add3A_6, %dma_wait3A_162] : memref<10240x128xf32, #tpu.memory_space<vmem_shared>> -> memref<128x128xf32, #tpu.memory_space<vmem_shared>>
      tpu.wait_dma2 semaphore(%run_scoped3A : memref<!tpu.dma_semaphore, #tpu.memory_space<semaphore_mem>>) src(%arg9 : memref<128x128xf32, #tpu.memory_space<vmem>>) dst(%dma_wait3A_163 : memref<128x128xf32, #tpu.memory_space<vmem_shared>>)
      tpu.yield
    }) : () -> ()
    %add3A_7 = arith.constant 256 : i32
    %add3A_8 = arith.addi %mul3A_2, %add3A_7 : i32
    "tpu.region"() ({
      %run_scoped3A = tpu.sem_alloc : memref<!tpu.dma_semaphore, #tpu.memory_space<semaphore_mem>>
      %dma_start3A_156 = arith.constant 0 : i32
      %dma_start3A_157 = tpu.memref_slice %arg11[%add3A_8, %dma_start3A_156] : memref<10240x128xf32, #tpu.memory_space<vmem_shared>> -> memref<128x128xf32, #tpu.memory_space<vmem_shared>>
      %dma_start3A_158 = arith.constant 0 : i32
      %dma_start3A_159 = tpu.memref_slice %arg11[%add3A_8, %dma_start3A_158] : memref<10240x128xf32, #tpu.memory_space<vmem_shared>> -> memref<128x128xf32, #tpu.memory_space<vmem_shared>>
      tpu.enqueue_dma source(%arg9 : memref<128x128xf32, #tpu.memory_space<vmem>>) target(%dma_start3A_159 : memref<128x128xf32, #tpu.memory_space<vmem_shared>>) target_semaphore(%run_scoped3A : memref<!tpu.dma_semaphore, #tpu.memory_space<semaphore_mem>>)
      %dma_wait3A_160 = arith.constant 0 : i32
      %dma_wait3A_161 = tpu.memref_slice %arg11[%add3A_8, %dma_wait3A_160] : memref<10240x128xf32, #tpu.memory_space<vmem_shared>> -> memref<128x128xf32, #tpu.memory_space<vmem_shared>>
      %dma_wait3A_162 = arith.constant 0 : i32
      %dma_wait3A_163 = tpu.memref_slice %arg11[%add3A_8, %dma_wait3A_162] : memref<10240x128xf32, #tpu.memory_space<vmem_shared>> -> memref<128x128xf32, #tpu.memory_space<vmem_shared>>
      tpu.wait_dma2 semaphore(%run_scoped3A : memref<!tpu.dma_semaphore, #tpu.memory_space<semaphore_mem>>) src(%arg9 : memref<128x128xf32, #tpu.memory_space<vmem>>) dst(%dma_wait3A_163 : memref<128x128xf32, #tpu.memory_space<vmem_shared>>)
      tpu.yield
    }) : () -> ()
    %add3A_9 = arith.constant 384 : i32
    %add3A_10 = arith.addi %mul3A_2, %add3A_9 : i32
    "tpu.region"() ({
      %run_scoped3A = tpu.sem_alloc : memref<!tpu.dma_semaphore, #tpu.memory_space<semaphore_mem>>
      %dma_start3A_156 = arith.constant 0 : i32
      %dma_start3A_157 = tpu.memref_slice %arg11[%add3A_10, %dma_start3A_156] : memref<10240x128xf32, #tpu.memory_space<vmem_shared>> -> memref<128x128xf32, #tpu.memory_space<vmem_shared>>
      %dma_start3A_158 = arith.constant 0 : i32
      %dma_start3A_159 = tpu.memref_slice %arg11[%add3A_10, %dma_start3A_158] : memref<10240x128xf32, #tpu.memory_space<vmem_shared>> -> memref<128x128xf32, #tpu.memory_space<vmem_shared>>
      tpu.enqueue_dma source(%arg9 : memref<128x128xf32, #tpu.memory_space<vmem>>) target(%dma_start3A_159 : memref<128x128xf32, #tpu.memory_space<vmem_shared>>) target_semaphore(%run_scoped3A : memref<!tpu.dma_semaphore, #tpu.memory_space<semaphore_mem>>)
      %dma_wait3A_160 = arith.constant 0 : i32
      %dma_wait3A_161 = tpu.memref_slice %arg11[%add3A_10, %dma_wait3A_160] : memref<10240x128xf32, #tpu.memory_space<vmem_shared>> -> memref<128x128xf32, #tpu.memory_space<vmem_shared>>
      %dma_wait3A_162 = arith.constant 0 : i32
      %dma_wait3A_163 = tpu.memref_slice %arg11[%add3A_10, %dma_wait3A_162] : memref<10240x128xf32, #tpu.memory_space<vmem_shared>> -> memref<128x128xf32, #tpu.memory_space<vmem_shared>>
      tpu.wait_dma2 semaphore(%run_scoped3A : memref<!tpu.dma_semaphore, #tpu.memory_space<semaphore_mem>>) src(%arg9 : memref<128x128xf32, #tpu.memory_space<vmem>>) dst(%dma_wait3A_163 : memref<128x128xf32, #tpu.memory_space<vmem_shared>>)
      tpu.yield
    }) : () -> ()
    %add3A_11 = arith.constant 512 : i32
    %add3A_12 = arith.addi %mul3A_2, %add3A_11 : i32
    "tpu.region"() ({
      %run_scoped3A = tpu.sem_alloc : memref<!tpu.dma_semaphore, #tpu.memory_space<semaphore_mem>>
      %dma_start3A_156 = arith.constant 0 : i32
      %dma_start3A_157 = tpu.memref_slice %arg11[%add3A_12, %dma_start3A_156] : memref<10240x128xf32, #tpu.memory_space<vmem_shared>> -> memref<128x128xf32, #tpu.memory_space<vmem_shared>>
      %dma_start3A_158 = arith.constant 0 : i32
      %dma_start3A_159 = tpu.memref_slice %arg11[%add3A_12, %dma_start3A_158] : memref<10240x128xf32, #tpu.memory_space<vmem_shared>> -> memref<128x128xf32, #tpu.memory_space<vmem_shared>>
      tpu.enqueue_dma source(%arg9 : memref<128x128xf32, #tpu.memory_space<vmem>>) target(%dma_start3A_159 : memref<128x128xf32, #tpu.memory_space<vmem_shared>>) target_semaphore(%run_scoped3A : memref<!tpu.dma_semaphore, #tpu.memory_space<semaphore_mem>>)
      %dma_wait3A_160 = arith.constant 0 : i32
      %dma_wait3A_161 = tpu.memref_slice %arg11[%add3A_12, %dma_wait3A_160] : memref<10240x128xf32, #tpu.memory_space<vmem_shared>> -> memref<128x128xf32, #tpu.memory_space<vmem_shared>>
      %dma_wait3A_162 = arith.constant 0 : i32
      %dma_wait3A_163 = tpu.memref_slice %arg11[%add3A_12, %dma_wait3A_162] : memref<10240x128xf32, #tpu.memory_space<vmem_shared>> -> memref<128x128xf32, #tpu.memory_space<vmem_shared>>
      tpu.wait_dma2 semaphore(%run_scoped3A : memref<!tpu.dma_semaphore, #tpu.memory_space<semaphore_mem>>) src(%arg9 : memref<128x128xf32, #tpu.memory_space<vmem>>) dst(%dma_wait3A_163 : memref<128x128xf32, #tpu.memory_space<vmem_shared>>)
      tpu.yield
    }) : () -> ()
    %barrier3A = arith.constant 0 : index
    tpu.barrier barrier_id(%barrier3A)
    "tpu.region"() ({
      %run_scoped3A = tpu.sem_alloc : memref<!tpu.dma_semaphore, #tpu.memory_space<semaphore_mem>>
      %dma_start3A_156 = arith.constant 0 : i32
      %dma_start3A_157 = arith.constant 0 : i32
      %dma_start3A_158 = tpu.memref_slice %arg3[%add3A, %dma_start3A_156, %dma_start3A_157] : memref<32x80x128xi32, #tpu.memory_space<hbm>> -> memref<1x40x128xi32, #tpu.memory_space<hbm>>
      %dma_start3A_159 = tpu.memref_squeeze %dma_start3A_158 : memref<1x40x128xi32, #tpu.memory_space<hbm>> -> memref<40x128xi32, #tpu.memory_space<hbm>>
      %dma_start3A_160 = arith.constant 0 : i32
      %dma_start3A_161 = arith.constant 0 : i32
      %dma_start3A_162 = tpu.memref_slice %arg3[%add3A, %dma_start3A_160, %dma_start3A_161] : memref<32x80x128xi32, #tpu.memory_space<hbm>> -> memref<1x40x128xi32, #tpu.memory_space<hbm>>
      %dma_start3A_163 = tpu.memref_squeeze %dma_start3A_162 : memref<1x40x128xi32, #tpu.memory_space<hbm>> -> memref<40x128xi32, #tpu.memory_space<hbm>>
      tpu.enqueue_dma source(%dma_start3A_163 : memref<40x128xi32, #tpu.memory_space<hbm>>) target(%arg7 : memref<40x128xi32, #tpu.memory_space<vmem>>) target_semaphore(%run_scoped3A : memref<!tpu.dma_semaphore, #tpu.memory_space<semaphore_mem>>)
      %dma_wait3A_164 = arith.constant 0 : i32
      %dma_wait3A_165 = arith.constant 0 : i32
      %dma_wait3A_166 = tpu.memref_slice %arg3[%add3A, %dma_wait3A_164, %dma_wait3A_165] : memref<32x80x128xi32, #tpu.memory_space<hbm>> -> memref<1x40x128xi32, #tpu.memory_space<hbm>>
      %dma_wait3A_167 = tpu.memref_squeeze %dma_wait3A_166 : memref<1x40x128xi32, #tpu.memory_space<hbm>> -> memref<40x128xi32, #tpu.memory_space<hbm>>
      %dma_wait3A_168 = arith.constant 0 : i32
      %dma_wait3A_169 = arith.constant 0 : i32
      %dma_wait3A_170 = tpu.memref_slice %arg3[%add3A, %dma_wait3A_168, %dma_wait3A_169] : memref<32x80x128xi32, #tpu.memory_space<hbm>> -> memref<1x40x128xi32, #tpu.memory_space<hbm>>
      %dma_wait3A_171 = tpu.memref_squeeze %dma_wait3A_170 : memref<1x40x128xi32, #tpu.memory_space<hbm>> -> memref<40x128xi32, #tpu.memory_space<hbm>>
      tpu.wait_dma2 semaphore(%run_scoped3A : memref<!tpu.dma_semaphore, #tpu.memory_space<semaphore_mem>>) src(%dma_wait3A_171 : memref<40x128xi32, #tpu.memory_space<hbm>>) dst(%arg7 : memref<40x128xi32, #tpu.memory_space<vmem>>)
      tpu.yield
    }) : () -> ()
    "tpu.region"() ({
      %run_scoped3A = tpu.sem_alloc : memref<!tpu.dma_semaphore, #tpu.memory_space<semaphore_mem>>
      %dma_start3A_156 = arith.constant 0 : i32
      %dma_start3A_157 = arith.constant 0 : i32
      %dma_start3A_158 = tpu.memref_slice %arg4[%add3A, %dma_start3A_156, %dma_start3A_157] : memref<32x80x128xi32, #tpu.memory_space<hbm>> -> memref<1x40x128xi32, #tpu.memory_space<hbm>>
      %dma_start3A_159 = tpu.memref_squeeze %dma_start3A_158 : memref<1x40x128xi32, #tpu.memory_space<hbm>> -> memref<40x128xi32, #tpu.memory_space<hbm>>
      %dma_start3A_160 = arith.constant 0 : i32
      %dma_start3A_161 = arith.constant 0 : i32
      %dma_start3A_162 = tpu.memref_slice %arg4[%add3A, %dma_start3A_160, %dma_start3A_161] : memref<32x80x128xi32, #tpu.memory_space<hbm>> -> memref<1x40x128xi32, #tpu.memory_space<hbm>>
      %dma_start3A_163 = tpu.memref_squeeze %dma_start3A_162 : memref<1x40x128xi32, #tpu.memory_space<hbm>> -> memref<40x128xi32, #tpu.memory_space<hbm>>
      tpu.enqueue_dma source(%dma_start3A_163 : memref<40x128xi32, #tpu.memory_space<hbm>>) target(%arg8 : memref<40x128xi32, #tpu.memory_space<vmem>>) target_semaphore(%run_scoped3A : memref<!tpu.dma_semaphore, #tpu.memory_space<semaphore_mem>>)
      %dma_wait3A_164 = arith.constant 0 : i32
      %dma_wait3A_165 = arith.constant 0 : i32
      %dma_wait3A_166 = tpu.memref_slice %arg4[%add3A, %dma_wait3A_164, %dma_wait3A_165] : memref<32x80x128xi32, #tpu.memory_space<hbm>> -> memref<1x40x128xi32, #tpu.memory_space<hbm>>
      %dma_wait3A_167 = tpu.memref_squeeze %dma_wait3A_166 : memref<1x40x128xi32, #tpu.memory_space<hbm>> -> memref<40x128xi32, #tpu.memory_space<hbm>>
      %dma_wait3A_168 = arith.constant 0 : i32
      %dma_wait3A_169 = arith.constant 0 : i32
      %dma_wait3A_170 = tpu.memref_slice %arg4[%add3A, %dma_wait3A_168, %dma_wait3A_169] : memref<32x80x128xi32, #tpu.memory_space<hbm>> -> memref<1x40x128xi32, #tpu.memory_space<hbm>>
      %dma_wait3A_171 = tpu.memref_squeeze %dma_wait3A_170 : memref<1x40x128xi32, #tpu.memory_space<hbm>> -> memref<40x128xi32, #tpu.memory_space<hbm>>
      tpu.wait_dma2 semaphore(%run_scoped3A : memref<!tpu.dma_semaphore, #tpu.memory_space<semaphore_mem>>) src(%dma_wait3A_171 : memref<40x128xi32, #tpu.memory_space<hbm>>) dst(%arg8 : memref<40x128xi32, #tpu.memory_space<vmem>>)
      tpu.yield
    }) : () -> ()
    %dma_start3A = arith.constant 0 : i32
    %dma_start3A_13 = arith.constant 0 : i32
    %dma_start3A_14 = tpu.memref_slice %arg7[%dma_start3A, %dma_start3A_13] : memref<40x128xi32, #tpu.memory_space<vmem>> -> memref<1x128xi32, #tpu.memory_space<vmem>>
    %dma_start3A_15 = tpu.memref_squeeze %dma_start3A_14 : memref<1x128xi32, #tpu.memory_space<vmem>> -> memref<128xi32, #tpu.memory_space<vmem>>
    %dma_start3A_16 = arith.constant 0 : i32
    %dma_start3A_17 = arith.constant 0 : i32
    %dma_start3A_18 = tpu.memref_slice %arg2[%dma_start3A_16, %dma_start3A_17] : memref<10240x128xf32, #tpu.memory_space<hbm>> -> memref<10240x128xf32, #tpu.memory_space<hbm>>
    tpu.enqueue_indirect_dma source(%dma_start3A_18 : memref<10240x128xf32, #tpu.memory_space<hbm>>) target(%arg9 : memref<128x128xf32, #tpu.memory_space<vmem>>) offsets(%dma_start3A_15 : memref<128xi32, #tpu.memory_space<vmem>>) semaphore(%arg12 : memref<!tpu.dma_semaphore, #tpu.memory_space<semaphore_mem>>)
    %dma_start3A_19 = arith.constant 1 : i32
    %dma_start3A_20 = arith.constant 0 : i32
    %dma_start3A_21 = tpu.memref_slice %arg7[%dma_start3A_19, %dma_start3A_20] : memref<40x128xi32, #tpu.memory_space<vmem>> -> memref<1x128xi32, #tpu.memory_space<vmem>>
    %dma_start3A_22 = tpu.memref_squeeze %dma_start3A_21 : memref<1x128xi32, #tpu.memory_space<vmem>> -> memref<128xi32, #tpu.memory_space<vmem>>
    %dma_start3A_23 = arith.constant 0 : i32
    %dma_start3A_24 = arith.constant 0 : i32
    %dma_start3A_25 = tpu.memref_slice %arg2[%dma_start3A_23, %dma_start3A_24] : memref<10240x128xf32, #tpu.memory_space<hbm>> -> memref<10240x128xf32, #tpu.memory_space<hbm>>
    tpu.enqueue_indirect_dma source(%dma_start3A_25 : memref<10240x128xf32, #tpu.memory_space<hbm>>) target(%arg10 : memref<128x128xf32, #tpu.memory_space<vmem>>) offsets(%dma_start3A_22 : memref<128xi32, #tpu.memory_space<vmem>>) semaphore(%arg13 : memref<!tpu.dma_semaphore, #tpu.memory_space<semaphore_mem>>)
    %dma_wait3A = arith.constant 0 : i32
    %dma_wait3A_26 = arith.constant 0 : i32
    %dma_wait3A_27 = tpu.memref_slice %arg7[%dma_wait3A, %dma_wait3A_26] : memref<40x128xi32, #tpu.memory_space<vmem>> -> memref<1x128xi32, #tpu.memory_space<vmem>>
    %dma_wait3A_28 = tpu.memref_squeeze %dma_wait3A_27 : memref<1x128xi32, #tpu.memory_space<vmem>> -> memref<128xi32, #tpu.memory_space<vmem>>
    %dma_wait3A_29 = arith.constant 0 : i32
    %dma_wait3A_30 = arith.constant 0 : i32
    %dma_wait3A_31 = tpu.memref_slice %arg2[%dma_wait3A_29, %dma_wait3A_30] : memref<10240x128xf32, #tpu.memory_space<hbm>> -> memref<10240x128xf32, #tpu.memory_space<hbm>>
    tpu.wait_indirect_dma semaphore(%arg12 : memref<!tpu.dma_semaphore, #tpu.memory_space<semaphore_mem>>) src(%dma_wait3A_31 : memref<10240x128xf32, #tpu.memory_space<hbm>>) dst(%arg9 : memref<128x128xf32, #tpu.memory_space<vmem>>)
    %dma_start3A_32 = arith.constant 0 : i32
    %dma_start3A_33 = arith.constant 0 : i32
    %dma_start3A_34 = tpu.memref_slice %arg8[%dma_start3A_32, %dma_start3A_33] : memref<40x128xi32, #tpu.memory_space<vmem>> -> memref<1x128xi32, #tpu.memory_space<vmem>>
    %dma_start3A_35 = tpu.memref_squeeze %dma_start3A_34 : memref<1x128xi32, #tpu.memory_space<vmem>> -> memref<128xi32, #tpu.memory_space<vmem>>
    %dma_start3A_36 = arith.constant 0 : i32
    %dma_start3A_37 = arith.constant 0 : i32
    %dma_start3A_38 = tpu.memref_slice %arg11[%dma_start3A_36, %dma_start3A_37] : memref<10240x128xf32, #tpu.memory_space<vmem_shared>> -> memref<10240x128xf32, #tpu.memory_space<vmem_shared>>
    tpu.enqueue_indirect_dma source(%arg9 : memref<128x128xf32, #tpu.memory_space<vmem>>) target(%dma_start3A_38 : memref<10240x128xf32, #tpu.memory_space<vmem_shared>>) offsets(%dma_start3A_35 : memref<128xi32, #tpu.memory_space<vmem>>) semaphore(%arg14 : memref<!tpu.dma_semaphore, #tpu.memory_space<semaphore_mem>>) {add = true}
    %dma_wait3A_39 = arith.constant 1 : i32
    %dma_wait3A_40 = arith.constant 0 : i32
    %dma_wait3A_41 = tpu.memref_slice %arg7[%dma_wait3A_39, %dma_wait3A_40] : memref<40x128xi32, #tpu.memory_space<vmem>> -> memref<1x128xi32, #tpu.memory_space<vmem>>
    %dma_wait3A_42 = tpu.memref_squeeze %dma_wait3A_41 : memref<1x128xi32, #tpu.memory_space<vmem>> -> memref<128xi32, #tpu.memory_space<vmem>>
    %dma_wait3A_43 = arith.constant 0 : i32
    %dma_wait3A_44 = arith.constant 0 : i32
    %dma_wait3A_45 = tpu.memref_slice %arg2[%dma_wait3A_43, %dma_wait3A_44] : memref<10240x128xf32, #tpu.memory_space<hbm>> -> memref<10240x128xf32, #tpu.memory_space<hbm>>
    tpu.wait_indirect_dma semaphore(%arg13 : memref<!tpu.dma_semaphore, #tpu.memory_space<semaphore_mem>>) src(%dma_wait3A_45 : memref<10240x128xf32, #tpu.memory_space<hbm>>) dst(%arg10 : memref<128x128xf32, #tpu.memory_space<vmem>>)
    %dma_start3A_46 = arith.constant 1 : i32
    %dma_start3A_47 = arith.constant 0 : i32
    %dma_start3A_48 = tpu.memref_slice %arg8[%dma_start3A_46, %dma_start3A_47] : memref<40x128xi32, #tpu.memory_space<vmem>> -> memref<1x128xi32, #tpu.memory_space<vmem>>
    %dma_start3A_49 = tpu.memref_squeeze %dma_start3A_48 : memref<1x128xi32, #tpu.memory_space<vmem>> -> memref<128xi32, #tpu.memory_space<vmem>>
    %dma_start3A_50 = arith.constant 0 : i32
    %dma_start3A_51 = arith.constant 0 : i32
    %dma_start3A_52 = tpu.memref_slice %arg11[%dma_start3A_50, %dma_start3A_51] : memref<10240x128xf32, #tpu.memory_space<vmem_shared>> -> memref<10240x128xf32, #tpu.memory_space<vmem_shared>>
    tpu.enqueue_indirect_dma source(%arg10 : memref<128x128xf32, #tpu.memory_space<vmem>>) target(%dma_start3A_52 : memref<10240x128xf32, #tpu.memory_space<vmem_shared>>) offsets(%dma_start3A_49 : memref<128xi32, #tpu.memory_space<vmem>>) semaphore(%arg15 : memref<!tpu.dma_semaphore, #tpu.memory_space<semaphore_mem>>) {add = true}
    %dma_wait3A_53 = arith.constant 0 : i32
    %dma_wait3A_54 = arith.constant 0 : i32
    %dma_wait3A_55 = tpu.memref_slice %arg8[%dma_wait3A_53, %dma_wait3A_54] : memref<40x128xi32, #tpu.memory_space<vmem>> -> memref<1x128xi32, #tpu.memory_space<vmem>>
    %dma_wait3A_56 = tpu.memref_squeeze %dma_wait3A_55 : memref<1x128xi32, #tpu.memory_space<vmem>> -> memref<128xi32, #tpu.memory_space<vmem>>
    %dma_wait3A_57 = arith.constant 0 : i32
    %dma_wait3A_58 = arith.constant 0 : i32
    %dma_wait3A_59 = tpu.memref_slice %arg11[%dma_wait3A_57, %dma_wait3A_58] : memref<10240x128xf32, #tpu.memory_space<vmem_shared>> -> memref<10240x128xf32, #tpu.memory_space<vmem_shared>>
    tpu.wait_indirect_dma semaphore(%arg14 : memref<!tpu.dma_semaphore, #tpu.memory_space<semaphore_mem>>) src(%arg9 : memref<128x128xf32, #tpu.memory_space<vmem>>) dst(%dma_wait3A_59 : memref<10240x128xf32, #tpu.memory_space<vmem_shared>>)
    %dma_start3A_60 = arith.constant 2 : i32
    %dma_start3A_61 = arith.constant 0 : i32
    %dma_start3A_62 = tpu.memref_slice %arg7[%dma_start3A_60, %dma_start3A_61] : memref<40x128xi32, #tpu.memory_space<vmem>> -> memref<1x128xi32, #tpu.memory_space<vmem>>
    %dma_start3A_63 = tpu.memref_squeeze %dma_start3A_62 : memref<1x128xi32, #tpu.memory_space<vmem>> -> memref<128xi32, #tpu.memory_space<vmem>>
    %dma_start3A_64 = arith.constant 0 : i32
    %dma_start3A_65 = arith.constant 0 : i32
    %dma_start3A_66 = tpu.memref_slice %arg2[%dma_start3A_64, %dma_start3A_65] : memref<10240x128xf32, #tpu.memory_space<hbm>> -> memref<10240x128xf32, #tpu.memory_space<hbm>>
    tpu.enqueue_indirect_dma source(%dma_start3A_66 : memref<10240x128xf32, #tpu.memory_space<hbm>>) target(%arg9 : memref<128x128xf32, #tpu.memory_space<vmem>>) offsets(%dma_start3A_63 : memref<128xi32, #tpu.memory_space<vmem>>) semaphore(%arg12 : memref<!tpu.dma_semaphore, #tpu.memory_space<semaphore_mem>>)
    %scan3A = arith.constant 0 : i32
    %scan3A_67 = arith.constant 1 : i32
    %scan3A_68 = arith.constant 19 : i32
    %scan3A_69 = arith.addi %scan3A_67, %scan3A_68 : i32
    %scan3A_70 = arith.constant 1 : i32
    scf.for %scan3A_156 = %scan3A_67 to %scan3A_69 step %scan3A_70  : i32 {
      %mul3A_157 = arith.constant 2 : i32
      %mul3A_158 = arith.muli %mul3A_157, %scan3A_156 : i32
      %dma_wait3A_159 = arith.constant 0 : i32
      %dma_wait3A_160 = tpu.memref_slice %arg7[%mul3A_158, %dma_wait3A_159] : memref<40x128xi32, #tpu.memory_space<vmem>> -> memref<1x128xi32, #tpu.memory_space<vmem>>
      %dma_wait3A_161 = tpu.memref_squeeze %dma_wait3A_160 : memref<1x128xi32, #tpu.memory_space<vmem>> -> memref<128xi32, #tpu.memory_space<vmem>>
      %dma_wait3A_162 = arith.constant 0 : i32
      %dma_wait3A_163 = arith.constant 0 : i32
      %dma_wait3A_164 = tpu.memref_slice %arg2[%dma_wait3A_162, %dma_wait3A_163] : memref<10240x128xf32, #tpu.memory_space<hbm>> -> memref<10240x128xf32, #tpu.memory_space<hbm>>
      tpu.wait_indirect_dma semaphore(%arg12 : memref<!tpu.dma_semaphore, #tpu.memory_space<semaphore_mem>>) src(%dma_wait3A_164 : memref<10240x128xf32, #tpu.memory_space<hbm>>) dst(%arg9 : memref<128x128xf32, #tpu.memory_space<vmem>>)
      %dma_start3A_165 = arith.constant 0 : i32
      %dma_start3A_166 = tpu.memref_slice %arg8[%mul3A_158, %dma_start3A_165] : memref<40x128xi32, #tpu.memory_space<vmem>> -> memref<1x128xi32, #tpu.memory_space<vmem>>
      %dma_start3A_167 = tpu.memref_squeeze %dma_start3A_166 : memref<1x128xi32, #tpu.memory_space<vmem>> -> memref<128xi32, #tpu.memory_space<vmem>>
      %dma_start3A_168 = arith.constant 0 : i32
      %dma_start3A_169 = arith.constant 0 : i32
      %dma_start3A_170 = tpu.memref_slice %arg11[%dma_start3A_168, %dma_start3A_169] : memref<10240x128xf32, #tpu.memory_space<vmem_shared>> -> memref<10240x128xf32, #tpu.memory_space<vmem_shared>>
      tpu.enqueue_indirect_dma source(%arg9 : memref<128x128xf32, #tpu.memory_space<vmem>>) target(%dma_start3A_170 : memref<10240x128xf32, #tpu.memory_space<vmem_shared>>) offsets(%dma_start3A_167 : memref<128xi32, #tpu.memory_space<vmem>>) semaphore(%arg14 : memref<!tpu.dma_semaphore, #tpu.memory_space<semaphore_mem>>) {add = true}
      %sub3A = arith.constant 1 : i32
      %sub3A_171 = arith.subi %mul3A_158, %sub3A : i32
      %dma_wait3A_172 = arith.constant 0 : i32
      %dma_wait3A_173 = tpu.memref_slice %arg8[%sub3A_171, %dma_wait3A_172] : memref<40x128xi32, #tpu.memory_space<vmem>> -> memref<1x128xi32, #tpu.memory_space<vmem>>
      %dma_wait3A_174 = tpu.memref_squeeze %dma_wait3A_173 : memref<1x128xi32, #tpu.memory_space<vmem>> -> memref<128xi32, #tpu.memory_space<vmem>>
      %dma_wait3A_175 = arith.constant 0 : i32
      %dma_wait3A_176 = arith.constant 0 : i32
      %dma_wait3A_177 = tpu.memref_slice %arg11[%dma_wait3A_175, %dma_wait3A_176] : memref<10240x128xf32, #tpu.memory_space<vmem_shared>> -> memref<10240x128xf32, #tpu.memory_space<vmem_shared>>
      tpu.wait_indirect_dma semaphore(%arg15 : memref<!tpu.dma_semaphore, #tpu.memory_space<semaphore_mem>>) src(%arg10 : memref<128x128xf32, #tpu.memory_space<vmem>>) dst(%dma_wait3A_177 : memref<10240x128xf32, #tpu.memory_space<vmem_shared>>)
      %add3A_178 = arith.constant 1 : i32
      %add3A_179 = arith.addi %mul3A_158, %add3A_178 : i32
      %dma_start3A_180 = arith.constant 0 : i32
      %dma_start3A_181 = tpu.memref_slice %arg7[%add3A_179, %dma_start3A_180] : memref<40x128xi32, #tpu.memory_space<vmem>> -> memref<1x128xi32, #tpu.memory_space<vmem>>
      %dma_start3A_182 = tpu.memref_squeeze %dma_start3A_181 : memref<1x128xi32, #tpu.memory_space<vmem>> -> memref<128xi32, #tpu.memory_space<vmem>>
      %dma_start3A_183 = arith.constant 0 : i32
      %dma_start3A_184 = arith.constant 0 : i32
      %dma_start3A_185 = tpu.memref_slice %arg2[%dma_start3A_183, %dma_start3A_184] : memref<10240x128xf32, #tpu.memory_space<hbm>> -> memref<10240x128xf32, #tpu.memory_space<hbm>>
      tpu.enqueue_indirect_dma source(%dma_start3A_185 : memref<10240x128xf32, #tpu.memory_space<hbm>>) target(%arg10 : memref<128x128xf32, #tpu.memory_space<vmem>>) offsets(%dma_start3A_182 : memref<128xi32, #tpu.memory_space<vmem>>) semaphore(%arg13 : memref<!tpu.dma_semaphore, #tpu.memory_space<semaphore_mem>>)
      %add3A_186 = arith.constant 1 : i32
      %add3A_187 = arith.addi %mul3A_158, %add3A_186 : i32
      %dma_wait3A_188 = arith.constant 0 : i32
      %dma_wait3A_189 = tpu.memref_slice %arg7[%add3A_187, %dma_wait3A_188] : memref<40x128xi32, #tpu.memory_space<vmem>> -> memref<1x128xi32, #tpu.memory_space<vmem>>
      %dma_wait3A_190 = tpu.memref_squeeze %dma_wait3A_189 : memref<1x128xi32, #tpu.memory_space<vmem>> -> memref<128xi32, #tpu.memory_space<vmem>>
      %dma_wait3A_191 = arith.constant 0 : i32
      %dma_wait3A_192 = arith.constant 0 : i32
      %dma_wait3A_193 = tpu.memref_slice %arg2[%dma_wait3A_191, %dma_wait3A_192] : memref<10240x128xf32, #tpu.memory_space<hbm>> -> memref<10240x128xf32, #tpu.memory_space<hbm>>
      tpu.wait_indirect_dma semaphore(%arg13 : memref<!tpu.dma_semaphore, #tpu.memory_space<semaphore_mem>>) src(%dma_wait3A_193 : memref<10240x128xf32, #tpu.memory_space<hbm>>) dst(%arg10 : memref<128x128xf32, #tpu.memory_space<vmem>>)
      %add3A_194 = arith.constant 1 : i32
      %add3A_195 = arith.addi %mul3A_158, %add3A_194 : i32
      %dma_start3A_196 = arith.constant 0 : i32
      %dma_start3A_197 = tpu.memref_slice %arg8[%add3A_195, %dma_start3A_196] : memref<40x128xi32, #tpu.memory_space<vmem>> -> memref<1x128xi32, #tpu.memory_space<vmem>>
      %dma_start3A_198 = tpu.memref_squeeze %dma_start3A_197 : memref<1x128xi32, #tpu.memory_space<vmem>> -> memref<128xi32, #tpu.memory_space<vmem>>
      %dma_start3A_199 = arith.constant 0 : i32
      %dma_start3A_200 = arith.constant 0 : i32
      %dma_start3A_201 = tpu.memref_slice %arg11[%dma_start3A_199, %dma_start3A_200] : memref<10240x128xf32, #tpu.memory_space<vmem_shared>> -> memref<10240x128xf32, #tpu.memory_space<vmem_shared>>
      tpu.enqueue_indirect_dma source(%arg10 : memref<128x128xf32, #tpu.memory_space<vmem>>) target(%dma_start3A_201 : memref<10240x128xf32, #tpu.memory_space<vmem_shared>>) offsets(%dma_start3A_198 : memref<128xi32, #tpu.memory_space<vmem>>) semaphore(%arg15 : memref<!tpu.dma_semaphore, #tpu.memory_space<semaphore_mem>>) {add = true}
      %dma_wait3A_202 = arith.constant 0 : i32
      %dma_wait3A_203 = tpu.memref_slice %arg8[%mul3A_158, %dma_wait3A_202] : memref<40x128xi32, #tpu.memory_space<vmem>> -> memref<1x128xi32, #tpu.memory_space<vmem>>
      %dma_wait3A_204 = tpu.memref_squeeze %dma_wait3A_203 : memref<1x128xi32, #tpu.memory_space<vmem>> -> memref<128xi32, #tpu.memory_space<vmem>>
      %dma_wait3A_205 = arith.constant 0 : i32
      %dma_wait3A_206 = arith.constant 0 : i32
      %dma_wait3A_207 = tpu.memref_slice %arg11[%dma_wait3A_205, %dma_wait3A_206] : memref<10240x128xf32, #tpu.memory_space<vmem_shared>> -> memref<10240x128xf32, #tpu.memory_space<vmem_shared>>
      tpu.wait_indirect_dma semaphore(%arg14 : memref<!tpu.dma_semaphore, #tpu.memory_space<semaphore_mem>>) src(%arg9 : memref<128x128xf32, #tpu.memory_space<vmem>>) dst(%dma_wait3A_207 : memref<10240x128xf32, #tpu.memory_space<vmem_shared>>)
      %add3A_208 = arith.constant 2 : i32
      %add3A_209 = arith.addi %mul3A_158, %add3A_208 : i32
      %lt3A = arith.constant 40 : i32
      %lt3A_210 = arith.cmpi slt, %add3A_209, %lt3A : i32
      %convert_element_type3A_211 = arith.extui %lt3A_210 : i1 to i32
      %cond3A_212 = arith.constant 0 : i32
      %cond3A_213 = arith.cmpi ne, %convert_element_type3A_211, %cond3A_212 : i32
      scf.if %cond3A_213 {
        %add3A_214 = arith.constant 2 : i32
        %add3A_215 = arith.addi %mul3A_158, %add3A_214 : i32
        %dma_start3A_216 = arith.constant 0 : i32
        %dma_start3A_217 = tpu.memref_slice %arg7[%add3A_215, %dma_start3A_216] : memref<40x128xi32, #tpu.memory_space<vmem>> -> memref<1x128xi32, #tpu.memory_space<vmem>>
        %dma_start3A_218 = tpu.memref_squeeze %dma_start3A_217 : memref<1x128xi32, #tpu.memory_space<vmem>> -> memref<128xi32, #tpu.memory_space<vmem>>
        %dma_start3A_219 = arith.constant 0 : i32
        %dma_start3A_220 = arith.constant 0 : i32
        %dma_start3A_221 = tpu.memref_slice %arg2[%dma_start3A_219, %dma_start3A_220] : memref<10240x128xf32, #tpu.memory_space<hbm>> -> memref<10240x128xf32, #tpu.memory_space<hbm>>
        tpu.enqueue_indirect_dma source(%dma_start3A_221 : memref<10240x128xf32, #tpu.memory_space<hbm>>) target(%arg9 : memref<128x128xf32, #tpu.memory_space<vmem>>) offsets(%dma_start3A_218 : memref<128xi32, #tpu.memory_space<vmem>>) semaphore(%arg12 : memref<!tpu.dma_semaphore, #tpu.memory_space<semaphore_mem>>)
      } else {
      }
    }
    %scan3A_71 = arith.constant 19 : i32
    %dma_wait3A_72 = arith.constant 39 : i32
    %dma_wait3A_73 = arith.constant 0 : i32
    %dma_wait3A_74 = tpu.memref_slice %arg8[%dma_wait3A_72, %dma_wait3A_73] : memref<40x128xi32, #tpu.memory_space<vmem>> -> memref<1x128xi32, #tpu.memory_space<vmem>>
    %dma_wait3A_75 = tpu.memref_squeeze %dma_wait3A_74 : memref<1x128xi32, #tpu.memory_space<vmem>> -> memref<128xi32, #tpu.memory_space<vmem>>
    %dma_wait3A_76 = arith.constant 0 : i32
    %dma_wait3A_77 = arith.constant 0 : i32
    %dma_wait3A_78 = tpu.memref_slice %arg11[%dma_wait3A_76, %dma_wait3A_77] : memref<10240x128xf32, #tpu.memory_space<vmem_shared>> -> memref<10240x128xf32, #tpu.memory_space<vmem_shared>>
    tpu.wait_indirect_dma semaphore(%arg15 : memref<!tpu.dma_semaphore, #tpu.memory_space<semaphore_mem>>) src(%arg10 : memref<128x128xf32, #tpu.memory_space<vmem>>) dst(%dma_wait3A_78 : memref<10240x128xf32, #tpu.memory_space<vmem_shared>>)
    "tpu.region"() ({
      %run_scoped3A = tpu.sem_alloc : memref<!tpu.dma_semaphore, #tpu.memory_space<semaphore_mem>>
      %dma_start3A_156 = arith.constant 40 : i32
      %dma_start3A_157 = arith.constant 0 : i32
      %dma_start3A_158 = tpu.memref_slice %arg3[%add3A, %dma_start3A_156, %dma_start3A_157] : memref<32x80x128xi32, #tpu.memory_space<hbm>> -> memref<1x40x128xi32, #tpu.memory_space<hbm>>
      %dma_start3A_159 = tpu.memref_squeeze %dma_start3A_158 : memref<1x40x128xi32, #tpu.memory_space<hbm>> -> memref<40x128xi32, #tpu.memory_space<hbm>>
      %dma_start3A_160 = arith.constant 40 : i32
      %dma_start3A_161 = arith.constant 0 : i32
      %dma_start3A_162 = tpu.memref_slice %arg3[%add3A, %dma_start3A_160, %dma_start3A_161] : memref<32x80x128xi32, #tpu.memory_space<hbm>> -> memref<1x40x128xi32, #tpu.memory_space<hbm>>
      %dma_start3A_163 = tpu.memref_squeeze %dma_start3A_162 : memref<1x40x128xi32, #tpu.memory_space<hbm>> -> memref<40x128xi32, #tpu.memory_space<hbm>>
      tpu.enqueue_dma source(%dma_start3A_163 : memref<40x128xi32, #tpu.memory_space<hbm>>) target(%arg7 : memref<40x128xi32, #tpu.memory_space<vmem>>) target_semaphore(%run_scoped3A : memref<!tpu.dma_semaphore, #tpu.memory_space<semaphore_mem>>)
      %dma_wait3A_164 = arith.constant 40 : i32
      %dma_wait3A_165 = arith.constant 0 : i32
      %dma_wait3A_166 = tpu.memref_slice %arg3[%add3A, %dma_wait3A_164, %dma_wait3A_165] : memref<32x80x128xi32, #tpu.memory_space<hbm>> -> memref<1x40x128xi32, #tpu.memory_space<hbm>>
      %dma_wait3A_167 = tpu.memref_squeeze %dma_wait3A_166 : memref<1x40x128xi32, #tpu.memory_space<hbm>> -> memref<40x128xi32, #tpu.memory_space<hbm>>
      %dma_wait3A_168 = arith.constant 40 : i32
      %dma_wait3A_169 = arith.constant 0 : i32
      %dma_wait3A_170 = tpu.memref_slice %arg3[%add3A, %dma_wait3A_168, %dma_wait3A_169] : memref<32x80x128xi32, #tpu.memory_space<hbm>> -> memref<1x40x128xi32, #tpu.memory_space<hbm>>
      %dma_wait3A_171 = tpu.memref_squeeze %dma_wait3A_170 : memref<1x40x128xi32, #tpu.memory_space<hbm>> -> memref<40x128xi32, #tpu.memory_space<hbm>>
      tpu.wait_dma2 semaphore(%run_scoped3A : memref<!tpu.dma_semaphore, #tpu.memory_space<semaphore_mem>>) src(%dma_wait3A_171 : memref<40x128xi32, #tpu.memory_space<hbm>>) dst(%arg7 : memref<40x128xi32, #tpu.memory_space<vmem>>)
      tpu.yield
    }) : () -> ()
    "tpu.region"() ({
      %run_scoped3A = tpu.sem_alloc : memref<!tpu.dma_semaphore, #tpu.memory_space<semaphore_mem>>
      %dma_start3A_156 = arith.constant 40 : i32
      %dma_start3A_157 = arith.constant 0 : i32
      %dma_start3A_158 = tpu.memref_slice %arg4[%add3A, %dma_start3A_156, %dma_start3A_157] : memref<32x80x128xi32, #tpu.memory_space<hbm>> -> memref<1x40x128xi32, #tpu.memory_space<hbm>>
      %dma_start3A_159 = tpu.memref_squeeze %dma_start3A_158 : memref<1x40x128xi32, #tpu.memory_space<hbm>> -> memref<40x128xi32, #tpu.memory_space<hbm>>
      %dma_start3A_160 = arith.constant 40 : i32
      %dma_start3A_161 = arith.constant 0 : i32
      %dma_start3A_162 = tpu.memref_slice %arg4[%add3A, %dma_start3A_160, %dma_start3A_161] : memref<32x80x128xi32, #tpu.memory_space<hbm>> -> memref<1x40x128xi32, #tpu.memory_space<hbm>>
      %dma_start3A_163 = tpu.memref_squeeze %dma_start3A_162 : memref<1x40x128xi32, #tpu.memory_space<hbm>> -> memref<40x128xi32, #tpu.memory_space<hbm>>
      tpu.enqueue_dma source(%dma_start3A_163 : memref<40x128xi32, #tpu.memory_space<hbm>>) target(%arg8 : memref<40x128xi32, #tpu.memory_space<vmem>>) target_semaphore(%run_scoped3A : memref<!tpu.dma_semaphore, #tpu.memory_space<semaphore_mem>>)
      %dma_wait3A_164 = arith.constant 40 : i32
      %dma_wait3A_165 = arith.constant 0 : i32
      %dma_wait3A_166 = tpu.memref_slice %arg4[%add3A, %dma_wait3A_164, %dma_wait3A_165] : memref<32x80x128xi32, #tpu.memory_space<hbm>> -> memref<1x40x128xi32, #tpu.memory_space<hbm>>
      %dma_wait3A_167 = tpu.memref_squeeze %dma_wait3A_166 : memref<1x40x128xi32, #tpu.memory_space<hbm>> -> memref<40x128xi32, #tpu.memory_space<hbm>>
      %dma_wait3A_168 = arith.constant 40 : i32
      %dma_wait3A_169 = arith.constant 0 : i32
      %dma_wait3A_170 = tpu.memref_slice %arg4[%add3A, %dma_wait3A_168, %dma_wait3A_169] : memref<32x80x128xi32, #tpu.memory_space<hbm>> -> memref<1x40x128xi32, #tpu.memory_space<hbm>>
      %dma_wait3A_171 = tpu.memref_squeeze %dma_wait3A_170 : memref<1x40x128xi32, #tpu.memory_space<hbm>> -> memref<40x128xi32, #tpu.memory_space<hbm>>
      tpu.wait_dma2 semaphore(%run_scoped3A : memref<!tpu.dma_semaphore, #tpu.memory_space<semaphore_mem>>) src(%dma_wait3A_171 : memref<40x128xi32, #tpu.memory_space<hbm>>) dst(%arg8 : memref<40x128xi32, #tpu.memory_space<vmem>>)
      tpu.yield
    }) : () -> ()
    %dma_start3A_79 = arith.constant 0 : i32
    %dma_start3A_80 = arith.constant 0 : i32
    %dma_start3A_81 = tpu.memref_slice %arg7[%dma_start3A_79, %dma_start3A_80] : memref<40x128xi32, #tpu.memory_space<vmem>> -> memref<1x128xi32, #tpu.memory_space<vmem>>
    %dma_start3A_82 = tpu.memref_squeeze %dma_start3A_81 : memref<1x128xi32, #tpu.memory_space<vmem>> -> memref<128xi32, #tpu.memory_space<vmem>>
    %dma_start3A_83 = arith.constant 0 : i32
    %dma_start3A_84 = arith.constant 0 : i32
    %dma_start3A_85 = tpu.memref_slice %arg2[%dma_start3A_83, %dma_start3A_84] : memref<10240x128xf32, #tpu.memory_space<hbm>> -> memref<10240x128xf32, #tpu.memory_space<hbm>>
    tpu.enqueue_indirect_dma source(%dma_start3A_85 : memref<10240x128xf32, #tpu.memory_space<hbm>>) target(%arg9 : memref<128x128xf32, #tpu.memory_space<vmem>>) offsets(%dma_start3A_82 : memref<128xi32, #tpu.memory_space<vmem>>) semaphore(%arg12 : memref<!tpu.dma_semaphore, #tpu.memory_space<semaphore_mem>>)
    %dma_start3A_86 = arith.constant 1 : i32
    %dma_start3A_87 = arith.constant 0 : i32
    %dma_start3A_88 = tpu.memref_slice %arg7[%dma_start3A_86, %dma_start3A_87] : memref<40x128xi32, #tpu.memory_space<vmem>> -> memref<1x128xi32, #tpu.memory_space<vmem>>
    %dma_start3A_89 = tpu.memref_squeeze %dma_start3A_88 : memref<1x128xi32, #tpu.memory_space<vmem>> -> memref<128xi32, #tpu.memory_space<vmem>>
    %dma_start3A_90 = arith.constant 0 : i32
    %dma_start3A_91 = arith.constant 0 : i32
    %dma_start3A_92 = tpu.memref_slice %arg2[%dma_start3A_90, %dma_start3A_91] : memref<10240x128xf32, #tpu.memory_space<hbm>> -> memref<10240x128xf32, #tpu.memory_space<hbm>>
    tpu.enqueue_indirect_dma source(%dma_start3A_92 : memref<10240x128xf32, #tpu.memory_space<hbm>>) target(%arg10 : memref<128x128xf32, #tpu.memory_space<vmem>>) offsets(%dma_start3A_89 : memref<128xi32, #tpu.memory_space<vmem>>) semaphore(%arg13 : memref<!tpu.dma_semaphore, #tpu.memory_space<semaphore_mem>>)
    %dma_wait3A_93 = arith.constant 0 : i32
    %dma_wait3A_94 = arith.constant 0 : i32
    %dma_wait3A_95 = tpu.memref_slice %arg7[%dma_wait3A_93, %dma_wait3A_94] : memref<40x128xi32, #tpu.memory_space<vmem>> -> memref<1x128xi32, #tpu.memory_space<vmem>>
    %dma_wait3A_96 = tpu.memref_squeeze %dma_wait3A_95 : memref<1x128xi32, #tpu.memory_space<vmem>> -> memref<128xi32, #tpu.memory_space<vmem>>
    %dma_wait3A_97 = arith.constant 0 : i32
    %dma_wait3A_98 = arith.constant 0 : i32
    %dma_wait3A_99 = tpu.memref_slice %arg2[%dma_wait3A_97, %dma_wait3A_98] : memref<10240x128xf32, #tpu.memory_space<hbm>> -> memref<10240x128xf32, #tpu.memory_space<hbm>>
    tpu.wait_indirect_dma semaphore(%arg12 : memref<!tpu.dma_semaphore, #tpu.memory_space<semaphore_mem>>) src(%dma_wait3A_99 : memref<10240x128xf32, #tpu.memory_space<hbm>>) dst(%arg9 : memref<128x128xf32, #tpu.memory_space<vmem>>)
    %dma_start3A_100 = arith.constant 0 : i32
    %dma_start3A_101 = arith.constant 0 : i32
    %dma_start3A_102 = tpu.memref_slice %arg8[%dma_start3A_100, %dma_start3A_101] : memref<40x128xi32, #tpu.memory_space<vmem>> -> memref<1x128xi32, #tpu.memory_space<vmem>>
    %dma_start3A_103 = tpu.memref_squeeze %dma_start3A_102 : memref<1x128xi32, #tpu.memory_space<vmem>> -> memref<128xi32, #tpu.memory_space<vmem>>
    %dma_start3A_104 = arith.constant 0 : i32
    %dma_start3A_105 = arith.constant 0 : i32
    %dma_start3A_106 = tpu.memref_slice %arg11[%dma_start3A_104, %dma_start3A_105] : memref<10240x128xf32, #tpu.memory_space<vmem_shared>> -> memref<10240x128xf32, #tpu.memory_space<vmem_shared>>
    tpu.enqueue_indirect_dma source(%arg9 : memref<128x128xf32, #tpu.memory_space<vmem>>) target(%dma_start3A_106 : memref<10240x128xf32, #tpu.memory_space<vmem_shared>>) offsets(%dma_start3A_103 : memref<128xi32, #tpu.memory_space<vmem>>) semaphore(%arg14 : memref<!tpu.dma_semaphore, #tpu.memory_space<semaphore_mem>>) {add = true}
    %dma_wait3A_107 = arith.constant 1 : i32
    %dma_wait3A_108 = arith.constant 0 : i32
    %dma_wait3A_109 = tpu.memref_slice %arg7[%dma_wait3A_107, %dma_wait3A_108] : memref<40x128xi32, #tpu.memory_space<vmem>> -> memref<1x128xi32, #tpu.memory_space<vmem>>
    %dma_wait3A_110 = tpu.memref_squeeze %dma_wait3A_109 : memref<1x128xi32, #tpu.memory_space<vmem>> -> memref<128xi32, #tpu.memory_space<vmem>>
    %dma_wait3A_111 = arith.constant 0 : i32
    %dma_wait3A_112 = arith.constant 0 : i32
    %dma_wait3A_113 = tpu.memref_slice %arg2[%dma_wait3A_111, %dma_wait3A_112] : memref<10240x128xf32, #tpu.memory_space<hbm>> -> memref<10240x128xf32, #tpu.memory_space<hbm>>
    tpu.wait_indirect_dma semaphore(%arg13 : memref<!tpu.dma_semaphore, #tpu.memory_space<semaphore_mem>>) src(%dma_wait3A_113 : memref<10240x128xf32, #tpu.memory_space<hbm>>) dst(%arg10 : memref<128x128xf32, #tpu.memory_space<vmem>>)
    %dma_start3A_114 = arith.constant 1 : i32
    %dma_start3A_115 = arith.constant 0 : i32
    %dma_start3A_116 = tpu.memref_slice %arg8[%dma_start3A_114, %dma_start3A_115] : memref<40x128xi32, #tpu.memory_space<vmem>> -> memref<1x128xi32, #tpu.memory_space<vmem>>
    %dma_start3A_117 = tpu.memref_squeeze %dma_start3A_116 : memref<1x128xi32, #tpu.memory_space<vmem>> -> memref<128xi32, #tpu.memory_space<vmem>>
    %dma_start3A_118 = arith.constant 0 : i32
    %dma_start3A_119 = arith.constant 0 : i32
    %dma_start3A_120 = tpu.memref_slice %arg11[%dma_start3A_118, %dma_start3A_119] : memref<10240x128xf32, #tpu.memory_space<vmem_shared>> -> memref<10240x128xf32, #tpu.memory_space<vmem_shared>>
    tpu.enqueue_indirect_dma source(%arg10 : memref<128x128xf32, #tpu.memory_space<vmem>>) target(%dma_start3A_120 : memref<10240x128xf32, #tpu.memory_space<vmem_shared>>) offsets(%dma_start3A_117 : memref<128xi32, #tpu.memory_space<vmem>>) semaphore(%arg15 : memref<!tpu.dma_semaphore, #tpu.memory_space<semaphore_mem>>) {add = true}
    %dma_wait3A_121 = arith.constant 0 : i32
    %dma_wait3A_122 = arith.constant 0 : i32
    %dma_wait3A_123 = tpu.memref_slice %arg8[%dma_wait3A_121, %dma_wait3A_122] : memref<40x128xi32, #tpu.memory_space<vmem>> -> memref<1x128xi32, #tpu.memory_space<vmem>>
    %dma_wait3A_124 = tpu.memref_squeeze %dma_wait3A_123 : memref<1x128xi32, #tpu.memory_space<vmem>> -> memref<128xi32, #tpu.memory_space<vmem>>
    %dma_wait3A_125 = arith.constant 0 : i32
    %dma_wait3A_126 = arith.constant 0 : i32
    %dma_wait3A_127 = tpu.memref_slice %arg11[%dma_wait3A_125, %dma_wait3A_126] : memref<10240x128xf32, #tpu.memory_space<vmem_shared>> -> memref<10240x128xf32, #tpu.memory_space<vmem_shared>>
    tpu.wait_indirect_dma semaphore(%arg14 : memref<!tpu.dma_semaphore, #tpu.memory_space<semaphore_mem>>) src(%arg9 : memref<128x128xf32, #tpu.memory_space<vmem>>) dst(%dma_wait3A_127 : memref<10240x128xf32, #tpu.memory_space<vmem_shared>>)
    %dma_start3A_128 = arith.constant 2 : i32
    %dma_start3A_129 = arith.constant 0 : i32
    %dma_start3A_130 = tpu.memref_slice %arg7[%dma_start3A_128, %dma_start3A_129] : memref<40x128xi32, #tpu.memory_space<vmem>> -> memref<1x128xi32, #tpu.memory_space<vmem>>
    %dma_start3A_131 = tpu.memref_squeeze %dma_start3A_130 : memref<1x128xi32, #tpu.memory_space<vmem>> -> memref<128xi32, #tpu.memory_space<vmem>>
    %dma_start3A_132 = arith.constant 0 : i32
    %dma_start3A_133 = arith.constant 0 : i32
    %dma_start3A_134 = tpu.memref_slice %arg2[%dma_start3A_132, %dma_start3A_133] : memref<10240x128xf32, #tpu.memory_space<hbm>> -> memref<10240x128xf32, #tpu.memory_space<hbm>>
    tpu.enqueue_indirect_dma source(%dma_start3A_134 : memref<10240x128xf32, #tpu.memory_space<hbm>>) target(%arg9 : memref<128x128xf32, #tpu.memory_space<vmem>>) offsets(%dma_start3A_131 : memref<128xi32, #tpu.memory_space<vmem>>) semaphore(%arg12 : memref<!tpu.dma_semaphore, #tpu.memory_space<semaphore_mem>>)
    %scan3A_135 = arith.constant 0 : i32
    %scan3A_136 = arith.constant 1 : i32
    %scan3A_137 = arith.constant 19 : i32
    %scan3A_138 = arith.addi %scan3A_136, %scan3A_137 : i32
    %scan3A_139 = arith.constant 1 : i32
    scf.for %scan3A_156 = %scan3A_136 to %scan3A_138 step %scan3A_139  : i32 {
      %mul3A_157 = arith.constant 2 : i32
      %mul3A_158 = arith.muli %mul3A_157, %scan3A_156 : i32
      %dma_wait3A_159 = arith.constant 0 : i32
      %dma_wait3A_160 = tpu.memref_slice %arg7[%mul3A_158, %dma_wait3A_159] : memref<40x128xi32, #tpu.memory_space<vmem>> -> memref<1x128xi32, #tpu.memory_space<vmem>>
      %dma_wait3A_161 = tpu.memref_squeeze %dma_wait3A_160 : memref<1x128xi32, #tpu.memory_space<vmem>> -> memref<128xi32, #tpu.memory_space<vmem>>
      %dma_wait3A_162 = arith.constant 0 : i32
      %dma_wait3A_163 = arith.constant 0 : i32
      %dma_wait3A_164 = tpu.memref_slice %arg2[%dma_wait3A_162, %dma_wait3A_163] : memref<10240x128xf32, #tpu.memory_space<hbm>> -> memref<10240x128xf32, #tpu.memory_space<hbm>>
      tpu.wait_indirect_dma semaphore(%arg12 : memref<!tpu.dma_semaphore, #tpu.memory_space<semaphore_mem>>) src(%dma_wait3A_164 : memref<10240x128xf32, #tpu.memory_space<hbm>>) dst(%arg9 : memref<128x128xf32, #tpu.memory_space<vmem>>)
      %dma_start3A_165 = arith.constant 0 : i32
      %dma_start3A_166 = tpu.memref_slice %arg8[%mul3A_158, %dma_start3A_165] : memref<40x128xi32, #tpu.memory_space<vmem>> -> memref<1x128xi32, #tpu.memory_space<vmem>>
      %dma_start3A_167 = tpu.memref_squeeze %dma_start3A_166 : memref<1x128xi32, #tpu.memory_space<vmem>> -> memref<128xi32, #tpu.memory_space<vmem>>
      %dma_start3A_168 = arith.constant 0 : i32
      %dma_start3A_169 = arith.constant 0 : i32
      %dma_start3A_170 = tpu.memref_slice %arg11[%dma_start3A_168, %dma_start3A_169] : memref<10240x128xf32, #tpu.memory_space<vmem_shared>> -> memref<10240x128xf32, #tpu.memory_space<vmem_shared>>
      tpu.enqueue_indirect_dma source(%arg9 : memref<128x128xf32, #tpu.memory_space<vmem>>) target(%dma_start3A_170 : memref<10240x128xf32, #tpu.memory_space<vmem_shared>>) offsets(%dma_start3A_167 : memref<128xi32, #tpu.memory_space<vmem>>) semaphore(%arg14 : memref<!tpu.dma_semaphore, #tpu.memory_space<semaphore_mem>>) {add = true}
      %sub3A = arith.constant 1 : i32
      %sub3A_171 = arith.subi %mul3A_158, %sub3A : i32
      %dma_wait3A_172 = arith.constant 0 : i32
      %dma_wait3A_173 = tpu.memref_slice %arg8[%sub3A_171, %dma_wait3A_172] : memref<40x128xi32, #tpu.memory_space<vmem>> -> memref<1x128xi32, #tpu.memory_space<vmem>>
      %dma_wait3A_174 = tpu.memref_squeeze %dma_wait3A_173 : memref<1x128xi32, #tpu.memory_space<vmem>> -> memref<128xi32, #tpu.memory_space<vmem>>
      %dma_wait3A_175 = arith.constant 0 : i32
      %dma_wait3A_176 = arith.constant 0 : i32
      %dma_wait3A_177 = tpu.memref_slice %arg11[%dma_wait3A_175, %dma_wait3A_176] : memref<10240x128xf32, #tpu.memory_space<vmem_shared>> -> memref<10240x128xf32, #tpu.memory_space<vmem_shared>>
      tpu.wait_indirect_dma semaphore(%arg15 : memref<!tpu.dma_semaphore, #tpu.memory_space<semaphore_mem>>) src(%arg10 : memref<128x128xf32, #tpu.memory_space<vmem>>) dst(%dma_wait3A_177 : memref<10240x128xf32, #tpu.memory_space<vmem_shared>>)
      %add3A_178 = arith.constant 1 : i32
      %add3A_179 = arith.addi %mul3A_158, %add3A_178 : i32
      %dma_start3A_180 = arith.constant 0 : i32
      %dma_start3A_181 = tpu.memref_slice %arg7[%add3A_179, %dma_start3A_180] : memref<40x128xi32, #tpu.memory_space<vmem>> -> memref<1x128xi32, #tpu.memory_space<vmem>>
      %dma_start3A_182 = tpu.memref_squeeze %dma_start3A_181 : memref<1x128xi32, #tpu.memory_space<vmem>> -> memref<128xi32, #tpu.memory_space<vmem>>
      %dma_start3A_183 = arith.constant 0 : i32
      %dma_start3A_184 = arith.constant 0 : i32
      %dma_start3A_185 = tpu.memref_slice %arg2[%dma_start3A_183, %dma_start3A_184] : memref<10240x128xf32, #tpu.memory_space<hbm>> -> memref<10240x128xf32, #tpu.memory_space<hbm>>
      tpu.enqueue_indirect_dma source(%dma_start3A_185 : memref<10240x128xf32, #tpu.memory_space<hbm>>) target(%arg10 : memref<128x128xf32, #tpu.memory_space<vmem>>) offsets(%dma_start3A_182 : memref<128xi32, #tpu.memory_space<vmem>>) semaphore(%arg13 : memref<!tpu.dma_semaphore, #tpu.memory_space<semaphore_mem>>)
      %add3A_186 = arith.constant 1 : i32
      %add3A_187 = arith.addi %mul3A_158, %add3A_186 : i32
      %dma_wait3A_188 = arith.constant 0 : i32
      %dma_wait3A_189 = tpu.memref_slice %arg7[%add3A_187, %dma_wait3A_188] : memref<40x128xi32, #tpu.memory_space<vmem>> -> memref<1x128xi32, #tpu.memory_space<vmem>>
      %dma_wait3A_190 = tpu.memref_squeeze %dma_wait3A_189 : memref<1x128xi32, #tpu.memory_space<vmem>> -> memref<128xi32, #tpu.memory_space<vmem>>
      %dma_wait3A_191 = arith.constant 0 : i32
      %dma_wait3A_192 = arith.constant 0 : i32
      %dma_wait3A_193 = tpu.memref_slice %arg2[%dma_wait3A_191, %dma_wait3A_192] : memref<10240x128xf32, #tpu.memory_space<hbm>> -> memref<10240x128xf32, #tpu.memory_space<hbm>>
      tpu.wait_indirect_dma semaphore(%arg13 : memref<!tpu.dma_semaphore, #tpu.memory_space<semaphore_mem>>) src(%dma_wait3A_193 : memref<10240x128xf32, #tpu.memory_space<hbm>>) dst(%arg10 : memref<128x128xf32, #tpu.memory_space<vmem>>)
      %add3A_194 = arith.constant 1 : i32
      %add3A_195 = arith.addi %mul3A_158, %add3A_194 : i32
      %dma_start3A_196 = arith.constant 0 : i32
      %dma_start3A_197 = tpu.memref_slice %arg8[%add3A_195, %dma_start3A_196] : memref<40x128xi32, #tpu.memory_space<vmem>> -> memref<1x128xi32, #tpu.memory_space<vmem>>
      %dma_start3A_198 = tpu.memref_squeeze %dma_start3A_197 : memref<1x128xi32, #tpu.memory_space<vmem>> -> memref<128xi32, #tpu.memory_space<vmem>>
      %dma_start3A_199 = arith.constant 0 : i32
      %dma_start3A_200 = arith.constant 0 : i32
      %dma_start3A_201 = tpu.memref_slice %arg11[%dma_start3A_199, %dma_start3A_200] : memref<10240x128xf32, #tpu.memory_space<vmem_shared>> -> memref<10240x128xf32, #tpu.memory_space<vmem_shared>>
      tpu.enqueue_indirect_dma source(%arg10 : memref<128x128xf32, #tpu.memory_space<vmem>>) target(%dma_start3A_201 : memref<10240x128xf32, #tpu.memory_space<vmem_shared>>) offsets(%dma_start3A_198 : memref<128xi32, #tpu.memory_space<vmem>>) semaphore(%arg15 : memref<!tpu.dma_semaphore, #tpu.memory_space<semaphore_mem>>) {add = true}
      %dma_wait3A_202 = arith.constant 0 : i32
      %dma_wait3A_203 = tpu.memref_slice %arg8[%mul3A_158, %dma_wait3A_202] : memref<40x128xi32, #tpu.memory_space<vmem>> -> memref<1x128xi32, #tpu.memory_space<vmem>>
      %dma_wait3A_204 = tpu.memref_squeeze %dma_wait3A_203 : memref<1x128xi32, #tpu.memory_space<vmem>> -> memref<128xi32, #tpu.memory_space<vmem>>
      %dma_wait3A_205 = arith.constant 0 : i32
      %dma_wait3A_206 = arith.constant 0 : i32
      %dma_wait3A_207 = tpu.memref_slice %arg11[%dma_wait3A_205, %dma_wait3A_206] : memref<10240x128xf32, #tpu.memory_space<vmem_shared>> -> memref<10240x128xf32, #tpu.memory_space<vmem_shared>>
      tpu.wait_indirect_dma semaphore(%arg14 : memref<!tpu.dma_semaphore, #tpu.memory_space<semaphore_mem>>) src(%arg9 : memref<128x128xf32, #tpu.memory_space<vmem>>) dst(%dma_wait3A_207 : memref<10240x128xf32, #tpu.memory_space<vmem_shared>>)
      %add3A_208 = arith.constant 2 : i32
      %add3A_209 = arith.addi %mul3A_158, %add3A_208 : i32
      %lt3A = arith.constant 40 : i32
      %lt3A_210 = arith.cmpi slt, %add3A_209, %lt3A : i32
      %convert_element_type3A_211 = arith.extui %lt3A_210 : i1 to i32
      %cond3A_212 = arith.constant 0 : i32
      %cond3A_213 = arith.cmpi ne, %convert_element_type3A_211, %cond3A_212 : i32
      scf.if %cond3A_213 {
        %add3A_214 = arith.constant 2 : i32
        %add3A_215 = arith.addi %mul3A_158, %add3A_214 : i32
        %dma_start3A_216 = arith.constant 0 : i32
        %dma_start3A_217 = tpu.memref_slice %arg7[%add3A_215, %dma_start3A_216] : memref<40x128xi32, #tpu.memory_space<vmem>> -> memref<1x128xi32, #tpu.memory_space<vmem>>
        %dma_start3A_218 = tpu.memref_squeeze %dma_start3A_217 : memref<1x128xi32, #tpu.memory_space<vmem>> -> memref<128xi32, #tpu.memory_space<vmem>>
        %dma_start3A_219 = arith.constant 0 : i32
        %dma_start3A_220 = arith.constant 0 : i32
        %dma_start3A_221 = tpu.memref_slice %arg2[%dma_start3A_219, %dma_start3A_220] : memref<10240x128xf32, #tpu.memory_space<hbm>> -> memref<10240x128xf32, #tpu.memory_space<hbm>>
        tpu.enqueue_indirect_dma source(%dma_start3A_221 : memref<10240x128xf32, #tpu.memory_space<hbm>>) target(%arg9 : memref<128x128xf32, #tpu.memory_space<vmem>>) offsets(%dma_start3A_218 : memref<128xi32, #tpu.memory_space<vmem>>) semaphore(%arg12 : memref<!tpu.dma_semaphore, #tpu.memory_space<semaphore_mem>>)
      } else {
      }
    }
    %scan3A_140 = arith.constant 19 : i32
    %dma_wait3A_141 = arith.constant 39 : i32
    %dma_wait3A_142 = arith.constant 0 : i32
    %dma_wait3A_143 = tpu.memref_slice %arg8[%dma_wait3A_141, %dma_wait3A_142] : memref<40x128xi32, #tpu.memory_space<vmem>> -> memref<1x128xi32, #tpu.memory_space<vmem>>
    %dma_wait3A_144 = tpu.memref_squeeze %dma_wait3A_143 : memref<1x128xi32, #tpu.memory_space<vmem>> -> memref<128xi32, #tpu.memory_space<vmem>>
    %dma_wait3A_145 = arith.constant 0 : i32
    %dma_wait3A_146 = arith.constant 0 : i32
    %dma_wait3A_147 = tpu.memref_slice %arg11[%dma_wait3A_145, %dma_wait3A_146] : memref<10240x128xf32, #tpu.memory_space<vmem_shared>> -> memref<10240x128xf32, #tpu.memory_space<vmem_shared>>
    tpu.wait_indirect_dma semaphore(%arg15 : memref<!tpu.dma_semaphore, #tpu.memory_space<semaphore_mem>>) src(%arg10 : memref<128x128xf32, #tpu.memory_space<vmem>>) dst(%dma_wait3A_147 : memref<10240x128xf32, #tpu.memory_space<vmem_shared>>)
    %barrier3A_148 = arith.constant 0 : index
    tpu.barrier barrier_id(%barrier3A_148)
    %eq3A = arith.constant 0 : i32
    %eq3A_149 = arith.cmpi eq, %arg0, %eq3A : i32
    %convert_element_type3A = arith.extui %eq3A_149 : i1 to i32
    %cond3A = arith.constant 0 : i32
    %cond3A_150 = arith.cmpi ne, %convert_element_type3A, %cond3A : i32
    scf.if %cond3A_150 {
      %run_scoped3A = arith.constant 0 : i32
      "tpu.region"() ({
        %run_scoped3A_156 = tpu.sem_alloc : memref<!tpu.dma_semaphore, #tpu.memory_space<semaphore_mem>>
        %dma_start3A_157 = arith.constant 0 : i32
        %dma_start3A_158 = tpu.memref_slice %arg6[%run_scoped3A, %mul3A_2, %dma_start3A_157] : memref<2x10240x128xf32, #tpu.memory_space<hbm>> -> memref<1x640x128xf32, #tpu.memory_space<hbm>>
        %dma_start3A_159 = tpu.memref_squeeze %dma_start3A_158 : memref<1x640x128xf32, #tpu.memory_space<hbm>> -> memref<640x128xf32, #tpu.memory_space<hbm>>
        %dma_start3A_160 = arith.constant 0 : i32
        %dma_start3A_161 = tpu.memref_slice %arg11[%mul3A_2, %dma_start3A_160] : memref<10240x128xf32, #tpu.memory_space<vmem_shared>> -> memref<640x128xf32, #tpu.memory_space<vmem_shared>>
        tpu.enqueue_dma source(%dma_start3A_161 : memref<640x128xf32, #tpu.memory_space<vmem_shared>>) target(%dma_start3A_159 : memref<640x128xf32, #tpu.memory_space<hbm>>) target_semaphore(%run_scoped3A_156 : memref<!tpu.dma_semaphore, #tpu.memory_space<semaphore_mem>>)
        %dma_wait3A_162 = arith.constant 0 : i32
        %dma_wait3A_163 = tpu.memref_slice %arg6[%run_scoped3A, %mul3A_2, %dma_wait3A_162] : memref<2x10240x128xf32, #tpu.memory_space<hbm>> -> memref<1x640x128xf32, #tpu.memory_space<hbm>>
        %dma_wait3A_164 = tpu.memref_squeeze %dma_wait3A_163 : memref<1x640x128xf32, #tpu.memory_space<hbm>> -> memref<640x128xf32, #tpu.memory_space<hbm>>
        %dma_wait3A_165 = arith.constant 0 : i32
        %dma_wait3A_166 = tpu.memref_slice %arg11[%mul3A_2, %dma_wait3A_165] : memref<10240x128xf32, #tpu.memory_space<vmem_shared>> -> memref<640x128xf32, #tpu.memory_space<vmem_shared>>
        tpu.wait_dma2 semaphore(%run_scoped3A_156 : memref<!tpu.dma_semaphore, #tpu.memory_space<semaphore_mem>>) src(%dma_wait3A_166 : memref<640x128xf32, #tpu.memory_space<vmem_shared>>) dst(%dma_wait3A_164 : memref<640x128xf32, #tpu.memory_space<hbm>>)
        tpu.yield
      }) : () -> ()
    } else {
    }
    %eq3A_151 = arith.constant 1 : i32
    %eq3A_152 = arith.cmpi eq, %arg0, %eq3A_151 : i32
    %convert_element_type3A_153 = arith.extui %eq3A_152 : i1 to i32
    %cond3A_154 = arith.constant 0 : i32
    %cond3A_155 = arith.cmpi ne, %convert_element_type3A_153, %cond3A_154 : i32
    scf.if %cond3A_155 {
      %run_scoped3A = arith.constant 1 : i32
      "tpu.region"() ({
        %run_scoped3A_156 = tpu.sem_alloc : memref<!tpu.dma_semaphore, #tpu.memory_space<semaphore_mem>>
        %dma_start3A_157 = arith.constant 0 : i32
        %dma_start3A_158 = tpu.memref_slice %arg6[%run_scoped3A, %mul3A_2, %dma_start3A_157] : memref<2x10240x128xf32, #tpu.memory_space<hbm>> -> memref<1x640x128xf32, #tpu.memory_space<hbm>>
        %dma_start3A_159 = tpu.memref_squeeze %dma_start3A_158 : memref<1x640x128xf32, #tpu.memory_space<hbm>> -> memref<640x128xf32, #tpu.memory_space<hbm>>
        %dma_start3A_160 = arith.constant 0 : i32
        %dma_start3A_161 = tpu.memref_slice %arg11[%mul3A_2, %dma_start3A_160] : memref<10240x128xf32, #tpu.memory_space<vmem_shared>> -> memref<640x128xf32, #tpu.memory_space<vmem_shared>>
        tpu.enqueue_dma source(%dma_start3A_161 : memref<640x128xf32, #tpu.memory_space<vmem_shared>>) target(%dma_start3A_159 : memref<640x128xf32, #tpu.memory_space<hbm>>) target_semaphore(%run_scoped3A_156 : memref<!tpu.dma_semaphore, #tpu.memory_space<semaphore_mem>>)
        %dma_wait3A_162 = arith.constant 0 : i32
        %dma_wait3A_163 = tpu.memref_slice %arg6[%run_scoped3A, %mul3A_2, %dma_wait3A_162] : memref<2x10240x128xf32, #tpu.memory_space<hbm>> -> memref<1x640x128xf32, #tpu.memory_space<hbm>>
        %dma_wait3A_164 = tpu.memref_squeeze %dma_wait3A_163 : memref<1x640x128xf32, #tpu.memory_space<hbm>> -> memref<640x128xf32, #tpu.memory_space<hbm>>
        %dma_wait3A_165 = arith.constant 0 : i32
        %dma_wait3A_166 = tpu.memref_slice %arg11[%mul3A_2, %dma_wait3A_165] : memref<10240x128xf32, #tpu.memory_space<vmem_shared>> -> memref<640x128xf32, #tpu.memory_space<vmem_shared>>
        tpu.wait_dma2 semaphore(%run_scoped3A_156 : memref<!tpu.dma_semaphore, #tpu.memory_space<semaphore_mem>>) src(%dma_wait3A_166 : memref<640x128xf32, #tpu.memory_space<vmem_shared>>) dst(%dma_wait3A_164 : memref<640x128xf32, #tpu.memory_space<hbm>>)
        tpu.yield
      }) : () -> ()
    } else {
    }
    return
  }
}

#map = affine_map<(d0, d1) -> (0, 0, 0)>
#map1 = affine_map<(d0, d1) -> (0)>
#map2 = affine_map<(d0, d1) -> (0, 0)>
module attributes {stable_mosaic.version = 14 : i64} {
  func.func @_cnt_body(%arg0: i32, %arg1: i32, %arg2: memref<32x80x128xi32, #tpu.memory_space<hbm>>, %arg3: memref<32x80x128xi32, #tpu.memory_space<hbm>>, %arg4: memref<128xf32, #tpu.memory_space<hbm>>, %arg5: memref<640xf32, #tpu.memory_space<hbm>>, %arg6: memref<2x10240xf32, #tpu.memory_space<hbm>>, %arg7: memref<2x10240xf32, #tpu.memory_space<hbm>>, %arg8: memref<80x128xi32, #tpu.memory_space<vmem>>, %arg9: memref<80x128xi32, #tpu.memory_space<vmem>>, %arg10: memref<128xf32, #tpu.memory_space<vmem>>, %arg11: memref<640xf32, #tpu.memory_space<vmem>>, %arg12: memref<10240xf32, #tpu.memory_space<vmem_shared>>, %arg13: memref<10240xf32, #tpu.memory_space<vmem_shared>>, %arg14: memref<!tpu.dma_semaphore, #tpu.memory_space<semaphore_mem>>, %arg15: memref<!tpu.dma_semaphore, #tpu.memory_space<semaphore_mem>>) attributes {dimension_semantics = [#tpu.dimension_semantics<core_parallel>, #tpu.dimension_semantics<subcore_parallel>], iteration_bounds = array<i64: 2, 16>, scalar_prefetch = 0 : i64, scratch_operands = 8 : i64, tpu.core_type = #tpu.core_type<sc_vector_subcore>, window_params = [{transform_indices = #map}, {transform_indices = #map}, {transform_indices = #map1}, {transform_indices = #map1}, {transform_indices = #map2}, {transform_indices = #map2}]} {
    %mul3A = arith.constant 16 : i32
    %mul3A_0 = arith.muli %arg0, %mul3A : i32
    %add3A = arith.addi %mul3A_0, %arg1 : i32
    %mul3A_1 = arith.constant 640 : i32
    %mul3A_2 = arith.muli %arg1, %mul3A_1 : i32
    "tpu.region"() ({
      %run_scoped3A = tpu.sem_alloc : memref<!tpu.dma_semaphore, #tpu.memory_space<semaphore_mem>>
      tpu.enqueue_dma source(%arg5 : memref<640xf32, #tpu.memory_space<hbm>>) target(%arg11 : memref<640xf32, #tpu.memory_space<vmem>>) target_semaphore(%run_scoped3A : memref<!tpu.dma_semaphore, #tpu.memory_space<semaphore_mem>>)
      tpu.wait_dma2 semaphore(%run_scoped3A : memref<!tpu.dma_semaphore, #tpu.memory_space<semaphore_mem>>) src(%arg5 : memref<640xf32, #tpu.memory_space<hbm>>) dst(%arg11 : memref<640xf32, #tpu.memory_space<vmem>>)
      tpu.yield
    }) : () -> ()
    "tpu.region"() ({
      %run_scoped3A = tpu.sem_alloc : memref<!tpu.dma_semaphore, #tpu.memory_space<semaphore_mem>>
      %dma_start3A = tpu.memref_slice %arg12[%mul3A_2] : memref<10240xf32, #tpu.memory_space<vmem_shared>> -> memref<640xf32, #tpu.memory_space<vmem_shared>>
      %dma_start3A_61 = tpu.memref_slice %arg12[%mul3A_2] : memref<10240xf32, #tpu.memory_space<vmem_shared>> -> memref<640xf32, #tpu.memory_space<vmem_shared>>
      tpu.enqueue_dma source(%arg11 : memref<640xf32, #tpu.memory_space<vmem>>) target(%dma_start3A_61 : memref<640xf32, #tpu.memory_space<vmem_shared>>) target_semaphore(%run_scoped3A : memref<!tpu.dma_semaphore, #tpu.memory_space<semaphore_mem>>)
      %dma_wait3A_62 = tpu.memref_slice %arg12[%mul3A_2] : memref<10240xf32, #tpu.memory_space<vmem_shared>> -> memref<640xf32, #tpu.memory_space<vmem_shared>>
      %dma_wait3A_63 = tpu.memref_slice %arg12[%mul3A_2] : memref<10240xf32, #tpu.memory_space<vmem_shared>> -> memref<640xf32, #tpu.memory_space<vmem_shared>>
      tpu.wait_dma2 semaphore(%run_scoped3A : memref<!tpu.dma_semaphore, #tpu.memory_space<semaphore_mem>>) src(%arg11 : memref<640xf32, #tpu.memory_space<vmem>>) dst(%dma_wait3A_63 : memref<640xf32, #tpu.memory_space<vmem_shared>>)
      tpu.yield
    }) : () -> ()
    "tpu.region"() ({
      %run_scoped3A = tpu.sem_alloc : memref<!tpu.dma_semaphore, #tpu.memory_space<semaphore_mem>>
      %dma_start3A = tpu.memref_slice %arg13[%mul3A_2] : memref<10240xf32, #tpu.memory_space<vmem_shared>> -> memref<640xf32, #tpu.memory_space<vmem_shared>>
      %dma_start3A_61 = tpu.memref_slice %arg13[%mul3A_2] : memref<10240xf32, #tpu.memory_space<vmem_shared>> -> memref<640xf32, #tpu.memory_space<vmem_shared>>
      tpu.enqueue_dma source(%arg11 : memref<640xf32, #tpu.memory_space<vmem>>) target(%dma_start3A_61 : memref<640xf32, #tpu.memory_space<vmem_shared>>) target_semaphore(%run_scoped3A : memref<!tpu.dma_semaphore, #tpu.memory_space<semaphore_mem>>)
      %dma_wait3A_62 = tpu.memref_slice %arg13[%mul3A_2] : memref<10240xf32, #tpu.memory_space<vmem_shared>> -> memref<640xf32, #tpu.memory_space<vmem_shared>>
      %dma_wait3A_63 = tpu.memref_slice %arg13[%mul3A_2] : memref<10240xf32, #tpu.memory_space<vmem_shared>> -> memref<640xf32, #tpu.memory_space<vmem_shared>>
      tpu.wait_dma2 semaphore(%run_scoped3A : memref<!tpu.dma_semaphore, #tpu.memory_space<semaphore_mem>>) src(%arg11 : memref<640xf32, #tpu.memory_space<vmem>>) dst(%dma_wait3A_63 : memref<640xf32, #tpu.memory_space<vmem_shared>>)
      tpu.yield
    }) : () -> ()
    "tpu.region"() ({
      %run_scoped3A = tpu.sem_alloc : memref<!tpu.dma_semaphore, #tpu.memory_space<semaphore_mem>>
      tpu.enqueue_dma source(%arg4 : memref<128xf32, #tpu.memory_space<hbm>>) target(%arg10 : memref<128xf32, #tpu.memory_space<vmem>>) target_semaphore(%run_scoped3A : memref<!tpu.dma_semaphore, #tpu.memory_space<semaphore_mem>>)
      tpu.wait_dma2 semaphore(%run_scoped3A : memref<!tpu.dma_semaphore, #tpu.memory_space<semaphore_mem>>) src(%arg4 : memref<128xf32, #tpu.memory_space<hbm>>) dst(%arg10 : memref<128xf32, #tpu.memory_space<vmem>>)
      tpu.yield
    }) : () -> ()
    "tpu.region"() ({
      %run_scoped3A = tpu.sem_alloc : memref<!tpu.dma_semaphore, #tpu.memory_space<semaphore_mem>>
      %dma_start3A = arith.constant 0 : i32
      %dma_start3A_61 = arith.constant 0 : i32
      %dma_start3A_62 = tpu.memref_slice %arg2[%add3A, %dma_start3A, %dma_start3A_61] : memref<32x80x128xi32, #tpu.memory_space<hbm>> -> memref<1x80x128xi32, #tpu.memory_space<hbm>>
      %dma_start3A_63 = tpu.memref_squeeze %dma_start3A_62 : memref<1x80x128xi32, #tpu.memory_space<hbm>> -> memref<80x128xi32, #tpu.memory_space<hbm>>
      %dma_start3A_64 = arith.constant 0 : i32
      %dma_start3A_65 = arith.constant 0 : i32
      %dma_start3A_66 = tpu.memref_slice %arg2[%add3A, %dma_start3A_64, %dma_start3A_65] : memref<32x80x128xi32, #tpu.memory_space<hbm>> -> memref<1x80x128xi32, #tpu.memory_space<hbm>>
      %dma_start3A_67 = tpu.memref_squeeze %dma_start3A_66 : memref<1x80x128xi32, #tpu.memory_space<hbm>> -> memref<80x128xi32, #tpu.memory_space<hbm>>
      tpu.enqueue_dma source(%dma_start3A_67 : memref<80x128xi32, #tpu.memory_space<hbm>>) target(%arg8 : memref<80x128xi32, #tpu.memory_space<vmem>>) target_semaphore(%run_scoped3A : memref<!tpu.dma_semaphore, #tpu.memory_space<semaphore_mem>>)
      %dma_wait3A_68 = arith.constant 0 : i32
      %dma_wait3A_69 = arith.constant 0 : i32
      %dma_wait3A_70 = tpu.memref_slice %arg2[%add3A, %dma_wait3A_68, %dma_wait3A_69] : memref<32x80x128xi32, #tpu.memory_space<hbm>> -> memref<1x80x128xi32, #tpu.memory_space<hbm>>
      %dma_wait3A_71 = tpu.memref_squeeze %dma_wait3A_70 : memref<1x80x128xi32, #tpu.memory_space<hbm>> -> memref<80x128xi32, #tpu.memory_space<hbm>>
      %dma_wait3A_72 = arith.constant 0 : i32
      %dma_wait3A_73 = arith.constant 0 : i32
      %dma_wait3A_74 = tpu.memref_slice %arg2[%add3A, %dma_wait3A_72, %dma_wait3A_73] : memref<32x80x128xi32, #tpu.memory_space<hbm>> -> memref<1x80x128xi32, #tpu.memory_space<hbm>>
      %dma_wait3A_75 = tpu.memref_squeeze %dma_wait3A_74 : memref<1x80x128xi32, #tpu.memory_space<hbm>> -> memref<80x128xi32, #tpu.memory_space<hbm>>
      tpu.wait_dma2 semaphore(%run_scoped3A : memref<!tpu.dma_semaphore, #tpu.memory_space<semaphore_mem>>) src(%dma_wait3A_75 : memref<80x128xi32, #tpu.memory_space<hbm>>) dst(%arg8 : memref<80x128xi32, #tpu.memory_space<vmem>>)
      tpu.yield
    }) : () -> ()
    "tpu.region"() ({
      %run_scoped3A = tpu.sem_alloc : memref<!tpu.dma_semaphore, #tpu.memory_space<semaphore_mem>>
      %dma_start3A = arith.constant 0 : i32
      %dma_start3A_61 = arith.constant 0 : i32
      %dma_start3A_62 = tpu.memref_slice %arg3[%add3A, %dma_start3A, %dma_start3A_61] : memref<32x80x128xi32, #tpu.memory_space<hbm>> -> memref<1x80x128xi32, #tpu.memory_space<hbm>>
      %dma_start3A_63 = tpu.memref_squeeze %dma_start3A_62 : memref<1x80x128xi32, #tpu.memory_space<hbm>> -> memref<80x128xi32, #tpu.memory_space<hbm>>
      %dma_start3A_64 = arith.constant 0 : i32
      %dma_start3A_65 = arith.constant 0 : i32
      %dma_start3A_66 = tpu.memref_slice %arg3[%add3A, %dma_start3A_64, %dma_start3A_65] : memref<32x80x128xi32, #tpu.memory_space<hbm>> -> memref<1x80x128xi32, #tpu.memory_space<hbm>>
      %dma_start3A_67 = tpu.memref_squeeze %dma_start3A_66 : memref<1x80x128xi32, #tpu.memory_space<hbm>> -> memref<80x128xi32, #tpu.memory_space<hbm>>
      tpu.enqueue_dma source(%dma_start3A_67 : memref<80x128xi32, #tpu.memory_space<hbm>>) target(%arg9 : memref<80x128xi32, #tpu.memory_space<vmem>>) target_semaphore(%run_scoped3A : memref<!tpu.dma_semaphore, #tpu.memory_space<semaphore_mem>>)
      %dma_wait3A_68 = arith.constant 0 : i32
      %dma_wait3A_69 = arith.constant 0 : i32
      %dma_wait3A_70 = tpu.memref_slice %arg3[%add3A, %dma_wait3A_68, %dma_wait3A_69] : memref<32x80x128xi32, #tpu.memory_space<hbm>> -> memref<1x80x128xi32, #tpu.memory_space<hbm>>
      %dma_wait3A_71 = tpu.memref_squeeze %dma_wait3A_70 : memref<1x80x128xi32, #tpu.memory_space<hbm>> -> memref<80x128xi32, #tpu.memory_space<hbm>>
      %dma_wait3A_72 = arith.constant 0 : i32
      %dma_wait3A_73 = arith.constant 0 : i32
      %dma_wait3A_74 = tpu.memref_slice %arg3[%add3A, %dma_wait3A_72, %dma_wait3A_73] : memref<32x80x128xi32, #tpu.memory_space<hbm>> -> memref<1x80x128xi32, #tpu.memory_space<hbm>>
      %dma_wait3A_75 = tpu.memref_squeeze %dma_wait3A_74 : memref<1x80x128xi32, #tpu.memory_space<hbm>> -> memref<80x128xi32, #tpu.memory_space<hbm>>
      tpu.wait_dma2 semaphore(%run_scoped3A : memref<!tpu.dma_semaphore, #tpu.memory_space<semaphore_mem>>) src(%dma_wait3A_75 : memref<80x128xi32, #tpu.memory_space<hbm>>) dst(%arg9 : memref<80x128xi32, #tpu.memory_space<vmem>>)
      tpu.yield
    }) : () -> ()
    %barrier3A = arith.constant 0 : index
    tpu.barrier barrier_id(%barrier3A)
    %scan3A = arith.constant 0 : i32
    %scan3A_3 = arith.constant 0 : i32
    %scan3A_4 = arith.constant 80 : i32
    %scan3A_5 = arith.addi %scan3A_3, %scan3A_4 : i32
    %scan3A_6 = arith.constant 1 : i32
    scf.for %scan3A_61 = %scan3A_3 to %scan3A_5 step %scan3A_6  : i32 {
      %dma_start3A = arith.constant 0 : i32
      %dma_start3A_62 = tpu.memref_slice %arg8[%scan3A_61, %dma_start3A] : memref<80x128xi32, #tpu.memory_space<vmem>> -> memref<1x128xi32, #tpu.memory_space<vmem>>
      %dma_start3A_63 = tpu.memref_squeeze %dma_start3A_62 : memref<1x128xi32, #tpu.memory_space<vmem>> -> memref<128xi32, #tpu.memory_space<vmem>>
      %dma_start3A_64 = arith.constant 0 : i32
      %dma_start3A_65 = tpu.memref_slice %arg12[%dma_start3A_64] : memref<10240xf32, #tpu.memory_space<vmem_shared>> -> memref<10240xf32, #tpu.memory_space<vmem_shared>>
      tpu.enqueue_indirect_dma source(%arg10 : memref<128xf32, #tpu.memory_space<vmem>>) target(%dma_start3A_65 : memref<10240xf32, #tpu.memory_space<vmem_shared>>) offsets(%dma_start3A_63 : memref<128xi32, #tpu.memory_space<vmem>>) semaphore(%arg14 : memref<!tpu.dma_semaphore, #tpu.memory_space<semaphore_mem>>) {add = true}
      %dma_start3A_66 = arith.constant 0 : i32
      %dma_start3A_67 = tpu.memref_slice %arg9[%scan3A_61, %dma_start3A_66] : memref<80x128xi32, #tpu.memory_space<vmem>> -> memref<1x128xi32, #tpu.memory_space<vmem>>
      %dma_start3A_68 = tpu.memref_squeeze %dma_start3A_67 : memref<1x128xi32, #tpu.memory_space<vmem>> -> memref<128xi32, #tpu.memory_space<vmem>>
      %dma_start3A_69 = arith.constant 0 : i32
      %dma_start3A_70 = tpu.memref_slice %arg13[%dma_start3A_69] : memref<10240xf32, #tpu.memory_space<vmem_shared>> -> memref<10240xf32, #tpu.memory_space<vmem_shared>>
      tpu.enqueue_indirect_dma source(%arg10 : memref<128xf32, #tpu.memory_space<vmem>>) target(%dma_start3A_70 : memref<10240xf32, #tpu.memory_space<vmem_shared>>) offsets(%dma_start3A_68 : memref<128xi32, #tpu.memory_space<vmem>>) semaphore(%arg15 : memref<!tpu.dma_semaphore, #tpu.memory_space<semaphore_mem>>) {add = true}
      %ge3A = arith.constant 3 : i32
      %ge3A_71 = arith.cmpi sge, %scan3A_61, %ge3A : i32
      %convert_element_type3A_72 = arith.extui %ge3A_71 : i1 to i32
      %cond3A_73 = arith.constant 0 : i32
      %cond3A_74 = arith.cmpi ne, %convert_element_type3A_72, %cond3A_73 : i32
      scf.if %cond3A_74 {
        %sub3A = arith.constant 3 : i32
        %sub3A_75 = arith.subi %scan3A_61, %sub3A : i32
        %dma_wait3A_76 = arith.constant 0 : i32
        %dma_wait3A_77 = tpu.memref_slice %arg8[%sub3A_75, %dma_wait3A_76] : memref<80x128xi32, #tpu.memory_space<vmem>> -> memref<1x128xi32, #tpu.memory_space<vmem>>
        %dma_wait3A_78 = tpu.memref_squeeze %dma_wait3A_77 : memref<1x128xi32, #tpu.memory_space<vmem>> -> memref<128xi32, #tpu.memory_space<vmem>>
        %dma_wait3A_79 = arith.constant 0 : i32
        %dma_wait3A_80 = tpu.memref_slice %arg12[%dma_wait3A_79] : memref<10240xf32, #tpu.memory_space<vmem_shared>> -> memref<10240xf32, #tpu.memory_space<vmem_shared>>
        tpu.wait_indirect_dma semaphore(%arg14 : memref<!tpu.dma_semaphore, #tpu.memory_space<semaphore_mem>>) src(%arg10 : memref<128xf32, #tpu.memory_space<vmem>>) dst(%dma_wait3A_80 : memref<10240xf32, #tpu.memory_space<vmem_shared>>)
        %sub3A_81 = arith.constant 3 : i32
        %sub3A_82 = arith.subi %scan3A_61, %sub3A_81 : i32
        %dma_wait3A_83 = arith.constant 0 : i32
        %dma_wait3A_84 = tpu.memref_slice %arg9[%sub3A_82, %dma_wait3A_83] : memref<80x128xi32, #tpu.memory_space<vmem>> -> memref<1x128xi32, #tpu.memory_space<vmem>>
        %dma_wait3A_85 = tpu.memref_squeeze %dma_wait3A_84 : memref<1x128xi32, #tpu.memory_space<vmem>> -> memref<128xi32, #tpu.memory_space<vmem>>
        %dma_wait3A_86 = arith.constant 0 : i32
        %dma_wait3A_87 = tpu.memref_slice %arg13[%dma_wait3A_86] : memref<10240xf32, #tpu.memory_space<vmem_shared>> -> memref<10240xf32, #tpu.memory_space<vmem_shared>>
        tpu.wait_indirect_dma semaphore(%arg15 : memref<!tpu.dma_semaphore, #tpu.memory_space<semaphore_mem>>) src(%arg10 : memref<128xf32, #tpu.memory_space<vmem>>) dst(%dma_wait3A_87 : memref<10240xf32, #tpu.memory_space<vmem_shared>>)
      } else {
      }
    }
    %scan3A_7 = arith.constant 80 : i32
    %dma_wait3A = arith.constant 77 : i32
    %dma_wait3A_8 = arith.constant 0 : i32
    %dma_wait3A_9 = tpu.memref_slice %arg8[%dma_wait3A, %dma_wait3A_8] : memref<80x128xi32, #tpu.memory_space<vmem>> -> memref<1x128xi32, #tpu.memory_space<vmem>>
    %dma_wait3A_10 = tpu.memref_squeeze %dma_wait3A_9 : memref<1x128xi32, #tpu.memory_space<vmem>> -> memref<128xi32, #tpu.memory_space<vmem>>
    %dma_wait3A_11 = arith.constant 0 : i32
    %dma_wait3A_12 = tpu.memref_slice %arg12[%dma_wait3A_11] : memref<10240xf32, #tpu.memory_space<vmem_shared>> -> memref<10240xf32, #tpu.memory_space<vmem_shared>>
    tpu.wait_indirect_dma semaphore(%arg14 : memref<!tpu.dma_semaphore, #tpu.memory_space<semaphore_mem>>) src(%arg10 : memref<128xf32, #tpu.memory_space<vmem>>) dst(%dma_wait3A_12 : memref<10240xf32, #tpu.memory_space<vmem_shared>>)
    %dma_wait3A_13 = arith.constant 77 : i32
    %dma_wait3A_14 = arith.constant 0 : i32
    %dma_wait3A_15 = tpu.memref_slice %arg9[%dma_wait3A_13, %dma_wait3A_14] : memref<80x128xi32, #tpu.memory_space<vmem>> -> memref<1x128xi32, #tpu.memory_space<vmem>>
    %dma_wait3A_16 = tpu.memref_squeeze %dma_wait3A_15 : memref<1x128xi32, #tpu.memory_space<vmem>> -> memref<128xi32, #tpu.memory_space<vmem>>
    %dma_wait3A_17 = arith.constant 0 : i32
    %dma_wait3A_18 = tpu.memref_slice %arg13[%dma_wait3A_17] : memref<10240xf32, #tpu.memory_space<vmem_shared>> -> memref<10240xf32, #tpu.memory_space<vmem_shared>>
    tpu.wait_indirect_dma semaphore(%arg15 : memref<!tpu.dma_semaphore, #tpu.memory_space<semaphore_mem>>) src(%arg10 : memref<128xf32, #tpu.memory_space<vmem>>) dst(%dma_wait3A_18 : memref<10240xf32, #tpu.memory_space<vmem_shared>>)
    %dma_wait3A_19 = arith.constant 78 : i32
    %dma_wait3A_20 = arith.constant 0 : i32
    %dma_wait3A_21 = tpu.memref_slice %arg8[%dma_wait3A_19, %dma_wait3A_20] : memref<80x128xi32, #tpu.memory_space<vmem>> -> memref<1x128xi32, #tpu.memory_space<vmem>>
    %dma_wait3A_22 = tpu.memref_squeeze %dma_wait3A_21 : memref<1x128xi32, #tpu.memory_space<vmem>> -> memref<128xi32, #tpu.memory_space<vmem>>
    %dma_wait3A_23 = arith.constant 0 : i32
    %dma_wait3A_24 = tpu.memref_slice %arg12[%dma_wait3A_23] : memref<10240xf32, #tpu.memory_space<vmem_shared>> -> memref<10240xf32, #tpu.memory_space<vmem_shared>>
    tpu.wait_indirect_dma semaphore(%arg14 : memref<!tpu.dma_semaphore, #tpu.memory_space<semaphore_mem>>) src(%arg10 : memref<128xf32, #tpu.memory_space<vmem>>) dst(%dma_wait3A_24 : memref<10240xf32, #tpu.memory_space<vmem_shared>>)
    %dma_wait3A_25 = arith.constant 78 : i32
    %dma_wait3A_26 = arith.constant 0 : i32
    %dma_wait3A_27 = tpu.memref_slice %arg9[%dma_wait3A_25, %dma_wait3A_26] : memref<80x128xi32, #tpu.memory_space<vmem>> -> memref<1x128xi32, #tpu.memory_space<vmem>>
    %dma_wait3A_28 = tpu.memref_squeeze %dma_wait3A_27 : memref<1x128xi32, #tpu.memory_space<vmem>> -> memref<128xi32, #tpu.memory_space<vmem>>
    %dma_wait3A_29 = arith.constant 0 : i32
    %dma_wait3A_30 = tpu.memref_slice %arg13[%dma_wait3A_29] : memref<10240xf32, #tpu.memory_space<vmem_shared>> -> memref<10240xf32, #tpu.memory_space<vmem_shared>>
    tpu.wait_indirect_dma semaphore(%arg15 : memref<!tpu.dma_semaphore, #tpu.memory_space<semaphore_mem>>) src(%arg10 : memref<128xf32, #tpu.memory_space<vmem>>) dst(%dma_wait3A_30 : memref<10240xf32, #tpu.memory_space<vmem_shared>>)
    %dma_wait3A_31 = arith.constant 79 : i32
    %dma_wait3A_32 = arith.constant 0 : i32
    %dma_wait3A_33 = tpu.memref_slice %arg8[%dma_wait3A_31, %dma_wait3A_32] : memref<80x128xi32, #tpu.memory_space<vmem>> -> memref<1x128xi32, #tpu.memory_space<vmem>>
    %dma_wait3A_34 = tpu.memref_squeeze %dma_wait3A_33 : memref<1x128xi32, #tpu.memory_space<vmem>> -> memref<128xi32, #tpu.memory_space<vmem>>
    %dma_wait3A_35 = arith.constant 0 : i32
    %dma_wait3A_36 = tpu.memref_slice %arg12[%dma_wait3A_35] : memref<10240xf32, #tpu.memory_space<vmem_shared>> -> memref<10240xf32, #tpu.memory_space<vmem_shared>>
    tpu.wait_indirect_dma semaphore(%arg14 : memref<!tpu.dma_semaphore, #tpu.memory_space<semaphore_mem>>) src(%arg10 : memref<128xf32, #tpu.memory_space<vmem>>) dst(%dma_wait3A_36 : memref<10240xf32, #tpu.memory_space<vmem_shared>>)
    %dma_wait3A_37 = arith.constant 79 : i32
    %dma_wait3A_38 = arith.constant 0 : i32
    %dma_wait3A_39 = tpu.memref_slice %arg9[%dma_wait3A_37, %dma_wait3A_38] : memref<80x128xi32, #tpu.memory_space<vmem>> -> memref<1x128xi32, #tpu.memory_space<vmem>>
    %dma_wait3A_40 = tpu.memref_squeeze %dma_wait3A_39 : memref<1x128xi32, #tpu.memory_space<vmem>> -> memref<128xi32, #tpu.memory_space<vmem>>
    %dma_wait3A_41 = arith.constant 0 : i32
    %dma_wait3A_42 = tpu.memref_slice %arg13[%dma_wait3A_41] : memref<10240xf32, #tpu.memory_space<vmem_shared>> -> memref<10240xf32, #tpu.memory_space<vmem_shared>>
    tpu.wait_indirect_dma semaphore(%arg15 : memref<!tpu.dma_semaphore, #tpu.memory_space<semaphore_mem>>) src(%arg10 : memref<128xf32, #tpu.memory_space<vmem>>) dst(%dma_wait3A_42 : memref<10240xf32, #tpu.memory_space<vmem_shared>>)
    %barrier3A_43 = arith.constant 0 : index
    tpu.barrier barrier_id(%barrier3A_43)
    %eq3A = arith.constant 0 : i32
    %eq3A_44 = arith.cmpi eq, %arg0, %eq3A : i32
    %convert_element_type3A = arith.extui %eq3A_44 : i1 to i32
    %cond3A = arith.constant 0 : i32
    %cond3A_45 = arith.cmpi ne, %convert_element_type3A, %cond3A : i32
    scf.if %cond3A_45 {
      %run_scoped3A = arith.constant 0 : i32
      "tpu.region"() ({
        %run_scoped3A_61 = tpu.sem_alloc : memref<!tpu.dma_semaphore, #tpu.memory_space<semaphore_mem>>
        %dma_start3A = tpu.memref_slice %arg6[%run_scoped3A, %mul3A_2] : memref<2x10240xf32, #tpu.memory_space<hbm>> -> memref<1x640xf32, #tpu.memory_space<hbm>>
        %dma_start3A_62 = tpu.memref_squeeze %dma_start3A : memref<1x640xf32, #tpu.memory_space<hbm>> -> memref<640xf32, #tpu.memory_space<hbm>>
        %dma_start3A_63 = tpu.memref_slice %arg12[%mul3A_2] : memref<10240xf32, #tpu.memory_space<vmem_shared>> -> memref<640xf32, #tpu.memory_space<vmem_shared>>
        tpu.enqueue_dma source(%dma_start3A_63 : memref<640xf32, #tpu.memory_space<vmem_shared>>) target(%dma_start3A_62 : memref<640xf32, #tpu.memory_space<hbm>>) target_semaphore(%run_scoped3A_61 : memref<!tpu.dma_semaphore, #tpu.memory_space<semaphore_mem>>)
        %dma_wait3A_64 = tpu.memref_slice %arg6[%run_scoped3A, %mul3A_2] : memref<2x10240xf32, #tpu.memory_space<hbm>> -> memref<1x640xf32, #tpu.memory_space<hbm>>
        %dma_wait3A_65 = tpu.memref_squeeze %dma_wait3A_64 : memref<1x640xf32, #tpu.memory_space<hbm>> -> memref<640xf32, #tpu.memory_space<hbm>>
        %dma_wait3A_66 = tpu.memref_slice %arg12[%mul3A_2] : memref<10240xf32, #tpu.memory_space<vmem_shared>> -> memref<640xf32, #tpu.memory_space<vmem_shared>>
        tpu.wait_dma2 semaphore(%run_scoped3A_61 : memref<!tpu.dma_semaphore, #tpu.memory_space<semaphore_mem>>) src(%dma_wait3A_66 : memref<640xf32, #tpu.memory_space<vmem_shared>>) dst(%dma_wait3A_65 : memref<640xf32, #tpu.memory_space<hbm>>)
        tpu.yield
      }) : () -> ()
    } else {
    }
    %eq3A_46 = arith.constant 1 : i32
    %eq3A_47 = arith.cmpi eq, %arg0, %eq3A_46 : i32
    %convert_element_type3A_48 = arith.extui %eq3A_47 : i1 to i32
    %cond3A_49 = arith.constant 0 : i32
    %cond3A_50 = arith.cmpi ne, %convert_element_type3A_48, %cond3A_49 : i32
    scf.if %cond3A_50 {
      %run_scoped3A = arith.constant 1 : i32
      "tpu.region"() ({
        %run_scoped3A_61 = tpu.sem_alloc : memref<!tpu.dma_semaphore, #tpu.memory_space<semaphore_mem>>
        %dma_start3A = tpu.memref_slice %arg6[%run_scoped3A, %mul3A_2] : memref<2x10240xf32, #tpu.memory_space<hbm>> -> memref<1x640xf32, #tpu.memory_space<hbm>>
        %dma_start3A_62 = tpu.memref_squeeze %dma_start3A : memref<1x640xf32, #tpu.memory_space<hbm>> -> memref<640xf32, #tpu.memory_space<hbm>>
        %dma_start3A_63 = tpu.memref_slice %arg12[%mul3A_2] : memref<10240xf32, #tpu.memory_space<vmem_shared>> -> memref<640xf32, #tpu.memory_space<vmem_shared>>
        tpu.enqueue_dma source(%dma_start3A_63 : memref<640xf32, #tpu.memory_space<vmem_shared>>) target(%dma_start3A_62 : memref<640xf32, #tpu.memory_space<hbm>>) target_semaphore(%run_scoped3A_61 : memref<!tpu.dma_semaphore, #tpu.memory_space<semaphore_mem>>)
        %dma_wait3A_64 = tpu.memref_slice %arg6[%run_scoped3A, %mul3A_2] : memref<2x10240xf32, #tpu.memory_space<hbm>> -> memref<1x640xf32, #tpu.memory_space<hbm>>
        %dma_wait3A_65 = tpu.memref_squeeze %dma_wait3A_64 : memref<1x640xf32, #tpu.memory_space<hbm>> -> memref<640xf32, #tpu.memory_space<hbm>>
        %dma_wait3A_66 = tpu.memref_slice %arg12[%mul3A_2] : memref<10240xf32, #tpu.memory_space<vmem_shared>> -> memref<640xf32, #tpu.memory_space<vmem_shared>>
        tpu.wait_dma2 semaphore(%run_scoped3A_61 : memref<!tpu.dma_semaphore, #tpu.memory_space<semaphore_mem>>) src(%dma_wait3A_66 : memref<640xf32, #tpu.memory_space<vmem_shared>>) dst(%dma_wait3A_65 : memref<640xf32, #tpu.memory_space<hbm>>)
        tpu.yield
      }) : () -> ()
    } else {
    }
    %eq3A_51 = arith.constant 0 : i32
    %eq3A_52 = arith.cmpi eq, %arg0, %eq3A_51 : i32
    %convert_element_type3A_53 = arith.extui %eq3A_52 : i1 to i32
    %cond3A_54 = arith.constant 0 : i32
    %cond3A_55 = arith.cmpi ne, %convert_element_type3A_53, %cond3A_54 : i32
    scf.if %cond3A_55 {
      %run_scoped3A = arith.constant 0 : i32
      "tpu.region"() ({
        %run_scoped3A_61 = tpu.sem_alloc : memref<!tpu.dma_semaphore, #tpu.memory_space<semaphore_mem>>
        %dma_start3A = tpu.memref_slice %arg7[%run_scoped3A, %mul3A_2] : memref<2x10240xf32, #tpu.memory_space<hbm>> -> memref<1x640xf32, #tpu.memory_space<hbm>>
        %dma_start3A_62 = tpu.memref_squeeze %dma_start3A : memref<1x640xf32, #tpu.memory_space<hbm>> -> memref<640xf32, #tpu.memory_space<hbm>>
        %dma_start3A_63 = tpu.memref_slice %arg13[%mul3A_2] : memref<10240xf32, #tpu.memory_space<vmem_shared>> -> memref<640xf32, #tpu.memory_space<vmem_shared>>
        tpu.enqueue_dma source(%dma_start3A_63 : memref<640xf32, #tpu.memory_space<vmem_shared>>) target(%dma_start3A_62 : memref<640xf32, #tpu.memory_space<hbm>>) target_semaphore(%run_scoped3A_61 : memref<!tpu.dma_semaphore, #tpu.memory_space<semaphore_mem>>)
        %dma_wait3A_64 = tpu.memref_slice %arg7[%run_scoped3A, %mul3A_2] : memref<2x10240xf32, #tpu.memory_space<hbm>> -> memref<1x640xf32, #tpu.memory_space<hbm>>
        %dma_wait3A_65 = tpu.memref_squeeze %dma_wait3A_64 : memref<1x640xf32, #tpu.memory_space<hbm>> -> memref<640xf32, #tpu.memory_space<hbm>>
        %dma_wait3A_66 = tpu.memref_slice %arg13[%mul3A_2] : memref<10240xf32, #tpu.memory_space<vmem_shared>> -> memref<640xf32, #tpu.memory_space<vmem_shared>>
        tpu.wait_dma2 semaphore(%run_scoped3A_61 : memref<!tpu.dma_semaphore, #tpu.memory_space<semaphore_mem>>) src(%dma_wait3A_66 : memref<640xf32, #tpu.memory_space<vmem_shared>>) dst(%dma_wait3A_65 : memref<640xf32, #tpu.memory_space<hbm>>)
        tpu.yield
      }) : () -> ()
    } else {
    }
    %eq3A_56 = arith.constant 1 : i32
    %eq3A_57 = arith.cmpi eq, %arg0, %eq3A_56 : i32
    %convert_element_type3A_58 = arith.extui %eq3A_57 : i1 to i32
    %cond3A_59 = arith.constant 0 : i32
    %cond3A_60 = arith.cmpi ne, %convert_element_type3A_58, %cond3A_59 : i32
    scf.if %cond3A_60 {
      %run_scoped3A = arith.constant 1 : i32
      "tpu.region"() ({
        %run_scoped3A_61 = tpu.sem_alloc : memref<!tpu.dma_semaphore, #tpu.memory_space<semaphore_mem>>
        %dma_start3A = tpu.memref_slice %arg7[%run_scoped3A, %mul3A_2] : memref<2x10240xf32, #tpu.memory_space<hbm>> -> memref<1x640xf32, #tpu.memory_space<hbm>>
        %dma_start3A_62 = tpu.memref_squeeze %dma_start3A : memref<1x640xf32, #tpu.memory_space<hbm>> -> memref<640xf32, #tpu.memory_space<hbm>>
        %dma_start3A_63 = tpu.memref_slice %arg13[%mul3A_2] : memref<10240xf32, #tpu.memory_space<vmem_shared>> -> memref<640xf32, #tpu.memory_space<vmem_shared>>
        tpu.enqueue_dma source(%dma_start3A_63 : memref<640xf32, #tpu.memory_space<vmem_shared>>) target(%dma_start3A_62 : memref<640xf32, #tpu.memory_space<hbm>>) target_semaphore(%run_scoped3A_61 : memref<!tpu.dma_semaphore, #tpu.memory_space<semaphore_mem>>)
        %dma_wait3A_64 = tpu.memref_slice %arg7[%run_scoped3A, %mul3A_2] : memref<2x10240xf32, #tpu.memory_space<hbm>> -> memref<1x640xf32, #tpu.memory_space<hbm>>
        %dma_wait3A_65 = tpu.memref_squeeze %dma_wait3A_64 : memref<1x640xf32, #tpu.memory_space<hbm>> -> memref<640xf32, #tpu.memory_space<hbm>>
        %dma_wait3A_66 = tpu.memref_slice %arg13[%mul3A_2] : memref<10240xf32, #tpu.memory_space<vmem_shared>> -> memref<640xf32, #tpu.memory_space<vmem_shared>>
        tpu.wait_dma2 semaphore(%run_scoped3A_61 : memref<!tpu.dma_semaphore, #tpu.memory_space<semaphore_mem>>) src(%dma_wait3A_66 : memref<640xf32, #tpu.memory_space<vmem_shared>>) dst(%dma_wait3A_65 : memref<640xf32, #tpu.memory_space<hbm>>)
        tpu.yield
      }) : () -> ()
    } else {
    }
    return
  }
}

#map = affine_map<(d0, d1) -> (0, 0)>
#map1 = affine_map<(d0, d1) -> (0, 0, 0)>
module attributes {stable_mosaic.version = 14 : i64} {
  func.func @_agg_body(%arg0: i32, %arg1: i32, %arg2: memref<10240x128xf32, #tpu.memory_space<hbm>>, %arg3: memref<32x80x128xi32, #tpu.memory_space<hbm>>, %arg4: memref<32x80x128xi32, #tpu.memory_space<hbm>>, %arg5: memref<128x128xf32, #tpu.memory_space<hbm>>, %arg6: memref<2x10240x128xf32, #tpu.memory_space<hbm>>, %arg7: memref<40x128xi32, #tpu.memory_space<vmem>>, %arg8: memref<40x128xi32, #tpu.memory_space<vmem>>, %arg9: memref<128x128xf32, #tpu.memory_space<vmem>>, %arg10: memref<128x128xf32, #tpu.memory_space<vmem>>, %arg11: memref<10240x128xf32, #tpu.memory_space<vmem_shared>>, %arg12: memref<!tpu.dma_semaphore, #tpu.memory_space<semaphore_mem>>, %arg13: memref<!tpu.dma_semaphore, #tpu.memory_space<semaphore_mem>>, %arg14: memref<!tpu.dma_semaphore, #tpu.memory_space<semaphore_mem>>, %arg15: memref<!tpu.dma_semaphore, #tpu.memory_space<semaphore_mem>>) attributes {dimension_semantics = [#tpu.dimension_semantics<core_parallel>, #tpu.dimension_semantics<subcore_parallel>], iteration_bounds = array<i64: 2, 16>, scalar_prefetch = 0 : i64, scratch_operands = 9 : i64, tpu.core_type = #tpu.core_type<sc_vector_subcore>, window_params = [{transform_indices = #map}, {transform_indices = #map1}, {transform_indices = #map1}, {transform_indices = #map}, {transform_indices = #map1}]} {
    %mul3A = arith.constant 16 : i32
    %mul3A_0 = arith.muli %arg0, %mul3A : i32
    %add3A = arith.addi %mul3A_0, %arg1 : i32
    %mul3A_1 = arith.constant 640 : i32
    %mul3A_2 = arith.muli %arg1, %mul3A_1 : i32
    "tpu.region"() ({
      %run_scoped3A = tpu.sem_alloc : memref<!tpu.dma_semaphore, #tpu.memory_space<semaphore_mem>>
      tpu.enqueue_dma source(%arg5 : memref<128x128xf32, #tpu.memory_space<hbm>>) target(%arg9 : memref<128x128xf32, #tpu.memory_space<vmem>>) target_semaphore(%run_scoped3A : memref<!tpu.dma_semaphore, #tpu.memory_space<semaphore_mem>>)
      tpu.wait_dma2 semaphore(%run_scoped3A : memref<!tpu.dma_semaphore, #tpu.memory_space<semaphore_mem>>) src(%arg5 : memref<128x128xf32, #tpu.memory_space<hbm>>) dst(%arg9 : memref<128x128xf32, #tpu.memory_space<vmem>>)
      tpu.yield
    }) : () -> ()
    %add3A_3 = arith.constant 0 : i32
    %add3A_4 = arith.addi %mul3A_2, %add3A_3 : i32
    "tpu.region"() ({
      %run_scoped3A = tpu.sem_alloc : memref<!tpu.dma_semaphore, #tpu.memory_space<semaphore_mem>>
      %dma_start3A_156 = arith.constant 0 : i32
      %dma_start3A_157 = tpu.memref_slice %arg11[%add3A_4, %dma_start3A_156] : memref<10240x128xf32, #tpu.memory_space<vmem_shared>> -> memref<128x128xf32, #tpu.memory_space<vmem_shared>>
      %dma_start3A_158 = arith.constant 0 : i32
      %dma_start3A_159 = tpu.memref_slice %arg11[%add3A_4, %dma_start3A_158] : memref<10240x128xf32, #tpu.memory_space<vmem_shared>> -> memref<128x128xf32, #tpu.memory_space<vmem_shared>>
      tpu.enqueue_dma source(%arg9 : memref<128x128xf32, #tpu.memory_space<vmem>>) target(%dma_start3A_159 : memref<128x128xf32, #tpu.memory_space<vmem_shared>>) target_semaphore(%run_scoped3A : memref<!tpu.dma_semaphore, #tpu.memory_space<semaphore_mem>>)
      %dma_wait3A_160 = arith.constant 0 : i32
      %dma_wait3A_161 = tpu.memref_slice %arg11[%add3A_4, %dma_wait3A_160] : memref<10240x128xf32, #tpu.memory_space<vmem_shared>> -> memref<128x128xf32, #tpu.memory_space<vmem_shared>>
      %dma_wait3A_162 = arith.constant 0 : i32
      %dma_wait3A_163 = tpu.memref_slice %arg11[%add3A_4, %dma_wait3A_162] : memref<10240x128xf32, #tpu.memory_space<vmem_shared>> -> memref<128x128xf32, #tpu.memory_space<vmem_shared>>
      tpu.wait_dma2 semaphore(%run_scoped3A : memref<!tpu.dma_semaphore, #tpu.memory_space<semaphore_mem>>) src(%arg9 : memref<128x128xf32, #tpu.memory_space<vmem>>) dst(%dma_wait3A_163 : memref<128x128xf32, #tpu.memory_space<vmem_shared>>)
      tpu.yield
    }) : () -> ()
    %add3A_5 = arith.constant 128 : i32
    %add3A_6 = arith.addi %mul3A_2, %add3A_5 : i32
    "tpu.region"() ({
      %run_scoped3A = tpu.sem_alloc : memref<!tpu.dma_semaphore, #tpu.memory_space<semaphore_mem>>
      %dma_start3A_156 = arith.constant 0 : i32
      %dma_start3A_157 = tpu.memref_slice %arg11[%add3A_6, %dma_start3A_156] : memref<10240x128xf32, #tpu.memory_space<vmem_shared>> -> memref<128x128xf32, #tpu.memory_space<vmem_shared>>
      %dma_start3A_158 = arith.constant 0 : i32
      %dma_start3A_159 = tpu.memref_slice %arg11[%add3A_6, %dma_start3A_158] : memref<10240x128xf32, #tpu.memory_space<vmem_shared>> -> memref<128x128xf32, #tpu.memory_space<vmem_shared>>
      tpu.enqueue_dma source(%arg9 : memref<128x128xf32, #tpu.memory_space<vmem>>) target(%dma_start3A_159 : memref<128x128xf32, #tpu.memory_space<vmem_shared>>) target_semaphore(%run_scoped3A : memref<!tpu.dma_semaphore, #tpu.memory_space<semaphore_mem>>)
      %dma_wait3A_160 = arith.constant 0 : i32
      %dma_wait3A_161 = tpu.memref_slice %arg11[%add3A_6, %dma_wait3A_160] : memref<10240x128xf32, #tpu.memory_space<vmem_shared>> -> memref<128x128xf32, #tpu.memory_space<vmem_shared>>
      %dma_wait3A_162 = arith.constant 0 : i32
      %dma_wait3A_163 = tpu.memref_slice %arg11[%add3A_6, %dma_wait3A_162] : memref<10240x128xf32, #tpu.memory_space<vmem_shared>> -> memref<128x128xf32, #tpu.memory_space<vmem_shared>>
      tpu.wait_dma2 semaphore(%run_scoped3A : memref<!tpu.dma_semaphore, #tpu.memory_space<semaphore_mem>>) src(%arg9 : memref<128x128xf32, #tpu.memory_space<vmem>>) dst(%dma_wait3A_163 : memref<128x128xf32, #tpu.memory_space<vmem_shared>>)
      tpu.yield
    }) : () -> ()
    %add3A_7 = arith.constant 256 : i32
    %add3A_8 = arith.addi %mul3A_2, %add3A_7 : i32
    "tpu.region"() ({
      %run_scoped3A = tpu.sem_alloc : memref<!tpu.dma_semaphore, #tpu.memory_space<semaphore_mem>>
      %dma_start3A_156 = arith.constant 0 : i32
      %dma_start3A_157 = tpu.memref_slice %arg11[%add3A_8, %dma_start3A_156] : memref<10240x128xf32, #tpu.memory_space<vmem_shared>> -> memref<128x128xf32, #tpu.memory_space<vmem_shared>>
      %dma_start3A_158 = arith.constant 0 : i32
      %dma_start3A_159 = tpu.memref_slice %arg11[%add3A_8, %dma_start3A_158] : memref<10240x128xf32, #tpu.memory_space<vmem_shared>> -> memref<128x128xf32, #tpu.memory_space<vmem_shared>>
      tpu.enqueue_dma source(%arg9 : memref<128x128xf32, #tpu.memory_space<vmem>>) target(%dma_start3A_159 : memref<128x128xf32, #tpu.memory_space<vmem_shared>>) target_semaphore(%run_scoped3A : memref<!tpu.dma_semaphore, #tpu.memory_space<semaphore_mem>>)
      %dma_wait3A_160 = arith.constant 0 : i32
      %dma_wait3A_161 = tpu.memref_slice %arg11[%add3A_8, %dma_wait3A_160] : memref<10240x128xf32, #tpu.memory_space<vmem_shared>> -> memref<128x128xf32, #tpu.memory_space<vmem_shared>>
      %dma_wait3A_162 = arith.constant 0 : i32
      %dma_wait3A_163 = tpu.memref_slice %arg11[%add3A_8, %dma_wait3A_162] : memref<10240x128xf32, #tpu.memory_space<vmem_shared>> -> memref<128x128xf32, #tpu.memory_space<vmem_shared>>
      tpu.wait_dma2 semaphore(%run_scoped3A : memref<!tpu.dma_semaphore, #tpu.memory_space<semaphore_mem>>) src(%arg9 : memref<128x128xf32, #tpu.memory_space<vmem>>) dst(%dma_wait3A_163 : memref<128x128xf32, #tpu.memory_space<vmem_shared>>)
      tpu.yield
    }) : () -> ()
    %add3A_9 = arith.constant 384 : i32
    %add3A_10 = arith.addi %mul3A_2, %add3A_9 : i32
    "tpu.region"() ({
      %run_scoped3A = tpu.sem_alloc : memref<!tpu.dma_semaphore, #tpu.memory_space<semaphore_mem>>
      %dma_start3A_156 = arith.constant 0 : i32
      %dma_start3A_157 = tpu.memref_slice %arg11[%add3A_10, %dma_start3A_156] : memref<10240x128xf32, #tpu.memory_space<vmem_shared>> -> memref<128x128xf32, #tpu.memory_space<vmem_shared>>
      %dma_start3A_158 = arith.constant 0 : i32
      %dma_start3A_159 = tpu.memref_slice %arg11[%add3A_10, %dma_start3A_158] : memref<10240x128xf32, #tpu.memory_space<vmem_shared>> -> memref<128x128xf32, #tpu.memory_space<vmem_shared>>
      tpu.enqueue_dma source(%arg9 : memref<128x128xf32, #tpu.memory_space<vmem>>) target(%dma_start3A_159 : memref<128x128xf32, #tpu.memory_space<vmem_shared>>) target_semaphore(%run_scoped3A : memref<!tpu.dma_semaphore, #tpu.memory_space<semaphore_mem>>)
      %dma_wait3A_160 = arith.constant 0 : i32
      %dma_wait3A_161 = tpu.memref_slice %arg11[%add3A_10, %dma_wait3A_160] : memref<10240x128xf32, #tpu.memory_space<vmem_shared>> -> memref<128x128xf32, #tpu.memory_space<vmem_shared>>
      %dma_wait3A_162 = arith.constant 0 : i32
      %dma_wait3A_163 = tpu.memref_slice %arg11[%add3A_10, %dma_wait3A_162] : memref<10240x128xf32, #tpu.memory_space<vmem_shared>> -> memref<128x128xf32, #tpu.memory_space<vmem_shared>>
      tpu.wait_dma2 semaphore(%run_scoped3A : memref<!tpu.dma_semaphore, #tpu.memory_space<semaphore_mem>>) src(%arg9 : memref<128x128xf32, #tpu.memory_space<vmem>>) dst(%dma_wait3A_163 : memref<128x128xf32, #tpu.memory_space<vmem_shared>>)
      tpu.yield
    }) : () -> ()
    %add3A_11 = arith.constant 512 : i32
    %add3A_12 = arith.addi %mul3A_2, %add3A_11 : i32
    "tpu.region"() ({
      %run_scoped3A = tpu.sem_alloc : memref<!tpu.dma_semaphore, #tpu.memory_space<semaphore_mem>>
      %dma_start3A_156 = arith.constant 0 : i32
      %dma_start3A_157 = tpu.memref_slice %arg11[%add3A_12, %dma_start3A_156] : memref<10240x128xf32, #tpu.memory_space<vmem_shared>> -> memref<128x128xf32, #tpu.memory_space<vmem_shared>>
      %dma_start3A_158 = arith.constant 0 : i32
      %dma_start3A_159 = tpu.memref_slice %arg11[%add3A_12, %dma_start3A_158] : memref<10240x128xf32, #tpu.memory_space<vmem_shared>> -> memref<128x128xf32, #tpu.memory_space<vmem_shared>>
      tpu.enqueue_dma source(%arg9 : memref<128x128xf32, #tpu.memory_space<vmem>>) target(%dma_start3A_159 : memref<128x128xf32, #tpu.memory_space<vmem_shared>>) target_semaphore(%run_scoped3A : memref<!tpu.dma_semaphore, #tpu.memory_space<semaphore_mem>>)
      %dma_wait3A_160 = arith.constant 0 : i32
      %dma_wait3A_161 = tpu.memref_slice %arg11[%add3A_12, %dma_wait3A_160] : memref<10240x128xf32, #tpu.memory_space<vmem_shared>> -> memref<128x128xf32, #tpu.memory_space<vmem_shared>>
      %dma_wait3A_162 = arith.constant 0 : i32
      %dma_wait3A_163 = tpu.memref_slice %arg11[%add3A_12, %dma_wait3A_162] : memref<10240x128xf32, #tpu.memory_space<vmem_shared>> -> memref<128x128xf32, #tpu.memory_space<vmem_shared>>
      tpu.wait_dma2 semaphore(%run_scoped3A : memref<!tpu.dma_semaphore, #tpu.memory_space<semaphore_mem>>) src(%arg9 : memref<128x128xf32, #tpu.memory_space<vmem>>) dst(%dma_wait3A_163 : memref<128x128xf32, #tpu.memory_space<vmem_shared>>)
      tpu.yield
    }) : () -> ()
    %barrier3A = arith.constant 0 : index
    tpu.barrier barrier_id(%barrier3A)
    "tpu.region"() ({
      %run_scoped3A = tpu.sem_alloc : memref<!tpu.dma_semaphore, #tpu.memory_space<semaphore_mem>>
      %dma_start3A_156 = arith.constant 0 : i32
      %dma_start3A_157 = arith.constant 0 : i32
      %dma_start3A_158 = tpu.memref_slice %arg3[%add3A, %dma_start3A_156, %dma_start3A_157] : memref<32x80x128xi32, #tpu.memory_space<hbm>> -> memref<1x40x128xi32, #tpu.memory_space<hbm>>
      %dma_start3A_159 = tpu.memref_squeeze %dma_start3A_158 : memref<1x40x128xi32, #tpu.memory_space<hbm>> -> memref<40x128xi32, #tpu.memory_space<hbm>>
      %dma_start3A_160 = arith.constant 0 : i32
      %dma_start3A_161 = arith.constant 0 : i32
      %dma_start3A_162 = tpu.memref_slice %arg3[%add3A, %dma_start3A_160, %dma_start3A_161] : memref<32x80x128xi32, #tpu.memory_space<hbm>> -> memref<1x40x128xi32, #tpu.memory_space<hbm>>
      %dma_start3A_163 = tpu.memref_squeeze %dma_start3A_162 : memref<1x40x128xi32, #tpu.memory_space<hbm>> -> memref<40x128xi32, #tpu.memory_space<hbm>>
      tpu.enqueue_dma source(%dma_start3A_163 : memref<40x128xi32, #tpu.memory_space<hbm>>) target(%arg7 : memref<40x128xi32, #tpu.memory_space<vmem>>) target_semaphore(%run_scoped3A : memref<!tpu.dma_semaphore, #tpu.memory_space<semaphore_mem>>)
      %dma_wait3A_164 = arith.constant 0 : i32
      %dma_wait3A_165 = arith.constant 0 : i32
      %dma_wait3A_166 = tpu.memref_slice %arg3[%add3A, %dma_wait3A_164, %dma_wait3A_165] : memref<32x80x128xi32, #tpu.memory_space<hbm>> -> memref<1x40x128xi32, #tpu.memory_space<hbm>>
      %dma_wait3A_167 = tpu.memref_squeeze %dma_wait3A_166 : memref<1x40x128xi32, #tpu.memory_space<hbm>> -> memref<40x128xi32, #tpu.memory_space<hbm>>
      %dma_wait3A_168 = arith.constant 0 : i32
      %dma_wait3A_169 = arith.constant 0 : i32
      %dma_wait3A_170 = tpu.memref_slice %arg3[%add3A, %dma_wait3A_168, %dma_wait3A_169] : memref<32x80x128xi32, #tpu.memory_space<hbm>> -> memref<1x40x128xi32, #tpu.memory_space<hbm>>
      %dma_wait3A_171 = tpu.memref_squeeze %dma_wait3A_170 : memref<1x40x128xi32, #tpu.memory_space<hbm>> -> memref<40x128xi32, #tpu.memory_space<hbm>>
      tpu.wait_dma2 semaphore(%run_scoped3A : memref<!tpu.dma_semaphore, #tpu.memory_space<semaphore_mem>>) src(%dma_wait3A_171 : memref<40x128xi32, #tpu.memory_space<hbm>>) dst(%arg7 : memref<40x128xi32, #tpu.memory_space<vmem>>)
      tpu.yield
    }) : () -> ()
    "tpu.region"() ({
      %run_scoped3A = tpu.sem_alloc : memref<!tpu.dma_semaphore, #tpu.memory_space<semaphore_mem>>
      %dma_start3A_156 = arith.constant 0 : i32
      %dma_start3A_157 = arith.constant 0 : i32
      %dma_start3A_158 = tpu.memref_slice %arg4[%add3A, %dma_start3A_156, %dma_start3A_157] : memref<32x80x128xi32, #tpu.memory_space<hbm>> -> memref<1x40x128xi32, #tpu.memory_space<hbm>>
      %dma_start3A_159 = tpu.memref_squeeze %dma_start3A_158 : memref<1x40x128xi32, #tpu.memory_space<hbm>> -> memref<40x128xi32, #tpu.memory_space<hbm>>
      %dma_start3A_160 = arith.constant 0 : i32
      %dma_start3A_161 = arith.constant 0 : i32
      %dma_start3A_162 = tpu.memref_slice %arg4[%add3A, %dma_start3A_160, %dma_start3A_161] : memref<32x80x128xi32, #tpu.memory_space<hbm>> -> memref<1x40x128xi32, #tpu.memory_space<hbm>>
      %dma_start3A_163 = tpu.memref_squeeze %dma_start3A_162 : memref<1x40x128xi32, #tpu.memory_space<hbm>> -> memref<40x128xi32, #tpu.memory_space<hbm>>
      tpu.enqueue_dma source(%dma_start3A_163 : memref<40x128xi32, #tpu.memory_space<hbm>>) target(%arg8 : memref<40x128xi32, #tpu.memory_space<vmem>>) target_semaphore(%run_scoped3A : memref<!tpu.dma_semaphore, #tpu.memory_space<semaphore_mem>>)
      %dma_wait3A_164 = arith.constant 0 : i32
      %dma_wait3A_165 = arith.constant 0 : i32
      %dma_wait3A_166 = tpu.memref_slice %arg4[%add3A, %dma_wait3A_164, %dma_wait3A_165] : memref<32x80x128xi32, #tpu.memory_space<hbm>> -> memref<1x40x128xi32, #tpu.memory_space<hbm>>
      %dma_wait3A_167 = tpu.memref_squeeze %dma_wait3A_166 : memref<1x40x128xi32, #tpu.memory_space<hbm>> -> memref<40x128xi32, #tpu.memory_space<hbm>>
      %dma_wait3A_168 = arith.constant 0 : i32
      %dma_wait3A_169 = arith.constant 0 : i32
      %dma_wait3A_170 = tpu.memref_slice %arg4[%add3A, %dma_wait3A_168, %dma_wait3A_169] : memref<32x80x128xi32, #tpu.memory_space<hbm>> -> memref<1x40x128xi32, #tpu.memory_space<hbm>>
      %dma_wait3A_171 = tpu.memref_squeeze %dma_wait3A_170 : memref<1x40x128xi32, #tpu.memory_space<hbm>> -> memref<40x128xi32, #tpu.memory_space<hbm>>
      tpu.wait_dma2 semaphore(%run_scoped3A : memref<!tpu.dma_semaphore, #tpu.memory_space<semaphore_mem>>) src(%dma_wait3A_171 : memref<40x128xi32, #tpu.memory_space<hbm>>) dst(%arg8 : memref<40x128xi32, #tpu.memory_space<vmem>>)
      tpu.yield
    }) : () -> ()
    %dma_start3A = arith.constant 0 : i32
    %dma_start3A_13 = arith.constant 0 : i32
    %dma_start3A_14 = tpu.memref_slice %arg7[%dma_start3A, %dma_start3A_13] : memref<40x128xi32, #tpu.memory_space<vmem>> -> memref<1x128xi32, #tpu.memory_space<vmem>>
    %dma_start3A_15 = tpu.memref_squeeze %dma_start3A_14 : memref<1x128xi32, #tpu.memory_space<vmem>> -> memref<128xi32, #tpu.memory_space<vmem>>
    %dma_start3A_16 = arith.constant 0 : i32
    %dma_start3A_17 = arith.constant 0 : i32
    %dma_start3A_18 = tpu.memref_slice %arg2[%dma_start3A_16, %dma_start3A_17] : memref<10240x128xf32, #tpu.memory_space<hbm>> -> memref<10240x128xf32, #tpu.memory_space<hbm>>
    tpu.enqueue_indirect_dma source(%dma_start3A_18 : memref<10240x128xf32, #tpu.memory_space<hbm>>) target(%arg9 : memref<128x128xf32, #tpu.memory_space<vmem>>) offsets(%dma_start3A_15 : memref<128xi32, #tpu.memory_space<vmem>>) semaphore(%arg12 : memref<!tpu.dma_semaphore, #tpu.memory_space<semaphore_mem>>)
    %dma_start3A_19 = arith.constant 1 : i32
    %dma_start3A_20 = arith.constant 0 : i32
    %dma_start3A_21 = tpu.memref_slice %arg7[%dma_start3A_19, %dma_start3A_20] : memref<40x128xi32, #tpu.memory_space<vmem>> -> memref<1x128xi32, #tpu.memory_space<vmem>>
    %dma_start3A_22 = tpu.memref_squeeze %dma_start3A_21 : memref<1x128xi32, #tpu.memory_space<vmem>> -> memref<128xi32, #tpu.memory_space<vmem>>
    %dma_start3A_23 = arith.constant 0 : i32
    %dma_start3A_24 = arith.constant 0 : i32
    %dma_start3A_25 = tpu.memref_slice %arg2[%dma_start3A_23, %dma_start3A_24] : memref<10240x128xf32, #tpu.memory_space<hbm>> -> memref<10240x128xf32, #tpu.memory_space<hbm>>
    tpu.enqueue_indirect_dma source(%dma_start3A_25 : memref<10240x128xf32, #tpu.memory_space<hbm>>) target(%arg10 : memref<128x128xf32, #tpu.memory_space<vmem>>) offsets(%dma_start3A_22 : memref<128xi32, #tpu.memory_space<vmem>>) semaphore(%arg13 : memref<!tpu.dma_semaphore, #tpu.memory_space<semaphore_mem>>)
    %dma_wait3A = arith.constant 0 : i32
    %dma_wait3A_26 = arith.constant 0 : i32
    %dma_wait3A_27 = tpu.memref_slice %arg7[%dma_wait3A, %dma_wait3A_26] : memref<40x128xi32, #tpu.memory_space<vmem>> -> memref<1x128xi32, #tpu.memory_space<vmem>>
    %dma_wait3A_28 = tpu.memref_squeeze %dma_wait3A_27 : memref<1x128xi32, #tpu.memory_space<vmem>> -> memref<128xi32, #tpu.memory_space<vmem>>
    %dma_wait3A_29 = arith.constant 0 : i32
    %dma_wait3A_30 = arith.constant 0 : i32
    %dma_wait3A_31 = tpu.memref_slice %arg2[%dma_wait3A_29, %dma_wait3A_30] : memref<10240x128xf32, #tpu.memory_space<hbm>> -> memref<10240x128xf32, #tpu.memory_space<hbm>>
    tpu.wait_indirect_dma semaphore(%arg12 : memref<!tpu.dma_semaphore, #tpu.memory_space<semaphore_mem>>) src(%dma_wait3A_31 : memref<10240x128xf32, #tpu.memory_space<hbm>>) dst(%arg9 : memref<128x128xf32, #tpu.memory_space<vmem>>)
    %dma_start3A_32 = arith.constant 0 : i32
    %dma_start3A_33 = arith.constant 0 : i32
    %dma_start3A_34 = tpu.memref_slice %arg8[%dma_start3A_32, %dma_start3A_33] : memref<40x128xi32, #tpu.memory_space<vmem>> -> memref<1x128xi32, #tpu.memory_space<vmem>>
    %dma_start3A_35 = tpu.memref_squeeze %dma_start3A_34 : memref<1x128xi32, #tpu.memory_space<vmem>> -> memref<128xi32, #tpu.memory_space<vmem>>
    %dma_start3A_36 = arith.constant 0 : i32
    %dma_start3A_37 = arith.constant 0 : i32
    %dma_start3A_38 = tpu.memref_slice %arg11[%dma_start3A_36, %dma_start3A_37] : memref<10240x128xf32, #tpu.memory_space<vmem_shared>> -> memref<10240x128xf32, #tpu.memory_space<vmem_shared>>
    tpu.enqueue_indirect_dma source(%arg9 : memref<128x128xf32, #tpu.memory_space<vmem>>) target(%dma_start3A_38 : memref<10240x128xf32, #tpu.memory_space<vmem_shared>>) offsets(%dma_start3A_35 : memref<128xi32, #tpu.memory_space<vmem>>) semaphore(%arg14 : memref<!tpu.dma_semaphore, #tpu.memory_space<semaphore_mem>>) {add = true}
    %dma_wait3A_39 = arith.constant 1 : i32
    %dma_wait3A_40 = arith.constant 0 : i32
    %dma_wait3A_41 = tpu.memref_slice %arg7[%dma_wait3A_39, %dma_wait3A_40] : memref<40x128xi32, #tpu.memory_space<vmem>> -> memref<1x128xi32, #tpu.memory_space<vmem>>
    %dma_wait3A_42 = tpu.memref_squeeze %dma_wait3A_41 : memref<1x128xi32, #tpu.memory_space<vmem>> -> memref<128xi32, #tpu.memory_space<vmem>>
    %dma_wait3A_43 = arith.constant 0 : i32
    %dma_wait3A_44 = arith.constant 0 : i32
    %dma_wait3A_45 = tpu.memref_slice %arg2[%dma_wait3A_43, %dma_wait3A_44] : memref<10240x128xf32, #tpu.memory_space<hbm>> -> memref<10240x128xf32, #tpu.memory_space<hbm>>
    tpu.wait_indirect_dma semaphore(%arg13 : memref<!tpu.dma_semaphore, #tpu.memory_space<semaphore_mem>>) src(%dma_wait3A_45 : memref<10240x128xf32, #tpu.memory_space<hbm>>) dst(%arg10 : memref<128x128xf32, #tpu.memory_space<vmem>>)
    %dma_start3A_46 = arith.constant 1 : i32
    %dma_start3A_47 = arith.constant 0 : i32
    %dma_start3A_48 = tpu.memref_slice %arg8[%dma_start3A_46, %dma_start3A_47] : memref<40x128xi32, #tpu.memory_space<vmem>> -> memref<1x128xi32, #tpu.memory_space<vmem>>
    %dma_start3A_49 = tpu.memref_squeeze %dma_start3A_48 : memref<1x128xi32, #tpu.memory_space<vmem>> -> memref<128xi32, #tpu.memory_space<vmem>>
    %dma_start3A_50 = arith.constant 0 : i32
    %dma_start3A_51 = arith.constant 0 : i32
    %dma_start3A_52 = tpu.memref_slice %arg11[%dma_start3A_50, %dma_start3A_51] : memref<10240x128xf32, #tpu.memory_space<vmem_shared>> -> memref<10240x128xf32, #tpu.memory_space<vmem_shared>>
    tpu.enqueue_indirect_dma source(%arg10 : memref<128x128xf32, #tpu.memory_space<vmem>>) target(%dma_start3A_52 : memref<10240x128xf32, #tpu.memory_space<vmem_shared>>) offsets(%dma_start3A_49 : memref<128xi32, #tpu.memory_space<vmem>>) semaphore(%arg15 : memref<!tpu.dma_semaphore, #tpu.memory_space<semaphore_mem>>) {add = true}
    %dma_wait3A_53 = arith.constant 0 : i32
    %dma_wait3A_54 = arith.constant 0 : i32
    %dma_wait3A_55 = tpu.memref_slice %arg8[%dma_wait3A_53, %dma_wait3A_54] : memref<40x128xi32, #tpu.memory_space<vmem>> -> memref<1x128xi32, #tpu.memory_space<vmem>>
    %dma_wait3A_56 = tpu.memref_squeeze %dma_wait3A_55 : memref<1x128xi32, #tpu.memory_space<vmem>> -> memref<128xi32, #tpu.memory_space<vmem>>
    %dma_wait3A_57 = arith.constant 0 : i32
    %dma_wait3A_58 = arith.constant 0 : i32
    %dma_wait3A_59 = tpu.memref_slice %arg11[%dma_wait3A_57, %dma_wait3A_58] : memref<10240x128xf32, #tpu.memory_space<vmem_shared>> -> memref<10240x128xf32, #tpu.memory_space<vmem_shared>>
    tpu.wait_indirect_dma semaphore(%arg14 : memref<!tpu.dma_semaphore, #tpu.memory_space<semaphore_mem>>) src(%arg9 : memref<128x128xf32, #tpu.memory_space<vmem>>) dst(%dma_wait3A_59 : memref<10240x128xf32, #tpu.memory_space<vmem_shared>>)
    %dma_start3A_60 = arith.constant 2 : i32
    %dma_start3A_61 = arith.constant 0 : i32
    %dma_start3A_62 = tpu.memref_slice %arg7[%dma_start3A_60, %dma_start3A_61] : memref<40x128xi32, #tpu.memory_space<vmem>> -> memref<1x128xi32, #tpu.memory_space<vmem>>
    %dma_start3A_63 = tpu.memref_squeeze %dma_start3A_62 : memref<1x128xi32, #tpu.memory_space<vmem>> -> memref<128xi32, #tpu.memory_space<vmem>>
    %dma_start3A_64 = arith.constant 0 : i32
    %dma_start3A_65 = arith.constant 0 : i32
    %dma_start3A_66 = tpu.memref_slice %arg2[%dma_start3A_64, %dma_start3A_65] : memref<10240x128xf32, #tpu.memory_space<hbm>> -> memref<10240x128xf32, #tpu.memory_space<hbm>>
    tpu.enqueue_indirect_dma source(%dma_start3A_66 : memref<10240x128xf32, #tpu.memory_space<hbm>>) target(%arg9 : memref<128x128xf32, #tpu.memory_space<vmem>>) offsets(%dma_start3A_63 : memref<128xi32, #tpu.memory_space<vmem>>) semaphore(%arg12 : memref<!tpu.dma_semaphore, #tpu.memory_space<semaphore_mem>>)
    %scan3A = arith.constant 0 : i32
    %scan3A_67 = arith.constant 1 : i32
    %scan3A_68 = arith.constant 19 : i32
    %scan3A_69 = arith.addi %scan3A_67, %scan3A_68 : i32
    %scan3A_70 = arith.constant 1 : i32
    scf.for %scan3A_156 = %scan3A_67 to %scan3A_69 step %scan3A_70  : i32 {
      %mul3A_157 = arith.constant 2 : i32
      %mul3A_158 = arith.muli %mul3A_157, %scan3A_156 : i32
      %dma_wait3A_159 = arith.constant 0 : i32
      %dma_wait3A_160 = tpu.memref_slice %arg7[%mul3A_158, %dma_wait3A_159] : memref<40x128xi32, #tpu.memory_space<vmem>> -> memref<1x128xi32, #tpu.memory_space<vmem>>
      %dma_wait3A_161 = tpu.memref_squeeze %dma_wait3A_160 : memref<1x128xi32, #tpu.memory_space<vmem>> -> memref<128xi32, #tpu.memory_space<vmem>>
      %dma_wait3A_162 = arith.constant 0 : i32
      %dma_wait3A_163 = arith.constant 0 : i32
      %dma_wait3A_164 = tpu.memref_slice %arg2[%dma_wait3A_162, %dma_wait3A_163] : memref<10240x128xf32, #tpu.memory_space<hbm>> -> memref<10240x128xf32, #tpu.memory_space<hbm>>
      tpu.wait_indirect_dma semaphore(%arg12 : memref<!tpu.dma_semaphore, #tpu.memory_space<semaphore_mem>>) src(%dma_wait3A_164 : memref<10240x128xf32, #tpu.memory_space<hbm>>) dst(%arg9 : memref<128x128xf32, #tpu.memory_space<vmem>>)
      %dma_start3A_165 = arith.constant 0 : i32
      %dma_start3A_166 = tpu.memref_slice %arg8[%mul3A_158, %dma_start3A_165] : memref<40x128xi32, #tpu.memory_space<vmem>> -> memref<1x128xi32, #tpu.memory_space<vmem>>
      %dma_start3A_167 = tpu.memref_squeeze %dma_start3A_166 : memref<1x128xi32, #tpu.memory_space<vmem>> -> memref<128xi32, #tpu.memory_space<vmem>>
      %dma_start3A_168 = arith.constant 0 : i32
      %dma_start3A_169 = arith.constant 0 : i32
      %dma_start3A_170 = tpu.memref_slice %arg11[%dma_start3A_168, %dma_start3A_169] : memref<10240x128xf32, #tpu.memory_space<vmem_shared>> -> memref<10240x128xf32, #tpu.memory_space<vmem_shared>>
      tpu.enqueue_indirect_dma source(%arg9 : memref<128x128xf32, #tpu.memory_space<vmem>>) target(%dma_start3A_170 : memref<10240x128xf32, #tpu.memory_space<vmem_shared>>) offsets(%dma_start3A_167 : memref<128xi32, #tpu.memory_space<vmem>>) semaphore(%arg14 : memref<!tpu.dma_semaphore, #tpu.memory_space<semaphore_mem>>) {add = true}
      %sub3A = arith.constant 1 : i32
      %sub3A_171 = arith.subi %mul3A_158, %sub3A : i32
      %dma_wait3A_172 = arith.constant 0 : i32
      %dma_wait3A_173 = tpu.memref_slice %arg8[%sub3A_171, %dma_wait3A_172] : memref<40x128xi32, #tpu.memory_space<vmem>> -> memref<1x128xi32, #tpu.memory_space<vmem>>
      %dma_wait3A_174 = tpu.memref_squeeze %dma_wait3A_173 : memref<1x128xi32, #tpu.memory_space<vmem>> -> memref<128xi32, #tpu.memory_space<vmem>>
      %dma_wait3A_175 = arith.constant 0 : i32
      %dma_wait3A_176 = arith.constant 0 : i32
      %dma_wait3A_177 = tpu.memref_slice %arg11[%dma_wait3A_175, %dma_wait3A_176] : memref<10240x128xf32, #tpu.memory_space<vmem_shared>> -> memref<10240x128xf32, #tpu.memory_space<vmem_shared>>
      tpu.wait_indirect_dma semaphore(%arg15 : memref<!tpu.dma_semaphore, #tpu.memory_space<semaphore_mem>>) src(%arg10 : memref<128x128xf32, #tpu.memory_space<vmem>>) dst(%dma_wait3A_177 : memref<10240x128xf32, #tpu.memory_space<vmem_shared>>)
      %add3A_178 = arith.constant 1 : i32
      %add3A_179 = arith.addi %mul3A_158, %add3A_178 : i32
      %dma_start3A_180 = arith.constant 0 : i32
      %dma_start3A_181 = tpu.memref_slice %arg7[%add3A_179, %dma_start3A_180] : memref<40x128xi32, #tpu.memory_space<vmem>> -> memref<1x128xi32, #tpu.memory_space<vmem>>
      %dma_start3A_182 = tpu.memref_squeeze %dma_start3A_181 : memref<1x128xi32, #tpu.memory_space<vmem>> -> memref<128xi32, #tpu.memory_space<vmem>>
      %dma_start3A_183 = arith.constant 0 : i32
      %dma_start3A_184 = arith.constant 0 : i32
      %dma_start3A_185 = tpu.memref_slice %arg2[%dma_start3A_183, %dma_start3A_184] : memref<10240x128xf32, #tpu.memory_space<hbm>> -> memref<10240x128xf32, #tpu.memory_space<hbm>>
      tpu.enqueue_indirect_dma source(%dma_start3A_185 : memref<10240x128xf32, #tpu.memory_space<hbm>>) target(%arg10 : memref<128x128xf32, #tpu.memory_space<vmem>>) offsets(%dma_start3A_182 : memref<128xi32, #tpu.memory_space<vmem>>) semaphore(%arg13 : memref<!tpu.dma_semaphore, #tpu.memory_space<semaphore_mem>>)
      %add3A_186 = arith.constant 1 : i32
      %add3A_187 = arith.addi %mul3A_158, %add3A_186 : i32
      %dma_wait3A_188 = arith.constant 0 : i32
      %dma_wait3A_189 = tpu.memref_slice %arg7[%add3A_187, %dma_wait3A_188] : memref<40x128xi32, #tpu.memory_space<vmem>> -> memref<1x128xi32, #tpu.memory_space<vmem>>
      %dma_wait3A_190 = tpu.memref_squeeze %dma_wait3A_189 : memref<1x128xi32, #tpu.memory_space<vmem>> -> memref<128xi32, #tpu.memory_space<vmem>>
      %dma_wait3A_191 = arith.constant 0 : i32
      %dma_wait3A_192 = arith.constant 0 : i32
      %dma_wait3A_193 = tpu.memref_slice %arg2[%dma_wait3A_191, %dma_wait3A_192] : memref<10240x128xf32, #tpu.memory_space<hbm>> -> memref<10240x128xf32, #tpu.memory_space<hbm>>
      tpu.wait_indirect_dma semaphore(%arg13 : memref<!tpu.dma_semaphore, #tpu.memory_space<semaphore_mem>>) src(%dma_wait3A_193 : memref<10240x128xf32, #tpu.memory_space<hbm>>) dst(%arg10 : memref<128x128xf32, #tpu.memory_space<vmem>>)
      %add3A_194 = arith.constant 1 : i32
      %add3A_195 = arith.addi %mul3A_158, %add3A_194 : i32
      %dma_start3A_196 = arith.constant 0 : i32
      %dma_start3A_197 = tpu.memref_slice %arg8[%add3A_195, %dma_start3A_196] : memref<40x128xi32, #tpu.memory_space<vmem>> -> memref<1x128xi32, #tpu.memory_space<vmem>>
      %dma_start3A_198 = tpu.memref_squeeze %dma_start3A_197 : memref<1x128xi32, #tpu.memory_space<vmem>> -> memref<128xi32, #tpu.memory_space<vmem>>
      %dma_start3A_199 = arith.constant 0 : i32
      %dma_start3A_200 = arith.constant 0 : i32
      %dma_start3A_201 = tpu.memref_slice %arg11[%dma_start3A_199, %dma_start3A_200] : memref<10240x128xf32, #tpu.memory_space<vmem_shared>> -> memref<10240x128xf32, #tpu.memory_space<vmem_shared>>
      tpu.enqueue_indirect_dma source(%arg10 : memref<128x128xf32, #tpu.memory_space<vmem>>) target(%dma_start3A_201 : memref<10240x128xf32, #tpu.memory_space<vmem_shared>>) offsets(%dma_start3A_198 : memref<128xi32, #tpu.memory_space<vmem>>) semaphore(%arg15 : memref<!tpu.dma_semaphore, #tpu.memory_space<semaphore_mem>>) {add = true}
      %dma_wait3A_202 = arith.constant 0 : i32
      %dma_wait3A_203 = tpu.memref_slice %arg8[%mul3A_158, %dma_wait3A_202] : memref<40x128xi32, #tpu.memory_space<vmem>> -> memref<1x128xi32, #tpu.memory_space<vmem>>
      %dma_wait3A_204 = tpu.memref_squeeze %dma_wait3A_203 : memref<1x128xi32, #tpu.memory_space<vmem>> -> memref<128xi32, #tpu.memory_space<vmem>>
      %dma_wait3A_205 = arith.constant 0 : i32
      %dma_wait3A_206 = arith.constant 0 : i32
      %dma_wait3A_207 = tpu.memref_slice %arg11[%dma_wait3A_205, %dma_wait3A_206] : memref<10240x128xf32, #tpu.memory_space<vmem_shared>> -> memref<10240x128xf32, #tpu.memory_space<vmem_shared>>
      tpu.wait_indirect_dma semaphore(%arg14 : memref<!tpu.dma_semaphore, #tpu.memory_space<semaphore_mem>>) src(%arg9 : memref<128x128xf32, #tpu.memory_space<vmem>>) dst(%dma_wait3A_207 : memref<10240x128xf32, #tpu.memory_space<vmem_shared>>)
      %add3A_208 = arith.constant 2 : i32
      %add3A_209 = arith.addi %mul3A_158, %add3A_208 : i32
      %lt3A = arith.constant 40 : i32
      %lt3A_210 = arith.cmpi slt, %add3A_209, %lt3A : i32
      %convert_element_type3A_211 = arith.extui %lt3A_210 : i1 to i32
      %cond3A_212 = arith.constant 0 : i32
      %cond3A_213 = arith.cmpi ne, %convert_element_type3A_211, %cond3A_212 : i32
      scf.if %cond3A_213 {
        %add3A_214 = arith.constant 2 : i32
        %add3A_215 = arith.addi %mul3A_158, %add3A_214 : i32
        %dma_start3A_216 = arith.constant 0 : i32
        %dma_start3A_217 = tpu.memref_slice %arg7[%add3A_215, %dma_start3A_216] : memref<40x128xi32, #tpu.memory_space<vmem>> -> memref<1x128xi32, #tpu.memory_space<vmem>>
        %dma_start3A_218 = tpu.memref_squeeze %dma_start3A_217 : memref<1x128xi32, #tpu.memory_space<vmem>> -> memref<128xi32, #tpu.memory_space<vmem>>
        %dma_start3A_219 = arith.constant 0 : i32
        %dma_start3A_220 = arith.constant 0 : i32
        %dma_start3A_221 = tpu.memref_slice %arg2[%dma_start3A_219, %dma_start3A_220] : memref<10240x128xf32, #tpu.memory_space<hbm>> -> memref<10240x128xf32, #tpu.memory_space<hbm>>
        tpu.enqueue_indirect_dma source(%dma_start3A_221 : memref<10240x128xf32, #tpu.memory_space<hbm>>) target(%arg9 : memref<128x128xf32, #tpu.memory_space<vmem>>) offsets(%dma_start3A_218 : memref<128xi32, #tpu.memory_space<vmem>>) semaphore(%arg12 : memref<!tpu.dma_semaphore, #tpu.memory_space<semaphore_mem>>)
      } else {
      }
    }
    %scan3A_71 = arith.constant 19 : i32
    %dma_wait3A_72 = arith.constant 39 : i32
    %dma_wait3A_73 = arith.constant 0 : i32
    %dma_wait3A_74 = tpu.memref_slice %arg8[%dma_wait3A_72, %dma_wait3A_73] : memref<40x128xi32, #tpu.memory_space<vmem>> -> memref<1x128xi32, #tpu.memory_space<vmem>>
    %dma_wait3A_75 = tpu.memref_squeeze %dma_wait3A_74 : memref<1x128xi32, #tpu.memory_space<vmem>> -> memref<128xi32, #tpu.memory_space<vmem>>
    %dma_wait3A_76 = arith.constant 0 : i32
    %dma_wait3A_77 = arith.constant 0 : i32
    %dma_wait3A_78 = tpu.memref_slice %arg11[%dma_wait3A_76, %dma_wait3A_77] : memref<10240x128xf32, #tpu.memory_space<vmem_shared>> -> memref<10240x128xf32, #tpu.memory_space<vmem_shared>>
    tpu.wait_indirect_dma semaphore(%arg15 : memref<!tpu.dma_semaphore, #tpu.memory_space<semaphore_mem>>) src(%arg10 : memref<128x128xf32, #tpu.memory_space<vmem>>) dst(%dma_wait3A_78 : memref<10240x128xf32, #tpu.memory_space<vmem_shared>>)
    "tpu.region"() ({
      %run_scoped3A = tpu.sem_alloc : memref<!tpu.dma_semaphore, #tpu.memory_space<semaphore_mem>>
      %dma_start3A_156 = arith.constant 40 : i32
      %dma_start3A_157 = arith.constant 0 : i32
      %dma_start3A_158 = tpu.memref_slice %arg3[%add3A, %dma_start3A_156, %dma_start3A_157] : memref<32x80x128xi32, #tpu.memory_space<hbm>> -> memref<1x40x128xi32, #tpu.memory_space<hbm>>
      %dma_start3A_159 = tpu.memref_squeeze %dma_start3A_158 : memref<1x40x128xi32, #tpu.memory_space<hbm>> -> memref<40x128xi32, #tpu.memory_space<hbm>>
      %dma_start3A_160 = arith.constant 40 : i32
      %dma_start3A_161 = arith.constant 0 : i32
      %dma_start3A_162 = tpu.memref_slice %arg3[%add3A, %dma_start3A_160, %dma_start3A_161] : memref<32x80x128xi32, #tpu.memory_space<hbm>> -> memref<1x40x128xi32, #tpu.memory_space<hbm>>
      %dma_start3A_163 = tpu.memref_squeeze %dma_start3A_162 : memref<1x40x128xi32, #tpu.memory_space<hbm>> -> memref<40x128xi32, #tpu.memory_space<hbm>>
      tpu.enqueue_dma source(%dma_start3A_163 : memref<40x128xi32, #tpu.memory_space<hbm>>) target(%arg7 : memref<40x128xi32, #tpu.memory_space<vmem>>) target_semaphore(%run_scoped3A : memref<!tpu.dma_semaphore, #tpu.memory_space<semaphore_mem>>)
      %dma_wait3A_164 = arith.constant 40 : i32
      %dma_wait3A_165 = arith.constant 0 : i32
      %dma_wait3A_166 = tpu.memref_slice %arg3[%add3A, %dma_wait3A_164, %dma_wait3A_165] : memref<32x80x128xi32, #tpu.memory_space<hbm>> -> memref<1x40x128xi32, #tpu.memory_space<hbm>>
      %dma_wait3A_167 = tpu.memref_squeeze %dma_wait3A_166 : memref<1x40x128xi32, #tpu.memory_space<hbm>> -> memref<40x128xi32, #tpu.memory_space<hbm>>
      %dma_wait3A_168 = arith.constant 40 : i32
      %dma_wait3A_169 = arith.constant 0 : i32
      %dma_wait3A_170 = tpu.memref_slice %arg3[%add3A, %dma_wait3A_168, %dma_wait3A_169] : memref<32x80x128xi32, #tpu.memory_space<hbm>> -> memref<1x40x128xi32, #tpu.memory_space<hbm>>
      %dma_wait3A_171 = tpu.memref_squeeze %dma_wait3A_170 : memref<1x40x128xi32, #tpu.memory_space<hbm>> -> memref<40x128xi32, #tpu.memory_space<hbm>>
      tpu.wait_dma2 semaphore(%run_scoped3A : memref<!tpu.dma_semaphore, #tpu.memory_space<semaphore_mem>>) src(%dma_wait3A_171 : memref<40x128xi32, #tpu.memory_space<hbm>>) dst(%arg7 : memref<40x128xi32, #tpu.memory_space<vmem>>)
      tpu.yield
    }) : () -> ()
    "tpu.region"() ({
      %run_scoped3A = tpu.sem_alloc : memref<!tpu.dma_semaphore, #tpu.memory_space<semaphore_mem>>
      %dma_start3A_156 = arith.constant 40 : i32
      %dma_start3A_157 = arith.constant 0 : i32
      %dma_start3A_158 = tpu.memref_slice %arg4[%add3A, %dma_start3A_156, %dma_start3A_157] : memref<32x80x128xi32, #tpu.memory_space<hbm>> -> memref<1x40x128xi32, #tpu.memory_space<hbm>>
      %dma_start3A_159 = tpu.memref_squeeze %dma_start3A_158 : memref<1x40x128xi32, #tpu.memory_space<hbm>> -> memref<40x128xi32, #tpu.memory_space<hbm>>
      %dma_start3A_160 = arith.constant 40 : i32
      %dma_start3A_161 = arith.constant 0 : i32
      %dma_start3A_162 = tpu.memref_slice %arg4[%add3A, %dma_start3A_160, %dma_start3A_161] : memref<32x80x128xi32, #tpu.memory_space<hbm>> -> memref<1x40x128xi32, #tpu.memory_space<hbm>>
      %dma_start3A_163 = tpu.memref_squeeze %dma_start3A_162 : memref<1x40x128xi32, #tpu.memory_space<hbm>> -> memref<40x128xi32, #tpu.memory_space<hbm>>
      tpu.enqueue_dma source(%dma_start3A_163 : memref<40x128xi32, #tpu.memory_space<hbm>>) target(%arg8 : memref<40x128xi32, #tpu.memory_space<vmem>>) target_semaphore(%run_scoped3A : memref<!tpu.dma_semaphore, #tpu.memory_space<semaphore_mem>>)
      %dma_wait3A_164 = arith.constant 40 : i32
      %dma_wait3A_165 = arith.constant 0 : i32
      %dma_wait3A_166 = tpu.memref_slice %arg4[%add3A, %dma_wait3A_164, %dma_wait3A_165] : memref<32x80x128xi32, #tpu.memory_space<hbm>> -> memref<1x40x128xi32, #tpu.memory_space<hbm>>
      %dma_wait3A_167 = tpu.memref_squeeze %dma_wait3A_166 : memref<1x40x128xi32, #tpu.memory_space<hbm>> -> memref<40x128xi32, #tpu.memory_space<hbm>>
      %dma_wait3A_168 = arith.constant 40 : i32
      %dma_wait3A_169 = arith.constant 0 : i32
      %dma_wait3A_170 = tpu.memref_slice %arg4[%add3A, %dma_wait3A_168, %dma_wait3A_169] : memref<32x80x128xi32, #tpu.memory_space<hbm>> -> memref<1x40x128xi32, #tpu.memory_space<hbm>>
      %dma_wait3A_171 = tpu.memref_squeeze %dma_wait3A_170 : memref<1x40x128xi32, #tpu.memory_space<hbm>> -> memref<40x128xi32, #tpu.memory_space<hbm>>
      tpu.wait_dma2 semaphore(%run_scoped3A : memref<!tpu.dma_semaphore, #tpu.memory_space<semaphore_mem>>) src(%dma_wait3A_171 : memref<40x128xi32, #tpu.memory_space<hbm>>) dst(%arg8 : memref<40x128xi32, #tpu.memory_space<vmem>>)
      tpu.yield
    }) : () -> ()
    %dma_start3A_79 = arith.constant 0 : i32
    %dma_start3A_80 = arith.constant 0 : i32
    %dma_start3A_81 = tpu.memref_slice %arg7[%dma_start3A_79, %dma_start3A_80] : memref<40x128xi32, #tpu.memory_space<vmem>> -> memref<1x128xi32, #tpu.memory_space<vmem>>
    %dma_start3A_82 = tpu.memref_squeeze %dma_start3A_81 : memref<1x128xi32, #tpu.memory_space<vmem>> -> memref<128xi32, #tpu.memory_space<vmem>>
    %dma_start3A_83 = arith.constant 0 : i32
    %dma_start3A_84 = arith.constant 0 : i32
    %dma_start3A_85 = tpu.memref_slice %arg2[%dma_start3A_83, %dma_start3A_84] : memref<10240x128xf32, #tpu.memory_space<hbm>> -> memref<10240x128xf32, #tpu.memory_space<hbm>>
    tpu.enqueue_indirect_dma source(%dma_start3A_85 : memref<10240x128xf32, #tpu.memory_space<hbm>>) target(%arg9 : memref<128x128xf32, #tpu.memory_space<vmem>>) offsets(%dma_start3A_82 : memref<128xi32, #tpu.memory_space<vmem>>) semaphore(%arg12 : memref<!tpu.dma_semaphore, #tpu.memory_space<semaphore_mem>>)
    %dma_start3A_86 = arith.constant 1 : i32
    %dma_start3A_87 = arith.constant 0 : i32
    %dma_start3A_88 = tpu.memref_slice %arg7[%dma_start3A_86, %dma_start3A_87] : memref<40x128xi32, #tpu.memory_space<vmem>> -> memref<1x128xi32, #tpu.memory_space<vmem>>
    %dma_start3A_89 = tpu.memref_squeeze %dma_start3A_88 : memref<1x128xi32, #tpu.memory_space<vmem>> -> memref<128xi32, #tpu.memory_space<vmem>>
    %dma_start3A_90 = arith.constant 0 : i32
    %dma_start3A_91 = arith.constant 0 : i32
    %dma_start3A_92 = tpu.memref_slice %arg2[%dma_start3A_90, %dma_start3A_91] : memref<10240x128xf32, #tpu.memory_space<hbm>> -> memref<10240x128xf32, #tpu.memory_space<hbm>>
    tpu.enqueue_indirect_dma source(%dma_start3A_92 : memref<10240x128xf32, #tpu.memory_space<hbm>>) target(%arg10 : memref<128x128xf32, #tpu.memory_space<vmem>>) offsets(%dma_start3A_89 : memref<128xi32, #tpu.memory_space<vmem>>) semaphore(%arg13 : memref<!tpu.dma_semaphore, #tpu.memory_space<semaphore_mem>>)
    %dma_wait3A_93 = arith.constant 0 : i32
    %dma_wait3A_94 = arith.constant 0 : i32
    %dma_wait3A_95 = tpu.memref_slice %arg7[%dma_wait3A_93, %dma_wait3A_94] : memref<40x128xi32, #tpu.memory_space<vmem>> -> memref<1x128xi32, #tpu.memory_space<vmem>>
    %dma_wait3A_96 = tpu.memref_squeeze %dma_wait3A_95 : memref<1x128xi32, #tpu.memory_space<vmem>> -> memref<128xi32, #tpu.memory_space<vmem>>
    %dma_wait3A_97 = arith.constant 0 : i32
    %dma_wait3A_98 = arith.constant 0 : i32
    %dma_wait3A_99 = tpu.memref_slice %arg2[%dma_wait3A_97, %dma_wait3A_98] : memref<10240x128xf32, #tpu.memory_space<hbm>> -> memref<10240x128xf32, #tpu.memory_space<hbm>>
    tpu.wait_indirect_dma semaphore(%arg12 : memref<!tpu.dma_semaphore, #tpu.memory_space<semaphore_mem>>) src(%dma_wait3A_99 : memref<10240x128xf32, #tpu.memory_space<hbm>>) dst(%arg9 : memref<128x128xf32, #tpu.memory_space<vmem>>)
    %dma_start3A_100 = arith.constant 0 : i32
    %dma_start3A_101 = arith.constant 0 : i32
    %dma_start3A_102 = tpu.memref_slice %arg8[%dma_start3A_100, %dma_start3A_101] : memref<40x128xi32, #tpu.memory_space<vmem>> -> memref<1x128xi32, #tpu.memory_space<vmem>>
    %dma_start3A_103 = tpu.memref_squeeze %dma_start3A_102 : memref<1x128xi32, #tpu.memory_space<vmem>> -> memref<128xi32, #tpu.memory_space<vmem>>
    %dma_start3A_104 = arith.constant 0 : i32
    %dma_start3A_105 = arith.constant 0 : i32
    %dma_start3A_106 = tpu.memref_slice %arg11[%dma_start3A_104, %dma_start3A_105] : memref<10240x128xf32, #tpu.memory_space<vmem_shared>> -> memref<10240x128xf32, #tpu.memory_space<vmem_shared>>
    tpu.enqueue_indirect_dma source(%arg9 : memref<128x128xf32, #tpu.memory_space<vmem>>) target(%dma_start3A_106 : memref<10240x128xf32, #tpu.memory_space<vmem_shared>>) offsets(%dma_start3A_103 : memref<128xi32, #tpu.memory_space<vmem>>) semaphore(%arg14 : memref<!tpu.dma_semaphore, #tpu.memory_space<semaphore_mem>>) {add = true}
    %dma_wait3A_107 = arith.constant 1 : i32
    %dma_wait3A_108 = arith.constant 0 : i32
    %dma_wait3A_109 = tpu.memref_slice %arg7[%dma_wait3A_107, %dma_wait3A_108] : memref<40x128xi32, #tpu.memory_space<vmem>> -> memref<1x128xi32, #tpu.memory_space<vmem>>
    %dma_wait3A_110 = tpu.memref_squeeze %dma_wait3A_109 : memref<1x128xi32, #tpu.memory_space<vmem>> -> memref<128xi32, #tpu.memory_space<vmem>>
    %dma_wait3A_111 = arith.constant 0 : i32
    %dma_wait3A_112 = arith.constant 0 : i32
    %dma_wait3A_113 = tpu.memref_slice %arg2[%dma_wait3A_111, %dma_wait3A_112] : memref<10240x128xf32, #tpu.memory_space<hbm>> -> memref<10240x128xf32, #tpu.memory_space<hbm>>
    tpu.wait_indirect_dma semaphore(%arg13 : memref<!tpu.dma_semaphore, #tpu.memory_space<semaphore_mem>>) src(%dma_wait3A_113 : memref<10240x128xf32, #tpu.memory_space<hbm>>) dst(%arg10 : memref<128x128xf32, #tpu.memory_space<vmem>>)
    %dma_start3A_114 = arith.constant 1 : i32
    %dma_start3A_115 = arith.constant 0 : i32
    %dma_start3A_116 = tpu.memref_slice %arg8[%dma_start3A_114, %dma_start3A_115] : memref<40x128xi32, #tpu.memory_space<vmem>> -> memref<1x128xi32, #tpu.memory_space<vmem>>
    %dma_start3A_117 = tpu.memref_squeeze %dma_start3A_116 : memref<1x128xi32, #tpu.memory_space<vmem>> -> memref<128xi32, #tpu.memory_space<vmem>>
    %dma_start3A_118 = arith.constant 0 : i32
    %dma_start3A_119 = arith.constant 0 : i32
    %dma_start3A_120 = tpu.memref_slice %arg11[%dma_start3A_118, %dma_start3A_119] : memref<10240x128xf32, #tpu.memory_space<vmem_shared>> -> memref<10240x128xf32, #tpu.memory_space<vmem_shared>>
    tpu.enqueue_indirect_dma source(%arg10 : memref<128x128xf32, #tpu.memory_space<vmem>>) target(%dma_start3A_120 : memref<10240x128xf32, #tpu.memory_space<vmem_shared>>) offsets(%dma_start3A_117 : memref<128xi32, #tpu.memory_space<vmem>>) semaphore(%arg15 : memref<!tpu.dma_semaphore, #tpu.memory_space<semaphore_mem>>) {add = true}
    %dma_wait3A_121 = arith.constant 0 : i32
    %dma_wait3A_122 = arith.constant 0 : i32
    %dma_wait3A_123 = tpu.memref_slice %arg8[%dma_wait3A_121, %dma_wait3A_122] : memref<40x128xi32, #tpu.memory_space<vmem>> -> memref<1x128xi32, #tpu.memory_space<vmem>>
    %dma_wait3A_124 = tpu.memref_squeeze %dma_wait3A_123 : memref<1x128xi32, #tpu.memory_space<vmem>> -> memref<128xi32, #tpu.memory_space<vmem>>
    %dma_wait3A_125 = arith.constant 0 : i32
    %dma_wait3A_126 = arith.constant 0 : i32
    %dma_wait3A_127 = tpu.memref_slice %arg11[%dma_wait3A_125, %dma_wait3A_126] : memref<10240x128xf32, #tpu.memory_space<vmem_shared>> -> memref<10240x128xf32, #tpu.memory_space<vmem_shared>>
    tpu.wait_indirect_dma semaphore(%arg14 : memref<!tpu.dma_semaphore, #tpu.memory_space<semaphore_mem>>) src(%arg9 : memref<128x128xf32, #tpu.memory_space<vmem>>) dst(%dma_wait3A_127 : memref<10240x128xf32, #tpu.memory_space<vmem_shared>>)
    %dma_start3A_128 = arith.constant 2 : i32
    %dma_start3A_129 = arith.constant 0 : i32
    %dma_start3A_130 = tpu.memref_slice %arg7[%dma_start3A_128, %dma_start3A_129] : memref<40x128xi32, #tpu.memory_space<vmem>> -> memref<1x128xi32, #tpu.memory_space<vmem>>
    %dma_start3A_131 = tpu.memref_squeeze %dma_start3A_130 : memref<1x128xi32, #tpu.memory_space<vmem>> -> memref<128xi32, #tpu.memory_space<vmem>>
    %dma_start3A_132 = arith.constant 0 : i32
    %dma_start3A_133 = arith.constant 0 : i32
    %dma_start3A_134 = tpu.memref_slice %arg2[%dma_start3A_132, %dma_start3A_133] : memref<10240x128xf32, #tpu.memory_space<hbm>> -> memref<10240x128xf32, #tpu.memory_space<hbm>>
    tpu.enqueue_indirect_dma source(%dma_start3A_134 : memref<10240x128xf32, #tpu.memory_space<hbm>>) target(%arg9 : memref<128x128xf32, #tpu.memory_space<vmem>>) offsets(%dma_start3A_131 : memref<128xi32, #tpu.memory_space<vmem>>) semaphore(%arg12 : memref<!tpu.dma_semaphore, #tpu.memory_space<semaphore_mem>>)
    %scan3A_135 = arith.constant 0 : i32
    %scan3A_136 = arith.constant 1 : i32
    %scan3A_137 = arith.constant 19 : i32
    %scan3A_138 = arith.addi %scan3A_136, %scan3A_137 : i32
    %scan3A_139 = arith.constant 1 : i32
    scf.for %scan3A_156 = %scan3A_136 to %scan3A_138 step %scan3A_139  : i32 {
      %mul3A_157 = arith.constant 2 : i32
      %mul3A_158 = arith.muli %mul3A_157, %scan3A_156 : i32
      %dma_wait3A_159 = arith.constant 0 : i32
      %dma_wait3A_160 = tpu.memref_slice %arg7[%mul3A_158, %dma_wait3A_159] : memref<40x128xi32, #tpu.memory_space<vmem>> -> memref<1x128xi32, #tpu.memory_space<vmem>>
      %dma_wait3A_161 = tpu.memref_squeeze %dma_wait3A_160 : memref<1x128xi32, #tpu.memory_space<vmem>> -> memref<128xi32, #tpu.memory_space<vmem>>
      %dma_wait3A_162 = arith.constant 0 : i32
      %dma_wait3A_163 = arith.constant 0 : i32
      %dma_wait3A_164 = tpu.memref_slice %arg2[%dma_wait3A_162, %dma_wait3A_163] : memref<10240x128xf32, #tpu.memory_space<hbm>> -> memref<10240x128xf32, #tpu.memory_space<hbm>>
      tpu.wait_indirect_dma semaphore(%arg12 : memref<!tpu.dma_semaphore, #tpu.memory_space<semaphore_mem>>) src(%dma_wait3A_164 : memref<10240x128xf32, #tpu.memory_space<hbm>>) dst(%arg9 : memref<128x128xf32, #tpu.memory_space<vmem>>)
      %dma_start3A_165 = arith.constant 0 : i32
      %dma_start3A_166 = tpu.memref_slice %arg8[%mul3A_158, %dma_start3A_165] : memref<40x128xi32, #tpu.memory_space<vmem>> -> memref<1x128xi32, #tpu.memory_space<vmem>>
      %dma_start3A_167 = tpu.memref_squeeze %dma_start3A_166 : memref<1x128xi32, #tpu.memory_space<vmem>> -> memref<128xi32, #tpu.memory_space<vmem>>
      %dma_start3A_168 = arith.constant 0 : i32
      %dma_start3A_169 = arith.constant 0 : i32
      %dma_start3A_170 = tpu.memref_slice %arg11[%dma_start3A_168, %dma_start3A_169] : memref<10240x128xf32, #tpu.memory_space<vmem_shared>> -> memref<10240x128xf32, #tpu.memory_space<vmem_shared>>
      tpu.enqueue_indirect_dma source(%arg9 : memref<128x128xf32, #tpu.memory_space<vmem>>) target(%dma_start3A_170 : memref<10240x128xf32, #tpu.memory_space<vmem_shared>>) offsets(%dma_start3A_167 : memref<128xi32, #tpu.memory_space<vmem>>) semaphore(%arg14 : memref<!tpu.dma_semaphore, #tpu.memory_space<semaphore_mem>>) {add = true}
      %sub3A = arith.constant 1 : i32
      %sub3A_171 = arith.subi %mul3A_158, %sub3A : i32
      %dma_wait3A_172 = arith.constant 0 : i32
      %dma_wait3A_173 = tpu.memref_slice %arg8[%sub3A_171, %dma_wait3A_172] : memref<40x128xi32, #tpu.memory_space<vmem>> -> memref<1x128xi32, #tpu.memory_space<vmem>>
      %dma_wait3A_174 = tpu.memref_squeeze %dma_wait3A_173 : memref<1x128xi32, #tpu.memory_space<vmem>> -> memref<128xi32, #tpu.memory_space<vmem>>
      %dma_wait3A_175 = arith.constant 0 : i32
      %dma_wait3A_176 = arith.constant 0 : i32
      %dma_wait3A_177 = tpu.memref_slice %arg11[%dma_wait3A_175, %dma_wait3A_176] : memref<10240x128xf32, #tpu.memory_space<vmem_shared>> -> memref<10240x128xf32, #tpu.memory_space<vmem_shared>>
      tpu.wait_indirect_dma semaphore(%arg15 : memref<!tpu.dma_semaphore, #tpu.memory_space<semaphore_mem>>) src(%arg10 : memref<128x128xf32, #tpu.memory_space<vmem>>) dst(%dma_wait3A_177 : memref<10240x128xf32, #tpu.memory_space<vmem_shared>>)
      %add3A_178 = arith.constant 1 : i32
      %add3A_179 = arith.addi %mul3A_158, %add3A_178 : i32
      %dma_start3A_180 = arith.constant 0 : i32
      %dma_start3A_181 = tpu.memref_slice %arg7[%add3A_179, %dma_start3A_180] : memref<40x128xi32, #tpu.memory_space<vmem>> -> memref<1x128xi32, #tpu.memory_space<vmem>>
      %dma_start3A_182 = tpu.memref_squeeze %dma_start3A_181 : memref<1x128xi32, #tpu.memory_space<vmem>> -> memref<128xi32, #tpu.memory_space<vmem>>
      %dma_start3A_183 = arith.constant 0 : i32
      %dma_start3A_184 = arith.constant 0 : i32
      %dma_start3A_185 = tpu.memref_slice %arg2[%dma_start3A_183, %dma_start3A_184] : memref<10240x128xf32, #tpu.memory_space<hbm>> -> memref<10240x128xf32, #tpu.memory_space<hbm>>
      tpu.enqueue_indirect_dma source(%dma_start3A_185 : memref<10240x128xf32, #tpu.memory_space<hbm>>) target(%arg10 : memref<128x128xf32, #tpu.memory_space<vmem>>) offsets(%dma_start3A_182 : memref<128xi32, #tpu.memory_space<vmem>>) semaphore(%arg13 : memref<!tpu.dma_semaphore, #tpu.memory_space<semaphore_mem>>)
      %add3A_186 = arith.constant 1 : i32
      %add3A_187 = arith.addi %mul3A_158, %add3A_186 : i32
      %dma_wait3A_188 = arith.constant 0 : i32
      %dma_wait3A_189 = tpu.memref_slice %arg7[%add3A_187, %dma_wait3A_188] : memref<40x128xi32, #tpu.memory_space<vmem>> -> memref<1x128xi32, #tpu.memory_space<vmem>>
      %dma_wait3A_190 = tpu.memref_squeeze %dma_wait3A_189 : memref<1x128xi32, #tpu.memory_space<vmem>> -> memref<128xi32, #tpu.memory_space<vmem>>
      %dma_wait3A_191 = arith.constant 0 : i32
      %dma_wait3A_192 = arith.constant 0 : i32
      %dma_wait3A_193 = tpu.memref_slice %arg2[%dma_wait3A_191, %dma_wait3A_192] : memref<10240x128xf32, #tpu.memory_space<hbm>> -> memref<10240x128xf32, #tpu.memory_space<hbm>>
      tpu.wait_indirect_dma semaphore(%arg13 : memref<!tpu.dma_semaphore, #tpu.memory_space<semaphore_mem>>) src(%dma_wait3A_193 : memref<10240x128xf32, #tpu.memory_space<hbm>>) dst(%arg10 : memref<128x128xf32, #tpu.memory_space<vmem>>)
      %add3A_194 = arith.constant 1 : i32
      %add3A_195 = arith.addi %mul3A_158, %add3A_194 : i32
      %dma_start3A_196 = arith.constant 0 : i32
      %dma_start3A_197 = tpu.memref_slice %arg8[%add3A_195, %dma_start3A_196] : memref<40x128xi32, #tpu.memory_space<vmem>> -> memref<1x128xi32, #tpu.memory_space<vmem>>
      %dma_start3A_198 = tpu.memref_squeeze %dma_start3A_197 : memref<1x128xi32, #tpu.memory_space<vmem>> -> memref<128xi32, #tpu.memory_space<vmem>>
      %dma_start3A_199 = arith.constant 0 : i32
      %dma_start3A_200 = arith.constant 0 : i32
      %dma_start3A_201 = tpu.memref_slice %arg11[%dma_start3A_199, %dma_start3A_200] : memref<10240x128xf32, #tpu.memory_space<vmem_shared>> -> memref<10240x128xf32, #tpu.memory_space<vmem_shared>>
      tpu.enqueue_indirect_dma source(%arg10 : memref<128x128xf32, #tpu.memory_space<vmem>>) target(%dma_start3A_201 : memref<10240x128xf32, #tpu.memory_space<vmem_shared>>) offsets(%dma_start3A_198 : memref<128xi32, #tpu.memory_space<vmem>>) semaphore(%arg15 : memref<!tpu.dma_semaphore, #tpu.memory_space<semaphore_mem>>) {add = true}
      %dma_wait3A_202 = arith.constant 0 : i32
      %dma_wait3A_203 = tpu.memref_slice %arg8[%mul3A_158, %dma_wait3A_202] : memref<40x128xi32, #tpu.memory_space<vmem>> -> memref<1x128xi32, #tpu.memory_space<vmem>>
      %dma_wait3A_204 = tpu.memref_squeeze %dma_wait3A_203 : memref<1x128xi32, #tpu.memory_space<vmem>> -> memref<128xi32, #tpu.memory_space<vmem>>
      %dma_wait3A_205 = arith.constant 0 : i32
      %dma_wait3A_206 = arith.constant 0 : i32
      %dma_wait3A_207 = tpu.memref_slice %arg11[%dma_wait3A_205, %dma_wait3A_206] : memref<10240x128xf32, #tpu.memory_space<vmem_shared>> -> memref<10240x128xf32, #tpu.memory_space<vmem_shared>>
      tpu.wait_indirect_dma semaphore(%arg14 : memref<!tpu.dma_semaphore, #tpu.memory_space<semaphore_mem>>) src(%arg9 : memref<128x128xf32, #tpu.memory_space<vmem>>) dst(%dma_wait3A_207 : memref<10240x128xf32, #tpu.memory_space<vmem_shared>>)
      %add3A_208 = arith.constant 2 : i32
      %add3A_209 = arith.addi %mul3A_158, %add3A_208 : i32
      %lt3A = arith.constant 40 : i32
      %lt3A_210 = arith.cmpi slt, %add3A_209, %lt3A : i32
      %convert_element_type3A_211 = arith.extui %lt3A_210 : i1 to i32
      %cond3A_212 = arith.constant 0 : i32
      %cond3A_213 = arith.cmpi ne, %convert_element_type3A_211, %cond3A_212 : i32
      scf.if %cond3A_213 {
        %add3A_214 = arith.constant 2 : i32
        %add3A_215 = arith.addi %mul3A_158, %add3A_214 : i32
        %dma_start3A_216 = arith.constant 0 : i32
        %dma_start3A_217 = tpu.memref_slice %arg7[%add3A_215, %dma_start3A_216] : memref<40x128xi32, #tpu.memory_space<vmem>> -> memref<1x128xi32, #tpu.memory_space<vmem>>
        %dma_start3A_218 = tpu.memref_squeeze %dma_start3A_217 : memref<1x128xi32, #tpu.memory_space<vmem>> -> memref<128xi32, #tpu.memory_space<vmem>>
        %dma_start3A_219 = arith.constant 0 : i32
        %dma_start3A_220 = arith.constant 0 : i32
        %dma_start3A_221 = tpu.memref_slice %arg2[%dma_start3A_219, %dma_start3A_220] : memref<10240x128xf32, #tpu.memory_space<hbm>> -> memref<10240x128xf32, #tpu.memory_space<hbm>>
        tpu.enqueue_indirect_dma source(%dma_start3A_221 : memref<10240x128xf32, #tpu.memory_space<hbm>>) target(%arg9 : memref<128x128xf32, #tpu.memory_space<vmem>>) offsets(%dma_start3A_218 : memref<128xi32, #tpu.memory_space<vmem>>) semaphore(%arg12 : memref<!tpu.dma_semaphore, #tpu.memory_space<semaphore_mem>>)
      } else {
      }
    }
    %scan3A_140 = arith.constant 19 : i32
    %dma_wait3A_141 = arith.constant 39 : i32
    %dma_wait3A_142 = arith.constant 0 : i32
    %dma_wait3A_143 = tpu.memref_slice %arg8[%dma_wait3A_141, %dma_wait3A_142] : memref<40x128xi32, #tpu.memory_space<vmem>> -> memref<1x128xi32, #tpu.memory_space<vmem>>
    %dma_wait3A_144 = tpu.memref_squeeze %dma_wait3A_143 : memref<1x128xi32, #tpu.memory_space<vmem>> -> memref<128xi32, #tpu.memory_space<vmem>>
    %dma_wait3A_145 = arith.constant 0 : i32
    %dma_wait3A_146 = arith.constant 0 : i32
    %dma_wait3A_147 = tpu.memref_slice %arg11[%dma_wait3A_145, %dma_wait3A_146] : memref<10240x128xf32, #tpu.memory_space<vmem_shared>> -> memref<10240x128xf32, #tpu.memory_space<vmem_shared>>
    tpu.wait_indirect_dma semaphore(%arg15 : memref<!tpu.dma_semaphore, #tpu.memory_space<semaphore_mem>>) src(%arg10 : memref<128x128xf32, #tpu.memory_space<vmem>>) dst(%dma_wait3A_147 : memref<10240x128xf32, #tpu.memory_space<vmem_shared>>)
    %barrier3A_148 = arith.constant 0 : index
    tpu.barrier barrier_id(%barrier3A_148)
    %eq3A = arith.constant 0 : i32
    %eq3A_149 = arith.cmpi eq, %arg0, %eq3A : i32
    %convert_element_type3A = arith.extui %eq3A_149 : i1 to i32
    %cond3A = arith.constant 0 : i32
    %cond3A_150 = arith.cmpi ne, %convert_element_type3A, %cond3A : i32
    scf.if %cond3A_150 {
      %run_scoped3A = arith.constant 0 : i32
      "tpu.region"() ({
        %run_scoped3A_156 = tpu.sem_alloc : memref<!tpu.dma_semaphore, #tpu.memory_space<semaphore_mem>>
        %dma_start3A_157 = arith.constant 0 : i32
        %dma_start3A_158 = tpu.memref_slice %arg6[%run_scoped3A, %mul3A_2, %dma_start3A_157] : memref<2x10240x128xf32, #tpu.memory_space<hbm>> -> memref<1x640x128xf32, #tpu.memory_space<hbm>>
        %dma_start3A_159 = tpu.memref_squeeze %dma_start3A_158 : memref<1x640x128xf32, #tpu.memory_space<hbm>> -> memref<640x128xf32, #tpu.memory_space<hbm>>
        %dma_start3A_160 = arith.constant 0 : i32
        %dma_start3A_161 = tpu.memref_slice %arg11[%mul3A_2, %dma_start3A_160] : memref<10240x128xf32, #tpu.memory_space<vmem_shared>> -> memref<640x128xf32, #tpu.memory_space<vmem_shared>>
        tpu.enqueue_dma source(%dma_start3A_161 : memref<640x128xf32, #tpu.memory_space<vmem_shared>>) target(%dma_start3A_159 : memref<640x128xf32, #tpu.memory_space<hbm>>) target_semaphore(%run_scoped3A_156 : memref<!tpu.dma_semaphore, #tpu.memory_space<semaphore_mem>>)
        %dma_wait3A_162 = arith.constant 0 : i32
        %dma_wait3A_163 = tpu.memref_slice %arg6[%run_scoped3A, %mul3A_2, %dma_wait3A_162] : memref<2x10240x128xf32, #tpu.memory_space<hbm>> -> memref<1x640x128xf32, #tpu.memory_space<hbm>>
        %dma_wait3A_164 = tpu.memref_squeeze %dma_wait3A_163 : memref<1x640x128xf32, #tpu.memory_space<hbm>> -> memref<640x128xf32, #tpu.memory_space<hbm>>
        %dma_wait3A_165 = arith.constant 0 : i32
        %dma_wait3A_166 = tpu.memref_slice %arg11[%mul3A_2, %dma_wait3A_165] : memref<10240x128xf32, #tpu.memory_space<vmem_shared>> -> memref<640x128xf32, #tpu.memory_space<vmem_shared>>
        tpu.wait_dma2 semaphore(%run_scoped3A_156 : memref<!tpu.dma_semaphore, #tpu.memory_space<semaphore_mem>>) src(%dma_wait3A_166 : memref<640x128xf32, #tpu.memory_space<vmem_shared>>) dst(%dma_wait3A_164 : memref<640x128xf32, #tpu.memory_space<hbm>>)
        tpu.yield
      }) : () -> ()
    } else {
    }
    %eq3A_151 = arith.constant 1 : i32
    %eq3A_152 = arith.cmpi eq, %arg0, %eq3A_151 : i32
    %convert_element_type3A_153 = arith.extui %eq3A_152 : i1 to i32
    %cond3A_154 = arith.constant 0 : i32
    %cond3A_155 = arith.cmpi ne, %convert_element_type3A_153, %cond3A_154 : i32
    scf.if %cond3A_155 {
      %run_scoped3A = arith.constant 1 : i32
      "tpu.region"() ({
        %run_scoped3A_156 = tpu.sem_alloc : memref<!tpu.dma_semaphore, #tpu.memory_space<semaphore_mem>>
        %dma_start3A_157 = arith.constant 0 : i32
        %dma_start3A_158 = tpu.memref_slice %arg6[%run_scoped3A, %mul3A_2, %dma_start3A_157] : memref<2x10240x128xf32, #tpu.memory_space<hbm>> -> memref<1x640x128xf32, #tpu.memory_space<hbm>>
        %dma_start3A_159 = tpu.memref_squeeze %dma_start3A_158 : memref<1x640x128xf32, #tpu.memory_space<hbm>> -> memref<640x128xf32, #tpu.memory_space<hbm>>
        %dma_start3A_160 = arith.constant 0 : i32
        %dma_start3A_161 = tpu.memref_slice %arg11[%mul3A_2, %dma_start3A_160] : memref<10240x128xf32, #tpu.memory_space<vmem_shared>> -> memref<640x128xf32, #tpu.memory_space<vmem_shared>>
        tpu.enqueue_dma source(%dma_start3A_161 : memref<640x128xf32, #tpu.memory_space<vmem_shared>>) target(%dma_start3A_159 : memref<640x128xf32, #tpu.memory_space<hbm>>) target_semaphore(%run_scoped3A_156 : memref<!tpu.dma_semaphore, #tpu.memory_space<semaphore_mem>>)
        %dma_wait3A_162 = arith.constant 0 : i32
        %dma_wait3A_163 = tpu.memref_slice %arg6[%run_scoped3A, %mul3A_2, %dma_wait3A_162] : memref<2x10240x128xf32, #tpu.memory_space<hbm>> -> memref<1x640x128xf32, #tpu.memory_space<hbm>>
        %dma_wait3A_164 = tpu.memref_squeeze %dma_wait3A_163 : memref<1x640x128xf32, #tpu.memory_space<hbm>> -> memref<640x128xf32, #tpu.memory_space<hbm>>
        %dma_wait3A_165 = arith.constant 0 : i32
        %dma_wait3A_166 = tpu.memref_slice %arg11[%mul3A_2, %dma_wait3A_165] : memref<10240x128xf32, #tpu.memory_space<vmem_shared>> -> memref<640x128xf32, #tpu.memory_space<vmem_shared>>
        tpu.wait_dma2 semaphore(%run_scoped3A_156 : memref<!tpu.dma_semaphore, #tpu.memory_space<semaphore_mem>>) src(%dma_wait3A_166 : memref<640x128xf32, #tpu.memory_space<vmem_shared>>) dst(%dma_wait3A_164 : memref<640x128xf32, #tpu.memory_space<hbm>>)
        tpu.yield
      }) : () -> ()
    } else {
    }
    return
  }
}

#map = affine_map<(d0, d1) -> (0)>
#map1 = affine_map<(d0, d1) -> (0, 0, 0)>
#map2 = affine_map<(d0, d1) -> (0, 0)>
module attributes {stable_mosaic.version = 14 : i64} {
  func.func @_qw_body(%arg0: i32, %arg1: i32, %arg2: memref<20480xf32, #tpu.memory_space<hbm>>, %arg3: memref<32x160x128xi32, #tpu.memory_space<hbm>>, %arg4: memref<32x160x128xi32, #tpu.memory_space<hbm>>, %arg5: memref<1280xf32, #tpu.memory_space<hbm>>, %arg6: memref<2x20480xf32, #tpu.memory_space<hbm>>, %arg7: memref<160x128xi32, #tpu.memory_space<vmem>>, %arg8: memref<160x128xi32, #tpu.memory_space<vmem>>, %arg9: memref<160x128xf32, #tpu.memory_space<vmem>>, %arg10: memref<1280xf32, #tpu.memory_space<vmem>>, %arg11: memref<20480xf32, #tpu.memory_space<vmem_shared>>, %arg12: memref<!tpu.dma_semaphore, #tpu.memory_space<semaphore_mem>>, %arg13: memref<!tpu.dma_semaphore, #tpu.memory_space<semaphore_mem>>) attributes {dimension_semantics = [#tpu.dimension_semantics<core_parallel>, #tpu.dimension_semantics<subcore_parallel>], iteration_bounds = array<i64: 2, 16>, scalar_prefetch = 0 : i64, scratch_operands = 7 : i64, tpu.core_type = #tpu.core_type<sc_vector_subcore>, window_params = [{transform_indices = #map}, {transform_indices = #map1}, {transform_indices = #map1}, {transform_indices = #map}, {transform_indices = #map2}]} {
    %mul3A = arith.constant 16 : i32
    %mul3A_0 = arith.muli %arg0, %mul3A : i32
    %add3A = arith.addi %mul3A_0, %arg1 : i32
    %mul3A_1 = arith.constant 1280 : i32
    %mul3A_2 = arith.muli %arg1, %mul3A_1 : i32
    "tpu.region"() ({
      %run_scoped3A = tpu.sem_alloc : memref<!tpu.dma_semaphore, #tpu.memory_space<semaphore_mem>>
      tpu.enqueue_dma source(%arg5 : memref<1280xf32, #tpu.memory_space<hbm>>) target(%arg10 : memref<1280xf32, #tpu.memory_space<vmem>>) target_semaphore(%run_scoped3A : memref<!tpu.dma_semaphore, #tpu.memory_space<semaphore_mem>>)
      tpu.wait_dma2 semaphore(%run_scoped3A : memref<!tpu.dma_semaphore, #tpu.memory_space<semaphore_mem>>) src(%arg5 : memref<1280xf32, #tpu.memory_space<hbm>>) dst(%arg10 : memref<1280xf32, #tpu.memory_space<vmem>>)
      tpu.yield
    }) : () -> ()
    "tpu.region"() ({
      %run_scoped3A = tpu.sem_alloc : memref<!tpu.dma_semaphore, #tpu.memory_space<semaphore_mem>>
      %dma_start3A = tpu.memref_slice %arg11[%mul3A_2] : memref<20480xf32, #tpu.memory_space<vmem_shared>> -> memref<1280xf32, #tpu.memory_space<vmem_shared>>
      %dma_start3A_28 = tpu.memref_slice %arg11[%mul3A_2] : memref<20480xf32, #tpu.memory_space<vmem_shared>> -> memref<1280xf32, #tpu.memory_space<vmem_shared>>
      tpu.enqueue_dma source(%arg10 : memref<1280xf32, #tpu.memory_space<vmem>>) target(%dma_start3A_28 : memref<1280xf32, #tpu.memory_space<vmem_shared>>) target_semaphore(%run_scoped3A : memref<!tpu.dma_semaphore, #tpu.memory_space<semaphore_mem>>)
      %dma_wait3A = tpu.memref_slice %arg11[%mul3A_2] : memref<20480xf32, #tpu.memory_space<vmem_shared>> -> memref<1280xf32, #tpu.memory_space<vmem_shared>>
      %dma_wait3A_29 = tpu.memref_slice %arg11[%mul3A_2] : memref<20480xf32, #tpu.memory_space<vmem_shared>> -> memref<1280xf32, #tpu.memory_space<vmem_shared>>
      tpu.wait_dma2 semaphore(%run_scoped3A : memref<!tpu.dma_semaphore, #tpu.memory_space<semaphore_mem>>) src(%arg10 : memref<1280xf32, #tpu.memory_space<vmem>>) dst(%dma_wait3A_29 : memref<1280xf32, #tpu.memory_space<vmem_shared>>)
      tpu.yield
    }) : () -> ()
    "tpu.region"() ({
      %run_scoped3A = tpu.sem_alloc : memref<!tpu.dma_semaphore, #tpu.memory_space<semaphore_mem>>
      %dma_start3A = arith.constant 0 : i32
      %dma_start3A_28 = arith.constant 0 : i32
      %dma_start3A_29 = tpu.memref_slice %arg3[%add3A, %dma_start3A, %dma_start3A_28] : memref<32x160x128xi32, #tpu.memory_space<hbm>> -> memref<1x160x128xi32, #tpu.memory_space<hbm>>
      %dma_start3A_30 = tpu.memref_squeeze %dma_start3A_29 : memref<1x160x128xi32, #tpu.memory_space<hbm>> -> memref<160x128xi32, #tpu.memory_space<hbm>>
      %dma_start3A_31 = arith.constant 0 : i32
      %dma_start3A_32 = arith.constant 0 : i32
      %dma_start3A_33 = tpu.memref_slice %arg3[%add3A, %dma_start3A_31, %dma_start3A_32] : memref<32x160x128xi32, #tpu.memory_space<hbm>> -> memref<1x160x128xi32, #tpu.memory_space<hbm>>
      %dma_start3A_34 = tpu.memref_squeeze %dma_start3A_33 : memref<1x160x128xi32, #tpu.memory_space<hbm>> -> memref<160x128xi32, #tpu.memory_space<hbm>>
      tpu.enqueue_dma source(%dma_start3A_34 : memref<160x128xi32, #tpu.memory_space<hbm>>) target(%arg7 : memref<160x128xi32, #tpu.memory_space<vmem>>) target_semaphore(%run_scoped3A : memref<!tpu.dma_semaphore, #tpu.memory_space<semaphore_mem>>)
      %dma_wait3A = arith.constant 0 : i32
      %dma_wait3A_35 = arith.constant 0 : i32
      %dma_wait3A_36 = tpu.memref_slice %arg3[%add3A, %dma_wait3A, %dma_wait3A_35] : memref<32x160x128xi32, #tpu.memory_space<hbm>> -> memref<1x160x128xi32, #tpu.memory_space<hbm>>
      %dma_wait3A_37 = tpu.memref_squeeze %dma_wait3A_36 : memref<1x160x128xi32, #tpu.memory_space<hbm>> -> memref<160x128xi32, #tpu.memory_space<hbm>>
      %dma_wait3A_38 = arith.constant 0 : i32
      %dma_wait3A_39 = arith.constant 0 : i32
      %dma_wait3A_40 = tpu.memref_slice %arg3[%add3A, %dma_wait3A_38, %dma_wait3A_39] : memref<32x160x128xi32, #tpu.memory_space<hbm>> -> memref<1x160x128xi32, #tpu.memory_space<hbm>>
      %dma_wait3A_41 = tpu.memref_squeeze %dma_wait3A_40 : memref<1x160x128xi32, #tpu.memory_space<hbm>> -> memref<160x128xi32, #tpu.memory_space<hbm>>
      tpu.wait_dma2 semaphore(%run_scoped3A : memref<!tpu.dma_semaphore, #tpu.memory_space<semaphore_mem>>) src(%dma_wait3A_41 : memref<160x128xi32, #tpu.memory_space<hbm>>) dst(%arg7 : memref<160x128xi32, #tpu.memory_space<vmem>>)
      tpu.yield
    }) : () -> ()
    "tpu.region"() ({
      %run_scoped3A = tpu.sem_alloc : memref<!tpu.dma_semaphore, #tpu.memory_space<semaphore_mem>>
      %dma_start3A = arith.constant 0 : i32
      %dma_start3A_28 = arith.constant 0 : i32
      %dma_start3A_29 = tpu.memref_slice %arg4[%add3A, %dma_start3A, %dma_start3A_28] : memref<32x160x128xi32, #tpu.memory_space<hbm>> -> memref<1x160x128xi32, #tpu.memory_space<hbm>>
      %dma_start3A_30 = tpu.memref_squeeze %dma_start3A_29 : memref<1x160x128xi32, #tpu.memory_space<hbm>> -> memref<160x128xi32, #tpu.memory_space<hbm>>
      %dma_start3A_31 = arith.constant 0 : i32
      %dma_start3A_32 = arith.constant 0 : i32
      %dma_start3A_33 = tpu.memref_slice %arg4[%add3A, %dma_start3A_31, %dma_start3A_32] : memref<32x160x128xi32, #tpu.memory_space<hbm>> -> memref<1x160x128xi32, #tpu.memory_space<hbm>>
      %dma_start3A_34 = tpu.memref_squeeze %dma_start3A_33 : memref<1x160x128xi32, #tpu.memory_space<hbm>> -> memref<160x128xi32, #tpu.memory_space<hbm>>
      tpu.enqueue_dma source(%dma_start3A_34 : memref<160x128xi32, #tpu.memory_space<hbm>>) target(%arg8 : memref<160x128xi32, #tpu.memory_space<vmem>>) target_semaphore(%run_scoped3A : memref<!tpu.dma_semaphore, #tpu.memory_space<semaphore_mem>>)
      %dma_wait3A = arith.constant 0 : i32
      %dma_wait3A_35 = arith.constant 0 : i32
      %dma_wait3A_36 = tpu.memref_slice %arg4[%add3A, %dma_wait3A, %dma_wait3A_35] : memref<32x160x128xi32, #tpu.memory_space<hbm>> -> memref<1x160x128xi32, #tpu.memory_space<hbm>>
      %dma_wait3A_37 = tpu.memref_squeeze %dma_wait3A_36 : memref<1x160x128xi32, #tpu.memory_space<hbm>> -> memref<160x128xi32, #tpu.memory_space<hbm>>
      %dma_wait3A_38 = arith.constant 0 : i32
      %dma_wait3A_39 = arith.constant 0 : i32
      %dma_wait3A_40 = tpu.memref_slice %arg4[%add3A, %dma_wait3A_38, %dma_wait3A_39] : memref<32x160x128xi32, #tpu.memory_space<hbm>> -> memref<1x160x128xi32, #tpu.memory_space<hbm>>
      %dma_wait3A_41 = tpu.memref_squeeze %dma_wait3A_40 : memref<1x160x128xi32, #tpu.memory_space<hbm>> -> memref<160x128xi32, #tpu.memory_space<hbm>>
      tpu.wait_dma2 semaphore(%run_scoped3A : memref<!tpu.dma_semaphore, #tpu.memory_space<semaphore_mem>>) src(%dma_wait3A_41 : memref<160x128xi32, #tpu.memory_space<hbm>>) dst(%arg8 : memref<160x128xi32, #tpu.memory_space<vmem>>)
      tpu.yield
    }) : () -> ()
    %barrier3A = arith.constant 0 : index
    tpu.barrier barrier_id(%barrier3A)
    %scan3A = arith.constant 0 : i32
    %scan3A_3 = arith.constant 0 : i32
    %scan3A_4 = arith.constant 160 : i32
    %scan3A_5 = arith.addi %scan3A_3, %scan3A_4 : i32
    %scan3A_6 = arith.constant 1 : i32
    scf.for %scan3A_28 = %scan3A_3 to %scan3A_5 step %scan3A_6  : i32 {
      %dma_start3A = arith.constant 0 : i32
      %dma_start3A_29 = tpu.memref_slice %arg9[%scan3A_28, %dma_start3A] : memref<160x128xf32, #tpu.memory_space<vmem>> -> memref<1x128xf32, #tpu.memory_space<vmem>>
      %dma_start3A_30 = tpu.memref_squeeze %dma_start3A_29 : memref<1x128xf32, #tpu.memory_space<vmem>> -> memref<128xf32, #tpu.memory_space<vmem>>
      %dma_start3A_31 = arith.constant 0 : i32
      %dma_start3A_32 = tpu.memref_slice %arg7[%scan3A_28, %dma_start3A_31] : memref<160x128xi32, #tpu.memory_space<vmem>> -> memref<1x128xi32, #tpu.memory_space<vmem>>
      %dma_start3A_33 = tpu.memref_squeeze %dma_start3A_32 : memref<1x128xi32, #tpu.memory_space<vmem>> -> memref<128xi32, #tpu.memory_space<vmem>>
      %dma_start3A_34 = arith.constant 0 : i32
      %dma_start3A_35 = tpu.memref_slice %arg2[%dma_start3A_34] : memref<20480xf32, #tpu.memory_space<hbm>> -> memref<20480xf32, #tpu.memory_space<hbm>>
      tpu.enqueue_indirect_dma source(%dma_start3A_35 : memref<20480xf32, #tpu.memory_space<hbm>>) target(%dma_start3A_30 : memref<128xf32, #tpu.memory_space<vmem>>) offsets(%dma_start3A_33 : memref<128xi32, #tpu.memory_space<vmem>>) semaphore(%arg12 : memref<!tpu.dma_semaphore, #tpu.memory_space<semaphore_mem>>)
    }
    %scan3A_7 = arith.constant 160 : i32
    %scan3A_8 = arith.constant 0 : i32
    %scan3A_9 = arith.constant 0 : i32
    %scan3A_10 = arith.constant 160 : i32
    %scan3A_11 = arith.addi %scan3A_9, %scan3A_10 : i32
    %scan3A_12 = arith.constant 1 : i32
    scf.for %scan3A_28 = %scan3A_9 to %scan3A_11 step %scan3A_12  : i32 {
      %dma_wait3A = arith.constant 0 : i32
      %dma_wait3A_29 = tpu.memref_slice %arg9[%scan3A_28, %dma_wait3A] : memref<160x128xf32, #tpu.memory_space<vmem>> -> memref<1x128xf32, #tpu.memory_space<vmem>>
      %dma_wait3A_30 = tpu.memref_squeeze %dma_wait3A_29 : memref<1x128xf32, #tpu.memory_space<vmem>> -> memref<128xf32, #tpu.memory_space<vmem>>
      %dma_wait3A_31 = arith.constant 0 : i32
      %dma_wait3A_32 = tpu.memref_slice %arg7[%scan3A_28, %dma_wait3A_31] : memref<160x128xi32, #tpu.memory_space<vmem>> -> memref<1x128xi32, #tpu.memory_space<vmem>>
      %dma_wait3A_33 = tpu.memref_squeeze %dma_wait3A_32 : memref<1x128xi32, #tpu.memory_space<vmem>> -> memref<128xi32, #tpu.memory_space<vmem>>
      %dma_wait3A_34 = arith.constant 0 : i32
      %dma_wait3A_35 = tpu.memref_slice %arg2[%dma_wait3A_34] : memref<20480xf32, #tpu.memory_space<hbm>> -> memref<20480xf32, #tpu.memory_space<hbm>>
      tpu.wait_indirect_dma semaphore(%arg12 : memref<!tpu.dma_semaphore, #tpu.memory_space<semaphore_mem>>) src(%dma_wait3A_35 : memref<20480xf32, #tpu.memory_space<hbm>>) dst(%dma_wait3A_30 : memref<128xf32, #tpu.memory_space<vmem>>)
      %dma_start3A = arith.constant 0 : i32
      %dma_start3A_36 = tpu.memref_slice %arg9[%scan3A_28, %dma_start3A] : memref<160x128xf32, #tpu.memory_space<vmem>> -> memref<1x128xf32, #tpu.memory_space<vmem>>
      %dma_start3A_37 = tpu.memref_squeeze %dma_start3A_36 : memref<1x128xf32, #tpu.memory_space<vmem>> -> memref<128xf32, #tpu.memory_space<vmem>>
      %dma_start3A_38 = arith.constant 0 : i32
      %dma_start3A_39 = tpu.memref_slice %arg8[%scan3A_28, %dma_start3A_38] : memref<160x128xi32, #tpu.memory_space<vmem>> -> memref<1x128xi32, #tpu.memory_space<vmem>>
      %dma_start3A_40 = tpu.memref_squeeze %dma_start3A_39 : memref<1x128xi32, #tpu.memory_space<vmem>> -> memref<128xi32, #tpu.memory_space<vmem>>
      %dma_start3A_41 = arith.constant 0 : i32
      %dma_start3A_42 = tpu.memref_slice %arg11[%dma_start3A_41] : memref<20480xf32, #tpu.memory_space<vmem_shared>> -> memref<20480xf32, #tpu.memory_space<vmem_shared>>
      tpu.enqueue_indirect_dma source(%dma_start3A_37 : memref<128xf32, #tpu.memory_space<vmem>>) target(%dma_start3A_42 : memref<20480xf32, #tpu.memory_space<vmem_shared>>) offsets(%dma_start3A_40 : memref<128xi32, #tpu.memory_space<vmem>>) semaphore(%arg13 : memref<!tpu.dma_semaphore, #tpu.memory_space<semaphore_mem>>) {add = true}
    }
    %scan3A_13 = arith.constant 160 : i32
    %scan3A_14 = arith.constant 0 : i32
    %scan3A_15 = arith.constant 0 : i32
    %scan3A_16 = arith.constant 160 : i32
    %scan3A_17 = arith.addi %scan3A_15, %scan3A_16 : i32
    %scan3A_18 = arith.constant 1 : i32
    scf.for %scan3A_28 = %scan3A_15 to %scan3A_17 step %scan3A_18  : i32 {
      %dma_wait3A = arith.constant 0 : i32
      %dma_wait3A_29 = tpu.memref_slice %arg9[%scan3A_28, %dma_wait3A] : memref<160x128xf32, #tpu.memory_space<vmem>> -> memref<1x128xf32, #tpu.memory_space<vmem>>
      %dma_wait3A_30 = tpu.memref_squeeze %dma_wait3A_29 : memref<1x128xf32, #tpu.memory_space<vmem>> -> memref<128xf32, #tpu.memory_space<vmem>>
      %dma_wait3A_31 = arith.constant 0 : i32
      %dma_wait3A_32 = tpu.memref_slice %arg8[%scan3A_28, %dma_wait3A_31] : memref<160x128xi32, #tpu.memory_space<vmem>> -> memref<1x128xi32, #tpu.memory_space<vmem>>
      %dma_wait3A_33 = tpu.memref_squeeze %dma_wait3A_32 : memref<1x128xi32, #tpu.memory_space<vmem>> -> memref<128xi32, #tpu.memory_space<vmem>>
      %dma_wait3A_34 = arith.constant 0 : i32
      %dma_wait3A_35 = tpu.memref_slice %arg11[%dma_wait3A_34] : memref<20480xf32, #tpu.memory_space<vmem_shared>> -> memref<20480xf32, #tpu.memory_space<vmem_shared>>
      tpu.wait_indirect_dma semaphore(%arg13 : memref<!tpu.dma_semaphore, #tpu.memory_space<semaphore_mem>>) src(%dma_wait3A_30 : memref<128xf32, #tpu.memory_space<vmem>>) dst(%dma_wait3A_35 : memref<20480xf32, #tpu.memory_space<vmem_shared>>)
    }
    %scan3A_19 = arith.constant 160 : i32
    %barrier3A_20 = arith.constant 0 : index
    tpu.barrier barrier_id(%barrier3A_20)
    %eq3A = arith.constant 0 : i32
    %eq3A_21 = arith.cmpi eq, %arg0, %eq3A : i32
    %convert_element_type3A = arith.extui %eq3A_21 : i1 to i32
    %cond3A = arith.constant 0 : i32
    %cond3A_22 = arith.cmpi ne, %convert_element_type3A, %cond3A : i32
    scf.if %cond3A_22 {
      %run_scoped3A = arith.constant 0 : i32
      "tpu.region"() ({
        %run_scoped3A_28 = tpu.sem_alloc : memref<!tpu.dma_semaphore, #tpu.memory_space<semaphore_mem>>
        %dma_start3A = tpu.memref_slice %arg6[%run_scoped3A, %mul3A_2] : memref<2x20480xf32, #tpu.memory_space<hbm>> -> memref<1x1280xf32, #tpu.memory_space<hbm>>
        %dma_start3A_29 = tpu.memref_squeeze %dma_start3A : memref<1x1280xf32, #tpu.memory_space<hbm>> -> memref<1280xf32, #tpu.memory_space<hbm>>
        %dma_start3A_30 = tpu.memref_slice %arg11[%mul3A_2] : memref<20480xf32, #tpu.memory_space<vmem_shared>> -> memref<1280xf32, #tpu.memory_space<vmem_shared>>
        tpu.enqueue_dma source(%dma_start3A_30 : memref<1280xf32, #tpu.memory_space<vmem_shared>>) target(%dma_start3A_29 : memref<1280xf32, #tpu.memory_space<hbm>>) target_semaphore(%run_scoped3A_28 : memref<!tpu.dma_semaphore, #tpu.memory_space<semaphore_mem>>)
        %dma_wait3A = tpu.memref_slice %arg6[%run_scoped3A, %mul3A_2] : memref<2x20480xf32, #tpu.memory_space<hbm>> -> memref<1x1280xf32, #tpu.memory_space<hbm>>
        %dma_wait3A_31 = tpu.memref_squeeze %dma_wait3A : memref<1x1280xf32, #tpu.memory_space<hbm>> -> memref<1280xf32, #tpu.memory_space<hbm>>
        %dma_wait3A_32 = tpu.memref_slice %arg11[%mul3A_2] : memref<20480xf32, #tpu.memory_space<vmem_shared>> -> memref<1280xf32, #tpu.memory_space<vmem_shared>>
        tpu.wait_dma2 semaphore(%run_scoped3A_28 : memref<!tpu.dma_semaphore, #tpu.memory_space<semaphore_mem>>) src(%dma_wait3A_32 : memref<1280xf32, #tpu.memory_space<vmem_shared>>) dst(%dma_wait3A_31 : memref<1280xf32, #tpu.memory_space<hbm>>)
        tpu.yield
      }) : () -> ()
    } else {
    }
    %eq3A_23 = arith.constant 1 : i32
    %eq3A_24 = arith.cmpi eq, %arg0, %eq3A_23 : i32
    %convert_element_type3A_25 = arith.extui %eq3A_24 : i1 to i32
    %cond3A_26 = arith.constant 0 : i32
    %cond3A_27 = arith.cmpi ne, %convert_element_type3A_25, %cond3A_26 : i32
    scf.if %cond3A_27 {
      %run_scoped3A = arith.constant 1 : i32
      "tpu.region"() ({
        %run_scoped3A_28 = tpu.sem_alloc : memref<!tpu.dma_semaphore, #tpu.memory_space<semaphore_mem>>
        %dma_start3A = tpu.memref_slice %arg6[%run_scoped3A, %mul3A_2] : memref<2x20480xf32, #tpu.memory_space<hbm>> -> memref<1x1280xf32, #tpu.memory_space<hbm>>
        %dma_start3A_29 = tpu.memref_squeeze %dma_start3A : memref<1x1280xf32, #tpu.memory_space<hbm>> -> memref<1280xf32, #tpu.memory_space<hbm>>
        %dma_start3A_30 = tpu.memref_slice %arg11[%mul3A_2] : memref<20480xf32, #tpu.memory_space<vmem_shared>> -> memref<1280xf32, #tpu.memory_space<vmem_shared>>
        tpu.enqueue_dma source(%dma_start3A_30 : memref<1280xf32, #tpu.memory_space<vmem_shared>>) target(%dma_start3A_29 : memref<1280xf32, #tpu.memory_space<hbm>>) target_semaphore(%run_scoped3A_28 : memref<!tpu.dma_semaphore, #tpu.memory_space<semaphore_mem>>)
        %dma_wait3A = tpu.memref_slice %arg6[%run_scoped3A, %mul3A_2] : memref<2x20480xf32, #tpu.memory_space<hbm>> -> memref<1x1280xf32, #tpu.memory_space<hbm>>
        %dma_wait3A_31 = tpu.memref_squeeze %dma_wait3A : memref<1x1280xf32, #tpu.memory_space<hbm>> -> memref<1280xf32, #tpu.memory_space<hbm>>
        %dma_wait3A_32 = tpu.memref_slice %arg11[%mul3A_2] : memref<20480xf32, #tpu.memory_space<vmem_shared>> -> memref<1280xf32, #tpu.memory_space<vmem_shared>>
        tpu.wait_dma2 semaphore(%run_scoped3A_28 : memref<!tpu.dma_semaphore, #tpu.memory_space<semaphore_mem>>) src(%dma_wait3A_32 : memref<1280xf32, #tpu.memory_space<vmem_shared>>) dst(%dma_wait3A_31 : memref<1280xf32, #tpu.memory_space<hbm>>)
        tpu.yield
      }) : () -> ()
    } else {
    }
    return
  }
}

#map = affine_map<(d0, d1) -> (0, 0)>
#map1 = affine_map<(d0, d1) -> (0, 0, 0)>
module attributes {stable_mosaic.version = 14 : i64} {
  func.func @_agg_body(%arg0: i32, %arg1: i32, %arg2: memref<10240x128xf32, #tpu.memory_space<hbm>>, %arg3: memref<32x80x128xi32, #tpu.memory_space<hbm>>, %arg4: memref<32x80x128xi32, #tpu.memory_space<hbm>>, %arg5: memref<128x128xf32, #tpu.memory_space<hbm>>, %arg6: memref<2x10240x128xf32, #tpu.memory_space<hbm>>, %arg7: memref<40x128xi32, #tpu.memory_space<vmem>>, %arg8: memref<40x128xi32, #tpu.memory_space<vmem>>, %arg9: memref<128x128xf32, #tpu.memory_space<vmem>>, %arg10: memref<128x128xf32, #tpu.memory_space<vmem>>, %arg11: memref<10240x128xf32, #tpu.memory_space<vmem_shared>>, %arg12: memref<!tpu.dma_semaphore, #tpu.memory_space<semaphore_mem>>, %arg13: memref<!tpu.dma_semaphore, #tpu.memory_space<semaphore_mem>>, %arg14: memref<!tpu.dma_semaphore, #tpu.memory_space<semaphore_mem>>, %arg15: memref<!tpu.dma_semaphore, #tpu.memory_space<semaphore_mem>>) attributes {dimension_semantics = [#tpu.dimension_semantics<core_parallel>, #tpu.dimension_semantics<subcore_parallel>], iteration_bounds = array<i64: 2, 16>, scalar_prefetch = 0 : i64, scratch_operands = 9 : i64, tpu.core_type = #tpu.core_type<sc_vector_subcore>, window_params = [{transform_indices = #map}, {transform_indices = #map1}, {transform_indices = #map1}, {transform_indices = #map}, {transform_indices = #map1}]} {
    %mul3A = arith.constant 16 : i32
    %mul3A_0 = arith.muli %arg0, %mul3A : i32
    %add3A = arith.addi %mul3A_0, %arg1 : i32
    %mul3A_1 = arith.constant 640 : i32
    %mul3A_2 = arith.muli %arg1, %mul3A_1 : i32
    "tpu.region"() ({
      %run_scoped3A = tpu.sem_alloc : memref<!tpu.dma_semaphore, #tpu.memory_space<semaphore_mem>>
      tpu.enqueue_dma source(%arg5 : memref<128x128xf32, #tpu.memory_space<hbm>>) target(%arg9 : memref<128x128xf32, #tpu.memory_space<vmem>>) target_semaphore(%run_scoped3A : memref<!tpu.dma_semaphore, #tpu.memory_space<semaphore_mem>>)
      tpu.wait_dma2 semaphore(%run_scoped3A : memref<!tpu.dma_semaphore, #tpu.memory_space<semaphore_mem>>) src(%arg5 : memref<128x128xf32, #tpu.memory_space<hbm>>) dst(%arg9 : memref<128x128xf32, #tpu.memory_space<vmem>>)
      tpu.yield
    }) : () -> ()
    %add3A_3 = arith.constant 0 : i32
    %add3A_4 = arith.addi %mul3A_2, %add3A_3 : i32
    "tpu.region"() ({
      %run_scoped3A = tpu.sem_alloc : memref<!tpu.dma_semaphore, #tpu.memory_space<semaphore_mem>>
      %dma_start3A_156 = arith.constant 0 : i32
      %dma_start3A_157 = tpu.memref_slice %arg11[%add3A_4, %dma_start3A_156] : memref<10240x128xf32, #tpu.memory_space<vmem_shared>> -> memref<128x128xf32, #tpu.memory_space<vmem_shared>>
      %dma_start3A_158 = arith.constant 0 : i32
      %dma_start3A_159 = tpu.memref_slice %arg11[%add3A_4, %dma_start3A_158] : memref<10240x128xf32, #tpu.memory_space<vmem_shared>> -> memref<128x128xf32, #tpu.memory_space<vmem_shared>>
      tpu.enqueue_dma source(%arg9 : memref<128x128xf32, #tpu.memory_space<vmem>>) target(%dma_start3A_159 : memref<128x128xf32, #tpu.memory_space<vmem_shared>>) target_semaphore(%run_scoped3A : memref<!tpu.dma_semaphore, #tpu.memory_space<semaphore_mem>>)
      %dma_wait3A_160 = arith.constant 0 : i32
      %dma_wait3A_161 = tpu.memref_slice %arg11[%add3A_4, %dma_wait3A_160] : memref<10240x128xf32, #tpu.memory_space<vmem_shared>> -> memref<128x128xf32, #tpu.memory_space<vmem_shared>>
      %dma_wait3A_162 = arith.constant 0 : i32
      %dma_wait3A_163 = tpu.memref_slice %arg11[%add3A_4, %dma_wait3A_162] : memref<10240x128xf32, #tpu.memory_space<vmem_shared>> -> memref<128x128xf32, #tpu.memory_space<vmem_shared>>
      tpu.wait_dma2 semaphore(%run_scoped3A : memref<!tpu.dma_semaphore, #tpu.memory_space<semaphore_mem>>) src(%arg9 : memref<128x128xf32, #tpu.memory_space<vmem>>) dst(%dma_wait3A_163 : memref<128x128xf32, #tpu.memory_space<vmem_shared>>)
      tpu.yield
    }) : () -> ()
    %add3A_5 = arith.constant 128 : i32
    %add3A_6 = arith.addi %mul3A_2, %add3A_5 : i32
    "tpu.region"() ({
      %run_scoped3A = tpu.sem_alloc : memref<!tpu.dma_semaphore, #tpu.memory_space<semaphore_mem>>
      %dma_start3A_156 = arith.constant 0 : i32
      %dma_start3A_157 = tpu.memref_slice %arg11[%add3A_6, %dma_start3A_156] : memref<10240x128xf32, #tpu.memory_space<vmem_shared>> -> memref<128x128xf32, #tpu.memory_space<vmem_shared>>
      %dma_start3A_158 = arith.constant 0 : i32
      %dma_start3A_159 = tpu.memref_slice %arg11[%add3A_6, %dma_start3A_158] : memref<10240x128xf32, #tpu.memory_space<vmem_shared>> -> memref<128x128xf32, #tpu.memory_space<vmem_shared>>
      tpu.enqueue_dma source(%arg9 : memref<128x128xf32, #tpu.memory_space<vmem>>) target(%dma_start3A_159 : memref<128x128xf32, #tpu.memory_space<vmem_shared>>) target_semaphore(%run_scoped3A : memref<!tpu.dma_semaphore, #tpu.memory_space<semaphore_mem>>)
      %dma_wait3A_160 = arith.constant 0 : i32
      %dma_wait3A_161 = tpu.memref_slice %arg11[%add3A_6, %dma_wait3A_160] : memref<10240x128xf32, #tpu.memory_space<vmem_shared>> -> memref<128x128xf32, #tpu.memory_space<vmem_shared>>
      %dma_wait3A_162 = arith.constant 0 : i32
      %dma_wait3A_163 = tpu.memref_slice %arg11[%add3A_6, %dma_wait3A_162] : memref<10240x128xf32, #tpu.memory_space<vmem_shared>> -> memref<128x128xf32, #tpu.memory_space<vmem_shared>>
      tpu.wait_dma2 semaphore(%run_scoped3A : memref<!tpu.dma_semaphore, #tpu.memory_space<semaphore_mem>>) src(%arg9 : memref<128x128xf32, #tpu.memory_space<vmem>>) dst(%dma_wait3A_163 : memref<128x128xf32, #tpu.memory_space<vmem_shared>>)
      tpu.yield
    }) : () -> ()
    %add3A_7 = arith.constant 256 : i32
    %add3A_8 = arith.addi %mul3A_2, %add3A_7 : i32
    "tpu.region"() ({
      %run_scoped3A = tpu.sem_alloc : memref<!tpu.dma_semaphore, #tpu.memory_space<semaphore_mem>>
      %dma_start3A_156 = arith.constant 0 : i32
      %dma_start3A_157 = tpu.memref_slice %arg11[%add3A_8, %dma_start3A_156] : memref<10240x128xf32, #tpu.memory_space<vmem_shared>> -> memref<128x128xf32, #tpu.memory_space<vmem_shared>>
      %dma_start3A_158 = arith.constant 0 : i32
      %dma_start3A_159 = tpu.memref_slice %arg11[%add3A_8, %dma_start3A_158] : memref<10240x128xf32, #tpu.memory_space<vmem_shared>> -> memref<128x128xf32, #tpu.memory_space<vmem_shared>>
      tpu.enqueue_dma source(%arg9 : memref<128x128xf32, #tpu.memory_space<vmem>>) target(%dma_start3A_159 : memref<128x128xf32, #tpu.memory_space<vmem_shared>>) target_semaphore(%run_scoped3A : memref<!tpu.dma_semaphore, #tpu.memory_space<semaphore_mem>>)
      %dma_wait3A_160 = arith.constant 0 : i32
      %dma_wait3A_161 = tpu.memref_slice %arg11[%add3A_8, %dma_wait3A_160] : memref<10240x128xf32, #tpu.memory_space<vmem_shared>> -> memref<128x128xf32, #tpu.memory_space<vmem_shared>>
      %dma_wait3A_162 = arith.constant 0 : i32
      %dma_wait3A_163 = tpu.memref_slice %arg11[%add3A_8, %dma_wait3A_162] : memref<10240x128xf32, #tpu.memory_space<vmem_shared>> -> memref<128x128xf32, #tpu.memory_space<vmem_shared>>
      tpu.wait_dma2 semaphore(%run_scoped3A : memref<!tpu.dma_semaphore, #tpu.memory_space<semaphore_mem>>) src(%arg9 : memref<128x128xf32, #tpu.memory_space<vmem>>) dst(%dma_wait3A_163 : memref<128x128xf32, #tpu.memory_space<vmem_shared>>)
      tpu.yield
    }) : () -> ()
    %add3A_9 = arith.constant 384 : i32
    %add3A_10 = arith.addi %mul3A_2, %add3A_9 : i32
    "tpu.region"() ({
      %run_scoped3A = tpu.sem_alloc : memref<!tpu.dma_semaphore, #tpu.memory_space<semaphore_mem>>
      %dma_start3A_156 = arith.constant 0 : i32
      %dma_start3A_157 = tpu.memref_slice %arg11[%add3A_10, %dma_start3A_156] : memref<10240x128xf32, #tpu.memory_space<vmem_shared>> -> memref<128x128xf32, #tpu.memory_space<vmem_shared>>
      %dma_start3A_158 = arith.constant 0 : i32
      %dma_start3A_159 = tpu.memref_slice %arg11[%add3A_10, %dma_start3A_158] : memref<10240x128xf32, #tpu.memory_space<vmem_shared>> -> memref<128x128xf32, #tpu.memory_space<vmem_shared>>
      tpu.enqueue_dma source(%arg9 : memref<128x128xf32, #tpu.memory_space<vmem>>) target(%dma_start3A_159 : memref<128x128xf32, #tpu.memory_space<vmem_shared>>) target_semaphore(%run_scoped3A : memref<!tpu.dma_semaphore, #tpu.memory_space<semaphore_mem>>)
      %dma_wait3A_160 = arith.constant 0 : i32
      %dma_wait3A_161 = tpu.memref_slice %arg11[%add3A_10, %dma_wait3A_160] : memref<10240x128xf32, #tpu.memory_space<vmem_shared>> -> memref<128x128xf32, #tpu.memory_space<vmem_shared>>
      %dma_wait3A_162 = arith.constant 0 : i32
      %dma_wait3A_163 = tpu.memref_slice %arg11[%add3A_10, %dma_wait3A_162] : memref<10240x128xf32, #tpu.memory_space<vmem_shared>> -> memref<128x128xf32, #tpu.memory_space<vmem_shared>>
      tpu.wait_dma2 semaphore(%run_scoped3A : memref<!tpu.dma_semaphore, #tpu.memory_space<semaphore_mem>>) src(%arg9 : memref<128x128xf32, #tpu.memory_space<vmem>>) dst(%dma_wait3A_163 : memref<128x128xf32, #tpu.memory_space<vmem_shared>>)
      tpu.yield
    }) : () -> ()
    %add3A_11 = arith.constant 512 : i32
    %add3A_12 = arith.addi %mul3A_2, %add3A_11 : i32
    "tpu.region"() ({
      %run_scoped3A = tpu.sem_alloc : memref<!tpu.dma_semaphore, #tpu.memory_space<semaphore_mem>>
      %dma_start3A_156 = arith.constant 0 : i32
      %dma_start3A_157 = tpu.memref_slice %arg11[%add3A_12, %dma_start3A_156] : memref<10240x128xf32, #tpu.memory_space<vmem_shared>> -> memref<128x128xf32, #tpu.memory_space<vmem_shared>>
      %dma_start3A_158 = arith.constant 0 : i32
      %dma_start3A_159 = tpu.memref_slice %arg11[%add3A_12, %dma_start3A_158] : memref<10240x128xf32, #tpu.memory_space<vmem_shared>> -> memref<128x128xf32, #tpu.memory_space<vmem_shared>>
      tpu.enqueue_dma source(%arg9 : memref<128x128xf32, #tpu.memory_space<vmem>>) target(%dma_start3A_159 : memref<128x128xf32, #tpu.memory_space<vmem_shared>>) target_semaphore(%run_scoped3A : memref<!tpu.dma_semaphore, #tpu.memory_space<semaphore_mem>>)
      %dma_wait3A_160 = arith.constant 0 : i32
      %dma_wait3A_161 = tpu.memref_slice %arg11[%add3A_12, %dma_wait3A_160] : memref<10240x128xf32, #tpu.memory_space<vmem_shared>> -> memref<128x128xf32, #tpu.memory_space<vmem_shared>>
      %dma_wait3A_162 = arith.constant 0 : i32
      %dma_wait3A_163 = tpu.memref_slice %arg11[%add3A_12, %dma_wait3A_162] : memref<10240x128xf32, #tpu.memory_space<vmem_shared>> -> memref<128x128xf32, #tpu.memory_space<vmem_shared>>
      tpu.wait_dma2 semaphore(%run_scoped3A : memref<!tpu.dma_semaphore, #tpu.memory_space<semaphore_mem>>) src(%arg9 : memref<128x128xf32, #tpu.memory_space<vmem>>) dst(%dma_wait3A_163 : memref<128x128xf32, #tpu.memory_space<vmem_shared>>)
      tpu.yield
    }) : () -> ()
    %barrier3A = arith.constant 0 : index
    tpu.barrier barrier_id(%barrier3A)
    "tpu.region"() ({
      %run_scoped3A = tpu.sem_alloc : memref<!tpu.dma_semaphore, #tpu.memory_space<semaphore_mem>>
      %dma_start3A_156 = arith.constant 0 : i32
      %dma_start3A_157 = arith.constant 0 : i32
      %dma_start3A_158 = tpu.memref_slice %arg3[%add3A, %dma_start3A_156, %dma_start3A_157] : memref<32x80x128xi32, #tpu.memory_space<hbm>> -> memref<1x40x128xi32, #tpu.memory_space<hbm>>
      %dma_start3A_159 = tpu.memref_squeeze %dma_start3A_158 : memref<1x40x128xi32, #tpu.memory_space<hbm>> -> memref<40x128xi32, #tpu.memory_space<hbm>>
      %dma_start3A_160 = arith.constant 0 : i32
      %dma_start3A_161 = arith.constant 0 : i32
      %dma_start3A_162 = tpu.memref_slice %arg3[%add3A, %dma_start3A_160, %dma_start3A_161] : memref<32x80x128xi32, #tpu.memory_space<hbm>> -> memref<1x40x128xi32, #tpu.memory_space<hbm>>
      %dma_start3A_163 = tpu.memref_squeeze %dma_start3A_162 : memref<1x40x128xi32, #tpu.memory_space<hbm>> -> memref<40x128xi32, #tpu.memory_space<hbm>>
      tpu.enqueue_dma source(%dma_start3A_163 : memref<40x128xi32, #tpu.memory_space<hbm>>) target(%arg7 : memref<40x128xi32, #tpu.memory_space<vmem>>) target_semaphore(%run_scoped3A : memref<!tpu.dma_semaphore, #tpu.memory_space<semaphore_mem>>)
      %dma_wait3A_164 = arith.constant 0 : i32
      %dma_wait3A_165 = arith.constant 0 : i32
      %dma_wait3A_166 = tpu.memref_slice %arg3[%add3A, %dma_wait3A_164, %dma_wait3A_165] : memref<32x80x128xi32, #tpu.memory_space<hbm>> -> memref<1x40x128xi32, #tpu.memory_space<hbm>>
      %dma_wait3A_167 = tpu.memref_squeeze %dma_wait3A_166 : memref<1x40x128xi32, #tpu.memory_space<hbm>> -> memref<40x128xi32, #tpu.memory_space<hbm>>
      %dma_wait3A_168 = arith.constant 0 : i32
      %dma_wait3A_169 = arith.constant 0 : i32
      %dma_wait3A_170 = tpu.memref_slice %arg3[%add3A, %dma_wait3A_168, %dma_wait3A_169] : memref<32x80x128xi32, #tpu.memory_space<hbm>> -> memref<1x40x128xi32, #tpu.memory_space<hbm>>
      %dma_wait3A_171 = tpu.memref_squeeze %dma_wait3A_170 : memref<1x40x128xi32, #tpu.memory_space<hbm>> -> memref<40x128xi32, #tpu.memory_space<hbm>>
      tpu.wait_dma2 semaphore(%run_scoped3A : memref<!tpu.dma_semaphore, #tpu.memory_space<semaphore_mem>>) src(%dma_wait3A_171 : memref<40x128xi32, #tpu.memory_space<hbm>>) dst(%arg7 : memref<40x128xi32, #tpu.memory_space<vmem>>)
      tpu.yield
    }) : () -> ()
    "tpu.region"() ({
      %run_scoped3A = tpu.sem_alloc : memref<!tpu.dma_semaphore, #tpu.memory_space<semaphore_mem>>
      %dma_start3A_156 = arith.constant 0 : i32
      %dma_start3A_157 = arith.constant 0 : i32
      %dma_start3A_158 = tpu.memref_slice %arg4[%add3A, %dma_start3A_156, %dma_start3A_157] : memref<32x80x128xi32, #tpu.memory_space<hbm>> -> memref<1x40x128xi32, #tpu.memory_space<hbm>>
      %dma_start3A_159 = tpu.memref_squeeze %dma_start3A_158 : memref<1x40x128xi32, #tpu.memory_space<hbm>> -> memref<40x128xi32, #tpu.memory_space<hbm>>
      %dma_start3A_160 = arith.constant 0 : i32
      %dma_start3A_161 = arith.constant 0 : i32
      %dma_start3A_162 = tpu.memref_slice %arg4[%add3A, %dma_start3A_160, %dma_start3A_161] : memref<32x80x128xi32, #tpu.memory_space<hbm>> -> memref<1x40x128xi32, #tpu.memory_space<hbm>>
      %dma_start3A_163 = tpu.memref_squeeze %dma_start3A_162 : memref<1x40x128xi32, #tpu.memory_space<hbm>> -> memref<40x128xi32, #tpu.memory_space<hbm>>
      tpu.enqueue_dma source(%dma_start3A_163 : memref<40x128xi32, #tpu.memory_space<hbm>>) target(%arg8 : memref<40x128xi32, #tpu.memory_space<vmem>>) target_semaphore(%run_scoped3A : memref<!tpu.dma_semaphore, #tpu.memory_space<semaphore_mem>>)
      %dma_wait3A_164 = arith.constant 0 : i32
      %dma_wait3A_165 = arith.constant 0 : i32
      %dma_wait3A_166 = tpu.memref_slice %arg4[%add3A, %dma_wait3A_164, %dma_wait3A_165] : memref<32x80x128xi32, #tpu.memory_space<hbm>> -> memref<1x40x128xi32, #tpu.memory_space<hbm>>
      %dma_wait3A_167 = tpu.memref_squeeze %dma_wait3A_166 : memref<1x40x128xi32, #tpu.memory_space<hbm>> -> memref<40x128xi32, #tpu.memory_space<hbm>>
      %dma_wait3A_168 = arith.constant 0 : i32
      %dma_wait3A_169 = arith.constant 0 : i32
      %dma_wait3A_170 = tpu.memref_slice %arg4[%add3A, %dma_wait3A_168, %dma_wait3A_169] : memref<32x80x128xi32, #tpu.memory_space<hbm>> -> memref<1x40x128xi32, #tpu.memory_space<hbm>>
      %dma_wait3A_171 = tpu.memref_squeeze %dma_wait3A_170 : memref<1x40x128xi32, #tpu.memory_space<hbm>> -> memref<40x128xi32, #tpu.memory_space<hbm>>
      tpu.wait_dma2 semaphore(%run_scoped3A : memref<!tpu.dma_semaphore, #tpu.memory_space<semaphore_mem>>) src(%dma_wait3A_171 : memref<40x128xi32, #tpu.memory_space<hbm>>) dst(%arg8 : memref<40x128xi32, #tpu.memory_space<vmem>>)
      tpu.yield
    }) : () -> ()
    %dma_start3A = arith.constant 0 : i32
    %dma_start3A_13 = arith.constant 0 : i32
    %dma_start3A_14 = tpu.memref_slice %arg7[%dma_start3A, %dma_start3A_13] : memref<40x128xi32, #tpu.memory_space<vmem>> -> memref<1x128xi32, #tpu.memory_space<vmem>>
    %dma_start3A_15 = tpu.memref_squeeze %dma_start3A_14 : memref<1x128xi32, #tpu.memory_space<vmem>> -> memref<128xi32, #tpu.memory_space<vmem>>
    %dma_start3A_16 = arith.constant 0 : i32
    %dma_start3A_17 = arith.constant 0 : i32
    %dma_start3A_18 = tpu.memref_slice %arg2[%dma_start3A_16, %dma_start3A_17] : memref<10240x128xf32, #tpu.memory_space<hbm>> -> memref<10240x128xf32, #tpu.memory_space<hbm>>
    tpu.enqueue_indirect_dma source(%dma_start3A_18 : memref<10240x128xf32, #tpu.memory_space<hbm>>) target(%arg9 : memref<128x128xf32, #tpu.memory_space<vmem>>) offsets(%dma_start3A_15 : memref<128xi32, #tpu.memory_space<vmem>>) semaphore(%arg12 : memref<!tpu.dma_semaphore, #tpu.memory_space<semaphore_mem>>)
    %dma_start3A_19 = arith.constant 1 : i32
    %dma_start3A_20 = arith.constant 0 : i32
    %dma_start3A_21 = tpu.memref_slice %arg7[%dma_start3A_19, %dma_start3A_20] : memref<40x128xi32, #tpu.memory_space<vmem>> -> memref<1x128xi32, #tpu.memory_space<vmem>>
    %dma_start3A_22 = tpu.memref_squeeze %dma_start3A_21 : memref<1x128xi32, #tpu.memory_space<vmem>> -> memref<128xi32, #tpu.memory_space<vmem>>
    %dma_start3A_23 = arith.constant 0 : i32
    %dma_start3A_24 = arith.constant 0 : i32
    %dma_start3A_25 = tpu.memref_slice %arg2[%dma_start3A_23, %dma_start3A_24] : memref<10240x128xf32, #tpu.memory_space<hbm>> -> memref<10240x128xf32, #tpu.memory_space<hbm>>
    tpu.enqueue_indirect_dma source(%dma_start3A_25 : memref<10240x128xf32, #tpu.memory_space<hbm>>) target(%arg10 : memref<128x128xf32, #tpu.memory_space<vmem>>) offsets(%dma_start3A_22 : memref<128xi32, #tpu.memory_space<vmem>>) semaphore(%arg13 : memref<!tpu.dma_semaphore, #tpu.memory_space<semaphore_mem>>)
    %dma_wait3A = arith.constant 0 : i32
    %dma_wait3A_26 = arith.constant 0 : i32
    %dma_wait3A_27 = tpu.memref_slice %arg7[%dma_wait3A, %dma_wait3A_26] : memref<40x128xi32, #tpu.memory_space<vmem>> -> memref<1x128xi32, #tpu.memory_space<vmem>>
    %dma_wait3A_28 = tpu.memref_squeeze %dma_wait3A_27 : memref<1x128xi32, #tpu.memory_space<vmem>> -> memref<128xi32, #tpu.memory_space<vmem>>
    %dma_wait3A_29 = arith.constant 0 : i32
    %dma_wait3A_30 = arith.constant 0 : i32
    %dma_wait3A_31 = tpu.memref_slice %arg2[%dma_wait3A_29, %dma_wait3A_30] : memref<10240x128xf32, #tpu.memory_space<hbm>> -> memref<10240x128xf32, #tpu.memory_space<hbm>>
    tpu.wait_indirect_dma semaphore(%arg12 : memref<!tpu.dma_semaphore, #tpu.memory_space<semaphore_mem>>) src(%dma_wait3A_31 : memref<10240x128xf32, #tpu.memory_space<hbm>>) dst(%arg9 : memref<128x128xf32, #tpu.memory_space<vmem>>)
    %dma_start3A_32 = arith.constant 0 : i32
    %dma_start3A_33 = arith.constant 0 : i32
    %dma_start3A_34 = tpu.memref_slice %arg8[%dma_start3A_32, %dma_start3A_33] : memref<40x128xi32, #tpu.memory_space<vmem>> -> memref<1x128xi32, #tpu.memory_space<vmem>>
    %dma_start3A_35 = tpu.memref_squeeze %dma_start3A_34 : memref<1x128xi32, #tpu.memory_space<vmem>> -> memref<128xi32, #tpu.memory_space<vmem>>
    %dma_start3A_36 = arith.constant 0 : i32
    %dma_start3A_37 = arith.constant 0 : i32
    %dma_start3A_38 = tpu.memref_slice %arg11[%dma_start3A_36, %dma_start3A_37] : memref<10240x128xf32, #tpu.memory_space<vmem_shared>> -> memref<10240x128xf32, #tpu.memory_space<vmem_shared>>
    tpu.enqueue_indirect_dma source(%arg9 : memref<128x128xf32, #tpu.memory_space<vmem>>) target(%dma_start3A_38 : memref<10240x128xf32, #tpu.memory_space<vmem_shared>>) offsets(%dma_start3A_35 : memref<128xi32, #tpu.memory_space<vmem>>) semaphore(%arg14 : memref<!tpu.dma_semaphore, #tpu.memory_space<semaphore_mem>>) {add = true}
    %dma_wait3A_39 = arith.constant 1 : i32
    %dma_wait3A_40 = arith.constant 0 : i32
    %dma_wait3A_41 = tpu.memref_slice %arg7[%dma_wait3A_39, %dma_wait3A_40] : memref<40x128xi32, #tpu.memory_space<vmem>> -> memref<1x128xi32, #tpu.memory_space<vmem>>
    %dma_wait3A_42 = tpu.memref_squeeze %dma_wait3A_41 : memref<1x128xi32, #tpu.memory_space<vmem>> -> memref<128xi32, #tpu.memory_space<vmem>>
    %dma_wait3A_43 = arith.constant 0 : i32
    %dma_wait3A_44 = arith.constant 0 : i32
    %dma_wait3A_45 = tpu.memref_slice %arg2[%dma_wait3A_43, %dma_wait3A_44] : memref<10240x128xf32, #tpu.memory_space<hbm>> -> memref<10240x128xf32, #tpu.memory_space<hbm>>
    tpu.wait_indirect_dma semaphore(%arg13 : memref<!tpu.dma_semaphore, #tpu.memory_space<semaphore_mem>>) src(%dma_wait3A_45 : memref<10240x128xf32, #tpu.memory_space<hbm>>) dst(%arg10 : memref<128x128xf32, #tpu.memory_space<vmem>>)
    %dma_start3A_46 = arith.constant 1 : i32
    %dma_start3A_47 = arith.constant 0 : i32
    %dma_start3A_48 = tpu.memref_slice %arg8[%dma_start3A_46, %dma_start3A_47] : memref<40x128xi32, #tpu.memory_space<vmem>> -> memref<1x128xi32, #tpu.memory_space<vmem>>
    %dma_start3A_49 = tpu.memref_squeeze %dma_start3A_48 : memref<1x128xi32, #tpu.memory_space<vmem>> -> memref<128xi32, #tpu.memory_space<vmem>>
    %dma_start3A_50 = arith.constant 0 : i32
    %dma_start3A_51 = arith.constant 0 : i32
    %dma_start3A_52 = tpu.memref_slice %arg11[%dma_start3A_50, %dma_start3A_51] : memref<10240x128xf32, #tpu.memory_space<vmem_shared>> -> memref<10240x128xf32, #tpu.memory_space<vmem_shared>>
    tpu.enqueue_indirect_dma source(%arg10 : memref<128x128xf32, #tpu.memory_space<vmem>>) target(%dma_start3A_52 : memref<10240x128xf32, #tpu.memory_space<vmem_shared>>) offsets(%dma_start3A_49 : memref<128xi32, #tpu.memory_space<vmem>>) semaphore(%arg15 : memref<!tpu.dma_semaphore, #tpu.memory_space<semaphore_mem>>) {add = true}
    %dma_wait3A_53 = arith.constant 0 : i32
    %dma_wait3A_54 = arith.constant 0 : i32
    %dma_wait3A_55 = tpu.memref_slice %arg8[%dma_wait3A_53, %dma_wait3A_54] : memref<40x128xi32, #tpu.memory_space<vmem>> -> memref<1x128xi32, #tpu.memory_space<vmem>>
    %dma_wait3A_56 = tpu.memref_squeeze %dma_wait3A_55 : memref<1x128xi32, #tpu.memory_space<vmem>> -> memref<128xi32, #tpu.memory_space<vmem>>
    %dma_wait3A_57 = arith.constant 0 : i32
    %dma_wait3A_58 = arith.constant 0 : i32
    %dma_wait3A_59 = tpu.memref_slice %arg11[%dma_wait3A_57, %dma_wait3A_58] : memref<10240x128xf32, #tpu.memory_space<vmem_shared>> -> memref<10240x128xf32, #tpu.memory_space<vmem_shared>>
    tpu.wait_indirect_dma semaphore(%arg14 : memref<!tpu.dma_semaphore, #tpu.memory_space<semaphore_mem>>) src(%arg9 : memref<128x128xf32, #tpu.memory_space<vmem>>) dst(%dma_wait3A_59 : memref<10240x128xf32, #tpu.memory_space<vmem_shared>>)
    %dma_start3A_60 = arith.constant 2 : i32
    %dma_start3A_61 = arith.constant 0 : i32
    %dma_start3A_62 = tpu.memref_slice %arg7[%dma_start3A_60, %dma_start3A_61] : memref<40x128xi32, #tpu.memory_space<vmem>> -> memref<1x128xi32, #tpu.memory_space<vmem>>
    %dma_start3A_63 = tpu.memref_squeeze %dma_start3A_62 : memref<1x128xi32, #tpu.memory_space<vmem>> -> memref<128xi32, #tpu.memory_space<vmem>>
    %dma_start3A_64 = arith.constant 0 : i32
    %dma_start3A_65 = arith.constant 0 : i32
    %dma_start3A_66 = tpu.memref_slice %arg2[%dma_start3A_64, %dma_start3A_65] : memref<10240x128xf32, #tpu.memory_space<hbm>> -> memref<10240x128xf32, #tpu.memory_space<hbm>>
    tpu.enqueue_indirect_dma source(%dma_start3A_66 : memref<10240x128xf32, #tpu.memory_space<hbm>>) target(%arg9 : memref<128x128xf32, #tpu.memory_space<vmem>>) offsets(%dma_start3A_63 : memref<128xi32, #tpu.memory_space<vmem>>) semaphore(%arg12 : memref<!tpu.dma_semaphore, #tpu.memory_space<semaphore_mem>>)
    %scan3A = arith.constant 0 : i32
    %scan3A_67 = arith.constant 1 : i32
    %scan3A_68 = arith.constant 19 : i32
    %scan3A_69 = arith.addi %scan3A_67, %scan3A_68 : i32
    %scan3A_70 = arith.constant 1 : i32
    scf.for %scan3A_156 = %scan3A_67 to %scan3A_69 step %scan3A_70  : i32 {
      %mul3A_157 = arith.constant 2 : i32
      %mul3A_158 = arith.muli %mul3A_157, %scan3A_156 : i32
      %dma_wait3A_159 = arith.constant 0 : i32
      %dma_wait3A_160 = tpu.memref_slice %arg7[%mul3A_158, %dma_wait3A_159] : memref<40x128xi32, #tpu.memory_space<vmem>> -> memref<1x128xi32, #tpu.memory_space<vmem>>
      %dma_wait3A_161 = tpu.memref_squeeze %dma_wait3A_160 : memref<1x128xi32, #tpu.memory_space<vmem>> -> memref<128xi32, #tpu.memory_space<vmem>>
      %dma_wait3A_162 = arith.constant 0 : i32
      %dma_wait3A_163 = arith.constant 0 : i32
      %dma_wait3A_164 = tpu.memref_slice %arg2[%dma_wait3A_162, %dma_wait3A_163] : memref<10240x128xf32, #tpu.memory_space<hbm>> -> memref<10240x128xf32, #tpu.memory_space<hbm>>
      tpu.wait_indirect_dma semaphore(%arg12 : memref<!tpu.dma_semaphore, #tpu.memory_space<semaphore_mem>>) src(%dma_wait3A_164 : memref<10240x128xf32, #tpu.memory_space<hbm>>) dst(%arg9 : memref<128x128xf32, #tpu.memory_space<vmem>>)
      %dma_start3A_165 = arith.constant 0 : i32
      %dma_start3A_166 = tpu.memref_slice %arg8[%mul3A_158, %dma_start3A_165] : memref<40x128xi32, #tpu.memory_space<vmem>> -> memref<1x128xi32, #tpu.memory_space<vmem>>
      %dma_start3A_167 = tpu.memref_squeeze %dma_start3A_166 : memref<1x128xi32, #tpu.memory_space<vmem>> -> memref<128xi32, #tpu.memory_space<vmem>>
      %dma_start3A_168 = arith.constant 0 : i32
      %dma_start3A_169 = arith.constant 0 : i32
      %dma_start3A_170 = tpu.memref_slice %arg11[%dma_start3A_168, %dma_start3A_169] : memref<10240x128xf32, #tpu.memory_space<vmem_shared>> -> memref<10240x128xf32, #tpu.memory_space<vmem_shared>>
      tpu.enqueue_indirect_dma source(%arg9 : memref<128x128xf32, #tpu.memory_space<vmem>>) target(%dma_start3A_170 : memref<10240x128xf32, #tpu.memory_space<vmem_shared>>) offsets(%dma_start3A_167 : memref<128xi32, #tpu.memory_space<vmem>>) semaphore(%arg14 : memref<!tpu.dma_semaphore, #tpu.memory_space<semaphore_mem>>) {add = true}
      %sub3A = arith.constant 1 : i32
      %sub3A_171 = arith.subi %mul3A_158, %sub3A : i32
      %dma_wait3A_172 = arith.constant 0 : i32
      %dma_wait3A_173 = tpu.memref_slice %arg8[%sub3A_171, %dma_wait3A_172] : memref<40x128xi32, #tpu.memory_space<vmem>> -> memref<1x128xi32, #tpu.memory_space<vmem>>
      %dma_wait3A_174 = tpu.memref_squeeze %dma_wait3A_173 : memref<1x128xi32, #tpu.memory_space<vmem>> -> memref<128xi32, #tpu.memory_space<vmem>>
      %dma_wait3A_175 = arith.constant 0 : i32
      %dma_wait3A_176 = arith.constant 0 : i32
      %dma_wait3A_177 = tpu.memref_slice %arg11[%dma_wait3A_175, %dma_wait3A_176] : memref<10240x128xf32, #tpu.memory_space<vmem_shared>> -> memref<10240x128xf32, #tpu.memory_space<vmem_shared>>
      tpu.wait_indirect_dma semaphore(%arg15 : memref<!tpu.dma_semaphore, #tpu.memory_space<semaphore_mem>>) src(%arg10 : memref<128x128xf32, #tpu.memory_space<vmem>>) dst(%dma_wait3A_177 : memref<10240x128xf32, #tpu.memory_space<vmem_shared>>)
      %add3A_178 = arith.constant 1 : i32
      %add3A_179 = arith.addi %mul3A_158, %add3A_178 : i32
      %dma_start3A_180 = arith.constant 0 : i32
      %dma_start3A_181 = tpu.memref_slice %arg7[%add3A_179, %dma_start3A_180] : memref<40x128xi32, #tpu.memory_space<vmem>> -> memref<1x128xi32, #tpu.memory_space<vmem>>
      %dma_start3A_182 = tpu.memref_squeeze %dma_start3A_181 : memref<1x128xi32, #tpu.memory_space<vmem>> -> memref<128xi32, #tpu.memory_space<vmem>>
      %dma_start3A_183 = arith.constant 0 : i32
      %dma_start3A_184 = arith.constant 0 : i32
      %dma_start3A_185 = tpu.memref_slice %arg2[%dma_start3A_183, %dma_start3A_184] : memref<10240x128xf32, #tpu.memory_space<hbm>> -> memref<10240x128xf32, #tpu.memory_space<hbm>>
      tpu.enqueue_indirect_dma source(%dma_start3A_185 : memref<10240x128xf32, #tpu.memory_space<hbm>>) target(%arg10 : memref<128x128xf32, #tpu.memory_space<vmem>>) offsets(%dma_start3A_182 : memref<128xi32, #tpu.memory_space<vmem>>) semaphore(%arg13 : memref<!tpu.dma_semaphore, #tpu.memory_space<semaphore_mem>>)
      %add3A_186 = arith.constant 1 : i32
      %add3A_187 = arith.addi %mul3A_158, %add3A_186 : i32
      %dma_wait3A_188 = arith.constant 0 : i32
      %dma_wait3A_189 = tpu.memref_slice %arg7[%add3A_187, %dma_wait3A_188] : memref<40x128xi32, #tpu.memory_space<vmem>> -> memref<1x128xi32, #tpu.memory_space<vmem>>
      %dma_wait3A_190 = tpu.memref_squeeze %dma_wait3A_189 : memref<1x128xi32, #tpu.memory_space<vmem>> -> memref<128xi32, #tpu.memory_space<vmem>>
      %dma_wait3A_191 = arith.constant 0 : i32
      %dma_wait3A_192 = arith.constant 0 : i32
      %dma_wait3A_193 = tpu.memref_slice %arg2[%dma_wait3A_191, %dma_wait3A_192] : memref<10240x128xf32, #tpu.memory_space<hbm>> -> memref<10240x128xf32, #tpu.memory_space<hbm>>
      tpu.wait_indirect_dma semaphore(%arg13 : memref<!tpu.dma_semaphore, #tpu.memory_space<semaphore_mem>>) src(%dma_wait3A_193 : memref<10240x128xf32, #tpu.memory_space<hbm>>) dst(%arg10 : memref<128x128xf32, #tpu.memory_space<vmem>>)
      %add3A_194 = arith.constant 1 : i32
      %add3A_195 = arith.addi %mul3A_158, %add3A_194 : i32
      %dma_start3A_196 = arith.constant 0 : i32
      %dma_start3A_197 = tpu.memref_slice %arg8[%add3A_195, %dma_start3A_196] : memref<40x128xi32, #tpu.memory_space<vmem>> -> memref<1x128xi32, #tpu.memory_space<vmem>>
      %dma_start3A_198 = tpu.memref_squeeze %dma_start3A_197 : memref<1x128xi32, #tpu.memory_space<vmem>> -> memref<128xi32, #tpu.memory_space<vmem>>
      %dma_start3A_199 = arith.constant 0 : i32
      %dma_start3A_200 = arith.constant 0 : i32
      %dma_start3A_201 = tpu.memref_slice %arg11[%dma_start3A_199, %dma_start3A_200] : memref<10240x128xf32, #tpu.memory_space<vmem_shared>> -> memref<10240x128xf32, #tpu.memory_space<vmem_shared>>
      tpu.enqueue_indirect_dma source(%arg10 : memref<128x128xf32, #tpu.memory_space<vmem>>) target(%dma_start3A_201 : memref<10240x128xf32, #tpu.memory_space<vmem_shared>>) offsets(%dma_start3A_198 : memref<128xi32, #tpu.memory_space<vmem>>) semaphore(%arg15 : memref<!tpu.dma_semaphore, #tpu.memory_space<semaphore_mem>>) {add = true}
      %dma_wait3A_202 = arith.constant 0 : i32
      %dma_wait3A_203 = tpu.memref_slice %arg8[%mul3A_158, %dma_wait3A_202] : memref<40x128xi32, #tpu.memory_space<vmem>> -> memref<1x128xi32, #tpu.memory_space<vmem>>
      %dma_wait3A_204 = tpu.memref_squeeze %dma_wait3A_203 : memref<1x128xi32, #tpu.memory_space<vmem>> -> memref<128xi32, #tpu.memory_space<vmem>>
      %dma_wait3A_205 = arith.constant 0 : i32
      %dma_wait3A_206 = arith.constant 0 : i32
      %dma_wait3A_207 = tpu.memref_slice %arg11[%dma_wait3A_205, %dma_wait3A_206] : memref<10240x128xf32, #tpu.memory_space<vmem_shared>> -> memref<10240x128xf32, #tpu.memory_space<vmem_shared>>
      tpu.wait_indirect_dma semaphore(%arg14 : memref<!tpu.dma_semaphore, #tpu.memory_space<semaphore_mem>>) src(%arg9 : memref<128x128xf32, #tpu.memory_space<vmem>>) dst(%dma_wait3A_207 : memref<10240x128xf32, #tpu.memory_space<vmem_shared>>)
      %add3A_208 = arith.constant 2 : i32
      %add3A_209 = arith.addi %mul3A_158, %add3A_208 : i32
      %lt3A = arith.constant 40 : i32
      %lt3A_210 = arith.cmpi slt, %add3A_209, %lt3A : i32
      %convert_element_type3A_211 = arith.extui %lt3A_210 : i1 to i32
      %cond3A_212 = arith.constant 0 : i32
      %cond3A_213 = arith.cmpi ne, %convert_element_type3A_211, %cond3A_212 : i32
      scf.if %cond3A_213 {
        %add3A_214 = arith.constant 2 : i32
        %add3A_215 = arith.addi %mul3A_158, %add3A_214 : i32
        %dma_start3A_216 = arith.constant 0 : i32
        %dma_start3A_217 = tpu.memref_slice %arg7[%add3A_215, %dma_start3A_216] : memref<40x128xi32, #tpu.memory_space<vmem>> -> memref<1x128xi32, #tpu.memory_space<vmem>>
        %dma_start3A_218 = tpu.memref_squeeze %dma_start3A_217 : memref<1x128xi32, #tpu.memory_space<vmem>> -> memref<128xi32, #tpu.memory_space<vmem>>
        %dma_start3A_219 = arith.constant 0 : i32
        %dma_start3A_220 = arith.constant 0 : i32
        %dma_start3A_221 = tpu.memref_slice %arg2[%dma_start3A_219, %dma_start3A_220] : memref<10240x128xf32, #tpu.memory_space<hbm>> -> memref<10240x128xf32, #tpu.memory_space<hbm>>
        tpu.enqueue_indirect_dma source(%dma_start3A_221 : memref<10240x128xf32, #tpu.memory_space<hbm>>) target(%arg9 : memref<128x128xf32, #tpu.memory_space<vmem>>) offsets(%dma_start3A_218 : memref<128xi32, #tpu.memory_space<vmem>>) semaphore(%arg12 : memref<!tpu.dma_semaphore, #tpu.memory_space<semaphore_mem>>)
      } else {
      }
    }
    %scan3A_71 = arith.constant 19 : i32
    %dma_wait3A_72 = arith.constant 39 : i32
    %dma_wait3A_73 = arith.constant 0 : i32
    %dma_wait3A_74 = tpu.memref_slice %arg8[%dma_wait3A_72, %dma_wait3A_73] : memref<40x128xi32, #tpu.memory_space<vmem>> -> memref<1x128xi32, #tpu.memory_space<vmem>>
    %dma_wait3A_75 = tpu.memref_squeeze %dma_wait3A_74 : memref<1x128xi32, #tpu.memory_space<vmem>> -> memref<128xi32, #tpu.memory_space<vmem>>
    %dma_wait3A_76 = arith.constant 0 : i32
    %dma_wait3A_77 = arith.constant 0 : i32
    %dma_wait3A_78 = tpu.memref_slice %arg11[%dma_wait3A_76, %dma_wait3A_77] : memref<10240x128xf32, #tpu.memory_space<vmem_shared>> -> memref<10240x128xf32, #tpu.memory_space<vmem_shared>>
    tpu.wait_indirect_dma semaphore(%arg15 : memref<!tpu.dma_semaphore, #tpu.memory_space<semaphore_mem>>) src(%arg10 : memref<128x128xf32, #tpu.memory_space<vmem>>) dst(%dma_wait3A_78 : memref<10240x128xf32, #tpu.memory_space<vmem_shared>>)
    "tpu.region"() ({
      %run_scoped3A = tpu.sem_alloc : memref<!tpu.dma_semaphore, #tpu.memory_space<semaphore_mem>>
      %dma_start3A_156 = arith.constant 40 : i32
      %dma_start3A_157 = arith.constant 0 : i32
      %dma_start3A_158 = tpu.memref_slice %arg3[%add3A, %dma_start3A_156, %dma_start3A_157] : memref<32x80x128xi32, #tpu.memory_space<hbm>> -> memref<1x40x128xi32, #tpu.memory_space<hbm>>
      %dma_start3A_159 = tpu.memref_squeeze %dma_start3A_158 : memref<1x40x128xi32, #tpu.memory_space<hbm>> -> memref<40x128xi32, #tpu.memory_space<hbm>>
      %dma_start3A_160 = arith.constant 40 : i32
      %dma_start3A_161 = arith.constant 0 : i32
      %dma_start3A_162 = tpu.memref_slice %arg3[%add3A, %dma_start3A_160, %dma_start3A_161] : memref<32x80x128xi32, #tpu.memory_space<hbm>> -> memref<1x40x128xi32, #tpu.memory_space<hbm>>
      %dma_start3A_163 = tpu.memref_squeeze %dma_start3A_162 : memref<1x40x128xi32, #tpu.memory_space<hbm>> -> memref<40x128xi32, #tpu.memory_space<hbm>>
      tpu.enqueue_dma source(%dma_start3A_163 : memref<40x128xi32, #tpu.memory_space<hbm>>) target(%arg7 : memref<40x128xi32, #tpu.memory_space<vmem>>) target_semaphore(%run_scoped3A : memref<!tpu.dma_semaphore, #tpu.memory_space<semaphore_mem>>)
      %dma_wait3A_164 = arith.constant 40 : i32
      %dma_wait3A_165 = arith.constant 0 : i32
      %dma_wait3A_166 = tpu.memref_slice %arg3[%add3A, %dma_wait3A_164, %dma_wait3A_165] : memref<32x80x128xi32, #tpu.memory_space<hbm>> -> memref<1x40x128xi32, #tpu.memory_space<hbm>>
      %dma_wait3A_167 = tpu.memref_squeeze %dma_wait3A_166 : memref<1x40x128xi32, #tpu.memory_space<hbm>> -> memref<40x128xi32, #tpu.memory_space<hbm>>
      %dma_wait3A_168 = arith.constant 40 : i32
      %dma_wait3A_169 = arith.constant 0 : i32
      %dma_wait3A_170 = tpu.memref_slice %arg3[%add3A, %dma_wait3A_168, %dma_wait3A_169] : memref<32x80x128xi32, #tpu.memory_space<hbm>> -> memref<1x40x128xi32, #tpu.memory_space<hbm>>
      %dma_wait3A_171 = tpu.memref_squeeze %dma_wait3A_170 : memref<1x40x128xi32, #tpu.memory_space<hbm>> -> memref<40x128xi32, #tpu.memory_space<hbm>>
      tpu.wait_dma2 semaphore(%run_scoped3A : memref<!tpu.dma_semaphore, #tpu.memory_space<semaphore_mem>>) src(%dma_wait3A_171 : memref<40x128xi32, #tpu.memory_space<hbm>>) dst(%arg7 : memref<40x128xi32, #tpu.memory_space<vmem>>)
      tpu.yield
    }) : () -> ()
    "tpu.region"() ({
      %run_scoped3A = tpu.sem_alloc : memref<!tpu.dma_semaphore, #tpu.memory_space<semaphore_mem>>
      %dma_start3A_156 = arith.constant 40 : i32
      %dma_start3A_157 = arith.constant 0 : i32
      %dma_start3A_158 = tpu.memref_slice %arg4[%add3A, %dma_start3A_156, %dma_start3A_157] : memref<32x80x128xi32, #tpu.memory_space<hbm>> -> memref<1x40x128xi32, #tpu.memory_space<hbm>>
      %dma_start3A_159 = tpu.memref_squeeze %dma_start3A_158 : memref<1x40x128xi32, #tpu.memory_space<hbm>> -> memref<40x128xi32, #tpu.memory_space<hbm>>
      %dma_start3A_160 = arith.constant 40 : i32
      %dma_start3A_161 = arith.constant 0 : i32
      %dma_start3A_162 = tpu.memref_slice %arg4[%add3A, %dma_start3A_160, %dma_start3A_161] : memref<32x80x128xi32, #tpu.memory_space<hbm>> -> memref<1x40x128xi32, #tpu.memory_space<hbm>>
      %dma_start3A_163 = tpu.memref_squeeze %dma_start3A_162 : memref<1x40x128xi32, #tpu.memory_space<hbm>> -> memref<40x128xi32, #tpu.memory_space<hbm>>
      tpu.enqueue_dma source(%dma_start3A_163 : memref<40x128xi32, #tpu.memory_space<hbm>>) target(%arg8 : memref<40x128xi32, #tpu.memory_space<vmem>>) target_semaphore(%run_scoped3A : memref<!tpu.dma_semaphore, #tpu.memory_space<semaphore_mem>>)
      %dma_wait3A_164 = arith.constant 40 : i32
      %dma_wait3A_165 = arith.constant 0 : i32
      %dma_wait3A_166 = tpu.memref_slice %arg4[%add3A, %dma_wait3A_164, %dma_wait3A_165] : memref<32x80x128xi32, #tpu.memory_space<hbm>> -> memref<1x40x128xi32, #tpu.memory_space<hbm>>
      %dma_wait3A_167 = tpu.memref_squeeze %dma_wait3A_166 : memref<1x40x128xi32, #tpu.memory_space<hbm>> -> memref<40x128xi32, #tpu.memory_space<hbm>>
      %dma_wait3A_168 = arith.constant 40 : i32
      %dma_wait3A_169 = arith.constant 0 : i32
      %dma_wait3A_170 = tpu.memref_slice %arg4[%add3A, %dma_wait3A_168, %dma_wait3A_169] : memref<32x80x128xi32, #tpu.memory_space<hbm>> -> memref<1x40x128xi32, #tpu.memory_space<hbm>>
      %dma_wait3A_171 = tpu.memref_squeeze %dma_wait3A_170 : memref<1x40x128xi32, #tpu.memory_space<hbm>> -> memref<40x128xi32, #tpu.memory_space<hbm>>
      tpu.wait_dma2 semaphore(%run_scoped3A : memref<!tpu.dma_semaphore, #tpu.memory_space<semaphore_mem>>) src(%dma_wait3A_171 : memref<40x128xi32, #tpu.memory_space<hbm>>) dst(%arg8 : memref<40x128xi32, #tpu.memory_space<vmem>>)
      tpu.yield
    }) : () -> ()
    %dma_start3A_79 = arith.constant 0 : i32
    %dma_start3A_80 = arith.constant 0 : i32
    %dma_start3A_81 = tpu.memref_slice %arg7[%dma_start3A_79, %dma_start3A_80] : memref<40x128xi32, #tpu.memory_space<vmem>> -> memref<1x128xi32, #tpu.memory_space<vmem>>
    %dma_start3A_82 = tpu.memref_squeeze %dma_start3A_81 : memref<1x128xi32, #tpu.memory_space<vmem>> -> memref<128xi32, #tpu.memory_space<vmem>>
    %dma_start3A_83 = arith.constant 0 : i32
    %dma_start3A_84 = arith.constant 0 : i32
    %dma_start3A_85 = tpu.memref_slice %arg2[%dma_start3A_83, %dma_start3A_84] : memref<10240x128xf32, #tpu.memory_space<hbm>> -> memref<10240x128xf32, #tpu.memory_space<hbm>>
    tpu.enqueue_indirect_dma source(%dma_start3A_85 : memref<10240x128xf32, #tpu.memory_space<hbm>>) target(%arg9 : memref<128x128xf32, #tpu.memory_space<vmem>>) offsets(%dma_start3A_82 : memref<128xi32, #tpu.memory_space<vmem>>) semaphore(%arg12 : memref<!tpu.dma_semaphore, #tpu.memory_space<semaphore_mem>>)
    %dma_start3A_86 = arith.constant 1 : i32
    %dma_start3A_87 = arith.constant 0 : i32
    %dma_start3A_88 = tpu.memref_slice %arg7[%dma_start3A_86, %dma_start3A_87] : memref<40x128xi32, #tpu.memory_space<vmem>> -> memref<1x128xi32, #tpu.memory_space<vmem>>
    %dma_start3A_89 = tpu.memref_squeeze %dma_start3A_88 : memref<1x128xi32, #tpu.memory_space<vmem>> -> memref<128xi32, #tpu.memory_space<vmem>>
    %dma_start3A_90 = arith.constant 0 : i32
    %dma_start3A_91 = arith.constant 0 : i32
    %dma_start3A_92 = tpu.memref_slice %arg2[%dma_start3A_90, %dma_start3A_91] : memref<10240x128xf32, #tpu.memory_space<hbm>> -> memref<10240x128xf32, #tpu.memory_space<hbm>>
    tpu.enqueue_indirect_dma source(%dma_start3A_92 : memref<10240x128xf32, #tpu.memory_space<hbm>>) target(%arg10 : memref<128x128xf32, #tpu.memory_space<vmem>>) offsets(%dma_start3A_89 : memref<128xi32, #tpu.memory_space<vmem>>) semaphore(%arg13 : memref<!tpu.dma_semaphore, #tpu.memory_space<semaphore_mem>>)
    %dma_wait3A_93 = arith.constant 0 : i32
    %dma_wait3A_94 = arith.constant 0 : i32
    %dma_wait3A_95 = tpu.memref_slice %arg7[%dma_wait3A_93, %dma_wait3A_94] : memref<40x128xi32, #tpu.memory_space<vmem>> -> memref<1x128xi32, #tpu.memory_space<vmem>>
    %dma_wait3A_96 = tpu.memref_squeeze %dma_wait3A_95 : memref<1x128xi32, #tpu.memory_space<vmem>> -> memref<128xi32, #tpu.memory_space<vmem>>
    %dma_wait3A_97 = arith.constant 0 : i32
    %dma_wait3A_98 = arith.constant 0 : i32
    %dma_wait3A_99 = tpu.memref_slice %arg2[%dma_wait3A_97, %dma_wait3A_98] : memref<10240x128xf32, #tpu.memory_space<hbm>> -> memref<10240x128xf32, #tpu.memory_space<hbm>>
    tpu.wait_indirect_dma semaphore(%arg12 : memref<!tpu.dma_semaphore, #tpu.memory_space<semaphore_mem>>) src(%dma_wait3A_99 : memref<10240x128xf32, #tpu.memory_space<hbm>>) dst(%arg9 : memref<128x128xf32, #tpu.memory_space<vmem>>)
    %dma_start3A_100 = arith.constant 0 : i32
    %dma_start3A_101 = arith.constant 0 : i32
    %dma_start3A_102 = tpu.memref_slice %arg8[%dma_start3A_100, %dma_start3A_101] : memref<40x128xi32, #tpu.memory_space<vmem>> -> memref<1x128xi32, #tpu.memory_space<vmem>>
    %dma_start3A_103 = tpu.memref_squeeze %dma_start3A_102 : memref<1x128xi32, #tpu.memory_space<vmem>> -> memref<128xi32, #tpu.memory_space<vmem>>
    %dma_start3A_104 = arith.constant 0 : i32
    %dma_start3A_105 = arith.constant 0 : i32
    %dma_start3A_106 = tpu.memref_slice %arg11[%dma_start3A_104, %dma_start3A_105] : memref<10240x128xf32, #tpu.memory_space<vmem_shared>> -> memref<10240x128xf32, #tpu.memory_space<vmem_shared>>
    tpu.enqueue_indirect_dma source(%arg9 : memref<128x128xf32, #tpu.memory_space<vmem>>) target(%dma_start3A_106 : memref<10240x128xf32, #tpu.memory_space<vmem_shared>>) offsets(%dma_start3A_103 : memref<128xi32, #tpu.memory_space<vmem>>) semaphore(%arg14 : memref<!tpu.dma_semaphore, #tpu.memory_space<semaphore_mem>>) {add = true}
    %dma_wait3A_107 = arith.constant 1 : i32
    %dma_wait3A_108 = arith.constant 0 : i32
    %dma_wait3A_109 = tpu.memref_slice %arg7[%dma_wait3A_107, %dma_wait3A_108] : memref<40x128xi32, #tpu.memory_space<vmem>> -> memref<1x128xi32, #tpu.memory_space<vmem>>
    %dma_wait3A_110 = tpu.memref_squeeze %dma_wait3A_109 : memref<1x128xi32, #tpu.memory_space<vmem>> -> memref<128xi32, #tpu.memory_space<vmem>>
    %dma_wait3A_111 = arith.constant 0 : i32
    %dma_wait3A_112 = arith.constant 0 : i32
    %dma_wait3A_113 = tpu.memref_slice %arg2[%dma_wait3A_111, %dma_wait3A_112] : memref<10240x128xf32, #tpu.memory_space<hbm>> -> memref<10240x128xf32, #tpu.memory_space<hbm>>
    tpu.wait_indirect_dma semaphore(%arg13 : memref<!tpu.dma_semaphore, #tpu.memory_space<semaphore_mem>>) src(%dma_wait3A_113 : memref<10240x128xf32, #tpu.memory_space<hbm>>) dst(%arg10 : memref<128x128xf32, #tpu.memory_space<vmem>>)
    %dma_start3A_114 = arith.constant 1 : i32
    %dma_start3A_115 = arith.constant 0 : i32
    %dma_start3A_116 = tpu.memref_slice %arg8[%dma_start3A_114, %dma_start3A_115] : memref<40x128xi32, #tpu.memory_space<vmem>> -> memref<1x128xi32, #tpu.memory_space<vmem>>
    %dma_start3A_117 = tpu.memref_squeeze %dma_start3A_116 : memref<1x128xi32, #tpu.memory_space<vmem>> -> memref<128xi32, #tpu.memory_space<vmem>>
    %dma_start3A_118 = arith.constant 0 : i32
    %dma_start3A_119 = arith.constant 0 : i32
    %dma_start3A_120 = tpu.memref_slice %arg11[%dma_start3A_118, %dma_start3A_119] : memref<10240x128xf32, #tpu.memory_space<vmem_shared>> -> memref<10240x128xf32, #tpu.memory_space<vmem_shared>>
    tpu.enqueue_indirect_dma source(%arg10 : memref<128x128xf32, #tpu.memory_space<vmem>>) target(%dma_start3A_120 : memref<10240x128xf32, #tpu.memory_space<vmem_shared>>) offsets(%dma_start3A_117 : memref<128xi32, #tpu.memory_space<vmem>>) semaphore(%arg15 : memref<!tpu.dma_semaphore, #tpu.memory_space<semaphore_mem>>) {add = true}
    %dma_wait3A_121 = arith.constant 0 : i32
    %dma_wait3A_122 = arith.constant 0 : i32
    %dma_wait3A_123 = tpu.memref_slice %arg8[%dma_wait3A_121, %dma_wait3A_122] : memref<40x128xi32, #tpu.memory_space<vmem>> -> memref<1x128xi32, #tpu.memory_space<vmem>>
    %dma_wait3A_124 = tpu.memref_squeeze %dma_wait3A_123 : memref<1x128xi32, #tpu.memory_space<vmem>> -> memref<128xi32, #tpu.memory_space<vmem>>
    %dma_wait3A_125 = arith.constant 0 : i32
    %dma_wait3A_126 = arith.constant 0 : i32
    %dma_wait3A_127 = tpu.memref_slice %arg11[%dma_wait3A_125, %dma_wait3A_126] : memref<10240x128xf32, #tpu.memory_space<vmem_shared>> -> memref<10240x128xf32, #tpu.memory_space<vmem_shared>>
    tpu.wait_indirect_dma semaphore(%arg14 : memref<!tpu.dma_semaphore, #tpu.memory_space<semaphore_mem>>) src(%arg9 : memref<128x128xf32, #tpu.memory_space<vmem>>) dst(%dma_wait3A_127 : memref<10240x128xf32, #tpu.memory_space<vmem_shared>>)
    %dma_start3A_128 = arith.constant 2 : i32
    %dma_start3A_129 = arith.constant 0 : i32
    %dma_start3A_130 = tpu.memref_slice %arg7[%dma_start3A_128, %dma_start3A_129] : memref<40x128xi32, #tpu.memory_space<vmem>> -> memref<1x128xi32, #tpu.memory_space<vmem>>
    %dma_start3A_131 = tpu.memref_squeeze %dma_start3A_130 : memref<1x128xi32, #tpu.memory_space<vmem>> -> memref<128xi32, #tpu.memory_space<vmem>>
    %dma_start3A_132 = arith.constant 0 : i32
    %dma_start3A_133 = arith.constant 0 : i32
    %dma_start3A_134 = tpu.memref_slice %arg2[%dma_start3A_132, %dma_start3A_133] : memref<10240x128xf32, #tpu.memory_space<hbm>> -> memref<10240x128xf32, #tpu.memory_space<hbm>>
    tpu.enqueue_indirect_dma source(%dma_start3A_134 : memref<10240x128xf32, #tpu.memory_space<hbm>>) target(%arg9 : memref<128x128xf32, #tpu.memory_space<vmem>>) offsets(%dma_start3A_131 : memref<128xi32, #tpu.memory_space<vmem>>) semaphore(%arg12 : memref<!tpu.dma_semaphore, #tpu.memory_space<semaphore_mem>>)
    %scan3A_135 = arith.constant 0 : i32
    %scan3A_136 = arith.constant 1 : i32
    %scan3A_137 = arith.constant 19 : i32
    %scan3A_138 = arith.addi %scan3A_136, %scan3A_137 : i32
    %scan3A_139 = arith.constant 1 : i32
    scf.for %scan3A_156 = %scan3A_136 to %scan3A_138 step %scan3A_139  : i32 {
      %mul3A_157 = arith.constant 2 : i32
      %mul3A_158 = arith.muli %mul3A_157, %scan3A_156 : i32
      %dma_wait3A_159 = arith.constant 0 : i32
      %dma_wait3A_160 = tpu.memref_slice %arg7[%mul3A_158, %dma_wait3A_159] : memref<40x128xi32, #tpu.memory_space<vmem>> -> memref<1x128xi32, #tpu.memory_space<vmem>>
      %dma_wait3A_161 = tpu.memref_squeeze %dma_wait3A_160 : memref<1x128xi32, #tpu.memory_space<vmem>> -> memref<128xi32, #tpu.memory_space<vmem>>
      %dma_wait3A_162 = arith.constant 0 : i32
      %dma_wait3A_163 = arith.constant 0 : i32
      %dma_wait3A_164 = tpu.memref_slice %arg2[%dma_wait3A_162, %dma_wait3A_163] : memref<10240x128xf32, #tpu.memory_space<hbm>> -> memref<10240x128xf32, #tpu.memory_space<hbm>>
      tpu.wait_indirect_dma semaphore(%arg12 : memref<!tpu.dma_semaphore, #tpu.memory_space<semaphore_mem>>) src(%dma_wait3A_164 : memref<10240x128xf32, #tpu.memory_space<hbm>>) dst(%arg9 : memref<128x128xf32, #tpu.memory_space<vmem>>)
      %dma_start3A_165 = arith.constant 0 : i32
      %dma_start3A_166 = tpu.memref_slice %arg8[%mul3A_158, %dma_start3A_165] : memref<40x128xi32, #tpu.memory_space<vmem>> -> memref<1x128xi32, #tpu.memory_space<vmem>>
      %dma_start3A_167 = tpu.memref_squeeze %dma_start3A_166 : memref<1x128xi32, #tpu.memory_space<vmem>> -> memref<128xi32, #tpu.memory_space<vmem>>
      %dma_start3A_168 = arith.constant 0 : i32
      %dma_start3A_169 = arith.constant 0 : i32
      %dma_start3A_170 = tpu.memref_slice %arg11[%dma_start3A_168, %dma_start3A_169] : memref<10240x128xf32, #tpu.memory_space<vmem_shared>> -> memref<10240x128xf32, #tpu.memory_space<vmem_shared>>
      tpu.enqueue_indirect_dma source(%arg9 : memref<128x128xf32, #tpu.memory_space<vmem>>) target(%dma_start3A_170 : memref<10240x128xf32, #tpu.memory_space<vmem_shared>>) offsets(%dma_start3A_167 : memref<128xi32, #tpu.memory_space<vmem>>) semaphore(%arg14 : memref<!tpu.dma_semaphore, #tpu.memory_space<semaphore_mem>>) {add = true}
      %sub3A = arith.constant 1 : i32
      %sub3A_171 = arith.subi %mul3A_158, %sub3A : i32
      %dma_wait3A_172 = arith.constant 0 : i32
      %dma_wait3A_173 = tpu.memref_slice %arg8[%sub3A_171, %dma_wait3A_172] : memref<40x128xi32, #tpu.memory_space<vmem>> -> memref<1x128xi32, #tpu.memory_space<vmem>>
      %dma_wait3A_174 = tpu.memref_squeeze %dma_wait3A_173 : memref<1x128xi32, #tpu.memory_space<vmem>> -> memref<128xi32, #tpu.memory_space<vmem>>
      %dma_wait3A_175 = arith.constant 0 : i32
      %dma_wait3A_176 = arith.constant 0 : i32
      %dma_wait3A_177 = tpu.memref_slice %arg11[%dma_wait3A_175, %dma_wait3A_176] : memref<10240x128xf32, #tpu.memory_space<vmem_shared>> -> memref<10240x128xf32, #tpu.memory_space<vmem_shared>>
      tpu.wait_indirect_dma semaphore(%arg15 : memref<!tpu.dma_semaphore, #tpu.memory_space<semaphore_mem>>) src(%arg10 : memref<128x128xf32, #tpu.memory_space<vmem>>) dst(%dma_wait3A_177 : memref<10240x128xf32, #tpu.memory_space<vmem_shared>>)
      %add3A_178 = arith.constant 1 : i32
      %add3A_179 = arith.addi %mul3A_158, %add3A_178 : i32
      %dma_start3A_180 = arith.constant 0 : i32
      %dma_start3A_181 = tpu.memref_slice %arg7[%add3A_179, %dma_start3A_180] : memref<40x128xi32, #tpu.memory_space<vmem>> -> memref<1x128xi32, #tpu.memory_space<vmem>>
      %dma_start3A_182 = tpu.memref_squeeze %dma_start3A_181 : memref<1x128xi32, #tpu.memory_space<vmem>> -> memref<128xi32, #tpu.memory_space<vmem>>
      %dma_start3A_183 = arith.constant 0 : i32
      %dma_start3A_184 = arith.constant 0 : i32
      %dma_start3A_185 = tpu.memref_slice %arg2[%dma_start3A_183, %dma_start3A_184] : memref<10240x128xf32, #tpu.memory_space<hbm>> -> memref<10240x128xf32, #tpu.memory_space<hbm>>
      tpu.enqueue_indirect_dma source(%dma_start3A_185 : memref<10240x128xf32, #tpu.memory_space<hbm>>) target(%arg10 : memref<128x128xf32, #tpu.memory_space<vmem>>) offsets(%dma_start3A_182 : memref<128xi32, #tpu.memory_space<vmem>>) semaphore(%arg13 : memref<!tpu.dma_semaphore, #tpu.memory_space<semaphore_mem>>)
      %add3A_186 = arith.constant 1 : i32
      %add3A_187 = arith.addi %mul3A_158, %add3A_186 : i32
      %dma_wait3A_188 = arith.constant 0 : i32
      %dma_wait3A_189 = tpu.memref_slice %arg7[%add3A_187, %dma_wait3A_188] : memref<40x128xi32, #tpu.memory_space<vmem>> -> memref<1x128xi32, #tpu.memory_space<vmem>>
      %dma_wait3A_190 = tpu.memref_squeeze %dma_wait3A_189 : memref<1x128xi32, #tpu.memory_space<vmem>> -> memref<128xi32, #tpu.memory_space<vmem>>
      %dma_wait3A_191 = arith.constant 0 : i32
      %dma_wait3A_192 = arith.constant 0 : i32
      %dma_wait3A_193 = tpu.memref_slice %arg2[%dma_wait3A_191, %dma_wait3A_192] : memref<10240x128xf32, #tpu.memory_space<hbm>> -> memref<10240x128xf32, #tpu.memory_space<hbm>>
      tpu.wait_indirect_dma semaphore(%arg13 : memref<!tpu.dma_semaphore, #tpu.memory_space<semaphore_mem>>) src(%dma_wait3A_193 : memref<10240x128xf32, #tpu.memory_space<hbm>>) dst(%arg10 : memref<128x128xf32, #tpu.memory_space<vmem>>)
      %add3A_194 = arith.constant 1 : i32
      %add3A_195 = arith.addi %mul3A_158, %add3A_194 : i32
      %dma_start3A_196 = arith.constant 0 : i32
      %dma_start3A_197 = tpu.memref_slice %arg8[%add3A_195, %dma_start3A_196] : memref<40x128xi32, #tpu.memory_space<vmem>> -> memref<1x128xi32, #tpu.memory_space<vmem>>
      %dma_start3A_198 = tpu.memref_squeeze %dma_start3A_197 : memref<1x128xi32, #tpu.memory_space<vmem>> -> memref<128xi32, #tpu.memory_space<vmem>>
      %dma_start3A_199 = arith.constant 0 : i32
      %dma_start3A_200 = arith.constant 0 : i32
      %dma_start3A_201 = tpu.memref_slice %arg11[%dma_start3A_199, %dma_start3A_200] : memref<10240x128xf32, #tpu.memory_space<vmem_shared>> -> memref<10240x128xf32, #tpu.memory_space<vmem_shared>>
      tpu.enqueue_indirect_dma source(%arg10 : memref<128x128xf32, #tpu.memory_space<vmem>>) target(%dma_start3A_201 : memref<10240x128xf32, #tpu.memory_space<vmem_shared>>) offsets(%dma_start3A_198 : memref<128xi32, #tpu.memory_space<vmem>>) semaphore(%arg15 : memref<!tpu.dma_semaphore, #tpu.memory_space<semaphore_mem>>) {add = true}
      %dma_wait3A_202 = arith.constant 0 : i32
      %dma_wait3A_203 = tpu.memref_slice %arg8[%mul3A_158, %dma_wait3A_202] : memref<40x128xi32, #tpu.memory_space<vmem>> -> memref<1x128xi32, #tpu.memory_space<vmem>>
      %dma_wait3A_204 = tpu.memref_squeeze %dma_wait3A_203 : memref<1x128xi32, #tpu.memory_space<vmem>> -> memref<128xi32, #tpu.memory_space<vmem>>
      %dma_wait3A_205 = arith.constant 0 : i32
      %dma_wait3A_206 = arith.constant 0 : i32
      %dma_wait3A_207 = tpu.memref_slice %arg11[%dma_wait3A_205, %dma_wait3A_206] : memref<10240x128xf32, #tpu.memory_space<vmem_shared>> -> memref<10240x128xf32, #tpu.memory_space<vmem_shared>>
      tpu.wait_indirect_dma semaphore(%arg14 : memref<!tpu.dma_semaphore, #tpu.memory_space<semaphore_mem>>) src(%arg9 : memref<128x128xf32, #tpu.memory_space<vmem>>) dst(%dma_wait3A_207 : memref<10240x128xf32, #tpu.memory_space<vmem_shared>>)
      %add3A_208 = arith.constant 2 : i32
      %add3A_209 = arith.addi %mul3A_158, %add3A_208 : i32
      %lt3A = arith.constant 40 : i32
      %lt3A_210 = arith.cmpi slt, %add3A_209, %lt3A : i32
      %convert_element_type3A_211 = arith.extui %lt3A_210 : i1 to i32
      %cond3A_212 = arith.constant 0 : i32
      %cond3A_213 = arith.cmpi ne, %convert_element_type3A_211, %cond3A_212 : i32
      scf.if %cond3A_213 {
        %add3A_214 = arith.constant 2 : i32
        %add3A_215 = arith.addi %mul3A_158, %add3A_214 : i32
        %dma_start3A_216 = arith.constant 0 : i32
        %dma_start3A_217 = tpu.memref_slice %arg7[%add3A_215, %dma_start3A_216] : memref<40x128xi32, #tpu.memory_space<vmem>> -> memref<1x128xi32, #tpu.memory_space<vmem>>
        %dma_start3A_218 = tpu.memref_squeeze %dma_start3A_217 : memref<1x128xi32, #tpu.memory_space<vmem>> -> memref<128xi32, #tpu.memory_space<vmem>>
        %dma_start3A_219 = arith.constant 0 : i32
        %dma_start3A_220 = arith.constant 0 : i32
        %dma_start3A_221 = tpu.memref_slice %arg2[%dma_start3A_219, %dma_start3A_220] : memref<10240x128xf32, #tpu.memory_space<hbm>> -> memref<10240x128xf32, #tpu.memory_space<hbm>>
        tpu.enqueue_indirect_dma source(%dma_start3A_221 : memref<10240x128xf32, #tpu.memory_space<hbm>>) target(%arg9 : memref<128x128xf32, #tpu.memory_space<vmem>>) offsets(%dma_start3A_218 : memref<128xi32, #tpu.memory_space<vmem>>) semaphore(%arg12 : memref<!tpu.dma_semaphore, #tpu.memory_space<semaphore_mem>>)
      } else {
      }
    }
    %scan3A_140 = arith.constant 19 : i32
    %dma_wait3A_141 = arith.constant 39 : i32
    %dma_wait3A_142 = arith.constant 0 : i32
    %dma_wait3A_143 = tpu.memref_slice %arg8[%dma_wait3A_141, %dma_wait3A_142] : memref<40x128xi32, #tpu.memory_space<vmem>> -> memref<1x128xi32, #tpu.memory_space<vmem>>
    %dma_wait3A_144 = tpu.memref_squeeze %dma_wait3A_143 : memref<1x128xi32, #tpu.memory_space<vmem>> -> memref<128xi32, #tpu.memory_space<vmem>>
    %dma_wait3A_145 = arith.constant 0 : i32
    %dma_wait3A_146 = arith.constant 0 : i32
    %dma_wait3A_147 = tpu.memref_slice %arg11[%dma_wait3A_145, %dma_wait3A_146] : memref<10240x128xf32, #tpu.memory_space<vmem_shared>> -> memref<10240x128xf32, #tpu.memory_space<vmem_shared>>
    tpu.wait_indirect_dma semaphore(%arg15 : memref<!tpu.dma_semaphore, #tpu.memory_space<semaphore_mem>>) src(%arg10 : memref<128x128xf32, #tpu.memory_space<vmem>>) dst(%dma_wait3A_147 : memref<10240x128xf32, #tpu.memory_space<vmem_shared>>)
    %barrier3A_148 = arith.constant 0 : index
    tpu.barrier barrier_id(%barrier3A_148)
    %eq3A = arith.constant 0 : i32
    %eq3A_149 = arith.cmpi eq, %arg0, %eq3A : i32
    %convert_element_type3A = arith.extui %eq3A_149 : i1 to i32
    %cond3A = arith.constant 0 : i32
    %cond3A_150 = arith.cmpi ne, %convert_element_type3A, %cond3A : i32
    scf.if %cond3A_150 {
      %run_scoped3A = arith.constant 0 : i32
      "tpu.region"() ({
        %run_scoped3A_156 = tpu.sem_alloc : memref<!tpu.dma_semaphore, #tpu.memory_space<semaphore_mem>>
        %dma_start3A_157 = arith.constant 0 : i32
        %dma_start3A_158 = tpu.memref_slice %arg6[%run_scoped3A, %mul3A_2, %dma_start3A_157] : memref<2x10240x128xf32, #tpu.memory_space<hbm>> -> memref<1x640x128xf32, #tpu.memory_space<hbm>>
        %dma_start3A_159 = tpu.memref_squeeze %dma_start3A_158 : memref<1x640x128xf32, #tpu.memory_space<hbm>> -> memref<640x128xf32, #tpu.memory_space<hbm>>
        %dma_start3A_160 = arith.constant 0 : i32
        %dma_start3A_161 = tpu.memref_slice %arg11[%mul3A_2, %dma_start3A_160] : memref<10240x128xf32, #tpu.memory_space<vmem_shared>> -> memref<640x128xf32, #tpu.memory_space<vmem_shared>>
        tpu.enqueue_dma source(%dma_start3A_161 : memref<640x128xf32, #tpu.memory_space<vmem_shared>>) target(%dma_start3A_159 : memref<640x128xf32, #tpu.memory_space<hbm>>) target_semaphore(%run_scoped3A_156 : memref<!tpu.dma_semaphore, #tpu.memory_space<semaphore_mem>>)
        %dma_wait3A_162 = arith.constant 0 : i32
        %dma_wait3A_163 = tpu.memref_slice %arg6[%run_scoped3A, %mul3A_2, %dma_wait3A_162] : memref<2x10240x128xf32, #tpu.memory_space<hbm>> -> memref<1x640x128xf32, #tpu.memory_space<hbm>>
        %dma_wait3A_164 = tpu.memref_squeeze %dma_wait3A_163 : memref<1x640x128xf32, #tpu.memory_space<hbm>> -> memref<640x128xf32, #tpu.memory_space<hbm>>
        %dma_wait3A_165 = arith.constant 0 : i32
        %dma_wait3A_166 = tpu.memref_slice %arg11[%mul3A_2, %dma_wait3A_165] : memref<10240x128xf32, #tpu.memory_space<vmem_shared>> -> memref<640x128xf32, #tpu.memory_space<vmem_shared>>
        tpu.wait_dma2 semaphore(%run_scoped3A_156 : memref<!tpu.dma_semaphore, #tpu.memory_space<semaphore_mem>>) src(%dma_wait3A_166 : memref<640x128xf32, #tpu.memory_space<vmem_shared>>) dst(%dma_wait3A_164 : memref<640x128xf32, #tpu.memory_space<hbm>>)
        tpu.yield
      }) : () -> ()
    } else {
    }
    %eq3A_151 = arith.constant 1 : i32
    %eq3A_152 = arith.cmpi eq, %arg0, %eq3A_151 : i32
    %convert_element_type3A_153 = arith.extui %eq3A_152 : i1 to i32
    %cond3A_154 = arith.constant 0 : i32
    %cond3A_155 = arith.cmpi ne, %convert_element_type3A_153, %cond3A_154 : i32
    scf.if %cond3A_155 {
      %run_scoped3A = arith.constant 1 : i32
      "tpu.region"() ({
        %run_scoped3A_156 = tpu.sem_alloc : memref<!tpu.dma_semaphore, #tpu.memory_space<semaphore_mem>>
        %dma_start3A_157 = arith.constant 0 : i32
        %dma_start3A_158 = tpu.memref_slice %arg6[%run_scoped3A, %mul3A_2, %dma_start3A_157] : memref<2x10240x128xf32, #tpu.memory_space<hbm>> -> memref<1x640x128xf32, #tpu.memory_space<hbm>>
        %dma_start3A_159 = tpu.memref_squeeze %dma_start3A_158 : memref<1x640x128xf32, #tpu.memory_space<hbm>> -> memref<640x128xf32, #tpu.memory_space<hbm>>
        %dma_start3A_160 = arith.constant 0 : i32
        %dma_start3A_161 = tpu.memref_slice %arg11[%mul3A_2, %dma_start3A_160] : memref<10240x128xf32, #tpu.memory_space<vmem_shared>> -> memref<640x128xf32, #tpu.memory_space<vmem_shared>>
        tpu.enqueue_dma source(%dma_start3A_161 : memref<640x128xf32, #tpu.memory_space<vmem_shared>>) target(%dma_start3A_159 : memref<640x128xf32, #tpu.memory_space<hbm>>) target_semaphore(%run_scoped3A_156 : memref<!tpu.dma_semaphore, #tpu.memory_space<semaphore_mem>>)
        %dma_wait3A_162 = arith.constant 0 : i32
        %dma_wait3A_163 = tpu.memref_slice %arg6[%run_scoped3A, %mul3A_2, %dma_wait3A_162] : memref<2x10240x128xf32, #tpu.memory_space<hbm>> -> memref<1x640x128xf32, #tpu.memory_space<hbm>>
        %dma_wait3A_164 = tpu.memref_squeeze %dma_wait3A_163 : memref<1x640x128xf32, #tpu.memory_space<hbm>> -> memref<640x128xf32, #tpu.memory_space<hbm>>
        %dma_wait3A_165 = arith.constant 0 : i32
        %dma_wait3A_166 = tpu.memref_slice %arg11[%mul3A_2, %dma_wait3A_165] : memref<10240x128xf32, #tpu.memory_space<vmem_shared>> -> memref<640x128xf32, #tpu.memory_space<vmem_shared>>
        tpu.wait_dma2 semaphore(%run_scoped3A_156 : memref<!tpu.dma_semaphore, #tpu.memory_space<semaphore_mem>>) src(%dma_wait3A_166 : memref<640x128xf32, #tpu.memory_space<vmem_shared>>) dst(%dma_wait3A_164 : memref<640x128xf32, #tpu.memory_space<hbm>>)
        tpu.yield
      }) : () -> ()
    } else {
    }
    return
  }
}

module attributes {stable_mosaic.version = 14 : i64} {
  func.func @_prep_body(%arg0: i32, %arg1: memref<2x1024xf32, #tpu.memory_space<vmem>>, %arg2: memref<2x1024xf32, #tpu.memory_space<vmem>>, %arg3: memref<1024x1xf32, #tpu.memory_space<vmem>>, %arg4: memref<1024x1xf32, #tpu.memory_space<vmem>>, %arg5: memref<1024x1xf32, #tpu.memory_space<vmem>>, %arg6: memref<1024x1xf32, #tpu.memory_space<vmem>>) attributes {dimension_semantics = [#tpu.dimension_semantics<arbitrary>], iteration_bounds = array<i64: 10>, scalar_prefetch = 0 : i64, scratch_operands = 0 : i64, tpu.core_type = #tpu.core_type<tc>, window_params = [{transform_indices = @transform_0, window_bounds = array<i64: 2, 1024>}, {transform_indices = @transform_1, window_bounds = array<i64: 2, 1024>}, {transform_indices = @transform_2, window_bounds = array<i64: 1024, 1>}, {transform_indices = @transform_3, window_bounds = array<i64: 1024, 1>}, {transform_indices = @transform_4, window_bounds = array<i64: 1024, 1>}, {transform_indices = @transform_5, window_bounds = array<i64: 1024, 1>}]} {
    %get3A = arith.constant 0 : index
    %get3A_0 = arith.constant 0 : index
    %get3A_1 = vector.load %arg1[%get3A, %get3A_0] : memref<2x1024xf32, #tpu.memory_space<vmem>>, vector<1x1024xf32>
    %get3A_2 = vector.shape_cast %get3A_1 : vector<1x1024xf32> to vector<1024xf32>
    %get3A_3 = arith.constant 1 : index
    %get3A_4 = arith.constant 0 : index
    %get3A_5 = vector.load %arg1[%get3A_3, %get3A_4] : memref<2x1024xf32, #tpu.memory_space<vmem>>, vector<1x1024xf32>
    %get3A_6 = vector.shape_cast %get3A_5 : vector<1x1024xf32> to vector<1024xf32>
    %add3A = arith.addf %get3A_2, %get3A_6 : vector<1024xf32>
    %reshape3A = vector.shape_cast %add3A : vector<1024xf32> to vector<1024x1xf32>
    %add3A_7 = arith.constant 2.000000e+00 : f32
    %add3A_8 = vector.broadcast %add3A_7 : f32 to vector<1024x1xf32>
    %add3A_9 = arith.addf %reshape3A, %add3A_8 : vector<1024x1xf32>
    %rsqrt3A = math.rsqrt %add3A_9 : vector<1024x1xf32>
    %add3A_10 = arith.constant 1.000000e+00 : f32
    %add3A_11 = vector.broadcast %add3A_10 : f32 to vector<1024x1xf32>
    %add3A_12 = arith.addf %reshape3A, %add3A_11 : vector<1024x1xf32>
    %rsqrt3A_13 = math.rsqrt %add3A_12 : vector<1024x1xf32>
    %swap3A = arith.constant 0 : index
    %swap3A_14 = arith.constant 0 : index
    %swap3A_15 = vector.load %arg3[%swap3A, %swap3A_14] : memref<1024x1xf32, #tpu.memory_space<vmem>>, vector<1024x1xf32>
    tpu.vector_store %arg3[%swap3A, %swap3A_14], %rsqrt3A_13 {strides = array<i32>} : memref<1024x1xf32, #tpu.memory_space<vmem>>, vector<1024x1xf32>,
    %swap3A_16 = arith.constant 0 : index
    %swap3A_17 = arith.constant 0 : index
    %swap3A_18 = vector.load %arg4[%swap3A_16, %swap3A_17] : memref<1024x1xf32, #tpu.memory_space<vmem>>, vector<1024x1xf32>
    tpu.vector_store %arg4[%swap3A_16, %swap3A_17], %rsqrt3A {strides = array<i32>} : memref<1024x1xf32, #tpu.memory_space<vmem>>, vector<1024x1xf32>,
    %get3A_19 = arith.constant 0 : index
    %get3A_20 = arith.constant 0 : index
    %get3A_21 = vector.load %arg2[%get3A_19, %get3A_20] : memref<2x1024xf32, #tpu.memory_space<vmem>>, vector<1x1024xf32>
    %get3A_22 = vector.shape_cast %get3A_21 : vector<1x1024xf32> to vector<1024xf32>
    %get3A_23 = arith.constant 1 : index
    %get3A_24 = arith.constant 0 : index
    %get3A_25 = vector.load %arg2[%get3A_23, %get3A_24] : memref<2x1024xf32, #tpu.memory_space<vmem>>, vector<1x1024xf32>
    %get3A_26 = vector.shape_cast %get3A_25 : vector<1x1024xf32> to vector<1024xf32>
    %add3A_27 = arith.addf %get3A_22, %get3A_26 : vector<1024xf32>
    %reshape3A_28 = vector.shape_cast %add3A_27 : vector<1024xf32> to vector<1024x1xf32>
    %gt3A = arith.constant 0.000000e+00 : f32
    %gt3A_29 = vector.broadcast %gt3A : f32 to vector<1024x1xf32>
    %gt3A_30 = arith.cmpf ogt, %reshape3A_28, %gt3A_29 : vector<1024x1xf32>
    %jit3A = arith.constant 1.000000e+00 : f32
    %jit3A_31 = arith.constant 0.000000e+00 : f32
    %broadcast_in_dim3A = vector.broadcast %jit3A : f32 to vector<1024x1xf32>
    %broadcast_in_dim3A_32 = vector.broadcast %jit3A_31 : f32 to vector<1024x1xf32>
    %select_n3A = arith.select %gt3A_30, %broadcast_in_dim3A, %broadcast_in_dim3A_32 : vector<1024x1xi1>, vector<1024x1xf32>
    %swap3A_33 = arith.constant 0 : index
    %swap3A_34 = arith.constant 0 : index
    %swap3A_35 = vector.load %arg5[%swap3A_33, %swap3A_34] : memref<1024x1xf32, #tpu.memory_space<vmem>>, vector<1024x1xf32>
    tpu.vector_store %arg5[%swap3A_33, %swap3A_34], %select_n3A {strides = array<i32>} : memref<1024x1xf32, #tpu.memory_space<vmem>>, vector<1024x1xf32>,
    %mul3A = arith.mulf %rsqrt3A, %select_n3A : vector<1024x1xf32>
    %swap3A_36 = arith.constant 0 : index
    %swap3A_37 = arith.constant 0 : index
    %swap3A_38 = vector.load %arg6[%swap3A_36, %swap3A_37] : memref<1024x1xf32, #tpu.memory_space<vmem>>, vector<1024x1xf32>
    tpu.vector_store %arg6[%swap3A_36, %swap3A_37], %mul3A {strides = array<i32>} : memref<1024x1xf32, #tpu.memory_space<vmem>>, vector<1024x1xf32>,
    return
  }
  func.func @transform_0(%arg0: i32) -> (i32, i32) {
    %c0_i32 = arith.constant 0 : i32
    %c0_i32_0 = arith.constant 0 : i32
    return %c0_i32, %arg0 : i32, i32
  }
  func.func @transform_1(%arg0: i32) -> (i32, i32) {
    %c0_i32 = arith.constant 0 : i32
    %c0_i32_0 = arith.constant 0 : i32
    return %c0_i32, %arg0 : i32, i32
  }
  func.func @transform_2(%arg0: i32) -> (i32, i32) {
    %c0_i32 = arith.constant 0 : i32
    %c0_i32_0 = arith.constant 0 : i32
    return %arg0, %c0_i32 : i32, i32
  }
  func.func @transform_3(%arg0: i32) -> (i32, i32) {
    %c0_i32 = arith.constant 0 : i32
    %c0_i32_0 = arith.constant 0 : i32
    return %arg0, %c0_i32 : i32, i32
  }
  func.func @transform_4(%arg0: i32) -> (i32, i32) {
    %c0_i32 = arith.constant 0 : i32
    %c0_i32_0 = arith.constant 0 : i32
    return %arg0, %c0_i32 : i32, i32
  }
  func.func @transform_5(%arg0: i32) -> (i32, i32) {
    %c0_i32 = arith.constant 0 : i32
    %c0_i32_0 = arith.constant 0 : i32
    return %arg0, %c0_i32 : i32, i32
  }
}

module attributes {stable_mosaic.version = 14 : i64} {
  func.func @_a1_body(%arg0: i32, %arg1: memref<1024x128xf32, #tpu.memory_space<vmem>>, %arg2: memref<128x128xf32, #tpu.memory_space<vmem>>, %arg3: memref<1024x1xf32, #tpu.memory_space<vmem>>, %arg4: memref<1024x128xf32, #tpu.memory_space<vmem>>) attributes {dimension_semantics = [#tpu.dimension_semantics<arbitrary>], iteration_bounds = array<i64: 10>, scalar_prefetch = 0 : i64, scratch_operands = 0 : i64, tpu.core_type = #tpu.core_type<tc>, window_params = [{transform_indices = @transform_0, window_bounds = array<i64: 1024, 128>}, {pipeline_mode = #tpu.pipeline_mode<synchronous>, transform_indices = @transform_1, window_bounds = array<i64: 128, 128>}, {transform_indices = @transform_2, window_bounds = array<i64: 1024, 1>}, {transform_indices = @transform_3, window_bounds = array<i64: 1024, 128>}]} {
    %get3A = arith.constant 0 : index
    %get3A_0 = arith.constant 0 : index
    %get3A_1 = vector.load %arg1[%get3A, %get3A_0] : memref<1024x128xf32, #tpu.memory_space<vmem>>, vector<1024x128xf32>
    %get3A_2 = arith.constant 0 : index
    %get3A_3 = arith.constant 0 : index
    %get3A_4 = vector.load %arg2[%get3A_2, %get3A_3] : memref<128x128xf32, #tpu.memory_space<vmem>>, vector<128x128xf32>
    %dot_general3A = arith.constant dense<0.000000e+00> : vector<1024x128xf32>
    %dot_general3A_5 = tpu.matmul %get3A_1, %get3A_4, %dot_general3A {dimension_numbers = #tpu.dot_dimension_numbers<[1], [0], [0], [1], [0, 0, 1, 1], [], []>, transpose_lhs_hint = false} : vector<1024x128xf32>, vector<128x128xf32>, vector<1024x128xf32> -> vector<1024x128xf32>
    %get3A_6 = arith.constant 0 : index
    %get3A_7 = arith.constant 0 : index
    %get3A_8 = vector.load %arg3[%get3A_6, %get3A_7] : memref<1024x1xf32, #tpu.memory_space<vmem>>, vector<1024x1xf32>
    %mul3A = vector.broadcast %get3A_8 : vector<1024x1xf32> to vector<1024x128xf32>
    %mul3A_9 = arith.mulf %mul3A, %dot_general3A_5 : vector<1024x128xf32>
    %swap3A = arith.constant 0 : index
    %swap3A_10 = arith.constant 0 : index
    %swap3A_11 = vector.load %arg4[%swap3A, %swap3A_10] : memref<1024x128xf32, #tpu.memory_space<vmem>>, vector<1024x128xf32>
    tpu.vector_store %arg4[%swap3A, %swap3A_10], %mul3A_9 {strides = array<i32>} : memref<1024x128xf32, #tpu.memory_space<vmem>>, vector<1024x128xf32>,
    return
  }
  func.func @transform_0(%arg0: i32) -> (i32, i32) {
    %c0_i32 = arith.constant 0 : i32
    %c0_i32_0 = arith.constant 0 : i32
    return %arg0, %c0_i32 : i32, i32
  }
  func.func @transform_1(%arg0: i32) -> (i32, i32) {
    %c0_i32 = arith.constant 0 : i32
    %c0_i32_0 = arith.constant 0 : i32
    %c0_i32_1 = arith.constant 0 : i32
    return %c0_i32, %c0_i32_0 : i32, i32
  }
  func.func @transform_2(%arg0: i32) -> (i32, i32) {
    %c0_i32 = arith.constant 0 : i32
    %c0_i32_0 = arith.constant 0 : i32
    return %arg0, %c0_i32 : i32, i32
  }
  func.func @transform_3(%arg0: i32) -> (i32, i32) {
    %c0_i32 = arith.constant 0 : i32
    %c0_i32_0 = arith.constant 0 : i32
    return %arg0, %c0_i32 : i32, i32
  }
}

module attributes {stable_mosaic.version = 14 : i64} {
  func.func @_b_body(%arg0: i32, %arg1: memref<2x1024x128xf32, #tpu.memory_space<vmem>>, %arg2: memref<1024x128xf32, #tpu.memory_space<vmem>>, %arg3: memref<1024x1xf32, #tpu.memory_space<vmem>>, %arg4: memref<1024x128xf32, #tpu.memory_space<vmem>>, %arg5: memref<8x128xf32, #tpu.memory_space<vmem>>) attributes {dimension_semantics = [#tpu.dimension_semantics<arbitrary>], iteration_bounds = array<i64: 10>, scalar_prefetch = 0 : i64, scratch_operands = 0 : i64, tpu.core_type = #tpu.core_type<tc>, window_params = [{transform_indices = @transform_0, window_bounds = array<i64: 2, 1024, 128>}, {transform_indices = @transform_1, window_bounds = array<i64: 1024, 128>}, {transform_indices = @transform_2, window_bounds = array<i64: 1024, 1>}, {transform_indices = @transform_3, window_bounds = array<i64: 1024, 128>}, {pipeline_mode = #tpu.pipeline_mode<synchronous>, transform_indices = @transform_4, window_bounds = array<i64: 8, 128>}]} {
    %get3A = arith.constant 0 : index
    %get3A_0 = arith.constant 0 : index
    %get3A_1 = vector.load %arg3[%get3A, %get3A_0] : memref<1024x1xf32, #tpu.memory_space<vmem>>, vector<1024x1xf32>
    %get3A_2 = arith.constant 0 : index
    %get3A_3 = arith.constant 0 : index
    %get3A_4 = arith.constant 0 : index
    %get3A_5 = vector.load %arg1[%get3A_2, %get3A_3, %get3A_4] : memref<2x1024x128xf32, #tpu.memory_space<vmem>>, vector<1x1024x128xf32>
    %get3A_6 = vector.shape_cast %get3A_5 : vector<1x1024x128xf32> to vector<1024x128xf32>
    %get3A_7 = arith.constant 1 : index
    %get3A_8 = arith.constant 0 : index
    %get3A_9 = arith.constant 0 : index
    %get3A_10 = vector.load %arg1[%get3A_7, %get3A_8, %get3A_9] : memref<2x1024x128xf32, #tpu.memory_space<vmem>>, vector<1x1024x128xf32>
    %get3A_11 = vector.shape_cast %get3A_10 : vector<1x1024x128xf32> to vector<1024x128xf32>
    %add3A = arith.addf %get3A_6, %get3A_11 : vector<1024x128xf32>
    %get3A_12 = arith.constant 0 : index
    %get3A_13 = arith.constant 0 : index
    %get3A_14 = vector.load %arg2[%get3A_12, %get3A_13] : memref<1024x128xf32, #tpu.memory_space<vmem>>, vector<1024x128xf32>
    %add3A_15 = arith.addf %add3A, %get3A_14 : vector<1024x128xf32>
    %mul3A = vector.broadcast %get3A_1 : vector<1024x1xf32> to vector<1024x128xf32>
    %mul3A_16 = arith.mulf %mul3A, %add3A_15 : vector<1024x128xf32>
    %swap3A = arith.constant 0 : index
    %swap3A_17 = arith.constant 0 : index
    %swap3A_18 = vector.load %arg4[%swap3A, %swap3A_17] : memref<1024x128xf32, #tpu.memory_space<vmem>>, vector<1024x128xf32>
    tpu.vector_store %arg4[%swap3A, %swap3A_17], %mul3A_16 {strides = array<i32>} : memref<1024x128xf32, #tpu.memory_space<vmem>>, vector<1024x128xf32>,
    %mul3A_19 = arith.constant 1024 : i32
    %mul3A_20 = arith.muli %arg0, %mul3A_19 : i32
    %iota3A = tpu.iota {dimensions = array<i32: 0>} : vector<1024x1xi32>
    %add3A_21 = vector.broadcast %mul3A_20 : i32 to vector<1024x1xi32>
    %add3A_22 = arith.addi %add3A_21, %iota3A : vector<1024x1xi32>
    %lt3A = arith.constant 10000 : i32
    %lt3A_23 = vector.broadcast %lt3A : i32 to vector<1024x1xi32>
    %lt3A_24 = arith.cmpi slt, %add3A_22, %lt3A_23 : vector<1024x1xi32>
    %jit3A = arith.constant 0.000000e+00 : f32
    %broadcast_in_dim3A = vector.shape_cast %lt3A_24 : vector<1024x1xi1> to vector<1024x1xi1>
    %broadcast_in_dim3A_25 = vector.broadcast %broadcast_in_dim3A : vector<1024x1xi1> to vector<1024x128xi1>
    %broadcast_in_dim3A_26 = vector.broadcast %jit3A : f32 to vector<1024x128xf32>
    %select_n3A = arith.select %broadcast_in_dim3A_25, %mul3A_16, %broadcast_in_dim3A_26 : vector<1024x128xi1>, vector<1024x128xf32>
    %reduce_sum3A = arith.constant dense<0.000000e+00> : vector<128xf32>
    %reduce_sum3A_27 = vector.multi_reduction <add>, %select_n3A, %reduce_sum3A [0] : vector<1024x128xf32> to vector<128xf32>
    %broadcast_in_dim3A_28 = vector.shape_cast %reduce_sum3A_27 : vector<128xf32> to vector<1x128xf32>
    %mul3A_29 = arith.mulf %select_n3A, %select_n3A : vector<1024x128xf32>
    %reduce_sum3A_30 = arith.constant dense<0.000000e+00> : vector<128xf32>
    %reduce_sum3A_31 = vector.multi_reduction <add>, %mul3A_29, %reduce_sum3A_30 [0] : vector<1024x128xf32> to vector<128xf32>
    %broadcast_in_dim3A_32 = vector.shape_cast %reduce_sum3A_31 : vector<128xf32> to vector<1x128xf32>
    %broadcast_in_dim3A_33 = arith.constant 0.000000e+00 : f32
    %broadcast_in_dim3A_34 = vector.broadcast %broadcast_in_dim3A_33 : f32 to vector<6x128xf32>
    %concatenate3A = tpu.concatenate %broadcast_in_dim3A_28, %broadcast_in_dim3A_32, %broadcast_in_dim3A_34 in 0 : vector<1x128xf32>, vector<1x128xf32>, vector<6x128xf32> -> vector<8x128xf32>
    %eq3A = arith.constant 0 : i32
    %eq3A_35 = arith.cmpi eq, %arg0, %eq3A : i32
    %convert_element_type3A = arith.extui %eq3A_35 : i1 to i32
    %cond3A = arith.constant 0 : i32
    %cond3A_36 = arith.cmpi ne, %convert_element_type3A, %cond3A : i32
    scf.if %cond3A_36 {
      %swap3A_41 = arith.constant 0 : index
      %swap3A_42 = arith.constant 0 : index
      %swap3A_43 = vector.load %arg5[%swap3A_41, %swap3A_42] : memref<8x128xf32, #tpu.memory_space<vmem>>, vector<8x128xf32>
      tpu.vector_store %arg5[%swap3A_41, %swap3A_42], %concatenate3A {strides = array<i32>} : memref<8x128xf32, #tpu.memory_space<vmem>>, vector<8x128xf32>,
    } else {
    }
    %gt3A = arith.constant 0 : i32
    %gt3A_37 = arith.cmpi sgt, %arg0, %gt3A : i32
    %convert_element_type3A_38 = arith.extui %gt3A_37 : i1 to i32
    %cond3A_39 = arith.constant 0 : i32
    %cond3A_40 = arith.cmpi ne, %convert_element_type3A_38, %cond3A_39 : i32
    scf.if %cond3A_40 {
      %get3A_41 = arith.constant 0 : index
      %get3A_42 = arith.constant 0 : index
      %get3A_43 = vector.load %arg5[%get3A_41, %get3A_42] : memref<8x128xf32, #tpu.memory_space<vmem>>, vector<8x128xf32>
      %add3A_44 = arith.addf %get3A_43, %concatenate3A : vector<8x128xf32>
      %swap3A_45 = arith.constant 0 : index
      %swap3A_46 = arith.constant 0 : index
      %swap3A_47 = vector.load %arg5[%swap3A_45, %swap3A_46] : memref<8x128xf32, #tpu.memory_space<vmem>>, vector<8x128xf32>
      tpu.vector_store %arg5[%swap3A_45, %swap3A_46], %add3A_44 {strides = array<i32>} : memref<8x128xf32, #tpu.memory_space<vmem>>, vector<8x128xf32>,
    } else {
    }
    return
  }
  func.func @transform_0(%arg0: i32) -> (i32, i32, i32) {
    %c0_i32 = arith.constant 0 : i32
    %c0_i32_0 = arith.constant 0 : i32
    %c0_i32_1 = arith.constant 0 : i32
    return %c0_i32, %arg0, %c0_i32_0 : i32, i32, i32
  }
  func.func @transform_1(%arg0: i32) -> (i32, i32) {
    %c0_i32 = arith.constant 0 : i32
    %c0_i32_0 = arith.constant 0 : i32
    return %arg0, %c0_i32 : i32, i32
  }
  func.func @transform_2(%arg0: i32) -> (i32, i32) {
    %c0_i32 = arith.constant 0 : i32
    %c0_i32_0 = arith.constant 0 : i32
    return %arg0, %c0_i32 : i32, i32
  }
  func.func @transform_3(%arg0: i32) -> (i32, i32) {
    %c0_i32 = arith.constant 0 : i32
    %c0_i32_0 = arith.constant 0 : i32
    return %arg0, %c0_i32 : i32, i32
  }
  func.func @transform_4(%arg0: i32) -> (i32, i32) {
    %c0_i32 = arith.constant 0 : i32
    %c0_i32_0 = arith.constant 0 : i32
    %c0_i32_1 = arith.constant 0 : i32
    return %c0_i32, %c0_i32_0 : i32, i32
  }
}

module attributes {stable_mosaic.version = 14 : i64} {
  func.func @_a_mid_body(%arg0: i32, %arg1: memref<1024x128xf32, #tpu.memory_space<vmem>>, %arg2: memref<8x128xf32, #tpu.memory_space<vmem>>, %arg3: memref<1x128xf32, #tpu.memory_space<vmem>>, %arg4: memref<1x128xf32, #tpu.memory_space<vmem>>, %arg5: memref<128x128xf32, #tpu.memory_space<vmem>>, %arg6: memref<1024x1xf32, #tpu.memory_space<vmem>>, %arg7: memref<1024x128xf32, #tpu.memory_space<vmem>>) attributes {dimension_semantics = [#tpu.dimension_semantics<arbitrary>], iteration_bounds = array<i64: 10>, scalar_prefetch = 0 : i64, scratch_operands = 0 : i64, tpu.core_type = #tpu.core_type<tc>, window_params = [{transform_indices = @transform_0, window_bounds = array<i64: 1024, 128>}, {pipeline_mode = #tpu.pipeline_mode<synchronous>, transform_indices = @transform_1, window_bounds = array<i64: 8, 128>}, {pipeline_mode = #tpu.pipeline_mode<synchronous>, transform_indices = @transform_2, window_bounds = array<i64: 1, 128>}, {pipeline_mode = #tpu.pipeline_mode<synchronous>, transform_indices = @transform_3, window_bounds = array<i64: 1, 128>}, {pipeline_mode = #tpu.pipeline_mode<synchronous>, transform_indices = @transform_4, window_bounds = array<i64: 128, 128>}, {transform_indices = @transform_5, window_bounds = array<i64: 1024, 1>}, {transform_indices = @transform_6, window_bounds = array<i64: 1024, 128>}]} {
    %get3A = arith.constant 0 : index
    %get3A_0 = arith.constant 0 : index
    %get3A_1 = vector.load %arg2[%get3A, %get3A_0] : memref<8x128xf32, #tpu.memory_space<vmem>>, vector<1x128xf32>
    %mul3A = arith.constant 9.99999974E-5 : f32
    %mul3A_2 = vector.broadcast %mul3A : f32 to vector<1x128xf32>
    %mul3A_3 = arith.mulf %get3A_1, %mul3A_2 : vector<1x128xf32>
    %get3A_4 = arith.constant 1 : index
    %get3A_5 = arith.constant 0 : index
    %get3A_6 = vector.load %arg2[%get3A_4, %get3A_5] : memref<8x128xf32, #tpu.memory_space<vmem>>, vector<1x128xf32>
    %mul3A_7 = arith.constant 9.99999974E-5 : f32
    %mul3A_8 = vector.broadcast %mul3A_7 : f32 to vector<1x128xf32>
    %mul3A_9 = arith.mulf %get3A_6, %mul3A_8 : vector<1x128xf32>
    %mul3A_10 = arith.mulf %mul3A_3, %mul3A_3 : vector<1x128xf32>
    %sub3A = arith.subf %mul3A_9, %mul3A_10 : vector<1x128xf32>
    %get3A_11 = arith.constant 0 : index
    %get3A_12 = arith.constant 0 : index
    %get3A_13 = vector.load %arg1[%get3A_11, %get3A_12] : memref<1024x128xf32, #tpu.memory_space<vmem>>, vector<1024x128xf32>
    %sub3A_14 = vector.broadcast %mul3A_3 : vector<1x128xf32> to vector<1024x128xf32>
    %sub3A_15 = arith.subf %get3A_13, %sub3A_14 : vector<1024x128xf32>
    %add3A = arith.constant 9.99999974E-6 : f32
    %add3A_16 = vector.broadcast %add3A : f32 to vector<1x128xf32>
    %add3A_17 = arith.addf %sub3A, %add3A_16 : vector<1x128xf32>
    %rsqrt3A = math.rsqrt %add3A_17 : vector<1x128xf32>
    %mul3A_18 = vector.broadcast %rsqrt3A : vector<1x128xf32> to vector<1024x128xf32>
    %mul3A_19 = arith.mulf %sub3A_15, %mul3A_18 : vector<1024x128xf32>
    %get3A_20 = arith.constant 0 : index
    %get3A_21 = arith.constant 0 : index
    %get3A_22 = vector.load %arg3[%get3A_20, %get3A_21] : memref<1x128xf32, #tpu.memory_space<vmem>>, vector<1x128xf32>
    %mul3A_23 = vector.broadcast %get3A_22 : vector<1x128xf32> to vector<1024x128xf32>
    %mul3A_24 = arith.mulf %mul3A_19, %mul3A_23 : vector<1024x128xf32>
    %get3A_25 = arith.constant 0 : index
    %get3A_26 = arith.constant 0 : index
    %get3A_27 = vector.load %arg4[%get3A_25, %get3A_26] : memref<1x128xf32, #tpu.memory_space<vmem>>, vector<1x128xf32>
    %add3A_28 = vector.broadcast %get3A_27 : vector<1x128xf32> to vector<1024x128xf32>
    %add3A_29 = arith.addf %mul3A_24, %add3A_28 : vector<1024x128xf32>
    %max3A = arith.constant 0.000000e+00 : f32
    %max3A_30 = vector.broadcast %max3A : f32 to vector<1024x128xf32>
    %max3A_31 = arith.maximumf %add3A_29, %max3A_30 : vector<1024x128xf32>
    %get3A_32 = arith.constant 0 : index
    %get3A_33 = arith.constant 0 : index
    %get3A_34 = vector.load %arg5[%get3A_32, %get3A_33] : memref<128x128xf32, #tpu.memory_space<vmem>>, vector<128x128xf32>
    %dot_general3A = arith.constant dense<0.000000e+00> : vector<1024x128xf32>
    %dot_general3A_35 = tpu.matmul %max3A_31, %get3A_34, %dot_general3A {dimension_numbers = #tpu.dot_dimension_numbers<[1], [0], [0], [1], [0, 0, 1, 1], [], []>, transpose_lhs_hint = false} : vector<1024x128xf32>, vector<128x128xf32>, vector<1024x128xf32> -> vector<1024x128xf32>
    %get3A_36 = arith.constant 0 : index
    %get3A_37 = arith.constant 0 : index
    %get3A_38 = vector.load %arg6[%get3A_36, %get3A_37] : memref<1024x1xf32, #tpu.memory_space<vmem>>, vector<1024x1xf32>
    %mul3A_39 = vector.broadcast %get3A_38 : vector<1024x1xf32> to vector<1024x128xf32>
    %mul3A_40 = arith.mulf %mul3A_39, %dot_general3A_35 : vector<1024x128xf32>
    %swap3A = arith.constant 0 : index
    %swap3A_41 = arith.constant 0 : index
    %swap3A_42 = vector.load %arg7[%swap3A, %swap3A_41] : memref<1024x128xf32, #tpu.memory_space<vmem>>, vector<1024x128xf32>
    tpu.vector_store %arg7[%swap3A, %swap3A_41], %mul3A_40 {strides = array<i32>} : memref<1024x128xf32, #tpu.memory_space<vmem>>, vector<1024x128xf32>,
    return
  }
  func.func @transform_0(%arg0: i32) -> (i32, i32) {
    %c0_i32 = arith.constant 0 : i32
    %c0_i32_0 = arith.constant 0 : i32
    return %arg0, %c0_i32 : i32, i32
  }
  func.func @transform_1(%arg0: i32) -> (i32, i32) {
    %c0_i32 = arith.constant 0 : i32
    %c0_i32_0 = arith.constant 0 : i32
    %c0_i32_1 = arith.constant 0 : i32
    return %c0_i32, %c0_i32_0 : i32, i32
  }
  func.func @transform_2(%arg0: i32) -> (i32, i32) {
    %c0_i32 = arith.constant 0 : i32
    %c0_i32_0 = arith.constant 0 : i32
    %c0_i32_1 = arith.constant 0 : i32
    return %c0_i32, %c0_i32_0 : i32, i32
  }
  func.func @transform_3(%arg0: i32) -> (i32, i32) {
    %c0_i32 = arith.constant 0 : i32
    %c0_i32_0 = arith.constant 0 : i32
    %c0_i32_1 = arith.constant 0 : i32
    return %c0_i32, %c0_i32_0 : i32, i32
  }
  func.func @transform_4(%arg0: i32) -> (i32, i32) {
    %c0_i32 = arith.constant 0 : i32
    %c0_i32_0 = arith.constant 0 : i32
    %c0_i32_1 = arith.constant 0 : i32
    return %c0_i32, %c0_i32_0 : i32, i32
  }
  func.func @transform_5(%arg0: i32) -> (i32, i32) {
    %c0_i32 = arith.constant 0 : i32
    %c0_i32_0 = arith.constant 0 : i32
    return %arg0, %c0_i32 : i32, i32
  }
  func.func @transform_6(%arg0: i32) -> (i32, i32) {
    %c0_i32 = arith.constant 0 : i32
    %c0_i32_0 = arith.constant 0 : i32
    return %arg0, %c0_i32 : i32, i32
  }
}

module attributes {stable_mosaic.version = 14 : i64} {
  func.func @_a4p_body(%arg0: i32, %arg1: memref<1024x128xf32, #tpu.memory_space<vmem>>, %arg2: memref<8x128xf32, #tpu.memory_space<vmem>>, %arg3: memref<1x128xf32, #tpu.memory_space<vmem>>, %arg4: memref<1x128xf32, #tpu.memory_space<vmem>>, %arg5: memref<1024x1xf32, #tpu.memory_space<vmem>>, %arg6: memref<1024x128xf32, #tpu.memory_space<vmem>>) attributes {dimension_semantics = [#tpu.dimension_semantics<arbitrary>], iteration_bounds = array<i64: 10>, scalar_prefetch = 0 : i64, scratch_operands = 0 : i64, tpu.core_type = #tpu.core_type<tc>, window_params = [{transform_indices = @transform_0, window_bounds = array<i64: 1024, 128>}, {pipeline_mode = #tpu.pipeline_mode<synchronous>, transform_indices = @transform_1, window_bounds = array<i64: 8, 128>}, {pipeline_mode = #tpu.pipeline_mode<synchronous>, transform_indices = @transform_2, window_bounds = array<i64: 1, 128>}, {pipeline_mode = #tpu.pipeline_mode<synchronous>, transform_indices = @transform_3, window_bounds = array<i64: 1, 128>}, {transform_indices = @transform_4, window_bounds = array<i64: 1024, 1>}, {transform_indices = @transform_5, window_bounds = array<i64: 1024, 128>}]} {
    %get3A = arith.constant 0 : index
    %get3A_0 = arith.constant 0 : index
    %get3A_1 = vector.load %arg2[%get3A, %get3A_0] : memref<8x128xf32, #tpu.memory_space<vmem>>, vector<1x128xf32>
    %mul3A = arith.constant 9.99999974E-5 : f32
    %mul3A_2 = vector.broadcast %mul3A : f32 to vector<1x128xf32>
    %mul3A_3 = arith.mulf %get3A_1, %mul3A_2 : vector<1x128xf32>
    %get3A_4 = arith.constant 1 : index
    %get3A_5 = arith.constant 0 : index
    %get3A_6 = vector.load %arg2[%get3A_4, %get3A_5] : memref<8x128xf32, #tpu.memory_space<vmem>>, vector<1x128xf32>
    %mul3A_7 = arith.constant 9.99999974E-5 : f32
    %mul3A_8 = vector.broadcast %mul3A_7 : f32 to vector<1x128xf32>
    %mul3A_9 = arith.mulf %get3A_6, %mul3A_8 : vector<1x128xf32>
    %mul3A_10 = arith.mulf %mul3A_3, %mul3A_3 : vector<1x128xf32>
    %sub3A = arith.subf %mul3A_9, %mul3A_10 : vector<1x128xf32>
    %get3A_11 = arith.constant 0 : index
    %get3A_12 = arith.constant 0 : index
    %get3A_13 = vector.load %arg1[%get3A_11, %get3A_12] : memref<1024x128xf32, #tpu.memory_space<vmem>>, vector<1024x128xf32>
    %sub3A_14 = vector.broadcast %mul3A_3 : vector<1x128xf32> to vector<1024x128xf32>
    %sub3A_15 = arith.subf %get3A_13, %sub3A_14 : vector<1024x128xf32>
    %add3A = arith.constant 9.99999974E-6 : f32
    %add3A_16 = vector.broadcast %add3A : f32 to vector<1x128xf32>
    %add3A_17 = arith.addf %sub3A, %add3A_16 : vector<1x128xf32>
    %rsqrt3A = math.rsqrt %add3A_17 : vector<1x128xf32>
    %mul3A_18 = vector.broadcast %rsqrt3A : vector<1x128xf32> to vector<1024x128xf32>
    %mul3A_19 = arith.mulf %sub3A_15, %mul3A_18 : vector<1024x128xf32>
    %get3A_20 = arith.constant 0 : index
    %get3A_21 = arith.constant 0 : index
    %get3A_22 = vector.load %arg3[%get3A_20, %get3A_21] : memref<1x128xf32, #tpu.memory_space<vmem>>, vector<1x128xf32>
    %mul3A_23 = vector.broadcast %get3A_22 : vector<1x128xf32> to vector<1024x128xf32>
    %mul3A_24 = arith.mulf %mul3A_19, %mul3A_23 : vector<1024x128xf32>
    %get3A_25 = arith.constant 0 : index
    %get3A_26 = arith.constant 0 : index
    %get3A_27 = vector.load %arg4[%get3A_25, %get3A_26] : memref<1x128xf32, #tpu.memory_space<vmem>>, vector<1x128xf32>
    %add3A_28 = vector.broadcast %get3A_27 : vector<1x128xf32> to vector<1024x128xf32>
    %add3A_29 = arith.addf %mul3A_24, %add3A_28 : vector<1024x128xf32>
    %get3A_30 = arith.constant 0 : index
    %get3A_31 = arith.constant 0 : index
    %get3A_32 = vector.load %arg5[%get3A_30, %get3A_31] : memref<1024x1xf32, #tpu.memory_space<vmem>>, vector<1024x1xf32>
    %mul3A_33 = vector.broadcast %get3A_32 : vector<1024x1xf32> to vector<1024x128xf32>
    %mul3A_34 = arith.mulf %mul3A_33, %add3A_29 : vector<1024x128xf32>
    %swap3A = arith.constant 0 : index
    %swap3A_35 = arith.constant 0 : index
    %swap3A_36 = vector.load %arg6[%swap3A, %swap3A_35] : memref<1024x128xf32, #tpu.memory_space<vmem>>, vector<1024x128xf32>
    tpu.vector_store %arg6[%swap3A, %swap3A_35], %mul3A_34 {strides = array<i32>} : memref<1024x128xf32, #tpu.memory_space<vmem>>, vector<1024x128xf32>,
    return
  }
  func.func @transform_0(%arg0: i32) -> (i32, i32) {
    %c0_i32 = arith.constant 0 : i32
    %c0_i32_0 = arith.constant 0 : i32
    return %arg0, %c0_i32 : i32, i32
  }
  func.func @transform_1(%arg0: i32) -> (i32, i32) {
    %c0_i32 = arith.constant 0 : i32
    %c0_i32_0 = arith.constant 0 : i32
    %c0_i32_1 = arith.constant 0 : i32
    return %c0_i32, %c0_i32_0 : i32, i32
  }
  func.func @transform_2(%arg0: i32) -> (i32, i32) {
    %c0_i32 = arith.constant 0 : i32
    %c0_i32_0 = arith.constant 0 : i32
    %c0_i32_1 = arith.constant 0 : i32
    return %c0_i32, %c0_i32_0 : i32, i32
  }
  func.func @transform_3(%arg0: i32) -> (i32, i32) {
    %c0_i32 = arith.constant 0 : i32
    %c0_i32_0 = arith.constant 0 : i32
    %c0_i32_1 = arith.constant 0 : i32
    return %c0_i32, %c0_i32_0 : i32, i32
  }
  func.func @transform_4(%arg0: i32) -> (i32, i32) {
    %c0_i32 = arith.constant 0 : i32
    %c0_i32_0 = arith.constant 0 : i32
    return %arg0, %c0_i32 : i32, i32
  }
  func.func @transform_5(%arg0: i32) -> (i32, i32) {
    %c0_i32 = arith.constant 0 : i32
    %c0_i32_0 = arith.constant 0 : i32
    return %arg0, %c0_i32 : i32, i32
  }
}

module attributes {stable_mosaic.version = 14 : i64} {
  func.func @_b4_body(%arg0: i32, %arg1: memref<2x1024x128xf32, #tpu.memory_space<vmem>>, %arg2: memref<2x1024xf32, #tpu.memory_space<vmem>>, %arg3: memref<2x1024xf32, #tpu.memory_space<vmem>>, %arg4: memref<1024x128xf32, #tpu.memory_space<vmem>>, %arg5: memref<1024x1xf32, #tpu.memory_space<vmem>>, %arg6: memref<1024x1xf32, #tpu.memory_space<vmem>>, %arg7: memref<128x128xf32, #tpu.memory_space<vmem>>, %arg8: memref<128x128xf32, #tpu.memory_space<vmem>>, %arg9: memref<128x128xf32, #tpu.memory_space<vmem>>, %arg10: memref<128x128xf32, #tpu.memory_space<vmem>>, %arg11: memref<128x128xf32, #tpu.memory_space<vmem>>, %arg12: memref<1x128xf32, #tpu.memory_space<vmem>>, %arg13: memref<128x128xf32, #tpu.memory_space<vmem>>, %arg14: memref<1x128xf32, #tpu.memory_space<vmem>>, %arg15: memref<1x128xf32, #tpu.memory_space<vmem>>, %arg16: memref<1x128xf32, #tpu.memory_space<vmem>>, %arg17: memref<3x1024x128xf32, #tpu.memory_space<vmem>>) attributes {dimension_semantics = [#tpu.dimension_semantics<arbitrary>], iteration_bounds = array<i64: 10>, scalar_prefetch = 0 : i64, scratch_operands = 0 : i64, tpu.core_type = #tpu.core_type<tc>, window_params = [{transform_indices = @transform_0, window_bounds = array<i64: 2, 1024, 128>}, {transform_indices = @transform_1, window_bounds = array<i64: 2, 1024>}, {transform_indices = @transform_2, window_bounds = array<i64: 2, 1024>}, {transform_indices = @transform_3, window_bounds = array<i64: 1024, 128>}, {transform_indices = @transform_4, window_bounds = array<i64: 1024, 1>}, {transform_indices = @transform_5, window_bounds = array<i64: 1024, 1>}, {pipeline_mode = #tpu.pipeline_mode<synchronous>, transform_indices = @transform_6, window_bounds = array<i64: 128, 128>}, {pipeline_mode = #tpu.pipeline_mode<synchronous>, transform_indices = @transform_7, window_bounds = array<i64: 128, 128>}, {pipeline_mode = #tpu.pipeline_mode<synchronous>, transform_indices = @transform_8, window_bounds = array<i64: 128, 128>}, {pipeline_mode = #tpu.pipeline_mode<synchronous>, transform_indices = @transform_9, window_bounds = array<i64: 128, 128>}, {pipeline_mode = #tpu.pipeline_mode<synchronous>, transform_indices = @transform_10, window_bounds = array<i64: 128, 128>}, {pipeline_mode = #tpu.pipeline_mode<synchronous>, transform_indices = @transform_11, window_bounds = array<i64: 1, 128>}, {pipeline_mode = #tpu.pipeline_mode<synchronous>, transform_indices = @transform_12, window_bounds = array<i64: 128, 128>}, {pipeline_mode = #tpu.pipeline_mode<synchronous>, transform_indices = @transform_13, window_bounds = array<i64: 1, 128>}, {pipeline_mode = #tpu.pipeline_mode<synchronous>, transform_indices = @transform_14, window_bounds = array<i64: 1, 128>}, {pipeline_mode = #tpu.pipeline_mode<synchronous>, transform_indices = @transform_15, window_bounds = array<i64: 1, 128>}, {transform_indices = @transform_16, window_bounds = array<i64: 3, 1024, 128>}]} {
    %get3A = arith.constant 0 : index
    %get3A_0 = arith.constant 0 : index
    %get3A_1 = vector.load %arg5[%get3A, %get3A_0] : memref<1024x1xf32, #tpu.memory_space<vmem>>, vector<1024x1xf32>
    %get3A_2 = arith.constant 0 : index
    %get3A_3 = arith.constant 0 : index
    %get3A_4 = vector.load %arg6[%get3A_2, %get3A_3] : memref<1024x1xf32, #tpu.memory_space<vmem>>, vector<1024x1xf32>
    %get3A_5 = arith.constant 0 : index
    %get3A_6 = arith.constant 0 : index
    %get3A_7 = vector.load %arg4[%get3A_5, %get3A_6] : memref<1024x128xf32, #tpu.memory_space<vmem>>, vector<1024x128xf32>
    %div3A = vector.broadcast %get3A_1 : vector<1024x1xf32> to vector<1024x128xf32>
    %div3A_8 = arith.divf %get3A_7, %div3A : vector<1024x128xf32>
    %iota3A = tpu.iota {dimensions = array<i32: 1>} : vector<1x128xi32>
    %convert_element_type3A = arith.sitofp %iota3A : vector<1x128xi32> to vector<1x128xf32>
    %mul3A = arith.constant -0.163175315 : f32
    %mul3A_9 = vector.broadcast %mul3A : f32 to vector<1x128xf32>
    %mul3A_10 = arith.mulf %convert_element_type3A, %mul3A_9 : vector<1x128xf32>
    %exp3A = math.exp %mul3A_10 : vector<1x128xf32>
    %cos3A = math.cos %exp3A : vector<1x128xf32>
    %get3A_11 = arith.constant 0 : index
    %get3A_12 = arith.constant 0 : index
    %get3A_13 = vector.load %arg8[%get3A_11, %get3A_12] : memref<128x128xf32, #tpu.memory_space<vmem>>, vector<128x128xf32>
    %reduce_sum3A = arith.constant dense<0.000000e+00> : vector<128xf32>
    %reduce_sum3A_14 = vector.multi_reduction <add>, %get3A_13, %reduce_sum3A [0] : vector<128x128xf32> to vector<128xf32>
    %broadcast_in_dim3A = vector.shape_cast %reduce_sum3A_14 : vector<128xf32> to vector<1x128xf32>
    %get3A_15 = arith.constant 0 : index
    %get3A_16 = arith.constant 0 : index
    %get3A_17 = vector.load %arg8[%get3A_15, %get3A_16] : memref<128x128xf32, #tpu.memory_space<vmem>>, vector<128x128xf32>
    %dot_general3A = arith.constant dense<0.000000e+00> : vector<1x128xf32>
    %dot_general3A_18 = tpu.matmul %cos3A, %get3A_17, %dot_general3A {dimension_numbers = #tpu.dot_dimension_numbers<[1], [0], [0], [1], [0, 0, 1, 1], [], []>, transpose_lhs_hint = false} : vector<1x128xf32>, vector<128x128xf32>, vector<1x128xf32> -> vector<1x128xf32>
    %get3A_19 = arith.constant 0 : index
    %get3A_20 = arith.constant 0 : index
    %get3A_21 = vector.load %arg10[%get3A_19, %get3A_20] : memref<128x128xf32, #tpu.memory_space<vmem>>, vector<128x128xf32>
    %reduce_sum3A_22 = arith.constant dense<0.000000e+00> : vector<128xf32>
    %reduce_sum3A_23 = vector.multi_reduction <add>, %get3A_21, %reduce_sum3A_22 [0] : vector<128x128xf32> to vector<128xf32>
    %broadcast_in_dim3A_24 = vector.shape_cast %reduce_sum3A_23 : vector<128xf32> to vector<1x128xf32>
    %get3A_25 = arith.constant 0 : index
    %get3A_26 = arith.constant 0 : index
    %get3A_27 = vector.load %arg10[%get3A_25, %get3A_26] : memref<128x128xf32, #tpu.memory_space<vmem>>, vector<128x128xf32>
    %dot_general3A_28 = arith.constant dense<0.000000e+00> : vector<1x128xf32>
    %dot_general3A_29 = tpu.matmul %cos3A, %get3A_27, %dot_general3A_28 {dimension_numbers = #tpu.dot_dimension_numbers<[1], [0], [0], [1], [0, 0, 1, 1], [], []>, transpose_lhs_hint = false} : vector<1x128xf32>, vector<128x128xf32>, vector<1x128xf32> -> vector<1x128xf32>
    %get3A_30 = arith.constant 0 : index
    %get3A_31 = arith.constant 0 : index
    %get3A_32 = vector.load %arg2[%get3A_30, %get3A_31] : memref<2x1024xf32, #tpu.memory_space<vmem>>, vector<1x1024xf32>
    %get3A_33 = vector.shape_cast %get3A_32 : vector<1x1024xf32> to vector<1024xf32>
    %get3A_34 = arith.constant 1 : index
    %get3A_35 = arith.constant 0 : index
    %get3A_36 = vector.load %arg2[%get3A_34, %get3A_35] : memref<2x1024xf32, #tpu.memory_space<vmem>>, vector<1x1024xf32>
    %get3A_37 = vector.shape_cast %get3A_36 : vector<1x1024xf32> to vector<1024xf32>
    %add3A = arith.addf %get3A_33, %get3A_37 : vector<1024xf32>
    %reshape3A = vector.shape_cast %add3A : vector<1024xf32> to vector<1024x1xf32>
    %get3A_38 = arith.constant 0 : index
    %get3A_39 = arith.constant 0 : index
    %get3A_40 = vector.load %arg3[%get3A_38, %get3A_39] : memref<2x1024xf32, #tpu.memory_space<vmem>>, vector<1x1024xf32>
    %get3A_41 = vector.shape_cast %get3A_40 : vector<1x1024xf32> to vector<1024xf32>
    %get3A_42 = arith.constant 1 : index
    %get3A_43 = arith.constant 0 : index
    %get3A_44 = vector.load %arg3[%get3A_42, %get3A_43] : memref<2x1024xf32, #tpu.memory_space<vmem>>, vector<1x1024xf32>
    %get3A_45 = vector.shape_cast %get3A_44 : vector<1x1024xf32> to vector<1024xf32>
    %add3A_46 = arith.addf %get3A_41, %get3A_45 : vector<1024xf32>
    %reshape3A_47 = vector.shape_cast %add3A_46 : vector<1024xf32> to vector<1024x1xf32>
    %get3A_48 = arith.constant 0 : index
    %get3A_49 = arith.constant 0 : index
    %get3A_50 = arith.constant 0 : index
    %get3A_51 = vector.load %arg1[%get3A_48, %get3A_49, %get3A_50] : memref<2x1024x128xf32, #tpu.memory_space<vmem>>, vector<1x1024x128xf32>
    %get3A_52 = vector.shape_cast %get3A_51 : vector<1x1024x128xf32> to vector<1024x128xf32>
    %get3A_53 = arith.constant 1 : index
    %get3A_54 = arith.constant 0 : index
    %get3A_55 = arith.constant 0 : index
    %get3A_56 = vector.load %arg1[%get3A_53, %get3A_54, %get3A_55] : memref<2x1024x128xf32, #tpu.memory_space<vmem>>, vector<1x1024x128xf32>
    %get3A_57 = vector.shape_cast %get3A_56 : vector<1x1024x128xf32> to vector<1024x128xf32>
    %add3A_58 = arith.addf %get3A_52, %get3A_57 : vector<1024x128xf32>
    %get3A_59 = arith.constant 0 : index
    %get3A_60 = arith.constant 0 : index
    %get3A_61 = vector.load %arg7[%get3A_59, %get3A_60] : memref<128x128xf32, #tpu.memory_space<vmem>>, vector<128x128xf32>
    %dot_general3A_62 = arith.constant dense<0.000000e+00> : vector<1024x128xf32>
    %dot_general3A_63 = tpu.matmul %div3A_8, %get3A_61, %dot_general3A_62 {dimension_numbers = #tpu.dot_dimension_numbers<[1], [0], [0], [1], [0, 0, 1, 1], [], []>, transpose_lhs_hint = false} : vector<1024x128xf32>, vector<128x128xf32>, vector<1024x128xf32> -> vector<1024x128xf32>
    %mul3A_64 = vector.broadcast %get3A_4 : vector<1024x1xf32> to vector<1024x128xf32>
    %mul3A_65 = vector.broadcast %dot_general3A_18 : vector<1x128xf32> to vector<1024x128xf32>
    %mul3A_66 = arith.mulf %mul3A_64, %mul3A_65 : vector<1024x128xf32>
    %add3A_67 = arith.addf %dot_general3A_63, %mul3A_66 : vector<1024x128xf32>
    %sub3A = arith.constant 1.000000e+00 : f32
    %sub3A_68 = vector.broadcast %sub3A : f32 to vector<1024x1xf32>
    %sub3A_69 = arith.subf %sub3A_68, %get3A_4 : vector<1024x1xf32>
    %mul3A_70 = vector.broadcast %sub3A_69 : vector<1024x1xf32> to vector<1024x128xf32>
    %mul3A_71 = vector.broadcast %broadcast_in_dim3A : vector<1x128xf32> to vector<1024x128xf32>
    %mul3A_72 = arith.mulf %mul3A_70, %mul3A_71 : vector<1024x128xf32>
    %add3A_73 = arith.addf %add3A_67, %mul3A_72 : vector<1024x128xf32>
    %get3A_74 = arith.constant 0 : index
    %get3A_75 = arith.constant 0 : index
    %get3A_76 = vector.load %arg9[%get3A_74, %get3A_75] : memref<128x128xf32, #tpu.memory_space<vmem>>, vector<128x128xf32>
    %dot_general3A_77 = arith.constant dense<0.000000e+00> : vector<1024x128xf32>
    %dot_general3A_78 = tpu.matmul %div3A_8, %get3A_76, %dot_general3A_77 {dimension_numbers = #tpu.dot_dimension_numbers<[1], [0], [0], [1], [0, 0, 1, 1], [], []>, transpose_lhs_hint = false} : vector<1024x128xf32>, vector<128x128xf32>, vector<1024x128xf32> -> vector<1024x128xf32>
    %mul3A_79 = vector.broadcast %get3A_4 : vector<1024x1xf32> to vector<1024x128xf32>
    %mul3A_80 = vector.broadcast %dot_general3A_29 : vector<1x128xf32> to vector<1024x128xf32>
    %mul3A_81 = arith.mulf %mul3A_79, %mul3A_80 : vector<1024x128xf32>
    %add3A_82 = arith.addf %dot_general3A_78, %mul3A_81 : vector<1024x128xf32>
    %sub3A_83 = arith.constant 1.000000e+00 : f32
    %sub3A_84 = vector.broadcast %sub3A_83 : f32 to vector<1024x1xf32>
    %sub3A_85 = arith.subf %sub3A_84, %get3A_4 : vector<1024x1xf32>
    %mul3A_86 = vector.broadcast %sub3A_85 : vector<1024x1xf32> to vector<1024x128xf32>
    %mul3A_87 = vector.broadcast %broadcast_in_dim3A_24 : vector<1x128xf32> to vector<1024x128xf32>
    %mul3A_88 = arith.mulf %mul3A_86, %mul3A_87 : vector<1024x128xf32>
    %add3A_89 = arith.addf %add3A_82, %mul3A_88 : vector<1024x128xf32>
    %get3A_90 = arith.constant 0 : index
    %get3A_91 = arith.constant 0 : index
    %get3A_92 = vector.load %arg7[%get3A_90, %get3A_91] : memref<128x128xf32, #tpu.memory_space<vmem>>, vector<128x128xf32>
    %dot_general3A_93 = arith.constant dense<0.000000e+00> : vector<1024x128xf32>
    %dot_general3A_94 = tpu.matmul %add3A_58, %get3A_92, %dot_general3A_93 {dimension_numbers = #tpu.dot_dimension_numbers<[1], [0], [0], [1], [0, 0, 1, 1], [], []>, transpose_lhs_hint = false} : vector<1024x128xf32>, vector<128x128xf32>, vector<1024x128xf32> -> vector<1024x128xf32>
    %mul3A_95 = vector.broadcast %reshape3A : vector<1024x1xf32> to vector<1024x128xf32>
    %mul3A_96 = vector.broadcast %dot_general3A_18 : vector<1x128xf32> to vector<1024x128xf32>
    %mul3A_97 = arith.mulf %mul3A_95, %mul3A_96 : vector<1024x128xf32>
    %add3A_98 = arith.addf %dot_general3A_94, %mul3A_97 : vector<1024x128xf32>
    %sub3A_99 = arith.subf %reshape3A_47, %reshape3A : vector<1024x1xf32>
    %mul3A_100 = vector.broadcast %sub3A_99 : vector<1024x1xf32> to vector<1024x128xf32>
    %mul3A_101 = vector.broadcast %broadcast_in_dim3A : vector<1x128xf32> to vector<1024x128xf32>
    %mul3A_102 = arith.mulf %mul3A_100, %mul3A_101 : vector<1024x128xf32>
    %add3A_103 = arith.addf %add3A_98, %mul3A_102 : vector<1024x128xf32>
    %mul3A_104 = arith.constant 2.000000e+00 : f32
    %mul3A_105 = vector.broadcast %mul3A_104 : f32 to vector<1024x1xf32>
    %mul3A_106 = arith.mulf %mul3A_105, %get3A_1 : vector<1024x1xf32>
    %mul3A_107 = vector.broadcast %mul3A_106 : vector<1024x1xf32> to vector<1024x128xf32>
    %mul3A_108 = arith.mulf %mul3A_107, %add3A_73 : vector<1024x128xf32>
    %add3A_109 = arith.addf %add3A_103, %mul3A_108 : vector<1024x128xf32>
    %mul3A_110 = vector.broadcast %get3A_1 : vector<1024x1xf32> to vector<1024x128xf32>
    %mul3A_111 = arith.mulf %mul3A_110, %add3A_109 : vector<1024x128xf32>
    %get3A_112 = arith.constant 0 : index
    %get3A_113 = arith.constant 0 : index
    %get3A_114 = vector.load %arg15[%get3A_112, %get3A_113] : memref<1x128xf32, #tpu.memory_space<vmem>>, vector<1x128xf32>
    %add3A_115 = vector.broadcast %get3A_114 : vector<1x128xf32> to vector<1024x128xf32>
    %add3A_116 = arith.addf %mul3A_111, %add3A_115 : vector<1024x128xf32>
    %get3A_117 = arith.constant 0 : index
    %get3A_118 = arith.constant 0 : index
    %get3A_119 = vector.load %arg9[%get3A_117, %get3A_118] : memref<128x128xf32, #tpu.memory_space<vmem>>, vector<128x128xf32>
    %dot_general3A_120 = arith.constant dense<0.000000e+00> : vector<1024x128xf32>
    %dot_general3A_121 = tpu.matmul %add3A_58, %get3A_119, %dot_general3A_120 {dimension_numbers = #tpu.dot_dimension_numbers<[1], [0], [0], [1], [0, 0, 1, 1], [], []>, transpose_lhs_hint = false} : vector<1024x128xf32>, vector<128x128xf32>, vector<1024x128xf32> -> vector<1024x128xf32>
    %mul3A_122 = vector.broadcast %reshape3A : vector<1024x1xf32> to vector<1024x128xf32>
    %mul3A_123 = vector.broadcast %dot_general3A_29 : vector<1x128xf32> to vector<1024x128xf32>
    %mul3A_124 = arith.mulf %mul3A_122, %mul3A_123 : vector<1024x128xf32>
    %add3A_125 = arith.addf %dot_general3A_121, %mul3A_124 : vector<1024x128xf32>
    %sub3A_126 = arith.subf %reshape3A_47, %reshape3A : vector<1024x1xf32>
    %mul3A_127 = vector.broadcast %sub3A_126 : vector<1024x1xf32> to vector<1024x128xf32>
    %mul3A_128 = vector.broadcast %broadcast_in_dim3A_24 : vector<1x128xf32> to vector<1024x128xf32>
    %mul3A_129 = arith.mulf %mul3A_127, %mul3A_128 : vector<1024x128xf32>
    %add3A_130 = arith.addf %add3A_125, %mul3A_129 : vector<1024x128xf32>
    %mul3A_131 = arith.constant 2.000000e+00 : f32
    %mul3A_132 = vector.broadcast %mul3A_131 : f32 to vector<1024x1xf32>
    %mul3A_133 = arith.mulf %mul3A_132, %get3A_1 : vector<1024x1xf32>
    %mul3A_134 = vector.broadcast %mul3A_133 : vector<1024x1xf32> to vector<1024x128xf32>
    %mul3A_135 = arith.mulf %mul3A_134, %add3A_89 : vector<1024x128xf32>
    %add3A_136 = arith.addf %add3A_130, %mul3A_135 : vector<1024x128xf32>
    %mul3A_137 = vector.broadcast %get3A_1 : vector<1024x1xf32> to vector<1024x128xf32>
    %mul3A_138 = arith.mulf %mul3A_137, %add3A_136 : vector<1024x128xf32>
    %get3A_139 = arith.constant 0 : index
    %get3A_140 = arith.constant 0 : index
    %get3A_141 = vector.load %arg16[%get3A_139, %get3A_140] : memref<1x128xf32, #tpu.memory_space<vmem>>, vector<1x128xf32>
    %add3A_142 = vector.broadcast %get3A_141 : vector<1x128xf32> to vector<1024x128xf32>
    %add3A_143 = arith.addf %mul3A_138, %add3A_142 : vector<1024x128xf32>
    %logistic3A = arith.negf %add3A_116 : vector<1024x128xf32>
    %logistic3A_144 = math.exp %logistic3A : vector<1024x128xf32>
    %logistic3A_145 = arith.constant 1.000000e+00 : f32
    %logistic3A_146 = vector.broadcast %logistic3A_145 : f32 to vector<1024x128xf32>
    %logistic3A_147 = arith.addf %logistic3A_146, %logistic3A_144 : vector<1024x128xf32>
    %logistic3A_148 = arith.divf %logistic3A_146, %logistic3A_147 : vector<1024x128xf32>
    %tanh3A = math.tanh %add3A_143 : vector<1024x128xf32>
    %sub3A_149 = arith.constant 1.000000e+00 : f32
    %sub3A_150 = vector.broadcast %sub3A_149 : f32 to vector<1024x128xf32>
    %sub3A_151 = arith.subf %sub3A_150, %logistic3A_148 : vector<1024x128xf32>
    %mul3A_152 = arith.mulf %sub3A_151, %tanh3A : vector<1024x128xf32>
    %swap3A = arith.constant 0 : index
    %swap3A_153 = arith.constant 0 : index
    %swap3A_154 = arith.constant 0 : index
    %swap3A_155 = vector.load %arg17[%swap3A, %swap3A_153, %swap3A_154] : memref<3x1024x128xf32, #tpu.memory_space<vmem>>, vector<1x1024x128xf32>
    %swap3A_156 = vector.shape_cast %swap3A_155 : vector<1x1024x128xf32> to vector<1024x128xf32>
    %swap3A_157 = vector.shape_cast %mul3A_152 : vector<1024x128xf32> to vector<1x1024x128xf32>
    tpu.vector_store %arg17[%swap3A, %swap3A_153, %swap3A_154], %swap3A_157 {strides = array<i32>} : memref<3x1024x128xf32, #tpu.memory_space<vmem>>, vector<1x1024x128xf32>,
    %get3A_158 = arith.constant 0 : index
    %get3A_159 = arith.constant 0 : index
    %get3A_160 = vector.load %arg11[%get3A_158, %get3A_159] : memref<128x128xf32, #tpu.memory_space<vmem>>, vector<128x128xf32>
    %dot_general3A_161 = arith.constant dense<0.000000e+00> : vector<1024x128xf32>
    %dot_general3A_162 = tpu.matmul %mul3A_152, %get3A_160, %dot_general3A_161 {dimension_numbers = #tpu.dot_dimension_numbers<[1], [0], [0], [1], [0, 0, 1, 1], [], []>, transpose_lhs_hint = false} : vector<1024x128xf32>, vector<128x128xf32>, vector<1024x128xf32> -> vector<1024x128xf32>
    %get3A_163 = arith.constant 0 : index
    %get3A_164 = arith.constant 0 : index
    %get3A_165 = vector.load %arg12[%get3A_163, %get3A_164] : memref<1x128xf32, #tpu.memory_space<vmem>>, vector<1x128xf32>
    %add3A_166 = vector.broadcast %get3A_165 : vector<1x128xf32> to vector<1024x128xf32>
    %add3A_167 = arith.addf %dot_general3A_162, %add3A_166 : vector<1024x128xf32>
    %swap3A_168 = arith.constant 1 : index
    %swap3A_169 = arith.constant 0 : index
    %swap3A_170 = arith.constant 0 : index
    %swap3A_171 = vector.load %arg17[%swap3A_168, %swap3A_169, %swap3A_170] : memref<3x1024x128xf32, #tpu.memory_space<vmem>>, vector<1x1024x128xf32>
    %swap3A_172 = vector.shape_cast %swap3A_171 : vector<1x1024x128xf32> to vector<1024x128xf32>
    %swap3A_173 = vector.shape_cast %add3A_167 : vector<1024x128xf32> to vector<1x1024x128xf32>
    tpu.vector_store %arg17[%swap3A_168, %swap3A_169, %swap3A_170], %swap3A_173 {strides = array<i32>} : memref<3x1024x128xf32, #tpu.memory_space<vmem>>, vector<1x1024x128xf32>,
    %get3A_174 = arith.constant 0 : index
    %get3A_175 = arith.constant 0 : index
    %get3A_176 = vector.load %arg13[%get3A_174, %get3A_175] : memref<128x128xf32, #tpu.memory_space<vmem>>, vector<128x128xf32>
    %dot_general3A_177 = arith.constant dense<0.000000e+00> : vector<1024x128xf32>
    %dot_general3A_178 = tpu.matmul %mul3A_152, %get3A_176, %dot_general3A_177 {dimension_numbers = #tpu.dot_dimension_numbers<[1], [0], [0], [1], [0, 0, 1, 1], [], []>, transpose_lhs_hint = false} : vector<1024x128xf32>, vector<128x128xf32>, vector<1024x128xf32> -> vector<1024x128xf32>
    %get3A_179 = arith.constant 0 : index
    %get3A_180 = arith.constant 0 : index
    %get3A_181 = vector.load %arg14[%get3A_179, %get3A_180] : memref<1x128xf32, #tpu.memory_space<vmem>>, vector<1x128xf32>
    %add3A_182 = vector.broadcast %get3A_181 : vector<1x128xf32> to vector<1024x128xf32>
    %add3A_183 = arith.addf %dot_general3A_178, %add3A_182 : vector<1024x128xf32>
    %swap3A_184 = arith.constant 2 : index
    %swap3A_185 = arith.constant 0 : index
    %swap3A_186 = arith.constant 0 : index
    %swap3A_187 = vector.load %arg17[%swap3A_184, %swap3A_185, %swap3A_186] : memref<3x1024x128xf32, #tpu.memory_space<vmem>>, vector<1x1024x128xf32>
    %swap3A_188 = vector.shape_cast %swap3A_187 : vector<1x1024x128xf32> to vector<1024x128xf32>
    %swap3A_189 = vector.shape_cast %add3A_183 : vector<1024x128xf32> to vector<1x1024x128xf32>
    tpu.vector_store %arg17[%swap3A_184, %swap3A_185, %swap3A_186], %swap3A_189 {strides = array<i32>} : memref<3x1024x128xf32, #tpu.memory_space<vmem>>, vector<1x1024x128xf32>,
    return
  }
  func.func @transform_0(%arg0: i32) -> (i32, i32, i32) {
    %c0_i32 = arith.constant 0 : i32
    %c0_i32_0 = arith.constant 0 : i32
    %c0_i32_1 = arith.constant 0 : i32
    return %c0_i32, %arg0, %c0_i32_0 : i32, i32, i32
  }
  func.func @transform_1(%arg0: i32) -> (i32, i32) {
    %c0_i32 = arith.constant 0 : i32
    %c0_i32_0 = arith.constant 0 : i32
    return %c0_i32, %arg0 : i32, i32
  }
  func.func @transform_2(%arg0: i32) -> (i32, i32) {
    %add3A = arith.constant 10 : i32
    %add3A_0 = arith.addi %arg0, %add3A : i32
    %c0_i32 = arith.constant 0 : i32
    %c0_i32_1 = arith.constant 0 : i32
    return %c0_i32, %add3A_0 : i32, i32
  }
  func.func @transform_3(%arg0: i32) -> (i32, i32) {
    %c0_i32 = arith.constant 0 : i32
    %c0_i32_0 = arith.constant 0 : i32
    return %arg0, %c0_i32 : i32, i32
  }
  func.func @transform_4(%arg0: i32) -> (i32, i32) {
    %c0_i32 = arith.constant 0 : i32
    %c0_i32_0 = arith.constant 0 : i32
    return %arg0, %c0_i32 : i32, i32
  }
  func.func @transform_5(%arg0: i32) -> (i32, i32) {
    %c0_i32 = arith.constant 0 : i32
    %c0_i32_0 = arith.constant 0 : i32
    return %arg0, %c0_i32 : i32, i32
  }
  func.func @transform_6(%arg0: i32) -> (i32, i32) {
    %c0_i32 = arith.constant 0 : i32
    %c0_i32_0 = arith.constant 0 : i32
    %c0_i32_1 = arith.constant 0 : i32
    return %c0_i32, %c0_i32_0 : i32, i32
  }
  func.func @transform_7(%arg0: i32) -> (i32, i32) {
    %c0_i32 = arith.constant 0 : i32
    %c0_i32_0 = arith.constant 0 : i32
    %c0_i32_1 = arith.constant 0 : i32
    return %c0_i32, %c0_i32_0 : i32, i32
  }
  func.func @transform_8(%arg0: i32) -> (i32, i32) {
    %c0_i32 = arith.constant 0 : i32
    %c0_i32_0 = arith.constant 0 : i32
    %c0_i32_1 = arith.constant 0 : i32
    return %c0_i32, %c0_i32_0 : i32, i32
  }
  func.func @transform_9(%arg0: i32) -> (i32, i32) {
    %c0_i32 = arith.constant 0 : i32
    %c0_i32_0 = arith.constant 0 : i32
    %c0_i32_1 = arith.constant 0 : i32
    return %c0_i32, %c0_i32_0 : i32, i32
  }
  func.func @transform_10(%arg0: i32) -> (i32, i32) {
    %c0_i32 = arith.constant 0 : i32
    %c0_i32_0 = arith.constant 0 : i32
    %c0_i32_1 = arith.constant 0 : i32
    return %c0_i32, %c0_i32_0 : i32, i32
  }
  func.func @transform_11(%arg0: i32) -> (i32, i32) {
    %c0_i32 = arith.constant 0 : i32
    %c0_i32_0 = arith.constant 0 : i32
    %c0_i32_1 = arith.constant 0 : i32
    return %c0_i32, %c0_i32_0 : i32, i32
  }
  func.func @transform_12(%arg0: i32) -> (i32, i32) {
    %c0_i32 = arith.constant 0 : i32
    %c0_i32_0 = arith.constant 0 : i32
    %c0_i32_1 = arith.constant 0 : i32
    return %c0_i32, %c0_i32_0 : i32, i32
  }
  func.func @transform_13(%arg0: i32) -> (i32, i32) {
    %c0_i32 = arith.constant 0 : i32
    %c0_i32_0 = arith.constant 0 : i32
    %c0_i32_1 = arith.constant 0 : i32
    return %c0_i32, %c0_i32_0 : i32, i32
  }
  func.func @transform_14(%arg0: i32) -> (i32, i32) {
    %c0_i32 = arith.constant 0 : i32
    %c0_i32_0 = arith.constant 0 : i32
    %c0_i32_1 = arith.constant 0 : i32
    return %c0_i32, %c0_i32_0 : i32, i32
  }
  func.func @transform_15(%arg0: i32) -> (i32, i32) {
    %c0_i32 = arith.constant 0 : i32
    %c0_i32_0 = arith.constant 0 : i32
    %c0_i32_1 = arith.constant 0 : i32
    return %c0_i32, %c0_i32_0 : i32, i32
  }
  func.func @transform_16(%arg0: i32) -> (i32, i32, i32) {
    %c0_i32 = arith.constant 0 : i32
    %c0_i32_0 = arith.constant 0 : i32
    %c0_i32_1 = arith.constant 0 : i32
    return %c0_i32, %arg0, %c0_i32_0 : i32, i32, i32
  }
}

</mosaic_0001>

<sc_bundles>
// kernel: kernel.17.cloned.1.call-start
scs
__scs_entry_jumppad:
0x0: {  	(pc) =	sbr.rel $0x88, $3  }
0x1: {  	(tag) =	ssettag $0x0;
	lr =	simm.s32 $0x1  }
0x2: {  	[smem:$0x3F8E] =	sst lr;
	_ =	strace $0xD0000000  }
0x3: {  	_ = 	snop  }
0x4: {  	_ = 	snop  }
0x5: {  	_ = 	snop  }
0x6: {  	_ = 	snop  }
0x7: {  	_ = 	snop  }
__scs_overlays_trampoline_lowered:
0x8: {  	[smem:$0x3F9D] =	sst s0  }
0x9: {  	[smem:$0x3F9E] =	sst s1  }
0xa: {  	[smem:$0x3F9F] =	sst s2  }
0xb: {  	[smem:$0x3FA0] =	sst s3  }
0xc: {  	[smem:$0x3FA1] =	sst s4  }
0xd: {  	[smem:$0x3FA2] =	sst s5  }
0xe: {  	[smem:$0x3FA3] =	sst s6  }
0xf: {  	[smem:$0x3FA4] =	sst s7  }
0x10: {  	[smem:$0x3FA5] =	sst s8  }
0x11: {  	[smem:$0x3FA6] =	sst s9;
	s0 =	simm.s32 @!p0 $0x0  }
0x12: {  	s1 =	sld [smem:$0x3F8C];
	s0 =	simm.s32 @p0 $0x1  }
0x13: {  	[smem:$0x3FA7] =	sst s0;
	s0 =	simm.s32 @!p1 $0x0  }
0x14: {  	s2 =	sld [smem:$0x3F8B];
	s0 =	simm.s32 @p1 $0x1  }
0x15: {  	[smem:$0x3FA8] =	sst s0;
	s0 =	simm.s32 @!p2 $0x0  }
0x16: {  	s3 =	sld [smem:$0x3FDB];
	s0 =	simm.s32 @p2 $0x1  }
0x17: {  	s4 =	simm.s32 $0x1BF5;
	[smem:$0x3FAA] =	sst s0  }
0x18: {  	s0 =	sld [smem:$0x3F8D];
	_ =	swait.ge [sflag:s4], $0x0  }
0x19: {  	s7 =	sld [smem:$0x3F8E]  }
0x1a: {  	s8 =	sadd.s32 $0xFFFFE003, lr  }
0x1b: {  	s9 =	sadd.s32 $0xFFFFFEF7, lr;
	s5 =	simm.s32 $0xFFFFFFFF;
	p2 =	slt.u32 s8, $0xFFFFF086  }
0x1c: {  	p1 =	slt.u32 s9, $0xF7A;
	s5 =	simm.s32 @!p2 $0x0  }
0x1d: {  	s5 =	simm.s32 @p1 $0x1;
	p0 =	seq.s32 s7, s2  }
0x1e: {  	s7 =	smul.u32 @!p0 $0xF7A, s2;
	p2 =	seq.s32 @!p0 s5, $0x0  }
0x1f: {  	s9 =	smul.u32 $0xF7A, s1;
	s8 =	simm.s32 @!p0 $0x1BF5;
	p2 =	por !p2, p0  }
0x20: {  	[sflag:s8] =	ssyncset.s32 @!p0 $0xFFFFF086;
	s6 =	sadd.s32 @!p0 s3, s7;
	s7 =	simm.s32 @!p0 $0x108  }
0x21: {  	s3 =	sadd.s32 s3, s9;
	s6 =	sadd.s32 @!p0 $0x88, s6;
	s7 =	simm.s32 @p2 $0x1082  }
0x22: {  	[simem:s7], [sflag:s8] =	dma.local @!p0 [hbm:s6], $0xF7A  }
0x23: {  	s9 =	sor.u32 $0xD0000000, s2;
	s6 =	simm.s32 $0x108;
	_ =	swait.ge @!p0 [sflag:s8], $0x0  }
0x24: {  	s3 =	sadd.s32 $0x88, s3;
	s6 =	simm.s32 @!p1 $0x1082;
	[sflag:s4] =	ssyncset.s32 $0xFFFFF086  }
0x25: {  	[simem:s6], [sflag:s4] =	dma.local [hbm:s3], $0xF7A  }
0x26: {  	[smem:$0x3F8E] =	sst s1;
	(tag) =	ssettag s2;
	_ =	strace s9  }
0x27: {  	s1 =	sld [smem:$0x3F9E]  }
0x28: {  	s2 =	sld [smem:$0x3F9F]  }
0x29: {  	s4 =	sld [smem:$0x3FA1]  }
0x2a: {  	p0 =	seq.s32 s5, $0x0;
	s5 =	sld [smem:$0x3FA2]  }
0x2b: {  	s6 =	sld [smem:$0x3FA3]  }
0x2c: {  	s7 =	sld [smem:$0x3FA4]  }
0x2d: {  	s3 =	simm.s32 $0x108;
	s8 =	sld [smem:$0x3FA5]  }
0x2e: {  	s3 =	simm.s32 @!p0 $0x1082;
	s9 =	sld [smem:$0x3FA6]  }
0x2f: {  	lr =	sadd.s32 s0, s3;
	s0 =	sld [smem:$0x3F9D]  }
0x30: {  	s3 =	sld [smem:$0x3FA0]  }
0x31: {  	[smem:$0x3FA9] =	sst s10  }
0x32: {  	s10 =	sld [smem:$0x3FA7];
	_ =	sdelay $0x3  }
0x33: {  	p0 =	seq.s32 s10, $0x1;
	s10 =	sld [smem:$0x3FA9];
	_ =	sdelay $0x3  }
0x34: {  	[smem:$0x3FA9] =	sst s10  }
0x35: {  	s10 =	sld [smem:$0x3FA8];
	_ =	sdelay $0x3  }
0x36: {  	p1 =	seq.s32 s10, $0x1;
	s10 =	sld [smem:$0x3FA9];
	_ =	sdelay $0x3  }
0x37: {  	[smem:$0x3FA9] =	sst s10  }
0x38: {  	s10 =	sld [smem:$0x3FAA]  }
0x39: {  	_ = 	snop;
	(pc) =	sbr.ind lr, $3  }
0x3a: {  	_ = 	snop  }
0x3b: {  	_ = 	snop  }
0x3c: {  	p2 =	seq.s32 s10, $0x1;
	s10 =	sld [smem:$0x3FA9]  }
0x3d: {  	_ =	shalt  }
0x3e: {  	_ =	shalt  }
0x3f: {  	_ =	shalt  }
0x40: {  	_ =	shalt  }
0x41: {  	_ =	shalt  }
0x42: {  	_ =	shalt  }
0x43: {  	_ =	shalt  }
0x44: {  	_ =	shalt  }
0x45: {  	_ =	shalt  }
0x46: {  	_ =	shalt  }
0x47: {  	_ =	shalt  }
0x48: {  	_ =	shalt  }
0x49: {  	_ =	shalt  }
0x4a: {  	_ =	shalt  }
0x4b: {  	_ =	shalt  }
0x4c: {  	_ =	shalt  }
0x4d: {  	_ =	shalt  }
0x4e: {  	_ =	shalt  }
0x4f: {  	_ =	shalt  }
0x50: {  	_ =	shalt  }
0x51: {  	_ =	shalt  }
0x52: {  	_ =	shalt  }
0x53: {  	_ =	shalt  }
0x54: {  	_ =	shalt  }
0x55: {  	_ =	shalt  }
0x56: {  	_ =	shalt  }
0x57: {  	_ =	shalt  }
0x58: {  	_ =	shalt  }
0x59: {  	_ =	shalt  }
0x5a: {  	_ =	shalt  }
0x5b: {  	_ =	shalt  }
0x5c: {  	_ =	shalt  }
0x5d: {  	_ =	shalt  }
0x5e: {  	_ =	shalt  }
0x5f: {  	_ =	shalt  }
0x60: {  	_ =	shalt  }
0x61: {  	_ =	shalt  }
0x62: {  	_ =	shalt  }
0x63: {  	_ =	shalt  }
0x64: {  	_ =	shalt  }
0x65: {  	_ =	shalt  }
0x66: {  	_ =	shalt  }
0x67: {  	_ =	shalt  }
0x68: {  	_ =	shalt  }
0x69: {  	_ =	shalt  }
0x6a: {  	_ =	shalt  }
0x6b: {  	_ =	shalt  }
0x6c: {  	_ =	shalt  }
0x6d: {  	_ =	shalt  }
0x6e: {  	_ =	shalt  }
0x6f: {  	_ =	shalt  }
0x70: {  	_ =	shalt  }
0x71: {  	_ =	shalt  }
0x72: {  	_ =	shalt  }
0x73: {  	_ =	shalt  }
0x74: {  	_ =	shalt  }
0x75: {  	_ =	shalt  }
0x76: {  	_ =	shalt  }
0x77: {  	_ =	shalt  }
0x78: {  	_ =	shalt  }
0x79: {  	_ =	shalt  }
0x7a: {  	_ =	shalt  }
0x7b: {  	_ =	shalt  }
0x7c: {  	_ =	shalt  }
0x7d: {  	_ =	shalt  }
0x7e: {  	_ =	shalt  }
0x7f: {  	_ =	shalt  }
0x80: {  	_ =	shalt  }
0x81: {  	_ =	shalt  }
0x82: {  	_ =	shalt  }
0x83: {  	_ =	shalt  }
0x84: {  	_ =	shalt  }
0x85: {  	_ =	shalt  }
0x86: {  	_ =	shalt  }
0x87: {  	_ =	shalt  }
.Lfunc_end0:
.L_simem_size_0:
called_computation_lowered:
.L_overlay_start_0:
0x88: {  	s2 =	sld [smem:$0x3FD9]  }
0x89: {  	s3 =	sld [smem:$0x3FFE];
	_ =	sdelay $0x1  }
0x8a: {  	s1 =	srdreg.scid  }
0x8b: {  	s0 =	sand.u32 $0x1, s1  }
0x8c: {  	s17 =	sshll.u32 s0, $0xA;
	s2 =	sadd.s32 s3, s2  }
0x8d: {  	s2 =	sadd.s32 s2, s17  }
0x8e: {  	[smem:$0x3FB5] =	sst s2  }
0x8f: {  	_ = 	snop  }
0x90: {  	s2 =	sld [smem:$0x3FD0];
	(tm) =	ssettm $0x1  }
0x91: {  	s18 =	sld [smem:$0x3FFB];
	_ =	sdelay $0x3  }
0x92: {  	_ =	strace s18  }
0x93: {  	s3 =	sld [smem:$0x3FFC];
	_ =	sdelay $0x3  }
0x94: {  	_ =	strace s3  }
0x95: {  	s3 =	sld [smem:$0x3FFD];
	_ =	sdelay $0x3  }
0x96: {  	_ =	strace s3  }
0x97: {  	_ =	strace $0x8FFFFFFF  }
0x98: {  	s19 =	sld [smem:$0x3FDB];
	_ =	sdelay $0x1  }
0x99: {  	s4 =	simm.s32 $_scs_section_size  }
0x9a: {  	s5 =	simm.s32 $_size__tile_overlayer_lowered;
	s6 =	simm.s32 $_tile_overlayer_lowered  }
0x9b: {  	s22 =	simm.s32 $0x1BFF;
	s21 =	sshll.u32 s6, $0x1;
	s3 =	sadd.s32 s4, s19  }
0x9c: {  	s7 =	simm.s32 $0x0;
	s20 =	sshll.u32 s5, $0x1;
	s5 =	sadd.s32 s21, s3  }
0x9d: {  	[timem:s7], [sflag:s22] =	dma.local [hbm:s5], s20  }
0x9e: {  	_ =	swait.ge [sflag:s22], s20  }
0x9f: {  	s4 =	ssub.s32 $0x0, s20;
	[sflag:s22] =	ssyncset.done $0x0  }
0xa0: {  	[sflag:s22] =	ssyncadd.s32 s4;
	_ =	sdelay $0x1  }
0xa1: {  	s23 =	simm.s32 $0x1B8B  }
0xa2: {  	_ =	swait.ge [sflag:s23], $0x1  }
0xa3: {  	[sflag:s23] =	ssyncset.done $0x0  }
0xa4: {  	s25 =	simm.s32 $0x1B8E;
	s24 =	sld [smem:$0x3FFE];
	[sflag:s23] =	ssyncadd.s32 $0xFFFFFFFF  }
0xa5: {  	s26 =	simm.s32 $execute0_lowered;
	[smem:$0x3FD2] =	sst s25  }
0xa6: {  	s5 =	sshll.u32 s26, $0x1;
	_ =	strace $0x80000046;
	[dreg:$0x1] =	wrdreg $0xFFFFFFFF  }
0xa7: {  	s28 =	simm.s32 $_size_execute0_lowered;
	s3 =	sadd.s32 s3, s5;
	[dreg:$0x0] =	wrdreg $0x0  }
0xa8: {  	s5 =	sshll.u32 s28, $0x1;
	[dreg:$0x2] =	wrdreg s3  }
0xa9: {  	[dreg:$0x3] =	wrdreg s5  }
0xaa: {  	[dreg:$0x4] =	wrdreg $0xC0  }
0xab: {  	_ =	task [dreg:s7], $0x5FFFF  }
0xac: {  	[dreg:$0x1] =	wrdreg $0xFFFFFFFF  }
0xad: {  	[dreg:$0x0] =	wrdreg $0x60  }
0xae: {  	[dreg:$0x2] =	wrdreg s24  }
0xaf: {  	[dreg:$0x3] =	wrdreg s2  }
0xb0: {  	[dreg:$0x4] =	wrdreg $0x53000  }
0xb1: {  	[dreg:$0x5] =	wrdreg $0x55800  }
0xb2: {  	[dreg:$0x6] =	wrdreg $0x9  }
0xb3: {  	_ =	task.clear_ibuf [dreg:s7], $0x7FFFF;
	_ =	strace $0x90000046  }
0xb4: {  	s29 =	simm.s32 $0x9;
	_ =	strace $0x80000048  }
0xb5: {  	_ =	swait.ge [sflag:s29], $0x1  }
0xb6: {  	[sflag:s29] =	ssyncadd.s32 $0xFFFFFFFF  }
0xb7: {  	_ =	strace $0x90000048  }
0xb8: {  	_ =	sfence  }
0xb9: {  	s30 =	sld [smem:$0x0];
	_ =	sdelay $0x2  }
0xba: {  	s31 =	sshll.u32 s1, $0xD;
	s1 =	sshrl.u32 s1, $0x2  }
0xbb: {  	s3 =	sand.u32 $0x4000, s31;
	s1 =	sadd.s32 s1, s30  }
0xbc: {  	s0 =	sor.u32 s3, s0;
	s1 =	sshll.u32 s1, $0x11  }
0xbd: {  	s0 =	sor.u32 s1, s0  }
0xbe: {  	s0 =	sadd.s32 $0x8F2B, s0  }
0xbf: {  	[sflag:s0] =	ssyncadd.remote.s32 $0x1  }
0xc0: {  	_ =	sfence.sel $0xFFFF  }
0xc1: {  	[dreg:$0x0] =	wrdreg $0xFFFFFFFF;
	(pc) =	sbr.abs _section_cstart, $3  }
0xc2: {  	[dreg:$0x1] =	wrdreg $0xFFFFFFFF  }
0xc3: {  	_ =	task.clear_ibuf [dreg:s7], $0x2FFFF;
	_ =	strace $0x9FFFFFFF  }
0xc4: {  	(tm) =	ssettm $0x7FFFFFFF  }
0xc5: {  	_ =	shalt  }
tec
execute0_lowered:
.L_overlay_start_1:
0x0: {  	(tag) =	ssettag $0x1  }
0x1: {  	s7 =	rddreg [dreg:$0x0]  }
0x2: {  	s12 =	rddreg [dreg:$0x1]  }
0x3: {  	s2 =	rddreg [dreg:$0x2]  }
0x4: {  	s3 =	rddreg [dreg:$0x3]  }
0x5: {  	s0 =	srdreg.scid;
	s1 =	rddreg [dreg:$0x4]  }
0x6: {  	s4 =	simm.s32 $0x0;
	s16 =	simm.s32 $0x5000;
	s17 =	simm.s32 $0x2800  }
0x7: {  	s18 =	simm.s32 $0x80;
	s19 =	simm.s32 $0x2880;
	s20 =	simm.s32 $0x100  }
0x8: {  	s21 =	simm.s32 $0x2900;
	s22 =	simm.s32 $0x1;
	s23 =	simm.s32 $0x2  }
0x9: {  	s24 =	simm.s32 $0x20;
	s25 =	simm.s32 $0x10;
	s26 =	simm.s32 $0x0  }
0xa: {  	s6 =	sand.u32 $0x1, s0;
	s0 =	stileid.u32;
	[smem:$0x7FF] =	sst s4  }
0xb: {  	s13 =	sshll.u32 s6, $0x4;
	_ =	strace $0x80000047;
	s9 =	smul.u32 $0x280, s0  }
0xc: {  	s8 =	ssub.s32 $0x2, s6;
	s6 =	sadd.s32 $0x1B800, s7;
	s15 =	smul.u32 $0xA0, s0  }
0xd: {  	s5 =	sor.u32 s0, s13;
	s14 =	sadd.s32 s13, s7;
	s30 =	sshrl.u32 s8, $0x1  }
0xe: {  	s12 =	sadd.s32 s13, s12;
	s5 =	smul.u32 $0x500, s5;
	s11 =	ssub.s32 s8, s30  }
0xf: {  	s8 =	sadd.s32 s9, s3;
	s31 =	sadd.s32 s15, s14;
	s12 =	sadd.s32 s12, s15  }
0x10: {  	s14 =	simm.s32 $0x5080;
	s15 =	simm.s32 $0x3;
	s11 =	smax.u32 s11, $0x1  }
0x11: {  	s13 =	sadd.s32 $0x1BA00, s31;
	s10 =	sadd.s32 s5, s7;
	s5 =	sadd.s32 $0x1B600, s7  }
0x12: {  	s7 =	sadd.s32 s9, s2;
	s9 =	sadd.s32 $0x11600, s10;
	s10 =	sadd.s32 $0x7600, s10  }
.LBB2_1:
0x13: {  	[tilespmem:s14], [sflag:$0x3] =	stream.linear.gather [hbm4b:s6+s4], $0x280, $0x38;
	[tilespmem:$0x5800] =	vst v63  }
0x14: {  	_ =	swait.ge [sflag:s15], $0x280  }
0x15: {  	[sflag:s15] =	ssyncset.done $0x0  }
0x16: {  	[sflag:s15] =	ssyncadd.s32 $0xFFFFFD80  }
0x17: {  	[spmem:s7] =	stream.linear.scatter [tilespmem:s14], [sflag:$0x3], $0x280, $0x38;
	[tilespmem:$0x5800] =	vst v63  }
0x18: {  	_ =	swait.ge [sflag:s15], $0x280  }
0x19: {  	[sflag:s15] =	ssyncset.done $0x0  }
0x1a: {  	[sflag:s15] =	ssyncadd.s32 $0xFFFFFD80  }
0x1b: {  	[spmem:s8] =	stream.linear.scatter [tilespmem:s14], [sflag:$0x3], $0x280, $0x38;
	[tilespmem:$0x5800] =	vst v63  }
0x1c: {  	_ =	swait.ge [sflag:s15], $0x280  }
0x1d: {  	[sflag:s15] =	ssyncset.done $0x0  }
0x1e: {  	[sflag:s15] =	ssyncadd.s32 $0xFFFFFD80  }
0x1f: {  	[tilespmem:s16], [sflag:$0x3] =	stream.linear.gather [hbm4b:s5+s4], $0x80, $0x38;
	[tilespmem:$0x5800] =	vst v63  }
0x20: {  	_ =	swait.ge [sflag:s15], $0x80  }
0x21: {  	[sflag:s15] =	ssyncset.done $0x0  }
0x22: {  	[sflag:s15] =	ssyncadd.s32 $0xFFFFFF80  }
0x23: {  	[tilespmem:s4], [sflag:$0x3] =	stream.linear.gather [hbm4b:s9+s4], $0x2800, $0x38;
	[tilespmem:$0x5800] =	vst v63  }
0x24: {  	_ =	swait.ge [sflag:s15], $0x2800  }
0x25: {  	[sflag:s15] =	ssyncset.done $0x0  }
0x26: {  	[sflag:s15] =	ssyncadd.s32 $0xFFFFD800  }
0x27: {  	[tilespmem:s17], [sflag:$0x3] =	stream.linear.gather [hbm4b:s10+s4], $0x2800, $0x38;
	[tilespmem:$0x5800] =	vst v63  }
0x28: {  	_ =	swait.ge [sflag:s15], $0x2800  }
0x29: {  	[sflag:s15] =	ssyncset.done $0x0  }
0x2a: {  	[sflag:s15] =	ssyncadd.s32 $0xFFFFD800  }
0x2b: {  	[bflag:$0x0] =	sbarrier.arrive $0xFFFF  }
0x2c: {  	[spmem:s2] =	stream.indirect.scatter.add.f32 [tilespmem:s16], [sflag:$0x1], $0x1, s4, s18, $0xb8;
	[tilespmem:$0x5800] =	vst v63  }
0x2d: {  	_ = 	snop  }
0x2e: {  	[spmem:s3] =	stream.indirect.scatter.add.f32 [tilespmem:s16], [sflag:$0x2], $0x1, s17, s18, $0xb8;
	[tilespmem:$0x5800] =	vst v63  }
0x2f: {  	_ = 	snop  }
0x30: {  	[spmem:s2] =	stream.indirect.scatter.add.f32 [tilespmem:s16], [sflag:$0x1], $0x1, s18, s18, $0xb8;
	[tilespmem:$0x5800] =	vst v63  }
0x31: {  	_ = 	snop  }
0x32: {  	[spmem:s3] =	stream.indirect.scatter.add.f32 [tilespmem:s16], [sflag:$0x2], $0x1, s19, s18, $0xb8;
	[tilespmem:$0x5800] =	vst v63  }
0x33: {  	_ = 	snop  }
0x34: {  	[spmem:s2] =	stream.indirect.scatter.add.f32 [tilespmem:s16], [sflag:$0x1], $0x1, s20, s18, $0xb8;
	[tilespmem:$0x5800] =	vst v63  }
0x35: {  	_ = 	snop  }
0x36: {  	[spmem:s3] =	stream.indirect.scatter.add.f32 [tilespmem:s16], [sflag:$0x2], $0x1, s21, s18, $0xb8;
	[tilespmem:$0x5800] =	vst v63  }
0x37: {  	s28 =	simm.s32 $0x180  }
0x38: {  	[spmem:s2] =	stream.indirect.scatter.add.f32 [tilespmem:s16], [sflag:$0x1], $0x1, s28, s18, $0xb8;
	[tilespmem:$0x5800] =	vst v63  }
0x39: {  	s28 =	simm.s32 $0x2980  }
0x3a: {  	[spmem:s3] =	stream.indirect.scatter.add.f32 [tilespmem:s16], [sflag:$0x2], $0x1, s28, s18, $0xb8;
	[tilespmem:$0x5800] =	vst v63  }
0x3b: {  	_ =	swait.ge [sflag:s22], $0x80  }
0x3c: {  	[sflag:s22] =	ssyncset.done $0x0  }
0x3d: {  	[sflag:s22] =	ssyncadd.s32 $0xFFFFFF80  }
0x3e: {  	_ =	swait.ge [sflag:s23], $0x80  }
0x3f: {  	s29 =	simm.s32 $0xA00;
	s28 =	simm.s32 $0x800;
	[sflag:s23] =	ssyncset.done $0x0  }
.LBB2_2:
0x40: {  	s30 =	sshra.s32 s28, $0x2  }
0x41: {  	[sflag:s23] =	ssyncadd.s32 $0xFFFFFF80;
	s28 =	smov.u32 s29;
	s31 =	sadd.s32 $0x200, s29  }
0x42: {  	[spmem:s2] =	stream.indirect.scatter.add.f32 [tilespmem:s16], [sflag:$0x1], $0x1, s30, s18, $0xb8;
	[tilespmem:$0x5800] =	vst v63  }
0x43: {  	p0 =	sne.s32 s29, $0x9E00;
	s29 =	sadd.s32 $0x2800, s30  }
0x44: {  	[spmem:s3] =	stream.indirect.scatter.add.f32 [tilespmem:s16], [sflag:$0x2], $0x1, s29, s18, $0xb8;
	[tilespmem:$0x5800] =	vst v63  }
.Ltmp0:
0x45: {  	_ =	swait.ge [sflag:s22], $0x80;
	(pc) =	sbr.rel @p0 .LBB2_2-.Ltmp0, $4  }
0x46: {  	[sflag:s22] =	ssyncset.done $0x0  }
0x47: {  	[sflag:s22] =	ssyncadd.s32 $0xFFFFFF80  }
0x48: {  	_ =	swait.ge [sflag:s23], $0x80  }
0x49: {  	s29 =	smov.u32 s31;
	[sflag:s23] =	ssyncset.done $0x0  }
0x4a: {  	s28 =	sshra.s32 s28, $0x2;
	[sflag:s23] =	ssyncadd.s32 $0xFFFFFF80  }
0x4b: {  	[spmem:s2] =	stream.indirect.scatter.add.f32 [tilespmem:s16], [sflag:$0x1], $0x1, s28, s18, $0xb8;
	[tilespmem:$0x5800] =	vst v63  }
0x4c: {  	s28 =	sadd.s32 $0x2800, s28  }
0x4d: {  	[spmem:s3] =	stream.indirect.scatter.add.f32 [tilespmem:s16], [sflag:$0x2], $0x1, s28, s18, $0xb8;
	[tilespmem:$0x5800] =	vst v63  }
0x4e: {  	_ =	swait.ge [sflag:s22], $0x80  }
0x4f: {  	[sflag:s22] =	ssyncset.done $0x0  }
0x50: {  	[sflag:s22] =	ssyncadd.s32 $0xFFFFFF80  }
0x51: {  	_ =	swait.ge [sflag:s23], $0x80  }
0x52: {  	[sflag:s23] =	ssyncset.done $0x0  }
0x53: {  	[sflag:s23] =	ssyncadd.s32 $0xFFFFFF80  }
0x54: {  	_ =	swait.ge [sflag:s22], $0x80  }
0x55: {  	[sflag:s22] =	ssyncset.done $0x0  }
0x56: {  	[sflag:s22] =	ssyncadd.s32 $0xFFFFFF80  }
0x57: {  	_ =	swait.ge [sflag:s23], $0x80  }
0x58: {  	[sflag:s23] =	ssyncset.done $0x0  }
0x59: {  	[sflag:s23] =	ssyncadd.s32 $0xFFFFFF80  }
0x5a: {  	_ =	swait.ge [sflag:s22], $0x80  }
0x5b: {  	[sflag:s22] =	ssyncset.done $0x0  }
0x5c: {  	[sflag:s22] =	ssyncadd.s32 $0xFFFFFF80  }
0x5d: {  	_ =	swait.ge [sflag:s23], $0x80  }
0x5e: {  	[sflag:s23] =	ssyncset.done $0x0  }
0x5f: {  	[sflag:s23] =	ssyncadd.s32 $0xFFFFFF80  }
0x60: {  	_ =	swait.ge [sflag:s22], $0x80  }
0x61: {  	[sflag:s22] =	ssyncset.done $0x0  }
0x62: {  	[sflag:s22] =	ssyncadd.s32 $0xFFFFFF80  }
0x63: {  	_ =	swait.ge [sflag:s23], $0x80  }
0x64: {  	[sflag:s23] =	ssyncset.done $0x0  }
0x65: {  	s30 =	sshll.u32 s0, $0x6;
	[sflag:s23] =	ssyncadd.s32 $0xFFFFFF80  }
0x66: {  	s29 =	sshrl.u32 s7, $0x3;
	s28 =	sor.u32 $0x1C03, s30;
	[bflag:$0x0] =	sbarrier.arrive $0xFFFF  }
0x67: {  	[hbm:s12@s24], [sflag:s28] =	dma.strided [spmem:s29@s25], $0x50, s22, $0x10   }
0x68: {  	s26 =	sadd.s32 $0x1, s26;
	_ =	swait.ge [sflag:s15], $0x50  }
0x69: {  	p0 =	sne.s32 s26, s11;
	[sflag:s15] =	ssyncset.done $0x0  }
.Ltmp1:
0x6a: {  	s31 =	sshrl.u32 s8, $0x3;
	[sflag:s15] =	ssyncadd.s32 $0xFFFFFFB0;
	(pc) =	sbr.rel @p0 .LBB2_1-.Ltmp1, $4  }
0x6b: {  	[hbm:s13@s24], [sflag:s28] =	dma.strided [spmem:s31@s25], $0x50, s22, $0x10   }
0x6c: {  	_ =	swait.ge [sflag:s15], $0x50  }
0x6d: {  	[sflag:s15] =	ssyncset.done $0x0  }
0x6e: {  	[sflag:s15] =	ssyncadd.s32 $0xFFFFFFB0  }
0x6f: {  	_ =	sfence.sel $0x180000  }
0x70: {  	[bflag:$0x0] =	sbarrier.arrive $0xFFFF  }
0x71: {  	p0 =	sne.s32 s0, $0x0;
	_ =	strace $0x90000047  }
0x72: {  	s0 =	sadd.s32 @!p0 $0x100000, s1;
	[bflag:$0x2] =	sbarrier.arrive $0xFFFF  }
0x73: {  	[sflag:s0] =	ssyncadd.tile.s32 @!p0 $0x1;
	_ =	shalt  }
.Lfunc_end2:
_tile_overlayer_lowered:
.L_overlay_start_2:
0x74: {  	(tag) =	ssettag $0x2  }
0x75: {  	s0 =	rddreg [dreg:$0x0];
	s2 =	stileid.u32  }
0x76: {  	s1 =	rddreg [dreg:$0x1];
	p0 =	sne.s32 s2, $0x0  }
0x77: {  	s3 =	rddreg [dreg:$0x2];
	[bflag:$0x3] =	sbarrier.arrive $0xFFFF;
	s2 =	simm.s32 @!p0 $0x1C03  }
0x78: {  	[timem:s3], [sflag:s2] =	dma.local @!p0 [hbm:s0], s1  }
0x79: {  	s0 =	simm.s32 @!p0 $0x3  }
0x7a: {  	_ =	swait.ge @!p0 [sflag:s0], s1  }
0x7b: {  	s1 =	ssub.s32 @!p0 $0x0, s1;
	[sflag:s0] =	ssyncset.done @!p0 $0x0  }
0x7c: {  	[sflag:s0] =	ssyncadd.s32 @!p0 s1  }
0x7d: {  	[bflag:$0x3] =	sbarrier.arrive $0xFFFF  }
0x7e: {  	_ =	shalt  }

// kernel: kernel.20.cloned.1.call-start
scs
__scs_entry_jumppad:
0x0: {  	(pc) =	sbr.rel $0x88, $3  }
0x1: {  	(tag) =	ssettag $0x0;
	lr =	simm.s32 $0x1  }
0x2: {  	[smem:$0x3F8E] =	sst lr;
	_ =	strace $0xD0000000  }
0x3: {  	_ = 	snop  }
0x4: {  	_ = 	snop  }
0x5: {  	_ = 	snop  }
0x6: {  	_ = 	snop  }
0x7: {  	_ = 	snop  }
__scs_overlays_trampoline_lowered:
0x8: {  	[smem:$0x3F9D] =	sst s0  }
0x9: {  	[smem:$0x3F9E] =	sst s1  }
0xa: {  	[smem:$0x3F9F] =	sst s2  }
0xb: {  	[smem:$0x3FA0] =	sst s3  }
0xc: {  	[smem:$0x3FA1] =	sst s4  }
0xd: {  	[smem:$0x3FA2] =	sst s5  }
0xe: {  	[smem:$0x3FA3] =	sst s6  }
0xf: {  	[smem:$0x3FA4] =	sst s7  }
0x10: {  	[smem:$0x3FA5] =	sst s8  }
0x11: {  	[smem:$0x3FA6] =	sst s9;
	s0 =	simm.s32 @!p0 $0x0  }
0x12: {  	s1 =	sld [smem:$0x3F8C];
	s0 =	simm.s32 @p0 $0x1  }
0x13: {  	[smem:$0x3FA7] =	sst s0;
	s0 =	simm.s32 @!p1 $0x0  }
0x14: {  	s2 =	sld [smem:$0x3F8B];
	s0 =	simm.s32 @p1 $0x1  }
0x15: {  	[smem:$0x3FA8] =	sst s0;
	s0 =	simm.s32 @!p2 $0x0  }
0x16: {  	s3 =	sld [smem:$0x3FDB];
	s0 =	simm.s32 @p2 $0x1  }
0x17: {  	s4 =	simm.s32 $0x1BF5;
	[smem:$0x3FAA] =	sst s0  }
0x18: {  	s0 =	sld [smem:$0x3F8D];
	_ =	swait.ge [sflag:s4], $0x0  }
0x19: {  	s7 =	sld [smem:$0x3F8E]  }
0x1a: {  	s8 =	sadd.s32 $0xFFFFE003, lr  }
0x1b: {  	s9 =	sadd.s32 $0xFFFFFEF7, lr;
	s5 =	simm.s32 $0xFFFFFFFF;
	p2 =	slt.u32 s8, $0xFFFFF086  }
0x1c: {  	p1 =	slt.u32 s9, $0xF7A;
	s5 =	simm.s32 @!p2 $0x0  }
0x1d: {  	s5 =	simm.s32 @p1 $0x1;
	p0 =	seq.s32 s7, s2  }
0x1e: {  	s7 =	smul.u32 @!p0 $0xF7A, s2;
	p2 =	seq.s32 @!p0 s5, $0x0  }
0x1f: {  	s9 =	smul.u32 $0xF7A, s1;
	s8 =	simm.s32 @!p0 $0x1BF5;
	p2 =	por !p2, p0  }
0x20: {  	[sflag:s8] =	ssyncset.s32 @!p0 $0xFFFFF086;
	s6 =	sadd.s32 @!p0 s3, s7;
	s7 =	simm.s32 @!p0 $0x108  }
0x21: {  	s3 =	sadd.s32 s3, s9;
	s6 =	sadd.s32 @!p0 $0x88, s6;
	s7 =	simm.s32 @p2 $0x1082  }
0x22: {  	[simem:s7], [sflag:s8] =	dma.local @!p0 [hbm:s6], $0xF7A  }
0x23: {  	s9 =	sor.u32 $0xD0000000, s2;
	s6 =	simm.s32 $0x108;
	_ =	swait.ge @!p0 [sflag:s8], $0x0  }
0x24: {  	s3 =	sadd.s32 $0x88, s3;
	s6 =	simm.s32 @!p1 $0x1082;
	[sflag:s4] =	ssyncset.s32 $0xFFFFF086  }
0x25: {  	[simem:s6], [sflag:s4] =	dma.local [hbm:s3], $0xF7A  }
0x26: {  	[smem:$0x3F8E] =	sst s1;
	(tag) =	ssettag s2;
	_ =	strace s9  }
0x27: {  	s1 =	sld [smem:$0x3F9E]  }
0x28: {  	s2 =	sld [smem:$0x3F9F]  }
0x29: {  	s4 =	sld [smem:$0x3FA1]  }
0x2a: {  	p0 =	seq.s32 s5, $0x0;
	s5 =	sld [smem:$0x3FA2]  }
0x2b: {  	s6 =	sld [smem:$0x3FA3]  }
0x2c: {  	s7 =	sld [smem:$0x3FA4]  }
0x2d: {  	s3 =	simm.s32 $0x108;
	s8 =	sld [smem:$0x3FA5]  }
0x2e: {  	s3 =	simm.s32 @!p0 $0x1082;
	s9 =	sld [smem:$0x3FA6]  }
0x2f: {  	lr =	sadd.s32 s0, s3;
	s0 =	sld [smem:$0x3F9D]  }
0x30: {  	s3 =	sld [smem:$0x3FA0]  }
0x31: {  	[smem:$0x3FA9] =	sst s10  }
0x32: {  	s10 =	sld [smem:$0x3FA7];
	_ =	sdelay $0x3  }
0x33: {  	p0 =	seq.s32 s10, $0x1;
	s10 =	sld [smem:$0x3FA9];
	_ =	sdelay $0x3  }
0x34: {  	[smem:$0x3FA9] =	sst s10  }
0x35: {  	s10 =	sld [smem:$0x3FA8];
	_ =	sdelay $0x3  }
0x36: {  	p1 =	seq.s32 s10, $0x1;
	s10 =	sld [smem:$0x3FA9];
	_ =	sdelay $0x3  }
0x37: {  	[smem:$0x3FA9] =	sst s10  }
0x38: {  	s10 =	sld [smem:$0x3FAA]  }
0x39: {  	_ = 	snop;
	(pc) =	sbr.ind lr, $3  }
0x3a: {  	_ = 	snop  }
0x3b: {  	_ = 	snop  }
0x3c: {  	p2 =	seq.s32 s10, $0x1;
	s10 =	sld [smem:$0x3FA9]  }
0x3d: {  	_ =	shalt  }
0x3e: {  	_ =	shalt  }
0x3f: {  	_ =	shalt  }
0x40: {  	_ =	shalt  }
0x41: {  	_ =	shalt  }
0x42: {  	_ =	shalt  }
0x43: {  	_ =	shalt  }
0x44: {  	_ =	shalt  }
0x45: {  	_ =	shalt  }
0x46: {  	_ =	shalt  }
0x47: {  	_ =	shalt  }
0x48: {  	_ =	shalt  }
0x49: {  	_ =	shalt  }
0x4a: {  	_ =	shalt  }
0x4b: {  	_ =	shalt  }
0x4c: {  	_ =	shalt  }
0x4d: {  	_ =	shalt  }
0x4e: {  	_ =	shalt  }
0x4f: {  	_ =	shalt  }
0x50: {  	_ =	shalt  }
0x51: {  	_ =	shalt  }
0x52: {  	_ =	shalt  }
0x53: {  	_ =	shalt  }
0x54: {  	_ =	shalt  }
0x55: {  	_ =	shalt  }
0x56: {  	_ =	shalt  }
0x57: {  	_ =	shalt  }
0x58: {  	_ =	shalt  }
0x59: {  	_ =	shalt  }
0x5a: {  	_ =	shalt  }
0x5b: {  	_ =	shalt  }
0x5c: {  	_ =	shalt  }
0x5d: {  	_ =	shalt  }
0x5e: {  	_ =	shalt  }
0x5f: {  	_ =	shalt  }
0x60: {  	_ =	shalt  }
0x61: {  	_ =	shalt  }
0x62: {  	_ =	shalt  }
0x63: {  	_ =	shalt  }
0x64: {  	_ =	shalt  }
0x65: {  	_ =	shalt  }
0x66: {  	_ =	shalt  }
0x67: {  	_ =	shalt  }
0x68: {  	_ =	shalt  }
0x69: {  	_ =	shalt  }
0x6a: {  	_ =	shalt  }
0x6b: {  	_ =	shalt  }
0x6c: {  	_ =	shalt  }
0x6d: {  	_ =	shalt  }
0x6e: {  	_ =	shalt  }
0x6f: {  	_ =	shalt  }
0x70: {  	_ =	shalt  }
0x71: {  	_ =	shalt  }
0x72: {  	_ =	shalt  }
0x73: {  	_ =	shalt  }
0x74: {  	_ =	shalt  }
0x75: {  	_ =	shalt  }
0x76: {  	_ =	shalt  }
0x77: {  	_ =	shalt  }
0x78: {  	_ =	shalt  }
0x79: {  	_ =	shalt  }
0x7a: {  	_ =	shalt  }
0x7b: {  	_ =	shalt  }
0x7c: {  	_ =	shalt  }
0x7d: {  	_ =	shalt  }
0x7e: {  	_ =	shalt  }
0x7f: {  	_ =	shalt  }
0x80: {  	_ =	shalt  }
0x81: {  	_ =	shalt  }
0x82: {  	_ =	shalt  }
0x83: {  	_ =	shalt  }
0x84: {  	_ =	shalt  }
0x85: {  	_ =	shalt  }
0x86: {  	_ =	shalt  }
0x87: {  	_ =	shalt  }
.Lfunc_end0:
.L_simem_size_0:
called_computation.1_lowered:
.L_overlay_start_0:
0x88: {  	s2 =	sld [smem:$0x3FD9]  }
0x89: {  	s3 =	sld [smem:$0x3FFE];
	_ =	sdelay $0x1  }
0x8a: {  	s1 =	srdreg.scid  }
0x8b: {  	s0 =	sand.u32 $0x1, s1  }
0x8c: {  	s17 =	sshll.u32 s0, $0xA;
	s2 =	sadd.s32 s3, s2  }
0x8d: {  	s2 =	sadd.s32 s2, s17  }
0x8e: {  	[smem:$0x3FB5] =	sst s2  }
0x8f: {  	_ = 	snop  }
0x90: {  	s2 =	sld [smem:$0x3FD0];
	(tm) =	ssettm $0x1  }
0x91: {  	s18 =	sld [smem:$0x3FFB];
	_ =	sdelay $0x3  }
0x92: {  	_ =	strace s18  }
0x93: {  	s3 =	sld [smem:$0x3FFC];
	_ =	sdelay $0x3  }
0x94: {  	_ =	strace s3  }
0x95: {  	s3 =	sld [smem:$0x3FFD];
	_ =	sdelay $0x3  }
0x96: {  	_ =	strace s3  }
0x97: {  	_ =	strace $0x8FFFFFFF  }
0x98: {  	s19 =	sld [smem:$0x3FDB];
	_ =	sdelay $0x1  }
0x99: {  	s4 =	simm.s32 $_scs_section_size  }
0x9a: {  	s5 =	simm.s32 $_size__tile_overlayer_lowered;
	s6 =	simm.s32 $_tile_overlayer_lowered  }
0x9b: {  	s22 =	simm.s32 $0x1BFF;
	s21 =	sshll.u32 s6, $0x1;
	s3 =	sadd.s32 s4, s19  }
0x9c: {  	s7 =	simm.s32 $0x0;
	s20 =	sshll.u32 s5, $0x1;
	s5 =	sadd.s32 s21, s3  }
0x9d: {  	[timem:s7], [sflag:s22] =	dma.local [hbm:s5], s20  }
0x9e: {  	_ =	swait.ge [sflag:s22], s20  }
0x9f: {  	s4 =	ssub.s32 $0x0, s20;
	[sflag:s22] =	ssyncset.done $0x0  }
0xa0: {  	[sflag:s22] =	ssyncadd.s32 s4;
	_ =	sdelay $0x1  }
0xa1: {  	s23 =	simm.s32 $0x1B8B  }
0xa2: {  	_ =	swait.ge [sflag:s23], $0x1  }
0xa3: {  	[sflag:s23] =	ssyncset.done $0x0  }
0xa4: {  	s25 =	simm.s32 $0x1B8E;
	s24 =	sld [smem:$0x3FFE];
	[sflag:s23] =	ssyncadd.s32 $0xFFFFFFFF  }
0xa5: {  	s26 =	simm.s32 $execute0_lowered;
	[smem:$0x3FD2] =	sst s25  }
0xa6: {  	s5 =	sshll.u32 s26, $0x1;
	_ =	strace $0x80000049;
	[dreg:$0x1] =	wrdreg $0xFFFFFFFF  }
0xa7: {  	s28 =	simm.s32 $_size_execute0_lowered;
	s3 =	sadd.s32 s3, s5;
	[dreg:$0x0] =	wrdreg $0x0  }
0xa8: {  	s5 =	sshll.u32 s28, $0x1;
	[dreg:$0x2] =	wrdreg s3  }
0xa9: {  	[dreg:$0x3] =	wrdreg s5  }
0xaa: {  	[dreg:$0x4] =	wrdreg $0xC0  }
0xab: {  	_ =	task [dreg:s7], $0x5FFFF  }
0xac: {  	[dreg:$0x1] =	wrdreg $0xFFFFFFFF  }
0xad: {  	[dreg:$0x0] =	wrdreg $0x60  }
0xae: {  	[dreg:$0x2] =	wrdreg s24  }
0xaf: {  	[dreg:$0x3] =	wrdreg s2  }
0xb0: {  	[dreg:$0x4] =	wrdreg $0xA8000  }
0xb1: {  	[dreg:$0x5] =	wrdreg $0x9  }
0xb2: {  	_ =	task.clear_ibuf [dreg:s7], $0x6FFFF;
	_ =	strace $0x90000049  }
0xb3: {  	s29 =	simm.s32 $0x9;
	_ =	strace $0x8000004B  }
0xb4: {  	_ =	swait.ge [sflag:s29], $0x1  }
0xb5: {  	[sflag:s29] =	ssyncadd.s32 $0xFFFFFFFF  }
0xb6: {  	_ =	strace $0x9000004B  }
0xb7: {  	_ =	sfence  }
0xb8: {  	s30 =	sld [smem:$0x0];
	_ =	sdelay $0x2  }
0xb9: {  	s31 =	sshll.u32 s1, $0xD;
	s1 =	sshrl.u32 s1, $0x2  }
0xba: {  	s3 =	sand.u32 $0x4000, s31;
	s1 =	sadd.s32 s1, s30  }
0xbb: {  	s0 =	sor.u32 s3, s0;
	s1 =	sshll.u32 s1, $0x11  }
0xbc: {  	s0 =	sor.u32 s1, s0  }
0xbd: {  	s0 =	sadd.s32 $0x8F2B, s0  }
0xbe: {  	[sflag:s0] =	ssyncadd.remote.s32 $0x1  }
0xbf: {  	_ =	sfence.sel $0xFFFF  }
0xc0: {  	[dreg:$0x0] =	wrdreg $0xFFFFFFFF;
	(pc) =	sbr.abs _section_cstart, $3  }
0xc1: {  	[dreg:$0x1] =	wrdreg $0xFFFFFFFF  }
0xc2: {  	_ =	task.clear_ibuf [dreg:s7], $0x2FFFF;
	_ =	strace $0x9FFFFFFF  }
0xc3: {  	(tm) =	ssettm $0x7FFFFFFF  }
tec
execute0_lowered:
.L_overlay_start_1:
0x0: {  	(tag) =	ssettag $0x1  }
0x1: {  	s0 =	rddreg [dreg:$0x0]  }
0x2: {  	s3 =	rddreg [dreg:$0x1]  }
0x3: {  	s1 =	rddreg [dreg:$0x2]  }
0x4: {  	s2 =	simm.s32 $0x0;
	s6 =	srdreg.scid;
	s16 =	stileid.u32  }
0x5: {  	s19 =	simm.s32 $0x1400;
	s20 =	simm.s32 $0x80;
	s21 =	simm.s32 $0x6800  }
0x6: {  	s22 =	simm.s32 $0x1;
	s23 =	simm.s32 $0x2;
	s28 =	simm.s32 $0x4  }
0x7: {  	s29 =	simm.s32 $0x2700;
	s30 =	simm.s32 $0x1380;
	s31 =	simm.s32 $0x2780  }
0x8: {  	[smem:$0x7FF] =	sst s2;
	s4 =	sadd.s32 $0x6B600, s0;
	s5 =	sadd.s32 $0x7600, s0  }
0x9: {  	s14 =	sadd.s32 $0x11600, s0;
	s12 =	sand.u32 $0x1, s6;
	s24 =	smul.u32 $0x50000, s16  }
0xa: {  	s0 =	sadd.s32 $0x93600, s0;
	s13 =	smul.u32 $0x14000, s16;
	_ =	strace $0x8000004A  }
0xb: {  	[dreg:$0x4] =	wrdreg s0;
	s25 =	ssub.s32 $0x2, s12;
	s7 =	sshll.u32 s12, $0x4  }
0xc: {  	p0 =	seq.s32 s12, $0x1;
	s8 =	sshrl.u32 s25, $0x1;
	s7 =	sor.u32 s16, s7  }
0xd: {  	s6 =	sshrl.u32 s24, $0x2;
	s16 =	smul.u32 $0x2800, s16;
	s13 =	sshrl.u32 s13, $0x3  }
0xe: {  	s24 =	simm.s32 $0x1480;
	s0 =	ssub.s32 s25, s8;
	s6 =	sadd.s32 s6, s1  }
0xf: {  	s11 =	smul.u32 $0x2800, s7;
	s18 =	sadd.s32 $0x28000, s13;
	s25 =	simm.s32 $0x3  }
0x10: {  	s26 =	sadd.s32 $0x4000, s6;
	s8 =	sadd.s32 $0x8000, s6;
	s9 =	sadd.s32 $0xC000, s6  }
0x11: {  	s10 =	sadd.s32 $0x10000, s6;
	s16 =	smov.u32 @p0 s18;
	s18 =	simm.s32 $0x5  }
0x12: {  	[dreg:$0x5] =	wrdreg s26;
	s15 =	sshrl.u32 s11, $0x3;
	s16 =	sadd.s32 s3, s16  }
0x13: {  	s26 =	simm.s32 $0x100;
	s11 =	sadd.s32 s5, s15;
	s17 =	sadd.s32 $0x280, s15  }
0x14: {  	s12 =	sadd.s32 s14, s15;
	s15 =	smax.u32 s0, $0x1;
	s0 =	simm.s32 $0x0  }
0x15: {  	s13 =	sadd.s32 s5, s17;
	s14 =	sadd.s32 s14, s17;
	s17 =	simm.s32 $0x2800  }
.LBB2_1:
0x16: {  	s3 =	rddreg [dreg:$0x4]  }
0x17: {  	[tilespmem:s17], [sflag:$0x5] =	stream.linear.gather [hbm4b:s3+s2], $0x4000, $0x38;
	[tilespmem:$0x1E800] =	vst v63  }
0x18: {  	_ =	swait.ge [sflag:s18], $0x4000  }
0x19: {  	[sflag:s18] =	ssyncset.done $0x0  }
0x1a: {  	[sflag:s18] =	ssyncadd.s32 $0xFFFFC000  }
0x1b: {  	[spmem:s6] =	stream.linear.scatter [tilespmem:s17], [sflag:$0x5], $0x4000, $0x38;
	[tilespmem:$0x1E800] =	vst v63  }
0x1c: {  	_ =	swait.ge [sflag:s18], $0x4000  }
0x1d: {  	[sflag:s18] =	ssyncset.done $0x0  }
0x1e: {  	s5 =	rddreg [dreg:$0x5];
	[sflag:s18] =	ssyncadd.s32 $0xFFFFC000  }
0x1f: {  	[spmem:s5] =	stream.linear.scatter [tilespmem:s17], [sflag:$0x5], $0x4000, $0x38;
	[tilespmem:$0x1E800] =	vst v63  }
0x20: {  	_ =	swait.ge [sflag:s18], $0x4000  }
0x21: {  	[sflag:s18] =	ssyncset.done $0x0  }
0x22: {  	[sflag:s18] =	ssyncadd.s32 $0xFFFFC000  }
0x23: {  	[spmem:s8] =	stream.linear.scatter [tilespmem:s17], [sflag:$0x5], $0x4000, $0x38;
	[tilespmem:$0x1E800] =	vst v63  }
0x24: {  	_ =	swait.ge [sflag:s18], $0x4000  }
0x25: {  	[sflag:s18] =	ssyncset.done $0x0  }
0x26: {  	[sflag:s18] =	ssyncadd.s32 $0xFFFFC000  }
0x27: {  	[spmem:s9] =	stream.linear.scatter [tilespmem:s17], [sflag:$0x5], $0x4000, $0x38;
	[tilespmem:$0x1E800] =	vst v63  }
0x28: {  	_ =	swait.ge [sflag:s18], $0x4000  }
0x29: {  	[sflag:s18] =	ssyncset.done $0x0  }
0x2a: {  	[sflag:s18] =	ssyncadd.s32 $0xFFFFC000  }
0x2b: {  	[spmem:s10] =	stream.linear.scatter [tilespmem:s17], [sflag:$0x5], $0x4000, $0x38;
	[tilespmem:$0x1E800] =	vst v63  }
0x2c: {  	_ =	swait.ge [sflag:s18], $0x4000  }
0x2d: {  	[sflag:s18] =	ssyncset.done $0x0  }
0x2e: {  	[sflag:s18] =	ssyncadd.s32 $0xFFFFC000  }
0x2f: {  	[bflag:$0x0] =	sbarrier.arrive $0xFFFF  }
0x30: {  	[tilespmem:s2], [sflag:$0x5] =	stream.linear.gather [hbm4b:s11+s2], $0x1400, $0x38;
	[tilespmem:$0x1E800] =	vst v63  }
0x31: {  	_ =	swait.ge [sflag:s18], $0x1400  }
0x32: {  	[sflag:s18] =	ssyncset.done $0x0  }
0x33: {  	[sflag:s18] =	ssyncadd.s32 $0xFFFFEC00  }
0x34: {  	[tilespmem:s19], [sflag:$0x5] =	stream.linear.gather [hbm4b:s12+s2], $0x1400, $0x38;
	[tilespmem:$0x1E800] =	vst v63  }
0x35: {  	_ =	swait.ge [sflag:s18], $0x1400  }
0x36: {  	[sflag:s18] =	ssyncset.done $0x0  }
0x37: {  	[sflag:s18] =	ssyncadd.s32 $0xFFFFEC00  }
0x38: {  	[tilespmem:s17], [sflag:$0x1] =	stream.indirect.gather [hbm4b:s4+s20], $0x80, s2, s20, $0xb8;
	[tilespmem:$0x1E800] =	vst v63  }
0x39: {  	_ = 	snop  }
0x3a: {  	[tilespmem:s21], [sflag:$0x2] =	stream.indirect.gather [hbm4b:s4+s20], $0x80, s20, s20, $0xb8;
	[tilespmem:$0x1E800] =	vst v63  }
0x3b: {  	_ =	swait.ge [sflag:s22], $0x4000  }
0x3c: {  	[sflag:s22] =	ssyncset.done $0x0  }
0x3d: {  	[sflag:s22] =	ssyncadd.s32 $0xFFFFC000  }
0x3e: {  	[spmem:s1] =	stream.indirect.scatter.add.f32 [tilespmem:s17], [sflag:$0x3], $0x80, s19, s20, $0xb8;
	[tilespmem:$0x1E800] =	vst v63  }
0x3f: {  	_ =	swait.ge [sflag:s23], $0x4000  }
0x40: {  	[sflag:s23] =	ssyncset.done $0x0  }
0x41: {  	[sflag:s23] =	ssyncadd.s32 $0xFFFFC000  }
0x42: {  	[spmem:s1] =	stream.indirect.scatter.add.f32 [tilespmem:s21], [sflag:$0x4], $0x80, s24, s20, $0xb8;
	[tilespmem:$0x1E800] =	vst v63  }
0x43: {  	_ =	swait.ge [sflag:s25], $0x4000  }
0x44: {  	[sflag:s25] =	ssyncset.done $0x0  }
0x45: {  	[sflag:s25] =	ssyncadd.s32 $0xFFFFC000  }
0x46: {  	[tilespmem:s17], [sflag:$0x1] =	stream.indirect.gather [hbm4b:s4+s20], $0x80, s26, s20, $0xb8;
	[tilespmem:$0x1E800] =	vst v63  }
0x47: {  	_ =	swait.ge [sflag:s22], $0x4000  }
0x48: {  	[sflag:s22] =	ssyncset.done $0x0  }
0x49: {  	s7 =	simm.s32 $0x1500;
	[sflag:s22] =	ssyncadd.s32 $0xFFFFC000  }
0x4a: {  	[spmem:s1] =	stream.indirect.scatter.add.f32 [tilespmem:s17], [sflag:$0x3], $0x80, s7, s20, $0xb8;
	[tilespmem:$0x1E800] =	vst v63  }
0x4b: {  	_ =	swait.ge [sflag:s28], $0x4000  }
0x4c: {  	[sflag:s28] =	ssyncset.done $0x0  }
0x4d: {  	s5 =	simm.s32 $0x180;
	[sflag:s28] =	ssyncadd.s32 $0xFFFFC000  }
0x4e: {  	[tilespmem:s21], [sflag:$0x2] =	stream.indirect.gather [hbm4b:s4+s20], $0x80, s5, s20, $0xb8;
	[tilespmem:$0x1E800] =	vst v63  }
0x4f: {  	_ =	swait.ge [sflag:s23], $0x4000  }
0x50: {  	[sflag:s23] =	ssyncset.done $0x0  }
0x51: {  	s7 =	simm.s32 $0x1580;
	[sflag:s23] =	ssyncadd.s32 $0xFFFFC000  }
0x52: {  	[spmem:s1] =	stream.indirect.scatter.add.f32 [tilespmem:s21], [sflag:$0x4], $0x80, s7, s20, $0xb8;
	[tilespmem:$0x1E800] =	vst v63  }
0x53: {  	_ =	swait.ge [sflag:s25], $0x4000  }
0x54: {  	[sflag:s25] =	ssyncset.done $0x0  }
0x55: {  	s3 =	simm.s32 $0xFFFFBC00;
	s5 =	simm.s32 $0x200;
	[sflag:s25] =	ssyncadd.s32 $0xFFFFC000  }
.LBB2_2:
0x56: {  	[tilespmem:s17], [sflag:$0x1] =	stream.indirect.gather [hbm4b:s4+s20], $0x80, s5, s20, $0xb8;
	[tilespmem:$0x1E800] =	vst v63  }
0x57: {  	s5 =	smov.u32 s3  }
0x58: {  	p0 =	sne.s32 s3, $0xFFFFFC00;
	s3 =	sadd.s32 $0x400, s3;
	_ =	swait.ge [sflag:s22], $0x4000  }
0x59: {  	s5 =	sshra.s32 s5, $0x2;
	[sflag:s22] =	ssyncset.done $0x0  }
0x5a: {  	s7 =	sadd.s32 $0x2700, s5;
	[sflag:s22] =	ssyncadd.s32 $0xFFFFC000  }
0x5b: {  	[spmem:s1] =	stream.indirect.scatter.add.f32 [tilespmem:s17], [sflag:$0x3], $0x80, s7, s20, $0xb8;
	[tilespmem:$0x1E800] =	vst v63  }
0x5c: {  	_ =	swait.ge [sflag:s28], $0x4000  }
0x5d: {  	[sflag:s28] =	ssyncset.done $0x0  }
0x5e: {  	s7 =	sadd.s32 $0x1380, s5;
	[sflag:s28] =	ssyncadd.s32 $0xFFFFC000  }
0x5f: {  	[tilespmem:s21], [sflag:$0x2] =	stream.indirect.gather [hbm4b:s4+s20], $0x80, s7, s20, $0xb8;
	[tilespmem:$0x1E800] =	vst v63  }
0x60: {  	_ =	swait.ge [sflag:s23], $0x4000  }
0x61: {  	[sflag:s23] =	ssyncset.done $0x0  }
.Ltmp0:
0x62: {  	s7 =	sadd.s32 $0x2780, s5;
	[sflag:s23] =	ssyncadd.s32 $0xFFFFC000;
	(pc) =	sbr.rel @p0 .LBB2_2-.Ltmp0, $4  }
0x63: {  	[spmem:s1] =	stream.indirect.scatter.add.f32 [tilespmem:s21], [sflag:$0x4], $0x80, s7, s20, $0xb8;
	[tilespmem:$0x1E800] =	vst v63  }
0x64: {  	_ =	swait.ge [sflag:s25], $0x4000  }
0x65: {  	[sflag:s25] =	ssyncset.done $0x0  }
0x66: {  	s5 =	sadd.s32 $0x1400, s5;
	[sflag:s25] =	ssyncadd.s32 $0xFFFFC000  }
0x67: {  	[tilespmem:s17], [sflag:$0x1] =	stream.indirect.gather [hbm4b:s4+s20], $0x80, s5, s20, $0xb8;
	[tilespmem:$0x1E800] =	vst v63  }
0x68: {  	_ =	swait.ge [sflag:s22], $0x4000  }
0x69: {  	[sflag:s22] =	ssyncset.done $0x0  }
0x6a: {  	[sflag:s22] =	ssyncadd.s32 $0xFFFFC000  }
0x6b: {  	[spmem:s1] =	stream.indirect.scatter.add.f32 [tilespmem:s17], [sflag:$0x3], $0x80, s29, s20, $0xb8;
	[tilespmem:$0x1E800] =	vst v63  }
0x6c: {  	_ =	swait.ge [sflag:s28], $0x4000  }
0x6d: {  	[sflag:s28] =	ssyncset.done $0x0  }
0x6e: {  	[sflag:s28] =	ssyncadd.s32 $0xFFFFC000  }
0x6f: {  	[tilespmem:s21], [sflag:$0x2] =	stream.indirect.gather [hbm4b:s4+s20], $0x80, s30, s20, $0xb8;
	[tilespmem:$0x1E800] =	vst v63  }
0x70: {  	_ =	swait.ge [sflag:s23], $0x4000  }
0x71: {  	[sflag:s23] =	ssyncset.done $0x0  }
0x72: {  	[sflag:s23] =	ssyncadd.s32 $0xFFFFC000  }
0x73: {  	[spmem:s1] =	stream.indirect.scatter.add.f32 [tilespmem:s21], [sflag:$0x4], $0x80, s31, s20, $0xb8;
	[tilespmem:$0x1E800] =	vst v63  }
0x74: {  	_ =	swait.ge [sflag:s25], $0x4000  }
0x75: {  	[sflag:s25] =	ssyncset.done $0x0  }
0x76: {  	[sflag:s25] =	ssyncadd.s32 $0xFFFFC000  }
0x77: {  	_ =	swait.ge [sflag:s28], $0x4000  }
0x78: {  	[sflag:s28] =	ssyncset.done $0x0  }
0x79: {  	[sflag:s28] =	ssyncadd.s32 $0xFFFFC000  }
0x7a: {  	[tilespmem:s2], [sflag:$0x5] =	stream.linear.gather [hbm4b:s13+s2], $0x1400, $0x38;
	[tilespmem:$0x1E800] =	vst v63  }
0x7b: {  	_ =	swait.ge [sflag:s18], $0x1400  }
0x7c: {  	[sflag:s18] =	ssyncset.done $0x0  }
0x7d: {  	[sflag:s18] =	ssyncadd.s32 $0xFFFFEC00  }
0x7e: {  	[tilespmem:s19], [sflag:$0x5] =	stream.linear.gather [hbm4b:s14+s2], $0x1400, $0x38;
	[tilespmem:$0x1E800] =	vst v63  }
0x7f: {  	_ =	swait.ge [sflag:s18], $0x1400  }
0x80: {  	[sflag:s18] =	ssyncset.done $0x0  }
0x81: {  	[sflag:s18] =	ssyncadd.s32 $0xFFFFEC00  }
0x82: {  	[tilespmem:s17], [sflag:$0x1] =	stream.indirect.gather [hbm4b:s4+s20], $0x80, s2, s20, $0xb8;
	[tilespmem:$0x1E800] =	vst v63  }
0x83: {  	_ = 	snop  }
0x84: {  	[tilespmem:s21], [sflag:$0x2] =	stream.indirect.gather [hbm4b:s4+s20], $0x80, s20, s20, $0xb8;
	[tilespmem:$0x1E800] =	vst v63  }
0x85: {  	_ =	swait.ge [sflag:s22], $0x4000  }
0x86: {  	[sflag:s22] =	ssyncset.done $0x0  }
0x87: {  	[sflag:s22] =	ssyncadd.s32 $0xFFFFC000  }
0x88: {  	[spmem:s1] =	stream.indirect.scatter.add.f32 [tilespmem:s17], [sflag:$0x3], $0x80, s19, s20, $0xb8;
	[tilespmem:$0x1E800] =	vst v63  }
0x89: {  	_ =	swait.ge [sflag:s23], $0x4000  }
0x8a: {  	[sflag:s23] =	ssyncset.done $0x0  }
0x8b: {  	[sflag:s23] =	ssyncadd.s32 $0xFFFFC000  }
0x8c: {  	[spmem:s1] =	stream.indirect.scatter.add.f32 [tilespmem:s21], [sflag:$0x4], $0x80, s24, s20, $0xb8;
	[tilespmem:$0x1E800] =	vst v63  }
0x8d: {  	_ =	swait.ge [sflag:s25], $0x4000  }
0x8e: {  	[sflag:s25] =	ssyncset.done $0x0  }
0x8f: {  	[sflag:s25] =	ssyncadd.s32 $0xFFFFC000  }
0x90: {  	[tilespmem:s17], [sflag:$0x1] =	stream.indirect.gather [hbm4b:s4+s20], $0x80, s26, s20, $0xb8;
	[tilespmem:$0x1E800] =	vst v63  }
0x91: {  	_ =	swait.ge [sflag:s22], $0x4000  }
0x92: {  	[sflag:s22] =	ssyncset.done $0x0  }
0x93: {  	s3 =	simm.s32 $0x1500;
	[sflag:s22] =	ssyncadd.s32 $0xFFFFC000  }
0x94: {  	[spmem:s1] =	stream.indirect.scatter.add.f32 [tilespmem:s17], [sflag:$0x3], $0x80, s3, s20, $0xb8;
	[tilespmem:$0x1E800] =	vst v63  }
0x95: {  	_ =	swait.ge [sflag:s28], $0x4000  }
0x96: {  	[sflag:s28] =	ssyncset.done $0x0  }
0x97: {  	s5 =	simm.s32 $0x180;
	[sflag:s28] =	ssyncadd.s32 $0xFFFFC000  }
0x98: {  	[tilespmem:s21], [sflag:$0x2] =	stream.indirect.gather [hbm4b:s4+s20], $0x80, s5, s20, $0xb8;
	[tilespmem:$0x1E800] =	vst v63  }
0x99: {  	_ =	swait.ge [sflag:s23], $0x4000  }
0x9a: {  	[sflag:s23] =	ssyncset.done $0x0  }
0x9b: {  	s7 =	simm.s32 $0x1580;
	[sflag:s23] =	ssyncadd.s32 $0xFFFFC000  }
0x9c: {  	[spmem:s1] =	stream.indirect.scatter.add.f32 [tilespmem:s21], [sflag:$0x4], $0x80, s7, s20, $0xb8;
	[tilespmem:$0x1E800] =	vst v63  }
0x9d: {  	_ =	swait.ge [sflag:s25], $0x4000  }
0x9e: {  	[sflag:s25] =	ssyncset.done $0x0  }
0x9f: {  	s3 =	simm.s32 $0xFFFFBC00;
	s5 =	simm.s32 $0x200;
	[sflag:s25] =	ssyncadd.s32 $0xFFFFC000  }
.LBB2_4:
0xa0: {  	[tilespmem:s17], [sflag:$0x1] =	stream.indirect.gather [hbm4b:s4+s20], $0x80, s5, s20, $0xb8;
	[tilespmem:$0x1E800] =	vst v63  }
0xa1: {  	s5 =	smov.u32 s3  }
0xa2: {  	p0 =	sne.s32 s3, $0xFFFFFC00;
	s3 =	sadd.s32 $0x400, s3;
	_ =	swait.ge [sflag:s22], $0x4000  }
0xa3: {  	s5 =	sshra.s32 s5, $0x2;
	[sflag:s22] =	ssyncset.done $0x0  }
0xa4: {  	s7 =	sadd.s32 $0x2700, s5;
	[sflag:s22] =	ssyncadd.s32 $0xFFFFC000  }
0xa5: {  	[spmem:s1] =	stream.indirect.scatter.add.f32 [tilespmem:s17], [sflag:$0x3], $0x80, s7, s20, $0xb8;
	[tilespmem:$0x1E800] =	vst v63  }
0xa6: {  	_ =	swait.ge [sflag:s28], $0x4000  }
0xa7: {  	[sflag:s28] =	ssyncset.done $0x0  }
0xa8: {  	s7 =	sadd.s32 $0x1380, s5;
	[sflag:s28] =	ssyncadd.s32 $0xFFFFC000  }
0xa9: {  	[tilespmem:s21], [sflag:$0x2] =	stream.indirect.gather [hbm4b:s4+s20], $0x80, s7, s20, $0xb8;
	[tilespmem:$0x1E800] =	vst v63  }
0xaa: {  	_ =	swait.ge [sflag:s23], $0x4000  }
0xab: {  	[sflag:s23] =	ssyncset.done $0x0  }
.Ltmp1:
0xac: {  	s7 =	sadd.s32 $0x2780, s5;
	[sflag:s23] =	ssyncadd.s32 $0xFFFFC000;
	(pc) =	sbr.rel @p0 .LBB2_4-.Ltmp1, $4  }
0xad: {  	[spmem:s1] =	stream.indirect.scatter.add.f32 [tilespmem:s21], [sflag:$0x4], $0x80, s7, s20, $0xb8;
	[tilespmem:$0x1E800] =	vst v63  }
0xae: {  	_ =	swait.ge [sflag:s25], $0x4000  }
0xaf: {  	[sflag:s25] =	ssyncset.done $0x0  }
0xb0: {  	s5 =	sadd.s32 $0x1400, s5;
	[sflag:s25] =	ssyncadd.s32 $0xFFFFC000  }
0xb1: {  	[tilespmem:s17], [sflag:$0x1] =	stream.indirect.gather [hbm4b:s4+s20], $0x80, s5, s20, $0xb8;
	[tilespmem:$0x1E800] =	vst v63  }
0xb2: {  	_ =	swait.ge [sflag:s22], $0x4000  }
0xb3: {  	[sflag:s22] =	ssyncset.done $0x0  }
0xb4: {  	[sflag:s22] =	ssyncadd.s32 $0xFFFFC000  }
0xb5: {  	[spmem:s1] =	stream.indirect.scatter.add.f32 [tilespmem:s17], [sflag:$0x3], $0x80, s29, s20, $0xb8;
	[tilespmem:$0x1E800] =	vst v63  }
0xb6: {  	_ =	swait.ge [sflag:s28], $0x4000  }
0xb7: {  	[sflag:s28] =	ssyncset.done $0x0  }
0xb8: {  	[sflag:s28] =	ssyncadd.s32 $0xFFFFC000  }
0xb9: {  	[tilespmem:s21], [sflag:$0x2] =	stream.indirect.gather [hbm4b:s4+s20], $0x80, s30, s20, $0xb8;
	[tilespmem:$0x1E800] =	vst v63  }
0xba: {  	_ =	swait.ge [sflag:s23], $0x4000  }
0xbb: {  	[sflag:s23] =	ssyncset.done $0x0  }
0xbc: {  	[sflag:s23] =	ssyncadd.s32 $0xFFFFC000  }
0xbd: {  	[spmem:s1] =	stream.indirect.scatter.add.f32 [tilespmem:s21], [sflag:$0x4], $0x80, s31, s20, $0xb8;
	[tilespmem:$0x1E800] =	vst v63  }
0xbe: {  	_ =	swait.ge [sflag:s25], $0x4000  }
0xbf: {  	[sflag:s25] =	ssyncset.done $0x0  }
0xc0: {  	[sflag:s25] =	ssyncadd.s32 $0xFFFFC000  }
0xc1: {  	s3 =	stileid.u32;
	_ =	swait.ge [sflag:s28], $0x4000  }
0xc2: {  	s7 =	sshrl.u32 s6, $0x3;
	s0 =	sadd.s32 $0x1, s0;
	[sflag:s28] =	ssyncset.done $0x0  }
0xc3: {  	s3 =	sshll.u32 s3, $0x6;
	p0 =	sne.s32 s0, s15;
	[sflag:s28] =	ssyncadd.s32 $0xFFFFC000  }
.Ltmp2:
0xc4: {  	s3 =	sor.u32 $0x1C05, s3;
	[bflag:$0x0] =	sbarrier.arrive $0xFFFF;
	(pc) =	sbr.rel @p0 .LBB2_1-.Ltmp2, $4  }
0xc5: {  	[hbm:s16], [sflag:s3] =	dma.local [spmem:s7], $0x2800  }
0xc6: {  	_ =	swait.ge [sflag:s18], $0x2800  }
0xc7: {  	[sflag:s18] =	ssyncset.done $0x0  }
0xc8: {  	[sflag:s18] =	ssyncadd.s32 $0xFFFFD800  }
0xc9: {  	_ =	sfence.sel $0x180000  }
0xca: {  	[bflag:$0x0] =	sbarrier.arrive $0xFFFF  }
0xcb: {  	_ =	strace $0x9000004A  }
0xcc: {  	s0 =	stileid.u32;
	[bflag:$0x2] =	sbarrier.arrive $0xFFFF  }
0xcd: {  	p0 =	sne.s32 s0, $0x0;
	s0 =	rddreg [dreg:$0x3]  }
0xce: {  	s0 =	sadd.s32 @!p0 $0x100000, s0  }
0xcf: {  	[sflag:s0] =	ssyncadd.tile.s32 @!p0 $0x1;
	_ =	shalt  }
.Lfunc_end2:
_tile_overlayer_lowered:
.L_overlay_start_2:
0xd0: {  	(tag) =	ssettag $0x2  }
0xd1: {  	s0 =	rddreg [dreg:$0x0];
	s2 =	stileid.u32  }
0xd2: {  	s1 =	rddreg [dreg:$0x1];
	p0 =	sne.s32 s2, $0x0  }
0xd3: {  	s3 =	rddreg [dreg:$0x2];
	[bflag:$0x3] =	sbarrier.arrive $0xFFFF;
	s2 =	simm.s32 @!p0 $0x1C05  }
0xd4: {  	[timem:s3], [sflag:s2] =	dma.local @!p0 [hbm:s0], s1  }
0xd5: {  	s0 =	simm.s32 @!p0 $0x5  }
0xd6: {  	_ =	swait.ge @!p0 [sflag:s0], s1  }
0xd7: {  	s1 =	ssub.s32 @!p0 $0x0, s1;
	[sflag:s0] =	ssyncset.done @!p0 $0x0  }
0xd8: {  	[sflag:s0] =	ssyncadd.s32 @!p0 s1  }
0xd9: {  	[bflag:$0x3] =	sbarrier.arrive $0xFFFF  }
0xda: {  	_ =	shalt  }

// kernel: kernel.23.cloned.1.call-start
scs
__scs_entry_jumppad:
0x0: {  	(pc) =	sbr.rel $0x88, $3  }
0x1: {  	(tag) =	ssettag $0x0;
	lr =	simm.s32 $0x1  }
0x2: {  	[smem:$0x3F8E] =	sst lr;
	_ =	strace $0xD0000000  }
0x3: {  	_ = 	snop  }
0x4: {  	_ = 	snop  }
0x5: {  	_ = 	snop  }
0x6: {  	_ = 	snop  }
0x7: {  	_ = 	snop  }
__scs_overlays_trampoline_lowered:
0x8: {  	[smem:$0x3F9D] =	sst s0  }
0x9: {  	[smem:$0x3F9E] =	sst s1  }
0xa: {  	[smem:$0x3F9F] =	sst s2  }
0xb: {  	[smem:$0x3FA0] =	sst s3  }
0xc: {  	[smem:$0x3FA1] =	sst s4  }
0xd: {  	[smem:$0x3FA2] =	sst s5  }
0xe: {  	[smem:$0x3FA3] =	sst s6  }
0xf: {  	[smem:$0x3FA4] =	sst s7  }
0x10: {  	[smem:$0x3FA5] =	sst s8  }
0x11: {  	[smem:$0x3FA6] =	sst s9;
	s0 =	simm.s32 @!p0 $0x0  }
0x12: {  	s1 =	sld [smem:$0x3F8C];
	s0 =	simm.s32 @p0 $0x1  }
0x13: {  	[smem:$0x3FA7] =	sst s0;
	s0 =	simm.s32 @!p1 $0x0  }
0x14: {  	s2 =	sld [smem:$0x3F8B];
	s0 =	simm.s32 @p1 $0x1  }
0x15: {  	[smem:$0x3FA8] =	sst s0;
	s0 =	simm.s32 @!p2 $0x0  }
0x16: {  	s3 =	sld [smem:$0x3FDB];
	s0 =	simm.s32 @p2 $0x1  }
0x17: {  	s4 =	simm.s32 $0x1BF5;
	[smem:$0x3FAA] =	sst s0  }
0x18: {  	s0 =	sld [smem:$0x3F8D];
	_ =	swait.ge [sflag:s4], $0x0  }
0x19: {  	s7 =	sld [smem:$0x3F8E]  }
0x1a: {  	s8 =	sadd.s32 $0xFFFFE003, lr  }
0x1b: {  	s9 =	sadd.s32 $0xFFFFFEF7, lr;
	s5 =	simm.s32 $0xFFFFFFFF;
	p2 =	slt.u32 s8, $0xFFFFF086  }
0x1c: {  	p1 =	slt.u32 s9, $0xF7A;
	s5 =	simm.s32 @!p2 $0x0  }
0x1d: {  	s5 =	simm.s32 @p1 $0x1;
	p0 =	seq.s32 s7, s2  }
0x1e: {  	s7 =	smul.u32 @!p0 $0xF7A, s2;
	p2 =	seq.s32 @!p0 s5, $0x0  }
0x1f: {  	s9 =	smul.u32 $0xF7A, s1;
	s8 =	simm.s32 @!p0 $0x1BF5;
	p2 =	por !p2, p0  }
0x20: {  	[sflag:s8] =	ssyncset.s32 @!p0 $0xFFFFF086;
	s6 =	sadd.s32 @!p0 s3, s7;
	s7 =	simm.s32 @!p0 $0x108  }
0x21: {  	s3 =	sadd.s32 s3, s9;
	s6 =	sadd.s32 @!p0 $0x88, s6;
	s7 =	simm.s32 @p2 $0x1082  }
0x22: {  	[simem:s7], [sflag:s8] =	dma.local @!p0 [hbm:s6], $0xF7A  }
0x23: {  	s9 =	sor.u32 $0xD0000000, s2;
	s6 =	simm.s32 $0x108;
	_ =	swait.ge @!p0 [sflag:s8], $0x0  }
0x24: {  	s3 =	sadd.s32 $0x88, s3;
	s6 =	simm.s32 @!p1 $0x1082;
	[sflag:s4] =	ssyncset.s32 $0xFFFFF086  }
0x25: {  	[simem:s6], [sflag:s4] =	dma.local [hbm:s3], $0xF7A  }
0x26: {  	[smem:$0x3F8E] =	sst s1;
	(tag) =	ssettag s2;
	_ =	strace s9  }
0x27: {  	s1 =	sld [smem:$0x3F9E]  }
0x28: {  	s2 =	sld [smem:$0x3F9F]  }
0x29: {  	s4 =	sld [smem:$0x3FA1]  }
0x2a: {  	p0 =	seq.s32 s5, $0x0;
	s5 =	sld [smem:$0x3FA2]  }
0x2b: {  	s6 =	sld [smem:$0x3FA3]  }
0x2c: {  	s7 =	sld [smem:$0x3FA4]  }
0x2d: {  	s3 =	simm.s32 $0x108;
	s8 =	sld [smem:$0x3FA5]  }
0x2e: {  	s3 =	simm.s32 @!p0 $0x1082;
	s9 =	sld [smem:$0x3FA6]  }
0x2f: {  	lr =	sadd.s32 s0, s3;
	s0 =	sld [smem:$0x3F9D]  }
0x30: {  	s3 =	sld [smem:$0x3FA0]  }
0x31: {  	[smem:$0x3FA9] =	sst s10  }
0x32: {  	s10 =	sld [smem:$0x3FA7];
	_ =	sdelay $0x3  }
0x33: {  	p0 =	seq.s32 s10, $0x1;
	s10 =	sld [smem:$0x3FA9];
	_ =	sdelay $0x3  }
0x34: {  	[smem:$0x3FA9] =	sst s10  }
0x35: {  	s10 =	sld [smem:$0x3FA8];
	_ =	sdelay $0x3  }
0x36: {  	p1 =	seq.s32 s10, $0x1;
	s10 =	sld [smem:$0x3FA9];
	_ =	sdelay $0x3  }
0x37: {  	[smem:$0x3FA9] =	sst s10  }
0x38: {  	s10 =	sld [smem:$0x3FAA]  }
0x39: {  	_ = 	snop;
	(pc) =	sbr.ind lr, $3  }
0x3a: {  	_ = 	snop  }
0x3b: {  	_ = 	snop  }
0x3c: {  	p2 =	seq.s32 s10, $0x1;
	s10 =	sld [smem:$0x3FA9]  }
0x3d: {  	_ =	shalt  }
0x3e: {  	_ =	shalt  }
0x3f: {  	_ =	shalt  }
0x40: {  	_ =	shalt  }
0x41: {  	_ =	shalt  }
0x42: {  	_ =	shalt  }
0x43: {  	_ =	shalt  }
0x44: {  	_ =	shalt  }
0x45: {  	_ =	shalt  }
0x46: {  	_ =	shalt  }
0x47: {  	_ =	shalt  }
0x48: {  	_ =	shalt  }
0x49: {  	_ =	shalt  }
0x4a: {  	_ =	shalt  }
0x4b: {  	_ =	shalt  }
0x4c: {  	_ =	shalt  }
0x4d: {  	_ =	shalt  }
0x4e: {  	_ =	shalt  }
0x4f: {  	_ =	shalt  }
0x50: {  	_ =	shalt  }
0x51: {  	_ =	shalt  }
0x52: {  	_ =	shalt  }
0x53: {  	_ =	shalt  }
0x54: {  	_ =	shalt  }
0x55: {  	_ =	shalt  }
0x56: {  	_ =	shalt  }
0x57: {  	_ =	shalt  }
0x58: {  	_ =	shalt  }
0x59: {  	_ =	shalt  }
0x5a: {  	_ =	shalt  }
0x5b: {  	_ =	shalt  }
0x5c: {  	_ =	shalt  }
0x5d: {  	_ =	shalt  }
0x5e: {  	_ =	shalt  }
0x5f: {  	_ =	shalt  }
0x60: {  	_ =	shalt  }
0x61: {  	_ =	shalt  }
0x62: {  	_ =	shalt  }
0x63: {  	_ =	shalt  }
0x64: {  	_ =	shalt  }
0x65: {  	_ =	shalt  }
0x66: {  	_ =	shalt  }
0x67: {  	_ =	shalt  }
0x68: {  	_ =	shalt  }
0x69: {  	_ =	shalt  }
0x6a: {  	_ =	shalt  }
0x6b: {  	_ =	shalt  }
0x6c: {  	_ =	shalt  }
0x6d: {  	_ =	shalt  }
0x6e: {  	_ =	shalt  }
0x6f: {  	_ =	shalt  }
0x70: {  	_ =	shalt  }
0x71: {  	_ =	shalt  }
0x72: {  	_ =	shalt  }
0x73: {  	_ =	shalt  }
0x74: {  	_ =	shalt  }
0x75: {  	_ =	shalt  }
0x76: {  	_ =	shalt  }
0x77: {  	_ =	shalt  }
0x78: {  	_ =	shalt  }
0x79: {  	_ =	shalt  }
0x7a: {  	_ =	shalt  }
0x7b: {  	_ =	shalt  }
0x7c: {  	_ =	shalt  }
0x7d: {  	_ =	shalt  }
0x7e: {  	_ =	shalt  }
0x7f: {  	_ =	shalt  }
0x80: {  	_ =	shalt  }
0x81: {  	_ =	shalt  }
0x82: {  	_ =	shalt  }
0x83: {  	_ =	shalt  }
0x84: {  	_ =	shalt  }
0x85: {  	_ =	shalt  }
0x86: {  	_ =	shalt  }
0x87: {  	_ =	shalt  }
.Lfunc_end0:
.L_simem_size_0:
called_computation.2_lowered:
.L_overlay_start_0:
0x88: {  	s2 =	sld [smem:$0x3FD9]  }
0x89: {  	s3 =	sld [smem:$0x3FFE];
	_ =	sdelay $0x1  }
0x8a: {  	s1 =	srdreg.scid  }
0x8b: {  	s0 =	sand.u32 $0x1, s1  }
0x8c: {  	s17 =	sshll.u32 s0, $0xA;
	s2 =	sadd.s32 s3, s2  }
0x8d: {  	s2 =	sadd.s32 s2, s17  }
0x8e: {  	[smem:$0x3FB5] =	sst s2  }
0x8f: {  	_ = 	snop  }
0x90: {  	s2 =	sld [smem:$0x3FD0];
	(tm) =	ssettm $0x1  }
0x91: {  	s18 =	sld [smem:$0x3FFB];
	_ =	sdelay $0x3  }
0x92: {  	_ =	strace s18  }
0x93: {  	s3 =	sld [smem:$0x3FFC];
	_ =	sdelay $0x3  }
0x94: {  	_ =	strace s3  }
0x95: {  	s3 =	sld [smem:$0x3FFD];
	_ =	sdelay $0x3  }
0x96: {  	_ =	strace s3  }
0x97: {  	_ =	strace $0x8FFFFFFF  }
0x98: {  	s19 =	sld [smem:$0x3FDB];
	_ =	sdelay $0x1  }
0x99: {  	s4 =	simm.s32 $_scs_section_size  }
0x9a: {  	s5 =	simm.s32 $_size__tile_overlayer_lowered;
	s6 =	simm.s32 $_tile_overlayer_lowered  }
0x9b: {  	s22 =	simm.s32 $0x1BFF;
	s21 =	sshll.u32 s6, $0x1;
	s3 =	sadd.s32 s4, s19  }
0x9c: {  	s7 =	simm.s32 $0x0;
	s20 =	sshll.u32 s5, $0x1;
	s5 =	sadd.s32 s21, s3  }
0x9d: {  	[timem:s7], [sflag:s22] =	dma.local [hbm:s5], s20  }
0x9e: {  	_ =	swait.ge [sflag:s22], s20  }
0x9f: {  	s4 =	ssub.s32 $0x0, s20;
	[sflag:s22] =	ssyncset.done $0x0  }
0xa0: {  	[sflag:s22] =	ssyncadd.s32 s4;
	_ =	sdelay $0x1  }
0xa1: {  	s23 =	simm.s32 $0x1B8B  }
0xa2: {  	_ =	swait.ge [sflag:s23], $0x1  }
0xa3: {  	[sflag:s23] =	ssyncset.done $0x0  }
0xa4: {  	s25 =	simm.s32 $0x1B8E;
	s24 =	sld [smem:$0x3FFE];
	[sflag:s23] =	ssyncadd.s32 $0xFFFFFFFF  }
0xa5: {  	s26 =	simm.s32 $execute0_lowered;
	[smem:$0x3FD2] =	sst s25  }
0xa6: {  	s5 =	sshll.u32 s26, $0x1;
	_ =	strace $0x8000004C;
	[dreg:$0x1] =	wrdreg $0xFFFFFFFF  }
0xa7: {  	s28 =	simm.s32 $_size_execute0_lowered;
	s3 =	sadd.s32 s3, s5;
	[dreg:$0x0] =	wrdreg $0x0  }
0xa8: {  	s5 =	sshll.u32 s28, $0x1;
	[dreg:$0x2] =	wrdreg s3  }
0xa9: {  	[dreg:$0x3] =	wrdreg s5  }
0xaa: {  	[dreg:$0x4] =	wrdreg $0xC0  }
0xab: {  	_ =	task [dreg:s7], $0x5FFFF  }
0xac: {  	[dreg:$0x1] =	wrdreg $0xFFFFFFFF  }
0xad: {  	[dreg:$0x0] =	wrdreg $0x60  }
0xae: {  	[dreg:$0x2] =	wrdreg s24  }
0xaf: {  	[dreg:$0x3] =	wrdreg s2  }
0xb0: {  	[dreg:$0x4] =	wrdreg $0xA8000  }
0xb1: {  	[dreg:$0x5] =	wrdreg $0x9  }
0xb2: {  	_ =	task.clear_ibuf [dreg:s7], $0x6FFFF;
	_ =	strace $0x9000004C  }
0xb3: {  	s29 =	simm.s32 $0x9;
	_ =	strace $0x8000004E  }
0xb4: {  	_ =	swait.ge [sflag:s29], $0x1  }
0xb5: {  	[sflag:s29] =	ssyncadd.s32 $0xFFFFFFFF  }
0xb6: {  	_ =	strace $0x9000004E  }
0xb7: {  	_ =	sfence  }
0xb8: {  	s30 =	sld [smem:$0x0];
	_ =	sdelay $0x2  }
0xb9: {  	s31 =	sshll.u32 s1, $0xD;
	s1 =	sshrl.u32 s1, $0x2  }
0xba: {  	s3 =	sand.u32 $0x4000, s31;
	s1 =	sadd.s32 s1, s30  }
0xbb: {  	s0 =	sor.u32 s3, s0;
	s1 =	sshll.u32 s1, $0x11  }
0xbc: {  	s0 =	sor.u32 s1, s0  }
0xbd: {  	s0 =	sadd.s32 $0x8F2B, s0  }
0xbe: {  	[sflag:s0] =	ssyncadd.remote.s32 $0x1  }
0xbf: {  	_ =	sfence.sel $0xFFFF  }
0xc0: {  	[dreg:$0x0] =	wrdreg $0xFFFFFFFF;
	(pc) =	sbr.abs _section_cstart, $3  }
0xc1: {  	[dreg:$0x1] =	wrdreg $0xFFFFFFFF  }
0xc2: {  	_ =	task.clear_ibuf [dreg:s7], $0x2FFFF;
	_ =	strace $0x9FFFFFFF  }
0xc3: {  	(tm) =	ssettm $0x7FFFFFFF  }
tec
execute0_lowered:
.L_overlay_start_1:
0x0: {  	(tag) =	ssettag $0x1  }
0x1: {  	s0 =	rddreg [dreg:$0x0]  }
0x2: {  	s3 =	rddreg [dreg:$0x1]  }
0x3: {  	s1 =	rddreg [dreg:$0x2]  }
0x4: {  	s2 =	simm.s32 $0x0;
	s6 =	srdreg.scid;
	s16 =	stileid.u32  }
0x5: {  	s19 =	simm.s32 $0x1400;
	s20 =	simm.s32 $0x80;
	s21 =	simm.s32 $0x6800  }
0x6: {  	s22 =	simm.s32 $0x1;
	s23 =	simm.s32 $0x2;
	s28 =	simm.s32 $0x4  }
0x7: {  	s29 =	simm.s32 $0x2700;
	s30 =	simm.s32 $0x1380;
	s31 =	simm.s32 $0x2780  }
0x8: {  	[smem:$0x7FF] =	sst s2;
	s4 =	sadd.s32 $0x6B600, s0;
	s5 =	sadd.s32 $0x7600, s0  }
0x9: {  	s14 =	sadd.s32 $0x11600, s0;
	s12 =	sand.u32 $0x1, s6;
	s24 =	smul.u32 $0x50000, s16  }
0xa: {  	s0 =	sadd.s32 $0x93600, s0;
	s13 =	smul.u32 $0x14000, s16;
	_ =	strace $0x8000004D  }
0xb: {  	[dreg:$0x4] =	wrdreg s0;
	s25 =	ssub.s32 $0x2, s12;
	s7 =	sshll.u32 s12, $0x4  }
0xc: {  	p0 =	seq.s32 s12, $0x1;
	s8 =	sshrl.u32 s25, $0x1;
	s7 =	sor.u32 s16, s7  }
0xd: {  	s6 =	sshrl.u32 s24, $0x2;
	s16 =	smul.u32 $0x2800, s16;
	s13 =	sshrl.u32 s13, $0x3  }
0xe: {  	s24 =	simm.s32 $0x1480;
	s0 =	ssub.s32 s25, s8;
	s6 =	sadd.s32 s6, s1  }
0xf: {  	s11 =	smul.u32 $0x2800, s7;
	s18 =	sadd.s32 $0x28000, s13;
	s25 =	simm.s32 $0x3  }
0x10: {  	s26 =	sadd.s32 $0x4000, s6;
	s8 =	sadd.s32 $0x8000, s6;
	s9 =	sadd.s32 $0xC000, s6  }
0x11: {  	s10 =	sadd.s32 $0x10000, s6;
	s16 =	smov.u32 @p0 s18;
	s18 =	simm.s32 $0x5  }
0x12: {  	[dreg:$0x5] =	wrdreg s26;
	s15 =	sshrl.u32 s11, $0x3;
	s16 =	sadd.s32 s3, s16  }
0x13: {  	s26 =	simm.s32 $0x100;
	s11 =	sadd.s32 s5, s15;
	s17 =	sadd.s32 $0x280, s15  }
0x14: {  	s12 =	sadd.s32 s14, s15;
	s15 =	smax.u32 s0, $0x1;
	s0 =	simm.s32 $0x0  }
0x15: {  	s13 =	sadd.s32 s5, s17;
	s14 =	sadd.s32 s14, s17;
	s17 =	simm.s32 $0x2800  }
.LBB2_1:
0x16: {  	s3 =	rddreg [dreg:$0x4]  }
0x17: {  	[tilespmem:s17], [sflag:$0x5] =	stream.linear.gather [hbm4b:s3+s2], $0x4000, $0x38;
	[tilespmem:$0x1E800] =	vst v63  }
0x18: {  	_ =	swait.ge [sflag:s18], $0x4000  }
0x19: {  	[sflag:s18] =	ssyncset.done $0x0  }
0x1a: {  	[sflag:s18] =	ssyncadd.s32 $0xFFFFC000  }
0x1b: {  	[spmem:s6] =	stream.linear.scatter [tilespmem:s17], [sflag:$0x5], $0x4000, $0x38;
	[tilespmem:$0x1E800] =	vst v63  }
0x1c: {  	_ =	swait.ge [sflag:s18], $0x4000  }
0x1d: {  	[sflag:s18] =	ssyncset.done $0x0  }
0x1e: {  	s5 =	rddreg [dreg:$0x5];
	[sflag:s18] =	ssyncadd.s32 $0xFFFFC000  }
0x1f: {  	[spmem:s5] =	stream.linear.scatter [tilespmem:s17], [sflag:$0x5], $0x4000, $0x38;
	[tilespmem:$0x1E800] =	vst v63  }
0x20: {  	_ =	swait.ge [sflag:s18], $0x4000  }
0x21: {  	[sflag:s18] =	ssyncset.done $0x0  }
0x22: {  	[sflag:s18] =	ssyncadd.s32 $0xFFFFC000  }
0x23: {  	[spmem:s8] =	stream.linear.scatter [tilespmem:s17], [sflag:$0x5], $0x4000, $0x38;
	[tilespmem:$0x1E800] =	vst v63  }
0x24: {  	_ =	swait.ge [sflag:s18], $0x4000  }
0x25: {  	[sflag:s18] =	ssyncset.done $0x0  }
0x26: {  	[sflag:s18] =	ssyncadd.s32 $0xFFFFC000  }
0x27: {  	[spmem:s9] =	stream.linear.scatter [tilespmem:s17], [sflag:$0x5], $0x4000, $0x38;
	[tilespmem:$0x1E800] =	vst v63  }
0x28: {  	_ =	swait.ge [sflag:s18], $0x4000  }
0x29: {  	[sflag:s18] =	ssyncset.done $0x0  }
0x2a: {  	[sflag:s18] =	ssyncadd.s32 $0xFFFFC000  }
0x2b: {  	[spmem:s10] =	stream.linear.scatter [tilespmem:s17], [sflag:$0x5], $0x4000, $0x38;
	[tilespmem:$0x1E800] =	vst v63  }
0x2c: {  	_ =	swait.ge [sflag:s18], $0x4000  }
0x2d: {  	[sflag:s18] =	ssyncset.done $0x0  }
0x2e: {  	[sflag:s18] =	ssyncadd.s32 $0xFFFFC000  }
0x2f: {  	[bflag:$0x0] =	sbarrier.arrive $0xFFFF  }
0x30: {  	[tilespmem:s2], [sflag:$0x5] =	stream.linear.gather [hbm4b:s11+s2], $0x1400, $0x38;
	[tilespmem:$0x1E800] =	vst v63  }
0x31: {  	_ =	swait.ge [sflag:s18], $0x1400  }
0x32: {  	[sflag:s18] =	ssyncset.done $0x0  }
0x33: {  	[sflag:s18] =	ssyncadd.s32 $0xFFFFEC00  }
0x34: {  	[tilespmem:s19], [sflag:$0x5] =	stream.linear.gather [hbm4b:s12+s2], $0x1400, $0x38;
	[tilespmem:$0x1E800] =	vst v63  }
0x35: {  	_ =	swait.ge [sflag:s18], $0x1400  }
0x36: {  	[sflag:s18] =	ssyncset.done $0x0  }
0x37: {  	[sflag:s18] =	ssyncadd.s32 $0xFFFFEC00  }
0x38: {  	[tilespmem:s17], [sflag:$0x1] =	stream.indirect.gather [hbm4b:s4+s20], $0x80, s2, s20, $0xb8;
	[tilespmem:$0x1E800] =	vst v63  }
0x39: {  	_ = 	snop  }
0x3a: {  	[tilespmem:s21], [sflag:$0x2] =	stream.indirect.gather [hbm4b:s4+s20], $0x80, s20, s20, $0xb8;
	[tilespmem:$0x1E800] =	vst v63  }
0x3b: {  	_ =	swait.ge [sflag:s22], $0x4000  }
0x3c: {  	[sflag:s22] =	ssyncset.done $0x0  }
0x3d: {  	[sflag:s22] =	ssyncadd.s32 $0xFFFFC000  }
0x3e: {  	[spmem:s1] =	stream.indirect.scatter.add.f32 [tilespmem:s17], [sflag:$0x3], $0x80, s19, s20, $0xb8;
	[tilespmem:$0x1E800] =	vst v63  }
0x3f: {  	_ =	swait.ge [sflag:s23], $0x4000  }
0x40: {  	[sflag:s23] =	ssyncset.done $0x0  }
0x41: {  	[sflag:s23] =	ssyncadd.s32 $0xFFFFC000  }
0x42: {  	[spmem:s1] =	stream.indirect.scatter.add.f32 [tilespmem:s21], [sflag:$0x4], $0x80, s24, s20, $0xb8;
	[tilespmem:$0x1E800] =	vst v63  }
0x43: {  	_ =	swait.ge [sflag:s25], $0x4000  }
0x44: {  	[sflag:s25] =	ssyncset.done $0x0  }
0x45: {  	[sflag:s25] =	ssyncadd.s32 $0xFFFFC000  }
0x46: {  	[tilespmem:s17], [sflag:$0x1] =	stream.indirect.gather [hbm4b:s4+s20], $0x80, s26, s20, $0xb8;
	[tilespmem:$0x1E800] =	vst v63  }
0x47: {  	_ =	swait.ge [sflag:s22], $0x4000  }
0x48: {  	[sflag:s22] =	ssyncset.done $0x0  }
0x49: {  	s7 =	simm.s32 $0x1500;
	[sflag:s22] =	ssyncadd.s32 $0xFFFFC000  }
0x4a: {  	[spmem:s1] =	stream.indirect.scatter.add.f32 [tilespmem:s17], [sflag:$0x3], $0x80, s7, s20, $0xb8;
	[tilespmem:$0x1E800] =	vst v63  }
0x4b: {  	_ =	swait.ge [sflag:s28], $0x4000  }
0x4c: {  	[sflag:s28] =	ssyncset.done $0x0  }
0x4d: {  	s5 =	simm.s32 $0x180;
	[sflag:s28] =	ssyncadd.s32 $0xFFFFC000  }
0x4e: {  	[tilespmem:s21], [sflag:$0x2] =	stream.indirect.gather [hbm4b:s4+s20], $0x80, s5, s20, $0xb8;
	[tilespmem:$0x1E800] =	vst v63  }
0x4f: {  	_ =	swait.ge [sflag:s23], $0x4000  }
0x50: {  	[sflag:s23] =	ssyncset.done $0x0  }
0x51: {  	s7 =	simm.s32 $0x1580;
	[sflag:s23] =	ssyncadd.s32 $0xFFFFC000  }
0x52: {  	[spmem:s1] =	stream.indirect.scatter.add.f32 [tilespmem:s21], [sflag:$0x4], $0x80, s7, s20, $0xb8;
	[tilespmem:$0x1E800] =	vst v63  }
0x53: {  	_ =	swait.ge [sflag:s25], $0x4000  }
0x54: {  	[sflag:s25] =	ssyncset.done $0x0  }
0x55: {  	s3 =	simm.s32 $0xFFFFBC00;
	s5 =	simm.s32 $0x200;
	[sflag:s25] =	ssyncadd.s32 $0xFFFFC000  }
.LBB2_2:
0x56: {  	[tilespmem:s17], [sflag:$0x1] =	stream.indirect.gather [hbm4b:s4+s20], $0x80, s5, s20, $0xb8;
	[tilespmem:$0x1E800] =	vst v63  }
0x57: {  	s5 =	smov.u32 s3  }
0x58: {  	p0 =	sne.s32 s3, $0xFFFFFC00;
	s3 =	sadd.s32 $0x400, s3;
	_ =	swait.ge [sflag:s22], $0x4000  }
0x59: {  	s5 =	sshra.s32 s5, $0x2;
	[sflag:s22] =	ssyncset.done $0x0  }
0x5a: {  	s7 =	sadd.s32 $0x2700, s5;
	[sflag:s22] =	ssyncadd.s32 $0xFFFFC000  }
0x5b: {  	[spmem:s1] =	stream.indirect.scatter.add.f32 [tilespmem:s17], [sflag:$0x3], $0x80, s7, s20, $0xb8;
	[tilespmem:$0x1E800] =	vst v63  }
0x5c: {  	_ =	swait.ge [sflag:s28], $0x4000  }
0x5d: {  	[sflag:s28] =	ssyncset.done $0x0  }
0x5e: {  	s7 =	sadd.s32 $0x1380, s5;
	[sflag:s28] =	ssyncadd.s32 $0xFFFFC000  }
0x5f: {  	[tilespmem:s21], [sflag:$0x2] =	stream.indirect.gather [hbm4b:s4+s20], $0x80, s7, s20, $0xb8;
	[tilespmem:$0x1E800] =	vst v63  }
0x60: {  	_ =	swait.ge [sflag:s23], $0x4000  }
0x61: {  	[sflag:s23] =	ssyncset.done $0x0  }
.Ltmp0:
0x62: {  	s7 =	sadd.s32 $0x2780, s5;
	[sflag:s23] =	ssyncadd.s32 $0xFFFFC000;
	(pc) =	sbr.rel @p0 .LBB2_2-.Ltmp0, $4  }
0x63: {  	[spmem:s1] =	stream.indirect.scatter.add.f32 [tilespmem:s21], [sflag:$0x4], $0x80, s7, s20, $0xb8;
	[tilespmem:$0x1E800] =	vst v63  }
0x64: {  	_ =	swait.ge [sflag:s25], $0x4000  }
0x65: {  	[sflag:s25] =	ssyncset.done $0x0  }
0x66: {  	s5 =	sadd.s32 $0x1400, s5;
	[sflag:s25] =	ssyncadd.s32 $0xFFFFC000  }
0x67: {  	[tilespmem:s17], [sflag:$0x1] =	stream.indirect.gather [hbm4b:s4+s20], $0x80, s5, s20, $0xb8;
	[tilespmem:$0x1E800] =	vst v63  }
0x68: {  	_ =	swait.ge [sflag:s22], $0x4000  }
0x69: {  	[sflag:s22] =	ssyncset.done $0x0  }
0x6a: {  	[sflag:s22] =	ssyncadd.s32 $0xFFFFC000  }
0x6b: {  	[spmem:s1] =	stream.indirect.scatter.add.f32 [tilespmem:s17], [sflag:$0x3], $0x80, s29, s20, $0xb8;
	[tilespmem:$0x1E800] =	vst v63  }
0x6c: {  	_ =	swait.ge [sflag:s28], $0x4000  }
0x6d: {  	[sflag:s28] =	ssyncset.done $0x0  }
0x6e: {  	[sflag:s28] =	ssyncadd.s32 $0xFFFFC000  }
0x6f: {  	[tilespmem:s21], [sflag:$0x2] =	stream.indirect.gather [hbm4b:s4+s20], $0x80, s30, s20, $0xb8;
	[tilespmem:$0x1E800] =	vst v63  }
0x70: {  	_ =	swait.ge [sflag:s23], $0x4000  }
0x71: {  	[sflag:s23] =	ssyncset.done $0x0  }
0x72: {  	[sflag:s23] =	ssyncadd.s32 $0xFFFFC000  }
0x73: {  	[spmem:s1] =	stream.indirect.scatter.add.f32 [tilespmem:s21], [sflag:$0x4], $0x80, s31, s20, $0xb8;
	[tilespmem:$0x1E800] =	vst v63  }
0x74: {  	_ =	swait.ge [sflag:s25], $0x4000  }
0x75: {  	[sflag:s25] =	ssyncset.done $0x0  }
0x76: {  	[sflag:s25] =	ssyncadd.s32 $0xFFFFC000  }
0x77: {  	_ =	swait.ge [sflag:s28], $0x4000  }
0x78: {  	[sflag:s28] =	ssyncset.done $0x0  }
0x79: {  	[sflag:s28] =	ssyncadd.s32 $0xFFFFC000  }
0x7a: {  	[tilespmem:s2], [sflag:$0x5] =	stream.linear.gather [hbm4b:s13+s2], $0x1400, $0x38;
	[tilespmem:$0x1E800] =	vst v63  }
0x7b: {  	_ =	swait.ge [sflag:s18], $0x1400  }
0x7c: {  	[sflag:s18] =	ssyncset.done $0x0  }
0x7d: {  	[sflag:s18] =	ssyncadd.s32 $0xFFFFEC00  }
0x7e: {  	[tilespmem:s19], [sflag:$0x5] =	stream.linear.gather [hbm4b:s14+s2], $0x1400, $0x38;
	[tilespmem:$0x1E800] =	vst v63  }
0x7f: {  	_ =	swait.ge [sflag:s18], $0x1400  }
0x80: {  	[sflag:s18] =	ssyncset.done $0x0  }
0x81: {  	[sflag:s18] =	ssyncadd.s32 $0xFFFFEC00  }
0x82: {  	[tilespmem:s17], [sflag:$0x1] =	stream.indirect.gather [hbm4b:s4+s20], $0x80, s2, s20, $0xb8;
	[tilespmem:$0x1E800] =	vst v63  }
0x83: {  	_ = 	snop  }
0x84: {  	[tilespmem:s21], [sflag:$0x2] =	stream.indirect.gather [hbm4b:s4+s20], $0x80, s20, s20, $0xb8;
	[tilespmem:$0x1E800] =	vst v63  }
0x85: {  	_ =	swait.ge [sflag:s22], $0x4000  }
0x86: {  	[sflag:s22] =	ssyncset.done $0x0  }
0x87: {  	[sflag:s22] =	ssyncadd.s32 $0xFFFFC000  }
0x88: {  	[spmem:s1] =	stream.indirect.scatter.add.f32 [tilespmem:s17], [sflag:$0x3], $0x80, s19, s20, $0xb8;
	[tilespmem:$0x1E800] =	vst v63  }
0x89: {  	_ =	swait.ge [sflag:s23], $0x4000  }
0x8a: {  	[sflag:s23] =	ssyncset.done $0x0  }
0x8b: {  	[sflag:s23] =	ssyncadd.s32 $0xFFFFC000  }
0x8c: {  	[spmem:s1] =	stream.indirect.scatter.add.f32 [tilespmem:s21], [sflag:$0x4], $0x80, s24, s20, $0xb8;
	[tilespmem:$0x1E800] =	vst v63  }
0x8d: {  	_ =	swait.ge [sflag:s25], $0x4000  }
0x8e: {  	[sflag:s25] =	ssyncset.done $0x0  }
0x8f: {  	[sflag:s25] =	ssyncadd.s32 $0xFFFFC000  }
0x90: {  	[tilespmem:s17], [sflag:$0x1] =	stream.indirect.gather [hbm4b:s4+s20], $0x80, s26, s20, $0xb8;
	[tilespmem:$0x1E800] =	vst v63  }
0x91: {  	_ =	swait.ge [sflag:s22], $0x4000  }
0x92: {  	[sflag:s22] =	ssyncset.done $0x0  }
0x93: {  	s3 =	simm.s32 $0x1500;
	[sflag:s22] =	ssyncadd.s32 $0xFFFFC000  }
0x94: {  	[spmem:s1] =	stream.indirect.scatter.add.f32 [tilespmem:s17], [sflag:$0x3], $0x80, s3, s20, $0xb8;
	[tilespmem:$0x1E800] =	vst v63  }
0x95: {  	_ =	swait.ge [sflag:s28], $0x4000  }
0x96: {  	[sflag:s28] =	ssyncset.done $0x0  }
0x97: {  	s5 =	simm.s32 $0x180;
	[sflag:s28] =	ssyncadd.s32 $0xFFFFC000  }
0x98: {  	[tilespmem:s21], [sflag:$0x2] =	stream.indirect.gather [hbm4b:s4+s20], $0x80, s5, s20, $0xb8;
	[tilespmem:$0x1E800] =	vst v63  }
0x99: {  	_ =	swait.ge [sflag:s23], $0x4000  }
0x9a: {  	[sflag:s23] =	ssyncset.done $0x0  }
0x9b: {  	s7 =	simm.s32 $0x1580;
	[sflag:s23] =	ssyncadd.s32 $0xFFFFC000  }
0x9c: {  	[spmem:s1] =	stream.indirect.scatter.add.f32 [tilespmem:s21], [sflag:$0x4], $0x80, s7, s20, $0xb8;
	[tilespmem:$0x1E800] =	vst v63  }
0x9d: {  	_ =	swait.ge [sflag:s25], $0x4000  }
0x9e: {  	[sflag:s25] =	ssyncset.done $0x0  }
0x9f: {  	s3 =	simm.s32 $0xFFFFBC00;
	s5 =	simm.s32 $0x200;
	[sflag:s25] =	ssyncadd.s32 $0xFFFFC000  }
.LBB2_4:
0xa0: {  	[tilespmem:s17], [sflag:$0x1] =	stream.indirect.gather [hbm4b:s4+s20], $0x80, s5, s20, $0xb8;
	[tilespmem:$0x1E800] =	vst v63  }
0xa1: {  	s5 =	smov.u32 s3  }
0xa2: {  	p0 =	sne.s32 s3, $0xFFFFFC00;
	s3 =	sadd.s32 $0x400, s3;
	_ =	swait.ge [sflag:s22], $0x4000  }
0xa3: {  	s5 =	sshra.s32 s5, $0x2;
	[sflag:s22] =	ssyncset.done $0x0  }
0xa4: {  	s7 =	sadd.s32 $0x2700, s5;
	[sflag:s22] =	ssyncadd.s32 $0xFFFFC000  }
0xa5: {  	[spmem:s1] =	stream.indirect.scatter.add.f32 [tilespmem:s17], [sflag:$0x3], $0x80, s7, s20, $0xb8;
	[tilespmem:$0x1E800] =	vst v63  }
0xa6: {  	_ =	swait.ge [sflag:s28], $0x4000  }
0xa7: {  	[sflag:s28] =	ssyncset.done $0x0  }
0xa8: {  	s7 =	sadd.s32 $0x1380, s5;
	[sflag:s28] =	ssyncadd.s32 $0xFFFFC000  }
0xa9: {  	[tilespmem:s21], [sflag:$0x2] =	stream.indirect.gather [hbm4b:s4+s20], $0x80, s7, s20, $0xb8;
	[tilespmem:$0x1E800] =	vst v63  }
0xaa: {  	_ =	swait.ge [sflag:s23], $0x4000  }
0xab: {  	[sflag:s23] =	ssyncset.done $0x0  }
.Ltmp1:
0xac: {  	s7 =	sadd.s32 $0x2780, s5;
	[sflag:s23] =	ssyncadd.s32 $0xFFFFC000;
	(pc) =	sbr.rel @p0 .LBB2_4-.Ltmp1, $4  }
0xad: {  	[spmem:s1] =	stream.indirect.scatter.add.f32 [tilespmem:s21], [sflag:$0x4], $0x80, s7, s20, $0xb8;
	[tilespmem:$0x1E800] =	vst v63  }
0xae: {  	_ =	swait.ge [sflag:s25], $0x4000  }
0xaf: {  	[sflag:s25] =	ssyncset.done $0x0  }
0xb0: {  	s5 =	sadd.s32 $0x1400, s5;
	[sflag:s25] =	ssyncadd.s32 $0xFFFFC000  }
0xb1: {  	[tilespmem:s17], [sflag:$0x1] =	stream.indirect.gather [hbm4b:s4+s20], $0x80, s5, s20, $0xb8;
	[tilespmem:$0x1E800] =	vst v63  }
0xb2: {  	_ =	swait.ge [sflag:s22], $0x4000  }
0xb3: {  	[sflag:s22] =	ssyncset.done $0x0  }
0xb4: {  	[sflag:s22] =	ssyncadd.s32 $0xFFFFC000  }
0xb5: {  	[spmem:s1] =	stream.indirect.scatter.add.f32 [tilespmem:s17], [sflag:$0x3], $0x80, s29, s20, $0xb8;
	[tilespmem:$0x1E800] =	vst v63  }
0xb6: {  	_ =	swait.ge [sflag:s28], $0x4000  }
0xb7: {  	[sflag:s28] =	ssyncset.done $0x0  }
0xb8: {  	[sflag:s28] =	ssyncadd.s32 $0xFFFFC000  }
0xb9: {  	[tilespmem:s21], [sflag:$0x2] =	stream.indirect.gather [hbm4b:s4+s20], $0x80, s30, s20, $0xb8;
	[tilespmem:$0x1E800] =	vst v63  }
0xba: {  	_ =	swait.ge [sflag:s23], $0x4000  }
0xbb: {  	[sflag:s23] =	ssyncset.done $0x0  }
0xbc: {  	[sflag:s23] =	ssyncadd.s32 $0xFFFFC000  }
0xbd: {  	[spmem:s1] =	stream.indirect.scatter.add.f32 [tilespmem:s21], [sflag:$0x4], $0x80, s31, s20, $0xb8;
	[tilespmem:$0x1E800] =	vst v63  }
0xbe: {  	_ =	swait.ge [sflag:s25], $0x4000  }
0xbf: {  	[sflag:s25] =	ssyncset.done $0x0  }
0xc0: {  	[sflag:s25] =	ssyncadd.s32 $0xFFFFC000  }
0xc1: {  	s3 =	stileid.u32;
	_ =	swait.ge [sflag:s28], $0x4000  }
0xc2: {  	s7 =	sshrl.u32 s6, $0x3;
	s0 =	sadd.s32 $0x1, s0;
	[sflag:s28] =	ssyncset.done $0x0  }
0xc3: {  	s3 =	sshll.u32 s3, $0x6;
	p0 =	sne.s32 s0, s15;
	[sflag:s28] =	ssyncadd.s32 $0xFFFFC000  }
.Ltmp2:
0xc4: {  	s3 =	sor.u32 $0x1C05, s3;
	[bflag:$0x0] =	sbarrier.arrive $0xFFFF;
	(pc) =	sbr.rel @p0 .LBB2_1-.Ltmp2, $4  }
0xc5: {  	[hbm:s16], [sflag:s3] =	dma.local [spmem:s7], $0x2800  }
0xc6: {  	_ =	swait.ge [sflag:s18], $0x2800  }
0xc7: {  	[sflag:s18] =	ssyncset.done $0x0  }
0xc8: {  	[sflag:s18] =	ssyncadd.s32 $0xFFFFD800  }
0xc9: {  	_ =	sfence.sel $0x180000  }
0xca: {  	[bflag:$0x0] =	sbarrier.arrive $0xFFFF  }
0xcb: {  	_ =	strace $0x9000004D  }
0xcc: {  	s0 =	stileid.u32;
	[bflag:$0x2] =	sbarrier.arrive $0xFFFF  }
0xcd: {  	p0 =	sne.s32 s0, $0x0;
	s0 =	rddreg [dreg:$0x3]  }
0xce: {  	s0 =	sadd.s32 @!p0 $0x100000, s0  }
0xcf: {  	[sflag:s0] =	ssyncadd.tile.s32 @!p0 $0x1;
	_ =	shalt  }
.Lfunc_end2:
_tile_overlayer_lowered:
.L_overlay_start_2:
0xd0: {  	(tag) =	ssettag $0x2  }
0xd1: {  	s0 =	rddreg [dreg:$0x0];
	s2 =	stileid.u32  }
0xd2: {  	s1 =	rddreg [dreg:$0x1];
	p0 =	sne.s32 s2, $0x0  }
0xd3: {  	s3 =	rddreg [dreg:$0x2];
	[bflag:$0x3] =	sbarrier.arrive $0xFFFF;
	s2 =	simm.s32 @!p0 $0x1C05  }
0xd4: {  	[timem:s3], [sflag:s2] =	dma.local @!p0 [hbm:s0], s1  }
0xd5: {  	s0 =	simm.s32 @!p0 $0x5  }
0xd6: {  	_ =	swait.ge @!p0 [sflag:s0], s1  }
0xd7: {  	s1 =	ssub.s32 @!p0 $0x0, s1;
	[sflag:s0] =	ssyncset.done @!p0 $0x0  }
0xd8: {  	[sflag:s0] =	ssyncadd.s32 @!p0 s1  }
0xd9: {  	[bflag:$0x3] =	sbarrier.arrive $0xFFFF  }
0xda: {  	_ =	shalt  }

// kernel: kernel.26.cloned.1.call-start
scs
__scs_entry_jumppad:
0x0: {  	(pc) =	sbr.rel $0x88, $3  }
0x1: {  	(tag) =	ssettag $0x0;
	lr =	simm.s32 $0x1  }
0x2: {  	[smem:$0x3F8E] =	sst lr;
	_ =	strace $0xD0000000  }
0x3: {  	_ = 	snop  }
0x4: {  	_ = 	snop  }
0x5: {  	_ = 	snop  }
0x6: {  	_ = 	snop  }
0x7: {  	_ = 	snop  }
__scs_overlays_trampoline_lowered:
0x8: {  	[smem:$0x3F9D] =	sst s0  }
0x9: {  	[smem:$0x3F9E] =	sst s1  }
0xa: {  	[smem:$0x3F9F] =	sst s2  }
0xb: {  	[smem:$0x3FA0] =	sst s3  }
0xc: {  	[smem:$0x3FA1] =	sst s4  }
0xd: {  	[smem:$0x3FA2] =	sst s5  }
0xe: {  	[smem:$0x3FA3] =	sst s6  }
0xf: {  	[smem:$0x3FA4] =	sst s7  }
0x10: {  	[smem:$0x3FA5] =	sst s8  }
0x11: {  	[smem:$0x3FA6] =	sst s9;
	s0 =	simm.s32 @!p0 $0x0  }
0x12: {  	s1 =	sld [smem:$0x3F8C];
	s0 =	simm.s32 @p0 $0x1  }
0x13: {  	[smem:$0x3FA7] =	sst s0;
	s0 =	simm.s32 @!p1 $0x0  }
0x14: {  	s2 =	sld [smem:$0x3F8B];
	s0 =	simm.s32 @p1 $0x1  }
0x15: {  	[smem:$0x3FA8] =	sst s0;
	s0 =	simm.s32 @!p2 $0x0  }
0x16: {  	s3 =	sld [smem:$0x3FDB];
	s0 =	simm.s32 @p2 $0x1  }
0x17: {  	s4 =	simm.s32 $0x1BF5;
	[smem:$0x3FAA] =	sst s0  }
0x18: {  	s0 =	sld [smem:$0x3F8D];
	_ =	swait.ge [sflag:s4], $0x0  }
0x19: {  	s7 =	sld [smem:$0x3F8E]  }
0x1a: {  	s8 =	sadd.s32 $0xFFFFE003, lr  }
0x1b: {  	s9 =	sadd.s32 $0xFFFFFEF7, lr;
	s5 =	simm.s32 $0xFFFFFFFF;
	p2 =	slt.u32 s8, $0xFFFFF086  }
0x1c: {  	p1 =	slt.u32 s9, $0xF7A;
	s5 =	simm.s32 @!p2 $0x0  }
0x1d: {  	s5 =	simm.s32 @p1 $0x1;
	p0 =	seq.s32 s7, s2  }
0x1e: {  	s7 =	smul.u32 @!p0 $0xF7A, s2;
	p2 =	seq.s32 @!p0 s5, $0x0  }
0x1f: {  	s9 =	smul.u32 $0xF7A, s1;
	s8 =	simm.s32 @!p0 $0x1BF5;
	p2 =	por !p2, p0  }
0x20: {  	[sflag:s8] =	ssyncset.s32 @!p0 $0xFFFFF086;
	s6 =	sadd.s32 @!p0 s3, s7;
	s7 =	simm.s32 @!p0 $0x108  }
0x21: {  	s3 =	sadd.s32 s3, s9;
	s6 =	sadd.s32 @!p0 $0x88, s6;
	s7 =	simm.s32 @p2 $0x1082  }
0x22: {  	[simem:s7], [sflag:s8] =	dma.local @!p0 [hbm:s6], $0xF7A  }
0x23: {  	s9 =	sor.u32 $0xD0000000, s2;
	s6 =	simm.s32 $0x108;
	_ =	swait.ge @!p0 [sflag:s8], $0x0  }
0x24: {  	s3 =	sadd.s32 $0x88, s3;
	s6 =	simm.s32 @!p1 $0x1082;
	[sflag:s4] =	ssyncset.s32 $0xFFFFF086  }
0x25: {  	[simem:s6], [sflag:s4] =	dma.local [hbm:s3], $0xF7A  }
0x26: {  	[smem:$0x3F8E] =	sst s1;
	(tag) =	ssettag s2;
	_ =	strace s9  }
0x27: {  	s1 =	sld [smem:$0x3F9E]  }
0x28: {  	s2 =	sld [smem:$0x3F9F]  }
0x29: {  	s4 =	sld [smem:$0x3FA1]  }
0x2a: {  	p0 =	seq.s32 s5, $0x0;
	s5 =	sld [smem:$0x3FA2]  }
0x2b: {  	s6 =	sld [smem:$0x3FA3]  }
0x2c: {  	s7 =	sld [smem:$0x3FA4]  }
0x2d: {  	s3 =	simm.s32 $0x108;
	s8 =	sld [smem:$0x3FA5]  }
0x2e: {  	s3 =	simm.s32 @!p0 $0x1082;
	s9 =	sld [smem:$0x3FA6]  }
0x2f: {  	lr =	sadd.s32 s0, s3;
	s0 =	sld [smem:$0x3F9D]  }
0x30: {  	s3 =	sld [smem:$0x3FA0]  }
0x31: {  	[smem:$0x3FA9] =	sst s10  }
0x32: {  	s10 =	sld [smem:$0x3FA7];
	_ =	sdelay $0x3  }
0x33: {  	p0 =	seq.s32 s10, $0x1;
	s10 =	sld [smem:$0x3FA9];
	_ =	sdelay $0x3  }
0x34: {  	[smem:$0x3FA9] =	sst s10  }
0x35: {  	s10 =	sld [smem:$0x3FA8];
	_ =	sdelay $0x3  }
0x36: {  	p1 =	seq.s32 s10, $0x1;
	s10 =	sld [smem:$0x3FA9];
	_ =	sdelay $0x3  }
0x37: {  	[smem:$0x3FA9] =	sst s10  }
0x38: {  	s10 =	sld [smem:$0x3FAA]  }
0x39: {  	_ = 	snop;
	(pc) =	sbr.ind lr, $3  }
0x3a: {  	_ = 	snop  }
0x3b: {  	_ = 	snop  }
0x3c: {  	p2 =	seq.s32 s10, $0x1;
	s10 =	sld [smem:$0x3FA9]  }
0x3d: {  	_ =	shalt  }
0x3e: {  	_ =	shalt  }
0x3f: {  	_ =	shalt  }
0x40: {  	_ =	shalt  }
0x41: {  	_ =	shalt  }
0x42: {  	_ =	shalt  }
0x43: {  	_ =	shalt  }
0x44: {  	_ =	shalt  }
0x45: {  	_ =	shalt  }
0x46: {  	_ =	shalt  }
0x47: {  	_ =	shalt  }
0x48: {  	_ =	shalt  }
0x49: {  	_ =	shalt  }
0x4a: {  	_ =	shalt  }
0x4b: {  	_ =	shalt  }
0x4c: {  	_ =	shalt  }
0x4d: {  	_ =	shalt  }
0x4e: {  	_ =	shalt  }
0x4f: {  	_ =	shalt  }
0x50: {  	_ =	shalt  }
0x51: {  	_ =	shalt  }
0x52: {  	_ =	shalt  }
0x53: {  	_ =	shalt  }
0x54: {  	_ =	shalt  }
0x55: {  	_ =	shalt  }
0x56: {  	_ =	shalt  }
0x57: {  	_ =	shalt  }
0x58: {  	_ =	shalt  }
0x59: {  	_ =	shalt  }
0x5a: {  	_ =	shalt  }
0x5b: {  	_ =	shalt  }
0x5c: {  	_ =	shalt  }
0x5d: {  	_ =	shalt  }
0x5e: {  	_ =	shalt  }
0x5f: {  	_ =	shalt  }
0x60: {  	_ =	shalt  }
0x61: {  	_ =	shalt  }
0x62: {  	_ =	shalt  }
0x63: {  	_ =	shalt  }
0x64: {  	_ =	shalt  }
0x65: {  	_ =	shalt  }
0x66: {  	_ =	shalt  }
0x67: {  	_ =	shalt  }
0x68: {  	_ =	shalt  }
0x69: {  	_ =	shalt  }
0x6a: {  	_ =	shalt  }
0x6b: {  	_ =	shalt  }
0x6c: {  	_ =	shalt  }
0x6d: {  	_ =	shalt  }
0x6e: {  	_ =	shalt  }
0x6f: {  	_ =	shalt  }
0x70: {  	_ =	shalt  }
0x71: {  	_ =	shalt  }
0x72: {  	_ =	shalt  }
0x73: {  	_ =	shalt  }
0x74: {  	_ =	shalt  }
0x75: {  	_ =	shalt  }
0x76: {  	_ =	shalt  }
0x77: {  	_ =	shalt  }
0x78: {  	_ =	shalt  }
0x79: {  	_ =	shalt  }
0x7a: {  	_ =	shalt  }
0x7b: {  	_ =	shalt  }
0x7c: {  	_ =	shalt  }
0x7d: {  	_ =	shalt  }
0x7e: {  	_ =	shalt  }
0x7f: {  	_ =	shalt  }
0x80: {  	_ =	shalt  }
0x81: {  	_ =	shalt  }
0x82: {  	_ =	shalt  }
0x83: {  	_ =	shalt  }
0x84: {  	_ =	shalt  }
0x85: {  	_ =	shalt  }
0x86: {  	_ =	shalt  }
0x87: {  	_ =	shalt  }
.Lfunc_end0:
.L_simem_size_0:
called_computation.3_lowered:
.L_overlay_start_0:
0x88: {  	s2 =	sld [smem:$0x3FD9]  }
0x89: {  	s3 =	sld [smem:$0x3FFE];
	_ =	sdelay $0x1  }
0x8a: {  	s1 =	srdreg.scid  }
0x8b: {  	s0 =	sand.u32 $0x1, s1  }
0x8c: {  	s17 =	sshll.u32 s0, $0xA;
	s2 =	sadd.s32 s3, s2  }
0x8d: {  	s2 =	sadd.s32 s2, s17  }
0x8e: {  	[smem:$0x3FB5] =	sst s2  }
0x8f: {  	_ = 	snop  }
0x90: {  	s2 =	sld [smem:$0x3FD0];
	(tm) =	ssettm $0x1  }
0x91: {  	s18 =	sld [smem:$0x3FFB];
	_ =	sdelay $0x3  }
0x92: {  	_ =	strace s18  }
0x93: {  	s3 =	sld [smem:$0x3FFC];
	_ =	sdelay $0x3  }
0x94: {  	_ =	strace s3  }
0x95: {  	s3 =	sld [smem:$0x3FFD];
	_ =	sdelay $0x3  }
0x96: {  	_ =	strace s3  }
0x97: {  	_ =	strace $0x8FFFFFFF  }
0x98: {  	s19 =	sld [smem:$0x3FDB];
	_ =	sdelay $0x1  }
0x99: {  	s4 =	simm.s32 $_scs_section_size  }
0x9a: {  	s5 =	simm.s32 $_size__tile_overlayer_lowered;
	s6 =	simm.s32 $_tile_overlayer_lowered  }
0x9b: {  	s22 =	simm.s32 $0x1BFF;
	s21 =	sshll.u32 s6, $0x1;
	s3 =	sadd.s32 s4, s19  }
0x9c: {  	s7 =	simm.s32 $0x0;
	s20 =	sshll.u32 s5, $0x1;
	s5 =	sadd.s32 s21, s3  }
0x9d: {  	[timem:s7], [sflag:s22] =	dma.local [hbm:s5], s20  }
0x9e: {  	_ =	swait.ge [sflag:s22], s20  }
0x9f: {  	s4 =	ssub.s32 $0x0, s20;
	[sflag:s22] =	ssyncset.done $0x0  }
0xa0: {  	[sflag:s22] =	ssyncadd.s32 s4;
	_ =	sdelay $0x1  }
0xa1: {  	s23 =	simm.s32 $0x1B8B  }
0xa2: {  	_ =	swait.ge [sflag:s23], $0x1  }
0xa3: {  	[sflag:s23] =	ssyncset.done $0x0  }
0xa4: {  	s25 =	simm.s32 $0x1B8E;
	s24 =	sld [smem:$0x3FFE];
	[sflag:s23] =	ssyncadd.s32 $0xFFFFFFFF  }
0xa5: {  	s26 =	simm.s32 $execute0_lowered;
	[smem:$0x3FD2] =	sst s25  }
0xa6: {  	s5 =	sshll.u32 s26, $0x1;
	_ =	strace $0x8000004F;
	[dreg:$0x1] =	wrdreg $0xFFFFFFFF  }
0xa7: {  	s28 =	simm.s32 $_size_execute0_lowered;
	s3 =	sadd.s32 s3, s5;
	[dreg:$0x0] =	wrdreg $0x0  }
0xa8: {  	s5 =	sshll.u32 s28, $0x1;
	[dreg:$0x2] =	wrdreg s3  }
0xa9: {  	[dreg:$0x3] =	wrdreg s5  }
0xaa: {  	[dreg:$0x4] =	wrdreg $0xC0  }
0xab: {  	_ =	task [dreg:s7], $0x5FFFF  }
0xac: {  	[dreg:$0x1] =	wrdreg $0xFFFFFFFF  }
0xad: {  	[dreg:$0x0] =	wrdreg $0x60  }
0xae: {  	[dreg:$0x2] =	wrdreg s24  }
0xaf: {  	[dreg:$0x3] =	wrdreg s2  }
0xb0: {  	[dreg:$0x4] =	wrdreg $0xA8000  }
0xb1: {  	[dreg:$0x5] =	wrdreg $0xA  }
0xb2: {  	_ =	task.clear_ibuf [dreg:s7], $0x6FFFF;
	_ =	strace $0x9000004F  }
0xb3: {  	s29 =	simm.s32 $0xA;
	_ =	strace $0x80000051  }
0xb4: {  	_ =	swait.ge [sflag:s29], $0x1  }
0xb5: {  	[sflag:s29] =	ssyncadd.s32 $0xFFFFFFFF  }
0xb6: {  	_ =	strace $0x90000051  }
0xb7: {  	_ =	sfence  }
0xb8: {  	s30 =	sld [smem:$0x0];
	_ =	sdelay $0x2  }
0xb9: {  	s31 =	sshll.u32 s1, $0xD;
	s1 =	sshrl.u32 s1, $0x2  }
0xba: {  	s3 =	sand.u32 $0x4000, s31;
	s1 =	sadd.s32 s1, s30  }
0xbb: {  	s0 =	sor.u32 s3, s0;
	s1 =	sshll.u32 s1, $0x11  }
0xbc: {  	s0 =	sor.u32 s1, s0  }
0xbd: {  	s0 =	sadd.s32 $0x8F2B, s0  }
0xbe: {  	[sflag:s0] =	ssyncadd.remote.s32 $0x1  }
0xbf: {  	_ =	sfence.sel $0xFFFF  }
0xc0: {  	[dreg:$0x0] =	wrdreg $0xFFFFFFFF;
	(pc) =	sbr.abs _section_cstart, $3  }
0xc1: {  	[dreg:$0x1] =	wrdreg $0xFFFFFFFF  }
0xc2: {  	_ =	task.clear_ibuf [dreg:s7], $0x2FFFF;
	_ =	strace $0x9FFFFFFF  }
0xc3: {  	(tm) =	ssettm $0x7FFFFFFF  }
tec
execute0_lowered:
.L_overlay_start_1:
0x0: {  	(tag) =	ssettag $0x1  }
0x1: {  	s0 =	rddreg [dreg:$0x0]  }
0x2: {  	s3 =	rddreg [dreg:$0x1]  }
0x3: {  	s1 =	rddreg [dreg:$0x2]  }
0x4: {  	s2 =	simm.s32 $0x0;
	s6 =	srdreg.scid;
	s16 =	stileid.u32  }
0x5: {  	s19 =	simm.s32 $0x1400;
	s20 =	simm.s32 $0x80;
	s21 =	simm.s32 $0x6800  }
0x6: {  	s22 =	simm.s32 $0x1;
	s23 =	simm.s32 $0x2;
	s28 =	simm.s32 $0x4  }
0x7: {  	s29 =	simm.s32 $0x2700;
	s30 =	simm.s32 $0x1380;
	s31 =	simm.s32 $0x2780  }
0x8: {  	[smem:$0x7FF] =	sst s2;
	s4 =	sadd.s32 $0x6B600, s0;
	s5 =	sadd.s32 $0x7600, s0  }
0x9: {  	s14 =	sadd.s32 $0x11600, s0;
	s12 =	sand.u32 $0x1, s6;
	s24 =	smul.u32 $0x50000, s16  }
0xa: {  	s0 =	sadd.s32 $0x93600, s0;
	s13 =	smul.u32 $0x14000, s16;
	_ =	strace $0x80000050  }
0xb: {  	[dreg:$0x4] =	wrdreg s0;
	s25 =	ssub.s32 $0x2, s12;
	s7 =	sshll.u32 s12, $0x4  }
0xc: {  	p0 =	seq.s32 s12, $0x1;
	s8 =	sshrl.u32 s25, $0x1;
	s7 =	sor.u32 s16, s7  }
0xd: {  	s6 =	sshrl.u32 s24, $0x2;
	s16 =	smul.u32 $0x2800, s16;
	s13 =	sshrl.u32 s13, $0x3  }
0xe: {  	s24 =	simm.s32 $0x1480;
	s0 =	ssub.s32 s25, s8;
	s6 =	sadd.s32 s6, s1  }
0xf: {  	s11 =	smul.u32 $0x2800, s7;
	s18 =	sadd.s32 $0x28000, s13;
	s25 =	simm.s32 $0x3  }
0x10: {  	s26 =	sadd.s32 $0x4000, s6;
	s8 =	sadd.s32 $0x8000, s6;
	s9 =	sadd.s32 $0xC000, s6  }
0x11: {  	s10 =	sadd.s32 $0x10000, s6;
	s16 =	smov.u32 @p0 s18;
	s18 =	simm.s32 $0x5  }
0x12: {  	[dreg:$0x5] =	wrdreg s26;
	s15 =	sshrl.u32 s11, $0x3;
	s16 =	sadd.s32 s3, s16  }
0x13: {  	s26 =	simm.s32 $0x100;
	s11 =	sadd.s32 s5, s15;
	s17 =	sadd.s32 $0x280, s15  }
0x14: {  	s12 =	sadd.s32 s14, s15;
	s15 =	smax.u32 s0, $0x1;
	s0 =	simm.s32 $0x0  }
0x15: {  	s13 =	sadd.s32 s5, s17;
	s14 =	sadd.s32 s14, s17;
	s17 =	simm.s32 $0x2800  }
.LBB2_1:
0x16: {  	s3 =	rddreg [dreg:$0x4]  }
0x17: {  	[tilespmem:s17], [sflag:$0x5] =	stream.linear.gather [hbm4b:s3+s2], $0x4000, $0x38;
	[tilespmem:$0x1E800] =	vst v63  }
0x18: {  	_ =	swait.ge [sflag:s18], $0x4000  }
0x19: {  	[sflag:s18] =	ssyncset.done $0x0  }
0x1a: {  	[sflag:s18] =	ssyncadd.s32 $0xFFFFC000  }
0x1b: {  	[spmem:s6] =	stream.linear.scatter [tilespmem:s17], [sflag:$0x5], $0x4000, $0x38;
	[tilespmem:$0x1E800] =	vst v63  }
0x1c: {  	_ =	swait.ge [sflag:s18], $0x4000  }
0x1d: {  	[sflag:s18] =	ssyncset.done $0x0  }
0x1e: {  	s5 =	rddreg [dreg:$0x5];
	[sflag:s18] =	ssyncadd.s32 $0xFFFFC000  }
0x1f: {  	[spmem:s5] =	stream.linear.scatter [tilespmem:s17], [sflag:$0x5], $0x4000, $0x38;
	[tilespmem:$0x1E800] =	vst v63  }
0x20: {  	_ =	swait.ge [sflag:s18], $0x4000  }
0x21: {  	[sflag:s18] =	ssyncset.done $0x0  }
0x22: {  	[sflag:s18] =	ssyncadd.s32 $0xFFFFC000  }
0x23: {  	[spmem:s8] =	stream.linear.scatter [tilespmem:s17], [sflag:$0x5], $0x4000, $0x38;
	[tilespmem:$0x1E800] =	vst v63  }
0x24: {  	_ =	swait.ge [sflag:s18], $0x4000  }
0x25: {  	[sflag:s18] =	ssyncset.done $0x0  }
0x26: {  	[sflag:s18] =	ssyncadd.s32 $0xFFFFC000  }
0x27: {  	[spmem:s9] =	stream.linear.scatter [tilespmem:s17], [sflag:$0x5], $0x4000, $0x38;
	[tilespmem:$0x1E800] =	vst v63  }
0x28: {  	_ =	swait.ge [sflag:s18], $0x4000  }
0x29: {  	[sflag:s18] =	ssyncset.done $0x0  }
0x2a: {  	[sflag:s18] =	ssyncadd.s32 $0xFFFFC000  }
0x2b: {  	[spmem:s10] =	stream.linear.scatter [tilespmem:s17], [sflag:$0x5], $0x4000, $0x38;
	[tilespmem:$0x1E800] =	vst v63  }
0x2c: {  	_ =	swait.ge [sflag:s18], $0x4000  }
0x2d: {  	[sflag:s18] =	ssyncset.done $0x0  }
0x2e: {  	[sflag:s18] =	ssyncadd.s32 $0xFFFFC000  }
0x2f: {  	[bflag:$0x0] =	sbarrier.arrive $0xFFFF  }
0x30: {  	[tilespmem:s2], [sflag:$0x5] =	stream.linear.gather [hbm4b:s11+s2], $0x1400, $0x38;
	[tilespmem:$0x1E800] =	vst v63  }
0x31: {  	_ =	swait.ge [sflag:s18], $0x1400  }
0x32: {  	[sflag:s18] =	ssyncset.done $0x0  }
0x33: {  	[sflag:s18] =	ssyncadd.s32 $0xFFFFEC00  }
0x34: {  	[tilespmem:s19], [sflag:$0x5] =	stream.linear.gather [hbm4b:s12+s2], $0x1400, $0x38;
	[tilespmem:$0x1E800] =	vst v63  }
0x35: {  	_ =	swait.ge [sflag:s18], $0x1400  }
0x36: {  	[sflag:s18] =	ssyncset.done $0x0  }
0x37: {  	[sflag:s18] =	ssyncadd.s32 $0xFFFFEC00  }
0x38: {  	[tilespmem:s17], [sflag:$0x1] =	stream.indirect.gather [hbm4b:s4+s20], $0x80, s2, s20, $0xb8;
	[tilespmem:$0x1E800] =	vst v63  }
0x39: {  	_ = 	snop  }
0x3a: {  	[tilespmem:s21], [sflag:$0x2] =	stream.indirect.gather [hbm4b:s4+s20], $0x80, s20, s20, $0xb8;
	[tilespmem:$0x1E800] =	vst v63  }
0x3b: {  	_ =	swait.ge [sflag:s22], $0x4000  }
0x3c: {  	[sflag:s22] =	ssyncset.done $0x0  }
0x3d: {  	[sflag:s22] =	ssyncadd.s32 $0xFFFFC000  }
0x3e: {  	[spmem:s1] =	stream.indirect.scatter.add.f32 [tilespmem:s17], [sflag:$0x3], $0x80, s19, s20, $0xb8;
	[tilespmem:$0x1E800] =	vst v63  }
0x3f: {  	_ =	swait.ge [sflag:s23], $0x4000  }
0x40: {  	[sflag:s23] =	ssyncset.done $0x0  }
0x41: {  	[sflag:s23] =	ssyncadd.s32 $0xFFFFC000  }
0x42: {  	[spmem:s1] =	stream.indirect.scatter.add.f32 [tilespmem:s21], [sflag:$0x4], $0x80, s24, s20, $0xb8;
	[tilespmem:$0x1E800] =	vst v63  }
0x43: {  	_ =	swait.ge [sflag:s25], $0x4000  }
0x44: {  	[sflag:s25] =	ssyncset.done $0x0  }
0x45: {  	[sflag:s25] =	ssyncadd.s32 $0xFFFFC000  }
0x46: {  	[tilespmem:s17], [sflag:$0x1] =	stream.indirect.gather [hbm4b:s4+s20], $0x80, s26, s20, $0xb8;
	[tilespmem:$0x1E800] =	vst v63  }
0x47: {  	_ =	swait.ge [sflag:s22], $0x4000  }
0x48: {  	[sflag:s22] =	ssyncset.done $0x0  }
0x49: {  	s7 =	simm.s32 $0x1500;
	[sflag:s22] =	ssyncadd.s32 $0xFFFFC000  }
0x4a: {  	[spmem:s1] =	stream.indirect.scatter.add.f32 [tilespmem:s17], [sflag:$0x3], $0x80, s7, s20, $0xb8;
	[tilespmem:$0x1E800] =	vst v63  }
0x4b: {  	_ =	swait.ge [sflag:s28], $0x4000  }
0x4c: {  	[sflag:s28] =	ssyncset.done $0x0  }
0x4d: {  	s5 =	simm.s32 $0x180;
	[sflag:s28] =	ssyncadd.s32 $0xFFFFC000  }
0x4e: {  	[tilespmem:s21], [sflag:$0x2] =	stream.indirect.gather [hbm4b:s4+s20], $0x80, s5, s20, $0xb8;
	[tilespmem:$0x1E800] =	vst v63  }
0x4f: {  	_ =	swait.ge [sflag:s23], $0x4000  }
0x50: {  	[sflag:s23] =	ssyncset.done $0x0  }
0x51: {  	s7 =	simm.s32 $0x1580;
	[sflag:s23] =	ssyncadd.s32 $0xFFFFC000  }
0x52: {  	[spmem:s1] =	stream.indirect.scatter.add.f32 [tilespmem:s21], [sflag:$0x4], $0x80, s7, s20, $0xb8;
	[tilespmem:$0x1E800] =	vst v63  }
0x53: {  	_ =	swait.ge [sflag:s25], $0x4000  }
0x54: {  	[sflag:s25] =	ssyncset.done $0x0  }
0x55: {  	s3 =	simm.s32 $0xFFFFBC00;
	s5 =	simm.s32 $0x200;
	[sflag:s25] =	ssyncadd.s32 $0xFFFFC000  }
.LBB2_2:
0x56: {  	[tilespmem:s17], [sflag:$0x1] =	stream.indirect.gather [hbm4b:s4+s20], $0x80, s5, s20, $0xb8;
	[tilespmem:$0x1E800] =	vst v63  }
0x57: {  	s5 =	smov.u32 s3  }
0x58: {  	p0 =	sne.s32 s3, $0xFFFFFC00;
	s3 =	sadd.s32 $0x400, s3;
	_ =	swait.ge [sflag:s22], $0x4000  }
0x59: {  	s5 =	sshra.s32 s5, $0x2;
	[sflag:s22] =	ssyncset.done $0x0  }
0x5a: {  	s7 =	sadd.s32 $0x2700, s5;
	[sflag:s22] =	ssyncadd.s32 $0xFFFFC000  }
0x5b: {  	[spmem:s1] =	stream.indirect.scatter.add.f32 [tilespmem:s17], [sflag:$0x3], $0x80, s7, s20, $0xb8;
	[tilespmem:$0x1E800] =	vst v63  }
0x5c: {  	_ =	swait.ge [sflag:s28], $0x4000  }
0x5d: {  	[sflag:s28] =	ssyncset.done $0x0  }
0x5e: {  	s7 =	sadd.s32 $0x1380, s5;
	[sflag:s28] =	ssyncadd.s32 $0xFFFFC000  }
0x5f: {  	[tilespmem:s21], [sflag:$0x2] =	stream.indirect.gather [hbm4b:s4+s20], $0x80, s7, s20, $0xb8;
	[tilespmem:$0x1E800] =	vst v63  }
0x60: {  	_ =	swait.ge [sflag:s23], $0x4000  }
0x61: {  	[sflag:s23] =	ssyncset.done $0x0  }
.Ltmp0:
0x62: {  	s7 =	sadd.s32 $0x2780, s5;
	[sflag:s23] =	ssyncadd.s32 $0xFFFFC000;
	(pc) =	sbr.rel @p0 .LBB2_2-.Ltmp0, $4  }
0x63: {  	[spmem:s1] =	stream.indirect.scatter.add.f32 [tilespmem:s21], [sflag:$0x4], $0x80, s7, s20, $0xb8;
	[tilespmem:$0x1E800] =	vst v63  }
0x64: {  	_ =	swait.ge [sflag:s25], $0x4000  }
0x65: {  	[sflag:s25] =	ssyncset.done $0x0  }
0x66: {  	s5 =	sadd.s32 $0x1400, s5;
	[sflag:s25] =	ssyncadd.s32 $0xFFFFC000  }
0x67: {  	[tilespmem:s17], [sflag:$0x1] =	stream.indirect.gather [hbm4b:s4+s20], $0x80, s5, s20, $0xb8;
	[tilespmem:$0x1E800] =	vst v63  }
0x68: {  	_ =	swait.ge [sflag:s22], $0x4000  }
0x69: {  	[sflag:s22] =	ssyncset.done $0x0  }
0x6a: {  	[sflag:s22] =	ssyncadd.s32 $0xFFFFC000  }
0x6b: {  	[spmem:s1] =	stream.indirect.scatter.add.f32 [tilespmem:s17], [sflag:$0x3], $0x80, s29, s20, $0xb8;
	[tilespmem:$0x1E800] =	vst v63  }
0x6c: {  	_ =	swait.ge [sflag:s28], $0x4000  }
0x6d: {  	[sflag:s28] =	ssyncset.done $0x0  }
0x6e: {  	[sflag:s28] =	ssyncadd.s32 $0xFFFFC000  }
0x6f: {  	[tilespmem:s21], [sflag:$0x2] =	stream.indirect.gather [hbm4b:s4+s20], $0x80, s30, s20, $0xb8;
	[tilespmem:$0x1E800] =	vst v63  }
0x70: {  	_ =	swait.ge [sflag:s23], $0x4000  }
0x71: {  	[sflag:s23] =	ssyncset.done $0x0  }
0x72: {  	[sflag:s23] =	ssyncadd.s32 $0xFFFFC000  }
0x73: {  	[spmem:s1] =	stream.indirect.scatter.add.f32 [tilespmem:s21], [sflag:$0x4], $0x80, s31, s20, $0xb8;
	[tilespmem:$0x1E800] =	vst v63  }
0x74: {  	_ =	swait.ge [sflag:s25], $0x4000  }
0x75: {  	[sflag:s25] =	ssyncset.done $0x0  }
0x76: {  	[sflag:s25] =	ssyncadd.s32 $0xFFFFC000  }
0x77: {  	_ =	swait.ge [sflag:s28], $0x4000  }
0x78: {  	[sflag:s28] =	ssyncset.done $0x0  }
0x79: {  	[sflag:s28] =	ssyncadd.s32 $0xFFFFC000  }
0x7a: {  	[tilespmem:s2], [sflag:$0x5] =	stream.linear.gather [hbm4b:s13+s2], $0x1400, $0x38;
	[tilespmem:$0x1E800] =	vst v63  }
0x7b: {  	_ =	swait.ge [sflag:s18], $0x1400  }
0x7c: {  	[sflag:s18] =	ssyncset.done $0x0  }
0x7d: {  	[sflag:s18] =	ssyncadd.s32 $0xFFFFEC00  }
0x7e: {  	[tilespmem:s19], [sflag:$0x5] =	stream.linear.gather [hbm4b:s14+s2], $0x1400, $0x38;
	[tilespmem:$0x1E800] =	vst v63  }
0x7f: {  	_ =	swait.ge [sflag:s18], $0x1400  }
0x80: {  	[sflag:s18] =	ssyncset.done $0x0  }
0x81: {  	[sflag:s18] =	ssyncadd.s32 $0xFFFFEC00  }
0x82: {  	[tilespmem:s17], [sflag:$0x1] =	stream.indirect.gather [hbm4b:s4+s20], $0x80, s2, s20, $0xb8;
	[tilespmem:$0x1E800] =	vst v63  }
0x83: {  	_ = 	snop  }
0x84: {  	[tilespmem:s21], [sflag:$0x2] =	stream.indirect.gather [hbm4b:s4+s20], $0x80, s20, s20, $0xb8;
	[tilespmem:$0x1E800] =	vst v63  }
0x85: {  	_ =	swait.ge [sflag:s22], $0x4000  }
0x86: {  	[sflag:s22] =	ssyncset.done $0x0  }
0x87: {  	[sflag:s22] =	ssyncadd.s32 $0xFFFFC000  }
0x88: {  	[spmem:s1] =	stream.indirect.scatter.add.f32 [tilespmem:s17], [sflag:$0x3], $0x80, s19, s20, $0xb8;
	[tilespmem:$0x1E800] =	vst v63  }
0x89: {  	_ =	swait.ge [sflag:s23], $0x4000  }
0x8a: {  	[sflag:s23] =	ssyncset.done $0x0  }
0x8b: {  	[sflag:s23] =	ssyncadd.s32 $0xFFFFC000  }
0x8c: {  	[spmem:s1] =	stream.indirect.scatter.add.f32 [tilespmem:s21], [sflag:$0x4], $0x80, s24, s20, $0xb8;
	[tilespmem:$0x1E800] =	vst v63  }
0x8d: {  	_ =	swait.ge [sflag:s25], $0x4000  }
0x8e: {  	[sflag:s25] =	ssyncset.done $0x0  }
0x8f: {  	[sflag:s25] =	ssyncadd.s32 $0xFFFFC000  }
0x90: {  	[tilespmem:s17], [sflag:$0x1] =	stream.indirect.gather [hbm4b:s4+s20], $0x80, s26, s20, $0xb8;
	[tilespmem:$0x1E800] =	vst v63  }
0x91: {  	_ =	swait.ge [sflag:s22], $0x4000  }
0x92: {  	[sflag:s22] =	ssyncset.done $0x0  }
0x93: {  	s3 =	simm.s32 $0x1500;
	[sflag:s22] =	ssyncadd.s32 $0xFFFFC000  }
0x94: {  	[spmem:s1] =	stream.indirect.scatter.add.f32 [tilespmem:s17], [sflag:$0x3], $0x80, s3, s20, $0xb8;
	[tilespmem:$0x1E800] =	vst v63  }
0x95: {  	_ =	swait.ge [sflag:s28], $0x4000  }
0x96: {  	[sflag:s28] =	ssyncset.done $0x0  }
0x97: {  	s5 =	simm.s32 $0x180;
	[sflag:s28] =	ssyncadd.s32 $0xFFFFC000  }
0x98: {  	[tilespmem:s21], [sflag:$0x2] =	stream.indirect.gather [hbm4b:s4+s20], $0x80, s5, s20, $0xb8;
	[tilespmem:$0x1E800] =	vst v63  }
0x99: {  	_ =	swait.ge [sflag:s23], $0x4000  }
0x9a: {  	[sflag:s23] =	ssyncset.done $0x0  }
0x9b: {  	s7 =	simm.s32 $0x1580;
	[sflag:s23] =	ssyncadd.s32 $0xFFFFC000  }
0x9c: {  	[spmem:s1] =	stream.indirect.scatter.add.f32 [tilespmem:s21], [sflag:$0x4], $0x80, s7, s20, $0xb8;
	[tilespmem:$0x1E800] =	vst v63  }
0x9d: {  	_ =	swait.ge [sflag:s25], $0x4000  }
0x9e: {  	[sflag:s25] =	ssyncset.done $0x0  }
0x9f: {  	s3 =	simm.s32 $0xFFFFBC00;
	s5 =	simm.s32 $0x200;
	[sflag:s25] =	ssyncadd.s32 $0xFFFFC000  }
.LBB2_4:
0xa0: {  	[tilespmem:s17], [sflag:$0x1] =	stream.indirect.gather [hbm4b:s4+s20], $0x80, s5, s20, $0xb8;
	[tilespmem:$0x1E800] =	vst v63  }
0xa1: {  	s5 =	smov.u32 s3  }
0xa2: {  	p0 =	sne.s32 s3, $0xFFFFFC00;
	s3 =	sadd.s32 $0x400, s3;
	_ =	swait.ge [sflag:s22], $0x4000  }
0xa3: {  	s5 =	sshra.s32 s5, $0x2;
	[sflag:s22] =	ssyncset.done $0x0  }
0xa4: {  	s7 =	sadd.s32 $0x2700, s5;
	[sflag:s22] =	ssyncadd.s32 $0xFFFFC000  }
0xa5: {  	[spmem:s1] =	stream.indirect.scatter.add.f32 [tilespmem:s17], [sflag:$0x3], $0x80, s7, s20, $0xb8;
	[tilespmem:$0x1E800] =	vst v63  }
0xa6: {  	_ =	swait.ge [sflag:s28], $0x4000  }
0xa7: {  	[sflag:s28] =	ssyncset.done $0x0  }
0xa8: {  	s7 =	sadd.s32 $0x1380, s5;
	[sflag:s28] =	ssyncadd.s32 $0xFFFFC000  }
0xa9: {  	[tilespmem:s21], [sflag:$0x2] =	stream.indirect.gather [hbm4b:s4+s20], $0x80, s7, s20, $0xb8;
	[tilespmem:$0x1E800] =	vst v63  }
0xaa: {  	_ =	swait.ge [sflag:s23], $0x4000  }
0xab: {  	[sflag:s23] =	ssyncset.done $0x0  }
.Ltmp1:
0xac: {  	s7 =	sadd.s32 $0x2780, s5;
	[sflag:s23] =	ssyncadd.s32 $0xFFFFC000;
	(pc) =	sbr.rel @p0 .LBB2_4-.Ltmp1, $4  }
0xad: {  	[spmem:s1] =	stream.indirect.scatter.add.f32 [tilespmem:s21], [sflag:$0x4], $0x80, s7, s20, $0xb8;
	[tilespmem:$0x1E800] =	vst v63  }
0xae: {  	_ =	swait.ge [sflag:s25], $0x4000  }
0xaf: {  	[sflag:s25] =	ssyncset.done $0x0  }
0xb0: {  	s5 =	sadd.s32 $0x1400, s5;
	[sflag:s25] =	ssyncadd.s32 $0xFFFFC000  }
0xb1: {  	[tilespmem:s17], [sflag:$0x1] =	stream.indirect.gather [hbm4b:s4+s20], $0x80, s5, s20, $0xb8;
	[tilespmem:$0x1E800] =	vst v63  }
0xb2: {  	_ =	swait.ge [sflag:s22], $0x4000  }
0xb3: {  	[sflag:s22] =	ssyncset.done $0x0  }
0xb4: {  	[sflag:s22] =	ssyncadd.s32 $0xFFFFC000  }
0xb5: {  	[spmem:s1] =	stream.indirect.scatter.add.f32 [tilespmem:s17], [sflag:$0x3], $0x80, s29, s20, $0xb8;
	[tilespmem:$0x1E800] =	vst v63  }
0xb6: {  	_ =	swait.ge [sflag:s28], $0x4000  }
0xb7: {  	[sflag:s28] =	ssyncset.done $0x0  }
0xb8: {  	[sflag:s28] =	ssyncadd.s32 $0xFFFFC000  }
0xb9: {  	[tilespmem:s21], [sflag:$0x2] =	stream.indirect.gather [hbm4b:s4+s20], $0x80, s30, s20, $0xb8;
	[tilespmem:$0x1E800] =	vst v63  }
0xba: {  	_ =	swait.ge [sflag:s23], $0x4000  }
0xbb: {  	[sflag:s23] =	ssyncset.done $0x0  }
0xbc: {  	[sflag:s23] =	ssyncadd.s32 $0xFFFFC000  }
0xbd: {  	[spmem:s1] =	stream.indirect.scatter.add.f32 [tilespmem:s21], [sflag:$0x4], $0x80, s31, s20, $0xb8;
	[tilespmem:$0x1E800] =	vst v63  }
0xbe: {  	_ =	swait.ge [sflag:s25], $0x4000  }
0xbf: {  	[sflag:s25] =	ssyncset.done $0x0  }
0xc0: {  	[sflag:s25] =	ssyncadd.s32 $0xFFFFC000  }
0xc1: {  	s3 =	stileid.u32;
	_ =	swait.ge [sflag:s28], $0x4000  }
0xc2: {  	s7 =	sshrl.u32 s6, $0x3;
	s0 =	sadd.s32 $0x1, s0;
	[sflag:s28] =	ssyncset.done $0x0  }
0xc3: {  	s3 =	sshll.u32 s3, $0x6;
	p0 =	sne.s32 s0, s15;
	[sflag:s28] =	ssyncadd.s32 $0xFFFFC000  }
.Ltmp2:
0xc4: {  	s3 =	sor.u32 $0x1C05, s3;
	[bflag:$0x0] =	sbarrier.arrive $0xFFFF;
	(pc) =	sbr.rel @p0 .LBB2_1-.Ltmp2, $4  }
0xc5: {  	[hbm:s16], [sflag:s3] =	dma.local [spmem:s7], $0x2800  }
0xc6: {  	_ =	swait.ge [sflag:s18], $0x2800  }
0xc7: {  	[sflag:s18] =	ssyncset.done $0x0  }
0xc8: {  	[sflag:s18] =	ssyncadd.s32 $0xFFFFD800  }
0xc9: {  	_ =	sfence.sel $0x180000  }
0xca: {  	[bflag:$0x0] =	sbarrier.arrive $0xFFFF  }
0xcb: {  	_ =	strace $0x90000050  }
0xcc: {  	s0 =	stileid.u32;
	[bflag:$0x2] =	sbarrier.arrive $0xFFFF  }
0xcd: {  	p0 =	sne.s32 s0, $0x0;
	s0 =	rddreg [dreg:$0x3]  }
0xce: {  	s0 =	sadd.s32 @!p0 $0x100000, s0  }
0xcf: {  	[sflag:s0] =	ssyncadd.tile.s32 @!p0 $0x1;
	_ =	shalt  }
.Lfunc_end2:
_tile_overlayer_lowered:
.L_overlay_start_2:
0xd0: {  	(tag) =	ssettag $0x2  }
0xd1: {  	s0 =	rddreg [dreg:$0x0];
	s2 =	stileid.u32  }
0xd2: {  	s1 =	rddreg [dreg:$0x1];
	p0 =	sne.s32 s2, $0x0  }
0xd3: {  	s3 =	rddreg [dreg:$0x2];
	[bflag:$0x3] =	sbarrier.arrive $0xFFFF;
	s2 =	simm.s32 @!p0 $0x1C05  }
0xd4: {  	[timem:s3], [sflag:s2] =	dma.local @!p0 [hbm:s0], s1  }
0xd5: {  	s0 =	simm.s32 @!p0 $0x5  }
0xd6: {  	_ =	swait.ge @!p0 [sflag:s0], s1  }
0xd7: {  	s1 =	ssub.s32 @!p0 $0x0, s1;
	[sflag:s0] =	ssyncset.done @!p0 $0x0  }
0xd8: {  	[sflag:s0] =	ssyncadd.s32 @!p0 s1  }
0xd9: {  	[bflag:$0x3] =	sbarrier.arrive $0xFFFF  }
0xda: {  	_ =	shalt  }

// kernel: kernel.29.cloned.1.call-start
scs
__scs_entry_jumppad:
0x0: {  	(pc) =	sbr.rel $0x88, $3  }
0x1: {  	(tag) =	ssettag $0x0;
	lr =	simm.s32 $0x1  }
0x2: {  	[smem:$0x3F8E] =	sst lr;
	_ =	strace $0xD0000000  }
0x3: {  	_ = 	snop  }
0x4: {  	_ = 	snop  }
0x5: {  	_ = 	snop  }
0x6: {  	_ = 	snop  }
0x7: {  	_ = 	snop  }
__scs_overlays_trampoline_lowered:
0x8: {  	[smem:$0x3F9D] =	sst s0  }
0x9: {  	[smem:$0x3F9E] =	sst s1  }
0xa: {  	[smem:$0x3F9F] =	sst s2  }
0xb: {  	[smem:$0x3FA0] =	sst s3  }
0xc: {  	[smem:$0x3FA1] =	sst s4  }
0xd: {  	[smem:$0x3FA2] =	sst s5  }
0xe: {  	[smem:$0x3FA3] =	sst s6  }
0xf: {  	[smem:$0x3FA4] =	sst s7  }
0x10: {  	[smem:$0x3FA5] =	sst s8  }
0x11: {  	[smem:$0x3FA6] =	sst s9;
	s0 =	simm.s32 @!p0 $0x0  }
0x12: {  	s1 =	sld [smem:$0x3F8C];
	s0 =	simm.s32 @p0 $0x1  }
0x13: {  	[smem:$0x3FA7] =	sst s0;
	s0 =	simm.s32 @!p1 $0x0  }
0x14: {  	s2 =	sld [smem:$0x3F8B];
	s0 =	simm.s32 @p1 $0x1  }
0x15: {  	[smem:$0x3FA8] =	sst s0;
	s0 =	simm.s32 @!p2 $0x0  }
0x16: {  	s3 =	sld [smem:$0x3FDB];
	s0 =	simm.s32 @p2 $0x1  }
0x17: {  	s4 =	simm.s32 $0x1BF5;
	[smem:$0x3FAA] =	sst s0  }
0x18: {  	s0 =	sld [smem:$0x3F8D];
	_ =	swait.ge [sflag:s4], $0x0  }
0x19: {  	s7 =	sld [smem:$0x3F8E]  }
0x1a: {  	s8 =	sadd.s32 $0xFFFFE003, lr  }
0x1b: {  	s9 =	sadd.s32 $0xFFFFFEF7, lr;
	s5 =	simm.s32 $0xFFFFFFFF;
	p2 =	slt.u32 s8, $0xFFFFF086  }
0x1c: {  	p1 =	slt.u32 s9, $0xF7A;
	s5 =	simm.s32 @!p2 $0x0  }
0x1d: {  	s5 =	simm.s32 @p1 $0x1;
	p0 =	seq.s32 s7, s2  }
0x1e: {  	s7 =	smul.u32 @!p0 $0xF7A, s2;
	p2 =	seq.s32 @!p0 s5, $0x0  }
0x1f: {  	s9 =	smul.u32 $0xF7A, s1;
	s8 =	simm.s32 @!p0 $0x1BF5;
	p2 =	por !p2, p0  }
0x20: {  	[sflag:s8] =	ssyncset.s32 @!p0 $0xFFFFF086;
	s6 =	sadd.s32 @!p0 s3, s7;
	s7 =	simm.s32 @!p0 $0x108  }
0x21: {  	s3 =	sadd.s32 s3, s9;
	s6 =	sadd.s32 @!p0 $0x88, s6;
	s7 =	simm.s32 @p2 $0x1082  }
0x22: {  	[simem:s7], [sflag:s8] =	dma.local @!p0 [hbm:s6], $0xF7A  }
0x23: {  	s9 =	sor.u32 $0xD0000000, s2;
	s6 =	simm.s32 $0x108;
	_ =	swait.ge @!p0 [sflag:s8], $0x0  }
0x24: {  	s3 =	sadd.s32 $0x88, s3;
	s6 =	simm.s32 @!p1 $0x1082;
	[sflag:s4] =	ssyncset.s32 $0xFFFFF086  }
0x25: {  	[simem:s6], [sflag:s4] =	dma.local [hbm:s3], $0xF7A  }
0x26: {  	[smem:$0x3F8E] =	sst s1;
	(tag) =	ssettag s2;
	_ =	strace s9  }
0x27: {  	s1 =	sld [smem:$0x3F9E]  }
0x28: {  	s2 =	sld [smem:$0x3F9F]  }
0x29: {  	s4 =	sld [smem:$0x3FA1]  }
0x2a: {  	p0 =	seq.s32 s5, $0x0;
	s5 =	sld [smem:$0x3FA2]  }
0x2b: {  	s6 =	sld [smem:$0x3FA3]  }
0x2c: {  	s7 =	sld [smem:$0x3FA4]  }
0x2d: {  	s3 =	simm.s32 $0x108;
	s8 =	sld [smem:$0x3FA5]  }
0x2e: {  	s3 =	simm.s32 @!p0 $0x1082;
	s9 =	sld [smem:$0x3FA6]  }
0x2f: {  	lr =	sadd.s32 s0, s3;
	s0 =	sld [smem:$0x3F9D]  }
0x30: {  	s3 =	sld [smem:$0x3FA0]  }
0x31: {  	[smem:$0x3FA9] =	sst s10  }
0x32: {  	s10 =	sld [smem:$0x3FA7];
	_ =	sdelay $0x3  }
0x33: {  	p0 =	seq.s32 s10, $0x1;
	s10 =	sld [smem:$0x3FA9];
	_ =	sdelay $0x3  }
0x34: {  	[smem:$0x3FA9] =	sst s10  }
0x35: {  	s10 =	sld [smem:$0x3FA8];
	_ =	sdelay $0x3  }
0x36: {  	p1 =	seq.s32 s10, $0x1;
	s10 =	sld [smem:$0x3FA9];
	_ =	sdelay $0x3  }
0x37: {  	[smem:$0x3FA9] =	sst s10  }
0x38: {  	s10 =	sld [smem:$0x3FAA]  }
0x39: {  	_ = 	snop;
	(pc) =	sbr.ind lr, $3  }
0x3a: {  	_ = 	snop  }
0x3b: {  	_ = 	snop  }
0x3c: {  	p2 =	seq.s32 s10, $0x1;
	s10 =	sld [smem:$0x3FA9]  }
0x3d: {  	_ =	shalt  }
0x3e: {  	_ =	shalt  }
0x3f: {  	_ =	shalt  }
0x40: {  	_ =	shalt  }
0x41: {  	_ =	shalt  }
0x42: {  	_ =	shalt  }
0x43: {  	_ =	shalt  }
0x44: {  	_ =	shalt  }
0x45: {  	_ =	shalt  }
0x46: {  	_ =	shalt  }
0x47: {  	_ =	shalt  }
0x48: {  	_ =	shalt  }
0x49: {  	_ =	shalt  }
0x4a: {  	_ =	shalt  }
0x4b: {  	_ =	shalt  }
0x4c: {  	_ =	shalt  }
0x4d: {  	_ =	shalt  }
0x4e: {  	_ =	shalt  }
0x4f: {  	_ =	shalt  }
0x50: {  	_ =	shalt  }
0x51: {  	_ =	shalt  }
0x52: {  	_ =	shalt  }
0x53: {  	_ =	shalt  }
0x54: {  	_ =	shalt  }
0x55: {  	_ =	shalt  }
0x56: {  	_ =	shalt  }
0x57: {  	_ =	shalt  }
0x58: {  	_ =	shalt  }
0x59: {  	_ =	shalt  }
0x5a: {  	_ =	shalt  }
0x5b: {  	_ =	shalt  }
0x5c: {  	_ =	shalt  }
0x5d: {  	_ =	shalt  }
0x5e: {  	_ =	shalt  }
0x5f: {  	_ =	shalt  }
0x60: {  	_ =	shalt  }
0x61: {  	_ =	shalt  }
0x62: {  	_ =	shalt  }
0x63: {  	_ =	shalt  }
0x64: {  	_ =	shalt  }
0x65: {  	_ =	shalt  }
0x66: {  	_ =	shalt  }
0x67: {  	_ =	shalt  }
0x68: {  	_ =	shalt  }
0x69: {  	_ =	shalt  }
0x6a: {  	_ =	shalt  }
0x6b: {  	_ =	shalt  }
0x6c: {  	_ =	shalt  }
0x6d: {  	_ =	shalt  }
0x6e: {  	_ =	shalt  }
0x6f: {  	_ =	shalt  }
0x70: {  	_ =	shalt  }
0x71: {  	_ =	shalt  }
0x72: {  	_ =	shalt  }
0x73: {  	_ =	shalt  }
0x74: {  	_ =	shalt  }
0x75: {  	_ =	shalt  }
0x76: {  	_ =	shalt  }
0x77: {  	_ =	shalt  }
0x78: {  	_ =	shalt  }
0x79: {  	_ =	shalt  }
0x7a: {  	_ =	shalt  }
0x7b: {  	_ =	shalt  }
0x7c: {  	_ =	shalt  }
0x7d: {  	_ =	shalt  }
0x7e: {  	_ =	shalt  }
0x7f: {  	_ =	shalt  }
0x80: {  	_ =	shalt  }
0x81: {  	_ =	shalt  }
0x82: {  	_ =	shalt  }
0x83: {  	_ =	shalt  }
0x84: {  	_ =	shalt  }
0x85: {  	_ =	shalt  }
0x86: {  	_ =	shalt  }
0x87: {  	_ =	shalt  }
.Lfunc_end0:
.L_simem_size_0:
called_computation.4_lowered:
.L_overlay_start_0:
0x88: {  	s2 =	sld [smem:$0x3FD9]  }
0x89: {  	s3 =	sld [smem:$0x3FFE];
	_ =	sdelay $0x1  }
0x8a: {  	s1 =	srdreg.scid  }
0x8b: {  	s0 =	sand.u32 $0x1, s1  }
0x8c: {  	s17 =	sshll.u32 s0, $0xA;
	s2 =	sadd.s32 s3, s2  }
0x8d: {  	s2 =	sadd.s32 s2, s17  }
0x8e: {  	[smem:$0x3FB5] =	sst s2  }
0x8f: {  	_ = 	snop  }
0x90: {  	s18 =	sld [smem:$0x3FD0];
	(tm) =	ssettm $0x1  }
0x91: {  	s19 =	sld [smem:$0x3FFB];
	_ =	sdelay $0x3  }
0x92: {  	_ =	strace s19  }
0x93: {  	s2 =	sld [smem:$0x3FFC];
	_ =	sdelay $0x3  }
0x94: {  	_ =	strace s2  }
0x95: {  	s2 =	sld [smem:$0x3FFD];
	_ =	sdelay $0x3  }
0x96: {  	_ =	strace s2  }
0x97: {  	_ =	strace $0x8FFFFFFF  }
0x98: {  	s20 =	sld [smem:$0x3FDB];
	_ =	sdelay $0x1  }
0x99: {  	s4 =	simm.s32 $_scs_section_size  }
0x9a: {  	s5 =	simm.s32 $_size__tile_overlayer_lowered;
	s6 =	simm.s32 $_tile_overlayer_lowered  }
0x9b: {  	s7 =	simm.s32 $0x1BFF;
	s21 =	sshll.u32 s6, $0x1;
	s4 =	sadd.s32 s4, s20  }
0x9c: {  	s22 =	simm.s32 $0x0;
	s5 =	sshll.u32 s5, $0x1;
	s6 =	sadd.s32 s21, s4  }
0x9d: {  	[timem:s22], [sflag:s7] =	dma.local [hbm:s6], s5  }
0x9e: {  	_ =	swait.ge [sflag:s7], s5  }
0x9f: {  	s5 =	ssub.s32 $0x0, s5;
	[sflag:s7] =	ssyncset.done $0x0  }
0xa0: {  	[sflag:s7] =	ssyncadd.s32 s5;
	_ =	sdelay $0x1  }
0xa1: {  	s23 =	simm.s32 $0x1B8B  }
0xa2: {  	_ =	swait.ge [sflag:s23], $0x1  }
0xa3: {  	[sflag:s23] =	ssyncset.done $0x0  }
0xa4: {  	[sflag:s23] =	ssyncadd.s32 $0xFFFFFFFF  }
0xa5: {  	s5 =	sld [smem:$0x0]  }
0xa6: {  	s6 =	sand.u32 $0xFFFFFFFE, s1  }
0xa7: {  	p0 =	sne.s32 s1, s6  }
0xa8: {  	s6 =	sshll.u32 @p0 s6, $0xE  }
0xa9: {  	s6 =	sadd.s32 @p0 $0x11B8D, s6;
	s7 =	sshll.u32 @p0 s5, $0x11  }
0xaa: {  	s6 =	sor.u32 @p0 s7, s6  }
0xab: {  	[sflag:s6] =	ssyncadd.remote.s32 @p0 $0x1;
	_ =	sdelay $0x1  }
0xac: {  	s6 =	simm.s32 @p0 $0x1B8D  }
0xad: {  	_ =	swait.eq @p0 [sflag:s6], $0x1  }
0xae: {  	[sflag:s6] =	ssyncadd.s32 @p0 $0xFFFFFFFF  }
0xaf: {  	s7 =	sshll.u32 @!p0 s1, $0xE  }
0xb0: {  	s7 =	sor.u32 @!p0 $0x4000, s7;
	s6 =	simm.s32 @!p0 $0x1B8D  }
0xb1: {  	s5 =	sshll.u32 @!p0 s5, $0x11;
	s7 =	sadd.s32 @!p0 $0x11B8D, s7;
	_ =	swait.eq @!p0 [sflag:s6], $0x1  }
0xb2: {  	s5 =	sor.u32 @!p0 s5, s7;
	[sflag:s6] =	ssyncadd.s32 @!p0 $0xFFFFFFFF  }
0xb3: {  	s25 =	simm.s32 $0x1B8E;
	s24 =	sld [smem:$0x3FFE];
	[sflag:s5] =	ssyncadd.remote.s32 @!p0 $0x1  }
0xb4: {  	s26 =	simm.s32 $execute0_lowered;
	[smem:$0x3FD2] =	sst s25  }
0xb5: {  	s6 =	sshll.u32 s26, $0x1;
	_ =	strace $0x80000055;
	[dreg:$0x1] =	wrdreg $0xFFFFFFFF  }
0xb6: {  	s28 =	simm.s32 $_size_execute0_lowered;
	s4 =	sadd.s32 s4, s6;
	[dreg:$0x0] =	wrdreg $0x0  }
0xb7: {  	s6 =	sshll.u32 s28, $0x1;
	[dreg:$0x2] =	wrdreg s4  }
0xb8: {  	[dreg:$0x3] =	wrdreg s6  }
0xb9: {  	[dreg:$0x4] =	wrdreg $0xC0  }
0xba: {  	_ =	task [dreg:s22], $0x5FFFF  }
0xbb: {  	[dreg:$0x1] =	wrdreg $0xFFFFFFFF  }
0xbc: {  	[dreg:$0x0] =	wrdreg $0x60  }
0xbd: {  	[dreg:$0x2] =	wrdreg s24  }
0xbe: {  	[dreg:$0x3] =	wrdreg s18  }
0xbf: {  	[dreg:$0x4] =	wrdreg $0xA8000  }
0xc0: {  	[dreg:$0x5] =	wrdreg $0xA  }
0xc1: {  	_ =	task.clear_ibuf [dreg:s22], $0x6FFFF;
	_ =	strace $0x90000055  }
0xc2: {  	s29 =	simm.s32 $0xA;
	_ =	strace $0x80000057  }
0xc3: {  	_ =	swait.ge [sflag:s29], $0x1  }
0xc4: {  	[sflag:s29] =	ssyncadd.s32 $0xFFFFFFFF  }
0xc5: {  	_ =	strace $0x90000057  }
0xc6: {  	_ =	sfence  }
0xc7: {  	s30 =	sld [smem:$0x0];
	_ =	sdelay $0x2  }
0xc8: {  	s31 =	sshll.u32 s1, $0xD;
	s1 =	sshrl.u32 s1, $0x2  }
0xc9: {  	s4 =	sand.u32 $0x4000, s31;
	s1 =	sadd.s32 s1, s30  }
0xca: {  	s0 =	sor.u32 s4, s0;
	s1 =	sshll.u32 s1, $0x11  }
0xcb: {  	s0 =	sor.u32 s1, s0  }
0xcc: {  	s0 =	sadd.s32 $0x8F2B, s0  }
0xcd: {  	[sflag:s0] =	ssyncadd.remote.s32 $0x1  }
0xce: {  	_ =	sfence.sel $0xFFFF  }
0xcf: {  	[dreg:$0x0] =	wrdreg $0xFFFFFFFF;
	(pc) =	sbr.abs _section_cstart, $3  }
0xd0: {  	[dreg:$0x1] =	wrdreg $0xFFFFFFFF  }
0xd1: {  	_ =	task.clear_ibuf [dreg:s22], $0x2FFFF;
	_ =	strace $0x9FFFFFFF  }
0xd2: {  	(tm) =	ssettm $0x7FFFFFFF  }
0xd3: {  	_ =	shalt  }
tec
execute0_lowered:
.L_overlay_start_1:
0x0: {  	(tag) =	ssettag $0x1  }
0x1: {  	s0 =	rddreg [dreg:$0x0]  }
0x2: {  	s3 =	rddreg [dreg:$0x1]  }
0x3: {  	s1 =	rddreg [dreg:$0x2]  }
0x4: {  	s2 =	simm.s32 $0x0;
	s6 =	srdreg.scid;
	s16 =	stileid.u32  }
0x5: {  	s19 =	simm.s32 $0x1400;
	s20 =	simm.s32 $0x80;
	s21 =	simm.s32 $0x6800  }
0x6: {  	s22 =	simm.s32 $0x1;
	s23 =	simm.s32 $0x2;
	s28 =	simm.s32 $0x4  }
0x7: {  	s29 =	simm.s32 $0x2700;
	s30 =	simm.s32 $0x1380;
	s31 =	simm.s32 $0x2780  }
0x8: {  	[smem:$0x7FF] =	sst s2;
	s4 =	sadd.s32 $0x45600, s0;
	s5 =	sadd.s32 $0x7600, s0  }
0x9: {  	s14 =	sadd.s32 $0x11600, s0;
	s12 =	sand.u32 $0x1, s6;
	s24 =	smul.u32 $0x50000, s16  }
0xa: {  	s0 =	sadd.s32 $0x93600, s0;
	s13 =	smul.u32 $0x14000, s16;
	_ =	strace $0x80000056  }
0xb: {  	[dreg:$0x4] =	wrdreg s0;
	s25 =	ssub.s32 $0x2, s12;
	s7 =	sshll.u32 s12, $0x4  }
0xc: {  	p0 =	seq.s32 s12, $0x1;
	s8 =	sshrl.u32 s25, $0x1;
	s7 =	sor.u32 s16, s7  }
0xd: {  	s6 =	sshrl.u32 s24, $0x2;
	s16 =	smul.u32 $0x2800, s16;
	s13 =	sshrl.u32 s13, $0x3  }
0xe: {  	s24 =	simm.s32 $0x1480;
	s0 =	ssub.s32 s25, s8;
	s6 =	sadd.s32 s6, s1  }
0xf: {  	s11 =	smul.u32 $0x2800, s7;
	s18 =	sadd.s32 $0x28000, s13;
	s25 =	simm.s32 $0x3  }
0x10: {  	s26 =	sadd.s32 $0x4000, s6;
	s8 =	sadd.s32 $0x8000, s6;
	s9 =	sadd.s32 $0xC000, s6  }
0x11: {  	s10 =	sadd.s32 $0x10000, s6;
	s16 =	smov.u32 @p0 s18;
	s18 =	simm.s32 $0x5  }
0x12: {  	[dreg:$0x5] =	wrdreg s26;
	s15 =	sshrl.u32 s11, $0x3;
	s16 =	sadd.s32 s3, s16  }
0x13: {  	s26 =	simm.s32 $0x100;
	s11 =	sadd.s32 s5, s15;
	s17 =	sadd.s32 $0x280, s15  }
0x14: {  	s12 =	sadd.s32 s14, s15;
	s15 =	smax.u32 s0, $0x1;
	s0 =	simm.s32 $0x0  }
0x15: {  	s13 =	sadd.s32 s5, s17;
	s14 =	sadd.s32 s14, s17;
	s17 =	simm.s32 $0x2800  }
.LBB2_1:
0x16: {  	s3 =	rddreg [dreg:$0x4]  }
0x17: {  	[tilespmem:s17], [sflag:$0x5] =	stream.linear.gather [hbm4b:s3+s2], $0x4000, $0x38;
	[tilespmem:$0x1E800] =	vst v63  }
0x18: {  	_ =	swait.ge [sflag:s18], $0x4000  }
0x19: {  	[sflag:s18] =	ssyncset.done $0x0  }
0x1a: {  	[sflag:s18] =	ssyncadd.s32 $0xFFFFC000  }
0x1b: {  	[spmem:s6] =	stream.linear.scatter [tilespmem:s17], [sflag:$0x5], $0x4000, $0x38;
	[tilespmem:$0x1E800] =	vst v63  }
0x1c: {  	_ =	swait.ge [sflag:s18], $0x4000  }
0x1d: {  	[sflag:s18] =	ssyncset.done $0x0  }
0x1e: {  	s5 =	rddreg [dreg:$0x5];
	[sflag:s18] =	ssyncadd.s32 $0xFFFFC000  }
0x1f: {  	[spmem:s5] =	stream.linear.scatter [tilespmem:s17], [sflag:$0x5], $0x4000, $0x38;
	[tilespmem:$0x1E800] =	vst v63  }
0x20: {  	_ =	swait.ge [sflag:s18], $0x4000  }
0x21: {  	[sflag:s18] =	ssyncset.done $0x0  }
0x22: {  	[sflag:s18] =	ssyncadd.s32 $0xFFFFC000  }
0x23: {  	[spmem:s8] =	stream.linear.scatter [tilespmem:s17], [sflag:$0x5], $0x4000, $0x38;
	[tilespmem:$0x1E800] =	vst v63  }
0x24: {  	_ =	swait.ge [sflag:s18], $0x4000  }
0x25: {  	[sflag:s18] =	ssyncset.done $0x0  }
0x26: {  	[sflag:s18] =	ssyncadd.s32 $0xFFFFC000  }
0x27: {  	[spmem:s9] =	stream.linear.scatter [tilespmem:s17], [sflag:$0x5], $0x4000, $0x38;
	[tilespmem:$0x1E800] =	vst v63  }
0x28: {  	_ =	swait.ge [sflag:s18], $0x4000  }
0x29: {  	[sflag:s18] =	ssyncset.done $0x0  }
0x2a: {  	[sflag:s18] =	ssyncadd.s32 $0xFFFFC000  }
0x2b: {  	[spmem:s10] =	stream.linear.scatter [tilespmem:s17], [sflag:$0x5], $0x4000, $0x38;
	[tilespmem:$0x1E800] =	vst v63  }
0x2c: {  	_ =	swait.ge [sflag:s18], $0x4000  }
0x2d: {  	[sflag:s18] =	ssyncset.done $0x0  }
0x2e: {  	[sflag:s18] =	ssyncadd.s32 $0xFFFFC000  }
0x2f: {  	[bflag:$0x0] =	sbarrier.arrive $0xFFFF  }
0x30: {  	[tilespmem:s2], [sflag:$0x5] =	stream.linear.gather [hbm4b:s11+s2], $0x1400, $0x38;
	[tilespmem:$0x1E800] =	vst v63  }
0x31: {  	_ =	swait.ge [sflag:s18], $0x1400  }
0x32: {  	[sflag:s18] =	ssyncset.done $0x0  }
0x33: {  	[sflag:s18] =	ssyncadd.s32 $0xFFFFEC00  }
0x34: {  	[tilespmem:s19], [sflag:$0x5] =	stream.linear.gather [hbm4b:s12+s2], $0x1400, $0x38;
	[tilespmem:$0x1E800] =	vst v63  }
0x35: {  	_ =	swait.ge [sflag:s18], $0x1400  }
0x36: {  	[sflag:s18] =	ssyncset.done $0x0  }
0x37: {  	[sflag:s18] =	ssyncadd.s32 $0xFFFFEC00  }
0x38: {  	[tilespmem:s17], [sflag:$0x1] =	stream.indirect.gather [hbm4b:s4+s20], $0x80, s2, s20, $0xb8;
	[tilespmem:$0x1E800] =	vst v63  }
0x39: {  	_ = 	snop  }
0x3a: {  	[tilespmem:s21], [sflag:$0x2] =	stream.indirect.gather [hbm4b:s4+s20], $0x80, s20, s20, $0xb8;
	[tilespmem:$0x1E800] =	vst v63  }
0x3b: {  	_ =	swait.ge [sflag:s22], $0x4000  }
0x3c: {  	[sflag:s22] =	ssyncset.done $0x0  }
0x3d: {  	[sflag:s22] =	ssyncadd.s32 $0xFFFFC000  }
0x3e: {  	[spmem:s1] =	stream.indirect.scatter.add.f32 [tilespmem:s17], [sflag:$0x3], $0x80, s19, s20, $0xb8;
	[tilespmem:$0x1E800] =	vst v63  }
0x3f: {  	_ =	swait.ge [sflag:s23], $0x4000  }
0x40: {  	[sflag:s23] =	ssyncset.done $0x0  }
0x41: {  	[sflag:s23] =	ssyncadd.s32 $0xFFFFC000  }
0x42: {  	[spmem:s1] =	stream.indirect.scatter.add.f32 [tilespmem:s21], [sflag:$0x4], $0x80, s24, s20, $0xb8;
	[tilespmem:$0x1E800] =	vst v63  }
0x43: {  	_ =	swait.ge [sflag:s25], $0x4000  }
0x44: {  	[sflag:s25] =	ssyncset.done $0x0  }
0x45: {  	[sflag:s25] =	ssyncadd.s32 $0xFFFFC000  }
0x46: {  	[tilespmem:s17], [sflag:$0x1] =	stream.indirect.gather [hbm4b:s4+s20], $0x80, s26, s20, $0xb8;
	[tilespmem:$0x1E800] =	vst v63  }
0x47: {  	_ =	swait.ge [sflag:s22], $0x4000  }
0x48: {  	[sflag:s22] =	ssyncset.done $0x0  }
0x49: {  	s7 =	simm.s32 $0x1500;
	[sflag:s22] =	ssyncadd.s32 $0xFFFFC000  }
0x4a: {  	[spmem:s1] =	stream.indirect.scatter.add.f32 [tilespmem:s17], [sflag:$0x3], $0x80, s7, s20, $0xb8;
	[tilespmem:$0x1E800] =	vst v63  }
0x4b: {  	_ =	swait.ge [sflag:s28], $0x4000  }
0x4c: {  	[sflag:s28] =	ssyncset.done $0x0  }
0x4d: {  	s5 =	simm.s32 $0x180;
	[sflag:s28] =	ssyncadd.s32 $0xFFFFC000  }
0x4e: {  	[tilespmem:s21], [sflag:$0x2] =	stream.indirect.gather [hbm4b:s4+s20], $0x80, s5, s20, $0xb8;
	[tilespmem:$0x1E800] =	vst v63  }
0x4f: {  	_ =	swait.ge [sflag:s23], $0x4000  }
0x50: {  	[sflag:s23] =	ssyncset.done $0x0  }
0x51: {  	s7 =	simm.s32 $0x1580;
	[sflag:s23] =	ssyncadd.s32 $0xFFFFC000  }
0x52: {  	[spmem:s1] =	stream.indirect.scatter.add.f32 [tilespmem:s21], [sflag:$0x4], $0x80, s7, s20, $0xb8;
	[tilespmem:$0x1E800] =	vst v63  }
0x53: {  	_ =	swait.ge [sflag:s25], $0x4000  }
0x54: {  	[sflag:s25] =	ssyncset.done $0x0  }
0x55: {  	s3 =	simm.s32 $0xFFFFBC00;
	s5 =	simm.s32 $0x200;
	[sflag:s25] =	ssyncadd.s32 $0xFFFFC000  }
.LBB2_2:
0x56: {  	[tilespmem:s17], [sflag:$0x1] =	stream.indirect.gather [hbm4b:s4+s20], $0x80, s5, s20, $0xb8;
	[tilespmem:$0x1E800] =	vst v63  }
0x57: {  	s5 =	smov.u32 s3  }
0x58: {  	p0 =	sne.s32 s3, $0xFFFFFC00;
	s3 =	sadd.s32 $0x400, s3;
	_ =	swait.ge [sflag:s22], $0x4000  }
0x59: {  	s5 =	sshra.s32 s5, $0x2;
	[sflag:s22] =	ssyncset.done $0x0  }
0x5a: {  	s7 =	sadd.s32 $0x2700, s5;
	[sflag:s22] =	ssyncadd.s32 $0xFFFFC000  }
0x5b: {  	[spmem:s1] =	stream.indirect.scatter.add.f32 [tilespmem:s17], [sflag:$0x3], $0x80, s7, s20, $0xb8;
	[tilespmem:$0x1E800] =	vst v63  }
0x5c: {  	_ =	swait.ge [sflag:s28], $0x4000  }
0x5d: {  	[sflag:s28] =	ssyncset.done $0x0  }
0x5e: {  	s7 =	sadd.s32 $0x1380, s5;
	[sflag:s28] =	ssyncadd.s32 $0xFFFFC000  }
0x5f: {  	[tilespmem:s21], [sflag:$0x2] =	stream.indirect.gather [hbm4b:s4+s20], $0x80, s7, s20, $0xb8;
	[tilespmem:$0x1E800] =	vst v63  }
0x60: {  	_ =	swait.ge [sflag:s23], $0x4000  }
0x61: {  	[sflag:s23] =	ssyncset.done $0x0  }
.Ltmp0:
0x62: {  	s7 =	sadd.s32 $0x2780, s5;
	[sflag:s23] =	ssyncadd.s32 $0xFFFFC000;
	(pc) =	sbr.rel @p0 .LBB2_2-.Ltmp0, $4  }
0x63: {  	[spmem:s1] =	stream.indirect.scatter.add.f32 [tilespmem:s21], [sflag:$0x4], $0x80, s7, s20, $0xb8;
	[tilespmem:$0x1E800] =	vst v63  }
0x64: {  	_ =	swait.ge [sflag:s25], $0x4000  }
0x65: {  	[sflag:s25] =	ssyncset.done $0x0  }
0x66: {  	s5 =	sadd.s32 $0x1400, s5;
	[sflag:s25] =	ssyncadd.s32 $0xFFFFC000  }
0x67: {  	[tilespmem:s17], [sflag:$0x1] =	stream.indirect.gather [hbm4b:s4+s20], $0x80, s5, s20, $0xb8;
	[tilespmem:$0x1E800] =	vst v63  }
0x68: {  	_ =	swait.ge [sflag:s22], $0x4000  }
0x69: {  	[sflag:s22] =	ssyncset.done $0x0  }
0x6a: {  	[sflag:s22] =	ssyncadd.s32 $0xFFFFC000  }
0x6b: {  	[spmem:s1] =	stream.indirect.scatter.add.f32 [tilespmem:s17], [sflag:$0x3], $0x80, s29, s20, $0xb8;
	[tilespmem:$0x1E800] =	vst v63  }
0x6c: {  	_ =	swait.ge [sflag:s28], $0x4000  }
0x6d: {  	[sflag:s28] =	ssyncset.done $0x0  }
0x6e: {  	[sflag:s28] =	ssyncadd.s32 $0xFFFFC000  }
0x6f: {  	[tilespmem:s21], [sflag:$0x2] =	stream.indirect.gather [hbm4b:s4+s20], $0x80, s30, s20, $0xb8;
	[tilespmem:$0x1E800] =	vst v63  }
0x70: {  	_ =	swait.ge [sflag:s23], $0x4000  }
0x71: {  	[sflag:s23] =	ssyncset.done $0x0  }
0x72: {  	[sflag:s23] =	ssyncadd.s32 $0xFFFFC000  }
0x73: {  	[spmem:s1] =	stream.indirect.scatter.add.f32 [tilespmem:s21], [sflag:$0x4], $0x80, s31, s20, $0xb8;
	[tilespmem:$0x1E800] =	vst v63  }
0x74: {  	_ =	swait.ge [sflag:s25], $0x4000  }
0x75: {  	[sflag:s25] =	ssyncset.done $0x0  }
0x76: {  	[sflag:s25] =	ssyncadd.s32 $0xFFFFC000  }
0x77: {  	_ =	swait.ge [sflag:s28], $0x4000  }
0x78: {  	[sflag:s28] =	ssyncset.done $0x0  }
0x79: {  	[sflag:s28] =	ssyncadd.s32 $0xFFFFC000  }
0x7a: {  	[tilespmem:s2], [sflag:$0x5] =	stream.linear.gather [hbm4b:s13+s2], $0x1400, $0x38;
	[tilespmem:$0x1E800] =	vst v63  }
0x7b: {  	_ =	swait.ge [sflag:s18], $0x1400  }
0x7c: {  	[sflag:s18] =	ssyncset.done $0x0  }
0x7d: {  	[sflag:s18] =	ssyncadd.s32 $0xFFFFEC00  }
0x7e: {  	[tilespmem:s19], [sflag:$0x5] =	stream.linear.gather [hbm4b:s14+s2], $0x1400, $0x38;
	[tilespmem:$0x1E800] =	vst v63  }
0x7f: {  	_ =	swait.ge [sflag:s18], $0x1400  }
0x80: {  	[sflag:s18] =	ssyncset.done $0x0  }
0x81: {  	[sflag:s18] =	ssyncadd.s32 $0xFFFFEC00  }
0x82: {  	[tilespmem:s17], [sflag:$0x1] =	stream.indirect.gather [hbm4b:s4+s20], $0x80, s2, s20, $0xb8;
	[tilespmem:$0x1E800] =	vst v63  }
0x83: {  	_ = 	snop  }
0x84: {  	[tilespmem:s21], [sflag:$0x2] =	stream.indirect.gather [hbm4b:s4+s20], $0x80, s20, s20, $0xb8;
	[tilespmem:$0x1E800] =	vst v63  }
0x85: {  	_ =	swait.ge [sflag:s22], $0x4000  }
0x86: {  	[sflag:s22] =	ssyncset.done $0x0  }
0x87: {  	[sflag:s22] =	ssyncadd.s32 $0xFFFFC000  }
0x88: {  	[spmem:s1] =	stream.indirect.scatter.add.f32 [tilespmem:s17], [sflag:$0x3], $0x80, s19, s20, $0xb8;
	[tilespmem:$0x1E800] =	vst v63  }
0x89: {  	_ =	swait.ge [sflag:s23], $0x4000  }
0x8a: {  	[sflag:s23] =	ssyncset.done $0x0  }
0x8b: {  	[sflag:s23] =	ssyncadd.s32 $0xFFFFC000  }
0x8c: {  	[spmem:s1] =	stream.indirect.scatter.add.f32 [tilespmem:s21], [sflag:$0x4], $0x80, s24, s20, $0xb8;
	[tilespmem:$0x1E800] =	vst v63  }
0x8d: {  	_ =	swait.ge [sflag:s25], $0x4000  }
0x8e: {  	[sflag:s25] =	ssyncset.done $0x0  }
0x8f: {  	[sflag:s25] =	ssyncadd.s32 $0xFFFFC000  }
0x90: {  	[tilespmem:s17], [sflag:$0x1] =	stream.indirect.gather [hbm4b:s4+s20], $0x80, s26, s20, $0xb8;
	[tilespmem:$0x1E800] =	vst v63  }
0x91: {  	_ =	swait.ge [sflag:s22], $0x4000  }
0x92: {  	[sflag:s22] =	ssyncset.done $0x0  }
0x93: {  	s3 =	simm.s32 $0x1500;
	[sflag:s22] =	ssyncadd.s32 $0xFFFFC000  }
0x94: {  	[spmem:s1] =	stream.indirect.scatter.add.f32 [tilespmem:s17], [sflag:$0x3], $0x80, s3, s20, $0xb8;
	[tilespmem:$0x1E800] =	vst v63  }
0x95: {  	_ =	swait.ge [sflag:s28], $0x4000  }
0x96: {  	[sflag:s28] =	ssyncset.done $0x0  }
0x97: {  	s5 =	simm.s32 $0x180;
	[sflag:s28] =	ssyncadd.s32 $0xFFFFC000  }
0x98: {  	[tilespmem:s21], [sflag:$0x2] =	stream.indirect.gather [hbm4b:s4+s20], $0x80, s5, s20, $0xb8;
	[tilespmem:$0x1E800] =	vst v63  }
0x99: {  	_ =	swait.ge [sflag:s23], $0x4000  }
0x9a: {  	[sflag:s23] =	ssyncset.done $0x0  }
0x9b: {  	s7 =	simm.s32 $0x1580;
	[sflag:s23] =	ssyncadd.s32 $0xFFFFC000  }
0x9c: {  	[spmem:s1] =	stream.indirect.scatter.add.f32 [tilespmem:s21], [sflag:$0x4], $0x80, s7, s20, $0xb8;
	[tilespmem:$0x1E800] =	vst v63  }
0x9d: {  	_ =	swait.ge [sflag:s25], $0x4000  }
0x9e: {  	[sflag:s25] =	ssyncset.done $0x0  }
0x9f: {  	s3 =	simm.s32 $0xFFFFBC00;
	s5 =	simm.s32 $0x200;
	[sflag:s25] =	ssyncadd.s32 $0xFFFFC000  }
.LBB2_4:
0xa0: {  	[tilespmem:s17], [sflag:$0x1] =	stream.indirect.gather [hbm4b:s4+s20], $0x80, s5, s20, $0xb8;
	[tilespmem:$0x1E800] =	vst v63  }
0xa1: {  	s5 =	smov.u32 s3  }
0xa2: {  	p0 =	sne.s32 s3, $0xFFFFFC00;
	s3 =	sadd.s32 $0x400, s3;
	_ =	swait.ge [sflag:s22], $0x4000  }
0xa3: {  	s5 =	sshra.s32 s5, $0x2;
	[sflag:s22] =	ssyncset.done $0x0  }
0xa4: {  	s7 =	sadd.s32 $0x2700, s5;
	[sflag:s22] =	ssyncadd.s32 $0xFFFFC000  }
0xa5: {  	[spmem:s1] =	stream.indirect.scatter.add.f32 [tilespmem:s17], [sflag:$0x3], $0x80, s7, s20, $0xb8;
	[tilespmem:$0x1E800] =	vst v63  }
0xa6: {  	_ =	swait.ge [sflag:s28], $0x4000  }
0xa7: {  	[sflag:s28] =	ssyncset.done $0x0  }
0xa8: {  	s7 =	sadd.s32 $0x1380, s5;
	[sflag:s28] =	ssyncadd.s32 $0xFFFFC000  }
0xa9: {  	[tilespmem:s21], [sflag:$0x2] =	stream.indirect.gather [hbm4b:s4+s20], $0x80, s7, s20, $0xb8;
	[tilespmem:$0x1E800] =	vst v63  }
0xaa: {  	_ =	swait.ge [sflag:s23], $0x4000  }
0xab: {  	[sflag:s23] =	ssyncset.done $0x0  }
.Ltmp1:
0xac: {  	s7 =	sadd.s32 $0x2780, s5;
	[sflag:s23] =	ssyncadd.s32 $0xFFFFC000;
	(pc) =	sbr.rel @p0 .LBB2_4-.Ltmp1, $4  }
0xad: {  	[spmem:s1] =	stream.indirect.scatter.add.f32 [tilespmem:s21], [sflag:$0x4], $0x80, s7, s20, $0xb8;
	[tilespmem:$0x1E800] =	vst v63  }
0xae: {  	_ =	swait.ge [sflag:s25], $0x4000  }
0xaf: {  	[sflag:s25] =	ssyncset.done $0x0  }
0xb0: {  	s5 =	sadd.s32 $0x1400, s5;
	[sflag:s25] =	ssyncadd.s32 $0xFFFFC000  }
0xb1: {  	[tilespmem:s17], [sflag:$0x1] =	stream.indirect.gather [hbm4b:s4+s20], $0x80, s5, s20, $0xb8;
	[tilespmem:$0x1E800] =	vst v63  }
0xb2: {  	_ =	swait.ge [sflag:s22], $0x4000  }
0xb3: {  	[sflag:s22] =	ssyncset.done $0x0  }
0xb4: {  	[sflag:s22] =	ssyncadd.s32 $0xFFFFC000  }
0xb5: {  	[spmem:s1] =	stream.indirect.scatter.add.f32 [tilespmem:s17], [sflag:$0x3], $0x80, s29, s20, $0xb8;
	[tilespmem:$0x1E800] =	vst v63  }
0xb6: {  	_ =	swait.ge [sflag:s28], $0x4000  }
0xb7: {  	[sflag:s28] =	ssyncset.done $0x0  }
0xb8: {  	[sflag:s28] =	ssyncadd.s32 $0xFFFFC000  }
0xb9: {  	[tilespmem:s21], [sflag:$0x2] =	stream.indirect.gather [hbm4b:s4+s20], $0x80, s30, s20, $0xb8;
	[tilespmem:$0x1E800] =	vst v63  }
0xba: {  	_ =	swait.ge [sflag:s23], $0x4000  }
0xbb: {  	[sflag:s23] =	ssyncset.done $0x0  }
0xbc: {  	[sflag:s23] =	ssyncadd.s32 $0xFFFFC000  }
0xbd: {  	[spmem:s1] =	stream.indirect.scatter.add.f32 [tilespmem:s21], [sflag:$0x4], $0x80, s31, s20, $0xb8;
	[tilespmem:$0x1E800] =	vst v63  }
0xbe: {  	_ =	swait.ge [sflag:s25], $0x4000  }
0xbf: {  	[sflag:s25] =	ssyncset.done $0x0  }
0xc0: {  	[sflag:s25] =	ssyncadd.s32 $0xFFFFC000  }
0xc1: {  	s3 =	stileid.u32;
	_ =	swait.ge [sflag:s28], $0x4000  }
0xc2: {  	s7 =	sshrl.u32 s6, $0x3;
	s0 =	sadd.s32 $0x1, s0;
	[sflag:s28] =	ssyncset.done $0x0  }
0xc3: {  	s3 =	sshll.u32 s3, $0x6;
	p0 =	sne.s32 s0, s15;
	[sflag:s28] =	ssyncadd.s32 $0xFFFFC000  }
.Ltmp2:
0xc4: {  	s3 =	sor.u32 $0x1C05, s3;
	[bflag:$0x0] =	sbarrier.arrive $0xFFFF;
	(pc) =	sbr.rel @p0 .LBB2_1-.Ltmp2, $4  }
0xc5: {  	[hbm:s16], [sflag:s3] =	dma.local [spmem:s7], $0x2800  }
0xc6: {  	_ =	swait.ge [sflag:s18], $0x2800  }
0xc7: {  	[sflag:s18] =	ssyncset.done $0x0  }
0xc8: {  	[sflag:s18] =	ssyncadd.s32 $0xFFFFD800  }
0xc9: {  	_ =	sfence.sel $0x180000  }
0xca: {  	[bflag:$0x0] =	sbarrier.arrive $0xFFFF  }
0xcb: {  	_ =	strace $0x90000056  }
0xcc: {  	s0 =	stileid.u32;
	[bflag:$0x2] =	sbarrier.arrive $0xFFFF  }
0xcd: {  	p0 =	sne.s32 s0, $0x0;
	s0 =	rddreg [dreg:$0x3]  }
0xce: {  	s0 =	sadd.s32 @!p0 $0x100000, s0  }
0xcf: {  	[sflag:s0] =	ssyncadd.tile.s32 @!p0 $0x1;
	_ =	shalt  }
.Lfunc_end2:
_tile_overlayer_lowered:
.L_overlay_start_2:
0xd0: {  	(tag) =	ssettag $0x2  }
0xd1: {  	s0 =	rddreg [dreg:$0x0];
	s2 =	stileid.u32  }
0xd2: {  	s1 =	rddreg [dreg:$0x1];
	p0 =	sne.s32 s2, $0x0  }
0xd3: {  	s3 =	rddreg [dreg:$0x2];
	[bflag:$0x3] =	sbarrier.arrive $0xFFFF;
	s2 =	simm.s32 @!p0 $0x1C05  }
0xd4: {  	[timem:s3], [sflag:s2] =	dma.local @!p0 [hbm:s0], s1  }
0xd5: {  	s0 =	simm.s32 @!p0 $0x5  }
0xd6: {  	_ =	swait.ge @!p0 [sflag:s0], s1  }
0xd7: {  	s1 =	ssub.s32 @!p0 $0x0, s1;
	[sflag:s0] =	ssyncset.done @!p0 $0x0  }
0xd8: {  	[sflag:s0] =	ssyncadd.s32 @!p0 s1  }
0xd9: {  	[bflag:$0x3] =	sbarrier.arrive $0xFFFF  }
0xda: {  	_ =	shalt  }

// kernel: kernel.32.cloned.1.call-start
scs
__scs_entry_jumppad:
0x0: {  	(pc) =	sbr.rel $0x88, $3  }
0x1: {  	(tag) =	ssettag $0x0;
	lr =	simm.s32 $0x1  }
0x2: {  	[smem:$0x3F8E] =	sst lr;
	_ =	strace $0xD0000000  }
0x3: {  	_ = 	snop  }
0x4: {  	_ = 	snop  }
0x5: {  	_ = 	snop  }
0x6: {  	_ = 	snop  }
0x7: {  	_ = 	snop  }
__scs_overlays_trampoline_lowered:
0x8: {  	[smem:$0x3F9D] =	sst s0  }
0x9: {  	[smem:$0x3F9E] =	sst s1  }
0xa: {  	[smem:$0x3F9F] =	sst s2  }
0xb: {  	[smem:$0x3FA0] =	sst s3  }
0xc: {  	[smem:$0x3FA1] =	sst s4  }
0xd: {  	[smem:$0x3FA2] =	sst s5  }
0xe: {  	[smem:$0x3FA3] =	sst s6  }
0xf: {  	[smem:$0x3FA4] =	sst s7  }
0x10: {  	[smem:$0x3FA5] =	sst s8  }
0x11: {  	[smem:$0x3FA6] =	sst s9;
	s0 =	simm.s32 @!p0 $0x0  }
0x12: {  	s1 =	sld [smem:$0x3F8C];
	s0 =	simm.s32 @p0 $0x1  }
0x13: {  	[smem:$0x3FA7] =	sst s0;
	s0 =	simm.s32 @!p1 $0x0  }
0x14: {  	s2 =	sld [smem:$0x3F8B];
	s0 =	simm.s32 @p1 $0x1  }
0x15: {  	[smem:$0x3FA8] =	sst s0;
	s0 =	simm.s32 @!p2 $0x0  }
0x16: {  	s3 =	sld [smem:$0x3FDB];
	s0 =	simm.s32 @p2 $0x1  }
0x17: {  	s4 =	simm.s32 $0x1BF5;
	[smem:$0x3FAA] =	sst s0  }
0x18: {  	s0 =	sld [smem:$0x3F8D];
	_ =	swait.ge [sflag:s4], $0x0  }
0x19: {  	s7 =	sld [smem:$0x3F8E]  }
0x1a: {  	s8 =	sadd.s32 $0xFFFFE003, lr  }
0x1b: {  	s9 =	sadd.s32 $0xFFFFFEF7, lr;
	s5 =	simm.s32 $0xFFFFFFFF;
	p2 =	slt.u32 s8, $0xFFFFF086  }
0x1c: {  	p1 =	slt.u32 s9, $0xF7A;
	s5 =	simm.s32 @!p2 $0x0  }
0x1d: {  	s5 =	simm.s32 @p1 $0x1;
	p0 =	seq.s32 s7, s2  }
0x1e: {  	s7 =	smul.u32 @!p0 $0xF7A, s2;
	p2 =	seq.s32 @!p0 s5, $0x0  }
0x1f: {  	s9 =	smul.u32 $0xF7A, s1;
	s8 =	simm.s32 @!p0 $0x1BF5;
	p2 =	por !p2, p0  }
0x20: {  	[sflag:s8] =	ssyncset.s32 @!p0 $0xFFFFF086;
	s6 =	sadd.s32 @!p0 s3, s7;
	s7 =	simm.s32 @!p0 $0x108  }
0x21: {  	s3 =	sadd.s32 s3, s9;
	s6 =	sadd.s32 @!p0 $0x88, s6;
	s7 =	simm.s32 @p2 $0x1082  }
0x22: {  	[simem:s7], [sflag:s8] =	dma.local @!p0 [hbm:s6], $0xF7A  }
0x23: {  	s9 =	sor.u32 $0xD0000000, s2;
	s6 =	simm.s32 $0x108;
	_ =	swait.ge @!p0 [sflag:s8], $0x0  }
0x24: {  	s3 =	sadd.s32 $0x88, s3;
	s6 =	simm.s32 @!p1 $0x1082;
	[sflag:s4] =	ssyncset.s32 $0xFFFFF086  }
0x25: {  	[simem:s6], [sflag:s4] =	dma.local [hbm:s3], $0xF7A  }
0x26: {  	[smem:$0x3F8E] =	sst s1;
	(tag) =	ssettag s2;
	_ =	strace s9  }
0x27: {  	s1 =	sld [smem:$0x3F9E]  }
0x28: {  	s2 =	sld [smem:$0x3F9F]  }
0x29: {  	s4 =	sld [smem:$0x3FA1]  }
0x2a: {  	p0 =	seq.s32 s5, $0x0;
	s5 =	sld [smem:$0x3FA2]  }
0x2b: {  	s6 =	sld [smem:$0x3FA3]  }
0x2c: {  	s7 =	sld [smem:$0x3FA4]  }
0x2d: {  	s3 =	simm.s32 $0x108;
	s8 =	sld [smem:$0x3FA5]  }
0x2e: {  	s3 =	simm.s32 @!p0 $0x1082;
	s9 =	sld [smem:$0x3FA6]  }
0x2f: {  	lr =	sadd.s32 s0, s3;
	s0 =	sld [smem:$0x3F9D]  }
0x30: {  	s3 =	sld [smem:$0x3FA0]  }
0x31: {  	[smem:$0x3FA9] =	sst s10  }
0x32: {  	s10 =	sld [smem:$0x3FA7];
	_ =	sdelay $0x3  }
0x33: {  	p0 =	seq.s32 s10, $0x1;
	s10 =	sld [smem:$0x3FA9];
	_ =	sdelay $0x3  }
0x34: {  	[smem:$0x3FA9] =	sst s10  }
0x35: {  	s10 =	sld [smem:$0x3FA8];
	_ =	sdelay $0x3  }
0x36: {  	p1 =	seq.s32 s10, $0x1;
	s10 =	sld [smem:$0x3FA9];
	_ =	sdelay $0x3  }
0x37: {  	[smem:$0x3FA9] =	sst s10  }
0x38: {  	s10 =	sld [smem:$0x3FAA]  }
0x39: {  	_ = 	snop;
	(pc) =	sbr.ind lr, $3  }
0x3a: {  	_ = 	snop  }
0x3b: {  	_ = 	snop  }
0x3c: {  	p2 =	seq.s32 s10, $0x1;
	s10 =	sld [smem:$0x3FA9]  }
0x3d: {  	_ =	shalt  }
0x3e: {  	_ =	shalt  }
0x3f: {  	_ =	shalt  }
0x40: {  	_ =	shalt  }
0x41: {  	_ =	shalt  }
0x42: {  	_ =	shalt  }
0x43: {  	_ =	shalt  }
0x44: {  	_ =	shalt  }
0x45: {  	_ =	shalt  }
0x46: {  	_ =	shalt  }
0x47: {  	_ =	shalt  }
0x48: {  	_ =	shalt  }
0x49: {  	_ =	shalt  }
0x4a: {  	_ =	shalt  }
0x4b: {  	_ =	shalt  }
0x4c: {  	_ =	shalt  }
0x4d: {  	_ =	shalt  }
0x4e: {  	_ =	shalt  }
0x4f: {  	_ =	shalt  }
0x50: {  	_ =	shalt  }
0x51: {  	_ =	shalt  }
0x52: {  	_ =	shalt  }
0x53: {  	_ =	shalt  }
0x54: {  	_ =	shalt  }
0x55: {  	_ =	shalt  }
0x56: {  	_ =	shalt  }
0x57: {  	_ =	shalt  }
0x58: {  	_ =	shalt  }
0x59: {  	_ =	shalt  }
0x5a: {  	_ =	shalt  }
0x5b: {  	_ =	shalt  }
0x5c: {  	_ =	shalt  }
0x5d: {  	_ =	shalt  }
0x5e: {  	_ =	shalt  }
0x5f: {  	_ =	shalt  }
0x60: {  	_ =	shalt  }
0x61: {  	_ =	shalt  }
0x62: {  	_ =	shalt  }
0x63: {  	_ =	shalt  }
0x64: {  	_ =	shalt  }
0x65: {  	_ =	shalt  }
0x66: {  	_ =	shalt  }
0x67: {  	_ =	shalt  }
0x68: {  	_ =	shalt  }
0x69: {  	_ =	shalt  }
0x6a: {  	_ =	shalt  }
0x6b: {  	_ =	shalt  }
0x6c: {  	_ =	shalt  }
0x6d: {  	_ =	shalt  }
0x6e: {  	_ =	shalt  }
0x6f: {  	_ =	shalt  }
0x70: {  	_ =	shalt  }
0x71: {  	_ =	shalt  }
0x72: {  	_ =	shalt  }
0x73: {  	_ =	shalt  }
0x74: {  	_ =	shalt  }
0x75: {  	_ =	shalt  }
0x76: {  	_ =	shalt  }
0x77: {  	_ =	shalt  }
0x78: {  	_ =	shalt  }
0x79: {  	_ =	shalt  }
0x7a: {  	_ =	shalt  }
0x7b: {  	_ =	shalt  }
0x7c: {  	_ =	shalt  }
0x7d: {  	_ =	shalt  }
0x7e: {  	_ =	shalt  }
0x7f: {  	_ =	shalt  }
0x80: {  	_ =	shalt  }
0x81: {  	_ =	shalt  }
0x82: {  	_ =	shalt  }
0x83: {  	_ =	shalt  }
0x84: {  	_ =	shalt  }
0x85: {  	_ =	shalt  }
0x86: {  	_ =	shalt  }
0x87: {  	_ =	shalt  }
.Lfunc_end0:
.L_simem_size_0:
called_computation.5_lowered:
.L_overlay_start_0:
0x88: {  	s2 =	sld [smem:$0x3FD9]  }
0x89: {  	s3 =	sld [smem:$0x3FFE];
	_ =	sdelay $0x1  }
0x8a: {  	s1 =	srdreg.scid  }
0x8b: {  	s0 =	sand.u32 $0x1, s1  }
0x8c: {  	s17 =	sshll.u32 s0, $0xA;
	s2 =	sadd.s32 s3, s2  }
0x8d: {  	s2 =	sadd.s32 s2, s17  }
0x8e: {  	[smem:$0x3FB5] =	sst s2  }
0x8f: {  	_ = 	snop  }
0x90: {  	(tm) =	ssettm $0x1  }
0x91: {  	s18 =	sld [smem:$0x3FFB];
	_ =	sdelay $0x3  }
0x92: {  	_ =	strace s18  }
0x93: {  	s2 =	sld [smem:$0x3FFC];
	_ =	sdelay $0x3  }
0x94: {  	_ =	strace s2  }
0x95: {  	s2 =	sld [smem:$0x3FFD];
	_ =	sdelay $0x3  }
0x96: {  	_ =	strace s2  }
0x97: {  	_ =	strace $0x8FFFFFFF  }
0x98: {  	s19 =	sld [smem:$0x3FDB];
	_ =	sdelay $0x1  }
0x99: {  	s20 =	simm.s32 $_scs_section_size  }
0x9a: {  	s4 =	simm.s32 $_size__tile_overlayer_lowered;
	s5 =	simm.s32 $_tile_overlayer_lowered  }
0x9b: {  	s6 =	simm.s32 $0x1BFF;
	s21 =	sshll.u32 s5, $0x1;
	s3 =	sadd.s32 s20, s19  }
0x9c: {  	s22 =	simm.s32 $0x0;
	s4 =	sshll.u32 s4, $0x1;
	s5 =	sadd.s32 s21, s3  }
0x9d: {  	[timem:s22], [sflag:s6] =	dma.local [hbm:s5], s4  }
0x9e: {  	_ =	swait.ge [sflag:s6], s4  }
0x9f: {  	s4 =	ssub.s32 $0x0, s4;
	[sflag:s6] =	ssyncset.done $0x0  }
0xa0: {  	[sflag:s6] =	ssyncadd.s32 s4;
	_ =	sdelay $0x1  }
0xa1: {  	s23 =	simm.s32 $0x1B8B  }
0xa2: {  	_ =	swait.ge [sflag:s23], $0x1  }
0xa3: {  	[sflag:s23] =	ssyncset.done $0x0  }
0xa4: {  	[sflag:s23] =	ssyncadd.s32 $0xFFFFFFFF  }
0xa5: {  	s4 =	sld [smem:$0x0]  }
0xa6: {  	s5 =	sand.u32 $0xFFFFFFFE, s1  }
0xa7: {  	p0 =	sne.s32 s1, s5  }
0xa8: {  	s5 =	sshll.u32 @p0 s5, $0xE  }
0xa9: {  	s5 =	sadd.s32 @p0 $0x11B8D, s5;
	s6 =	sshll.u32 @p0 s4, $0x11  }
0xaa: {  	s5 =	sor.u32 @p0 s6, s5  }
0xab: {  	[sflag:s5] =	ssyncadd.remote.s32 @p0 $0x1;
	_ =	sdelay $0x1  }
0xac: {  	s5 =	simm.s32 @p0 $0x1B8D  }
0xad: {  	_ =	swait.eq @p0 [sflag:s5], $0x1  }
0xae: {  	[sflag:s5] =	ssyncadd.s32 @p0 $0xFFFFFFFF  }
0xaf: {  	s6 =	sshll.u32 @!p0 s1, $0xE  }
0xb0: {  	s6 =	sor.u32 @!p0 $0x4000, s6;
	s5 =	simm.s32 @!p0 $0x1B8D  }
0xb1: {  	s4 =	sshll.u32 @!p0 s4, $0x11;
	s6 =	sadd.s32 @!p0 $0x11B8D, s6;
	_ =	swait.eq @!p0 [sflag:s5], $0x1  }
0xb2: {  	s4 =	sor.u32 @!p0 s4, s6;
	[sflag:s5] =	ssyncadd.s32 @!p0 $0xFFFFFFFF  }
0xb3: {  	s25 =	simm.s32 $0x1B8E;
	s24 =	sld [smem:$0x3FFE];
	[sflag:s4] =	ssyncadd.remote.s32 @!p0 $0x1  }
0xb4: {  	s26 =	simm.s32 $execute0_lowered;
	[smem:$0x3FD2] =	sst s25  }
0xb5: {  	s5 =	sshll.u32 s26, $0x1;
	_ =	strace $0x80000052;
	[dreg:$0x1] =	wrdreg $0xFFFFFFFF  }
0xb6: {  	s28 =	simm.s32 $_size_execute0_lowered;
	s3 =	sadd.s32 s3, s5;
	[dreg:$0x0] =	wrdreg $0x0  }
0xb7: {  	s5 =	sshll.u32 s28, $0x1;
	[dreg:$0x2] =	wrdreg s3  }
0xb8: {  	[dreg:$0x3] =	wrdreg s5  }
0xb9: {  	[dreg:$0x4] =	wrdreg $0xC0  }
0xba: {  	_ =	task [dreg:s22], $0x5FFFF  }
0xbb: {  	[dreg:$0x1] =	wrdreg $0xFFFFFFFF  }
0xbc: {  	[dreg:$0x0] =	wrdreg $0x60  }
0xbd: {  	[dreg:$0x2] =	wrdreg s24  }
0xbe: {  	[dreg:$0x3] =	wrdreg $0xF5000  }
0xbf: {  	[dreg:$0x4] =	wrdreg $0x9  }
0xc0: {  	_ =	task.clear_ibuf [dreg:s22], $0x5FFFF;
	_ =	strace $0x90000052  }
0xc1: {  	s29 =	simm.s32 $0x9;
	_ =	strace $0x80000054  }
0xc2: {  	_ =	swait.ge [sflag:s29], $0x1  }
0xc3: {  	[sflag:s29] =	ssyncadd.s32 $0xFFFFFFFF  }
0xc4: {  	_ =	strace $0x90000054  }
0xc5: {  	_ =	sfence  }
0xc6: {  	s30 =	sld [smem:$0x0];
	_ =	sdelay $0x2  }
0xc7: {  	s31 =	sshll.u32 s1, $0xD;
	s1 =	sshrl.u32 s1, $0x2  }
0xc8: {  	s4 =	sand.u32 $0x4000, s31;
	s1 =	sadd.s32 s1, s30  }
0xc9: {  	s0 =	sor.u32 s4, s0;
	s1 =	sshll.u32 s1, $0x11  }
0xca: {  	s0 =	sor.u32 s1, s0  }
0xcb: {  	s0 =	sadd.s32 $0x8F2B, s0  }
0xcc: {  	[sflag:s0] =	ssyncadd.remote.s32 $0x1  }
0xcd: {  	_ =	sfence.sel $0xFFFF  }
0xce: {  	[dreg:$0x0] =	wrdreg $0xFFFFFFFF;
	(pc) =	sbr.abs _section_cstart, $3  }
0xcf: {  	[dreg:$0x1] =	wrdreg $0xFFFFFFFF  }
0xd0: {  	_ =	task.clear_ibuf [dreg:s22], $0x2FFFF;
	_ =	strace $0x9FFFFFFF  }
0xd1: {  	(tm) =	ssettm $0x7FFFFFFF  }
tec
execute0_lowered:
.L_overlay_start_1:
0x0: {  	(tag) =	ssettag $0x1  }
0x1: {  	s7 =	rddreg [dreg:$0x0]  }
0x2: {  	s6 =	srdreg.scid;
	s2 =	rddreg [dreg:$0x1]  }
0x3: {  	s1 =	stileid.u32;
	s0 =	rddreg [dreg:$0x2];
	s3 =	simm.s32 $0x0  }
0x4: {  	s14 =	simm.s32 $0x80;
	s15 =	simm.s32 $0x1;
	s16 =	simm.s32 $0x2  }
0x5: {  	s19 =	simm.s32 $0x20;
	s20 =	simm.s32 $0x10;
	s21 =	simm.s32 $0x0  }
0x6: {  	s8 =	sand.u32 $0x1, s6;
	[smem:$0x7FF] =	sst s3;
	s10 =	smul.u32 $0x1400, s1  }
0x7: {  	s6 =	sshll.u32 s6, $0x4;
	s12 =	smul.u32 $0x140, s1;
	s17 =	sshll.u32 s1, $0x6  }
0x8: {  	s4 =	sshll.u32 s8, $0x4;
	_ =	strace $0x80000053;
	s8 =	ssub.s32 $0x2, s8  }
0x9: {  	s6 =	sand.u32 $0x10, s6;
	s17 =	sor.u32 $0x1C03, s17;
	s4 =	sor.u32 s1, s4  }
0xa: {  	s11 =	sshrl.u32 s8, $0x1;
	s13 =	sadd.s32 s6, s7;
	s30 =	sshrl.u32 s10, $0x2  }
0xb: {  	s5 =	smul.u32 $0xA00, s4;
	s4 =	sadd.s32 $0x43600, s7;
	s11 =	ssub.s32 s8, s11  }
0xc: {  	s6 =	sadd.s32 s30, s2;
	s31 =	sadd.s32 s12, s13;
	s12 =	simm.s32 $0x3  }
0xd: {  	s13 =	simm.s32 $0x5000;
	s10 =	sadd.s32 $0x44200, s31;
	s9 =	sadd.s32 s5, s7  }
0xe: {  	s18 =	sshrl.u32 s6, $0x3;
	s5 =	sadd.s32 $0x44000, s7;
	s7 =	sadd.s32 $0xA7E00, s9  }
0xf: {  	s8 =	sadd.s32 $0x93E00, s9;
	s9 =	smax.u32 s11, $0x1;
	s11 =	simm.s32 $0xF000  }
.LBB2_1:
0x10: {  	[tilespmem:s11], [sflag:$0x3] =	stream.linear.gather [hbm4b:s5+s3], $0x500, $0x38;
	[tilespmem:$0xFA00] =	vst v63  }
0x11: {  	_ =	swait.ge [sflag:s12], $0x500  }
0x12: {  	[sflag:s12] =	ssyncset.done $0x0  }
0x13: {  	[sflag:s12] =	ssyncadd.s32 $0xFFFFFB00  }
0x14: {  	[spmem:s6] =	stream.linear.scatter [tilespmem:s11], [sflag:$0x3], $0x500, $0x38;
	[tilespmem:$0xFA00] =	vst v63  }
0x15: {  	_ =	swait.ge [sflag:s12], $0x500  }
0x16: {  	[sflag:s12] =	ssyncset.done $0x0  }
0x17: {  	[sflag:s12] =	ssyncadd.s32 $0xFFFFFB00  }
0x18: {  	[tilespmem:s3], [sflag:$0x3] =	stream.linear.gather [hbm4b:s7+s3], $0x5000, $0x38;
	[tilespmem:$0xFA00] =	vst v63  }
0x19: {  	_ =	swait.ge [sflag:s12], $0x5000  }
0x1a: {  	[sflag:s12] =	ssyncset.done $0x0  }
0x1b: {  	[sflag:s12] =	ssyncadd.s32 $0xFFFFB000  }
0x1c: {  	[tilespmem:s13], [sflag:$0x3] =	stream.linear.gather [hbm4b:s8+s3], $0x5000, $0x38;
	[tilespmem:$0xFA00] =	vst v63  }
0x1d: {  	_ =	swait.ge [sflag:s12], $0x5000  }
0x1e: {  	[sflag:s12] =	ssyncset.done $0x0  }
0x1f: {  	[sflag:s12] =	ssyncadd.s32 $0xFFFFB000  }
0x20: {  	s22 =	simm.s32 $0x0;
	[bflag:$0x0] =	sbarrier.arrive $0xFFFF  }
.LBB2_2:
0x21: {  	p0 =	sne.s32 s22, $0x13E00  }
.Ltmp0:
0x22: {  	_ = 	snop;
	(pc) =	sbr.rel @p0 .LBB2_2-.Ltmp0, $4  }
0x23: {  	_ = 	snop  }
0x24: {  	s23 =	sshra.s32 s22, $0x2  }
0x25: {  	s22 =	sadd.s32 $0x200, s22;
	s24 =	sadd.s32 $0xA000, s23  }
0x26: {  	[tilespmem:s24], [sflag:$0x1] =	stream.indirect.gather [hbm4b:s4+s14], $0x1, s23, s14, $0xb8;
	[tilespmem:$0xFA00] =	vst v63  }
0x27: {  	_ =	swait.ge [sflag:s15], $0x80  }
0x28: {  	s22 =	simm.s32 $0x200;
	[sflag:s15] =	ssyncset.done $0x0  }
0x29: {  	s23 =	simm.s32 $0xA000;
	s24 =	simm.s32 $0x5000;
	[sflag:s15] =	ssyncadd.s32 $0xFFFFFF80  }
.LBB2_4:
0x2a: {  	[spmem:s2] =	stream.indirect.scatter.add.f32 [tilespmem:s23], [sflag:$0x2], $0x1, s24, s14, $0xb8;
	[tilespmem:$0xFA00] =	vst v63  }
0x2b: {  	s23 =	smov.u32 s22;
	p0 =	sne.s32 s22, $0x13E00  }
.Ltmp1:
0x2c: {  	s22 =	sadd.s32 $0x200, s22;
	(pc) =	sbr.rel @p0 .LBB2_4-.Ltmp1, $4  }
0x2d: {  	_ = 	snop  }
0x2e: {  	_ =	swait.ge [sflag:s15], $0x80  }
0x2f: {  	s24 =	sshra.s32 s23, $0x2;
	[sflag:s15] =	ssyncset.done $0x0  }
0x30: {  	s23 =	sadd.s32 $0xA000, s24;
	s24 =	sadd.s32 $0x5000, s24;
	[sflag:s15] =	ssyncadd.s32 $0xFFFFFF80  }
0x31: {  	[spmem:s2] =	stream.indirect.scatter.add.f32 [tilespmem:s23], [sflag:$0x2], $0x1, s24, s14, $0xb8;
	[tilespmem:$0xFA00] =	vst v63  }
0x32: {  	_ =	swait.ge [sflag:s16], $0x80  }
0x33: {  	s22 =	simm.s32 $0x9F;
	[sflag:s16] =	ssyncset.done $0x0  }
.LBB2_6:
0x34: {  	p0 =	sne.s32 s22, $0x1;
	s22 =	sadd.s32 $0xFFFFFFFF, s22;
	[sflag:s16] =	ssyncadd.s32 $0xFFFFFF80  }
.Ltmp2:
0x35: {  	(pc) =	sbr.rel @p0 .LBB2_6-.Ltmp2, $3  }
0x36: {  	_ =	sdelay $0x1  }
0x37: {  	_ =	swait.ge [sflag:s16], $0x80  }
0x38: {  	[sflag:s16] =	ssyncset.done $0x0  }
0x39: {  	s21 =	sadd.s32 $0x1, s21  }
0x3a: {  	[sflag:s16] =	ssyncadd.s32 $0xFFFFFF80;
	p0 =	sne.s32 s21, s9  }
.Ltmp3:
0x3b: {  	[bflag:$0x0] =	sbarrier.arrive $0xFFFF;
	(pc) =	sbr.rel @p0 .LBB2_1-.Ltmp3, $4  }
0x3c: {  	[hbm:s10@s19], [sflag:s17] =	dma.strided [spmem:s18@s20], $0xA0, s15, $0x10   }
0x3d: {  	_ =	swait.ge [sflag:s12], $0xA0  }
0x3e: {  	[sflag:s12] =	ssyncset.done $0x0  }
0x3f: {  	[sflag:s12] =	ssyncadd.s32 $0xFFFFFF60  }
0x40: {  	_ =	sfence.sel $0x180000  }
0x41: {  	[bflag:$0x0] =	sbarrier.arrive $0xFFFF  }
0x42: {  	p0 =	sne.s32 s1, $0x0;
	_ =	strace $0x90000053  }
0x43: {  	s0 =	sadd.s32 @!p0 $0x100000, s0;
	[bflag:$0x2] =	sbarrier.arrive $0xFFFF  }
0x44: {  	[sflag:s0] =	ssyncadd.tile.s32 @!p0 $0x1;
	_ =	shalt  }
.Lfunc_end2:
_tile_overlayer_lowered:
.L_overlay_start_2:
0x45: {  	(tag) =	ssettag $0x2  }
0x46: {  	s0 =	rddreg [dreg:$0x0];
	s2 =	stileid.u32  }
0x47: {  	s1 =	rddreg [dreg:$0x1];
	p0 =	sne.s32 s2, $0x0  }
0x48: {  	s3 =	rddreg [dreg:$0x2];
	[bflag:$0x3] =	sbarrier.arrive $0xFFFF;
	s2 =	simm.s32 @!p0 $0x1C03  }
0x49: {  	[timem:s3], [sflag:s2] =	dma.local @!p0 [hbm:s0], s1  }
0x4a: {  	s0 =	simm.s32 @!p0 $0x3  }
0x4b: {  	_ =	swait.ge @!p0 [sflag:s0], s1  }
0x4c: {  	s1 =	ssub.s32 @!p0 $0x0, s1;
	[sflag:s0] =	ssyncset.done @!p0 $0x0  }
0x4d: {  	[sflag:s0] =	ssyncadd.s32 @!p0 s1  }
0x4e: {  	[bflag:$0x3] =	sbarrier.arrive $0xFFFF  }
0x4f: {  	_ =	shalt  }

</sc_bundles>
